<compile_context>
chip_gen: v7x
topology: tpu7x:2x2x1
jax: 0.10.2.dev20260603
libtpu: 0.0.44.dev20260713+nightly
codegen_flags: <defaults>
</compile_context>

<pallas_src>
import functools

import jax
import jax.numpy as jnp
from jax import lax
from jax.experimental import pallas as pl
from jax.experimental.pallas import tpu as pltpu
from jax.experimental.pallas import tpu_sc as plsc

N = 8192
HID = 64
KNN = 20
NSEG = 8
NCOMP = 512
CH = 256
NCHUNK = N // CH
RT = 128
RE = 128
RP = 1024
KPAD = 32
NEG_BIG = -3.0e38


def _elu(v):
    return jnp.where(v > 0, v, jnp.exp(jnp.minimum(v, 0.0)) - 1.0)


def _ffm_body(x_ref, w_ref, b_ref, o_ref):
    o_ref[...] = jnp.dot(x_ref[...], w_ref[...],
                         preferred_element_type=jnp.float32) + b_ref[...]


def _ffm(xp, wp, b):
    return pl.pallas_call(
        _ffm_body,
        grid=(N // RP,),
        in_specs=[pl.BlockSpec((RP, 8), lambda i: (i, 0)),
                  pl.BlockSpec((8, HID), lambda i: (0, 0)),
                  pl.BlockSpec((1, HID), lambda i: (0, 0))],
        out_specs=pl.BlockSpec((RP, HID), lambda i: (i, 0)),
        out_shape=jax.ShapeDtypeStruct((N, HID), jnp.float32),
    )(xp, wp, b)


def _pre_body(h_ref, w1_ref, b1_ref, a_ref, bmat_ref, sq_ref):
    h = h_ref[...]
    w1a = w1_ref[:HID, :]
    w1b = w1_ref[HID:, :]
    a_ref[...] = jnp.dot(h, w1a - w1b,
                         preferred_element_type=jnp.float32) + b1_ref[...]
    bmat_ref[:, :HID] = jnp.dot(h, w1b, preferred_element_type=jnp.float32)
    sq_ref[...] = jnp.sum(h * h, axis=1, keepdims=True)


def _pre(h, w1, b1):
    return pl.pallas_call(
        _pre_body,
        grid=(N // RP,),
        in_specs=[pl.BlockSpec((RP, HID), lambda i: (i, 0)),
                  pl.BlockSpec((2 * HID, HID), lambda i: (0, 0)),
                  pl.BlockSpec((1, HID), lambda i: (0, 0))],
        out_specs=[pl.BlockSpec((RP, HID), lambda i: (i, 0)),
                   pl.BlockSpec((RP, 2 * HID), lambda i: (i, 0)),
                   pl.BlockSpec((RP, 1), lambda i: (i, 0))],
        out_shape=[jax.ShapeDtypeStruct((N, HID), jnp.float32),
                   jax.ShapeDtypeStruct((N, 2 * HID), jnp.float32),
                   jax.ShapeDtypeStruct((N, 1), jnp.float32)],
    )(h, w1, b1)


def _topk_body(bounds_ref, hr_ref, hall_ref, sqr_ref, sqc_ref, br_ref,
               bc_ref, idx_ref, d_ref):
    i = pl.program_id(0)
    c0 = bounds_ref[i, 0]
    c1 = bounds_ref[i, 1]
    hr = hr_ref[0]
    sqr = sqr_ref[0]
    br = br_ref[0]

    col = lax.broadcasted_iota(jnp.int32, (CH, RT), 0)
    big = jnp.int32(2 ** 30)
    inf1 = jnp.full((1, RT), jnp.inf, jnp.float32)
    big1 = jnp.full((1, RT), big, jnp.int32)

    def lexlt(a, ia, b, ib):
        return (a < b) | ((a == b) & (ia < ib))

    def extract2(v, c, carry):
        m1, i1, m2, i2 = carry
        mc1 = jnp.min(v, axis=0, keepdims=True)
        il1 = jnp.argmin(v, axis=0).astype(jnp.int32).reshape(1, RT)
        ic1 = il1 + c * CH
        vx = jnp.where(col == il1, jnp.inf, v)
        mc2 = jnp.min(vx, axis=0, keepdims=True)
        ic2 = jnp.argmin(vx, axis=0).astype(jnp.int32).reshape(
            1, RT) + c * CH
        cw = lexlt(mc1, ic1, m1, i1)
        nm1 = jnp.where(cw, mc1, m1)
        ni1 = jnp.where(cw, ic1, i1)
        lm = jnp.where(cw, m1, mc1)
        li = jnp.where(cw, i1, ic1)
        ws = jnp.where(cw, mc2, m2)
        wi = jnp.where(cw, ic2, i2)
        sw = lexlt(lm, li, ws, wi)
        nm2 = jnp.where(sw, lm, ws)
        ni2 = jnp.where(sw, li, wi)
        return nm1, ni1, nm2, ni2

    def fill(c, carry):
        hc = hall_ref[c]
        dot = lax.dot_general(hc, hr, (((1,), (1,)), ((), ())),
                              preferred_element_type=jnp.float32)
        d = (sqr - 2.0 * dot) + sqc_ref[c]
        d = jnp.where(br != bc_ref[c], jnp.inf, d)
        d_ref[c] = d
        return extract2(d, c, carry)

    _, i1, _, i2 = lax.fori_loop(c0, c1, fill, (inf1, big1, inf1, big1))
    picks = [jnp.clip(i1, 0, N - 1), jnp.clip(i2, 0, N - 1)]
    prev1, prev2 = i1, i2
    npass = KNN // 2
    for p in range(1, npass):
        def scan(c, carry):
            v = d_ref[c]
            colg = col + c * CH
            v = jnp.where((colg == prev1) | (colg == prev2), jnp.inf, v)
            if p < npass - 1:
                d_ref[c] = v
            return extract2(v, c, carry)

        _, i1, _, i2 = lax.fori_loop(c0, c1, scan,
                                     (inf1, big1, inf1, big1))
        picks.append(jnp.clip(i1, 0, N - 1))
        picks.append(jnp.clip(i2, 0, N - 1))
        prev1 = i1
        prev2 = i2
    pad = [picks[-1]] * (KPAD - len(picks))
    idx_ref[0] = jnp.concatenate(picks + pad, axis=0)


def _topk(h3, sqrT, sqc, brT, bc, bounds):
    nb = N // RT
    grid_spec = pltpu.PrefetchScalarGridSpec(
        num_scalar_prefetch=1,
        grid=(nb,),
        in_specs=[pl.BlockSpec((1, RT, HID), lambda i, s: (i, 0, 0)),
                  pl.BlockSpec((NCHUNK, CH, HID), lambda i, s: (0, 0, 0)),
                  pl.BlockSpec((1, 1, RT), lambda i, s: (i, 0, 0)),
                  pl.BlockSpec((NCHUNK, CH, 1), lambda i, s: (0, 0, 0)),
                  pl.BlockSpec((1, 1, RT), lambda i, s: (i, 0, 0)),
                  pl.BlockSpec((NCHUNK, CH, 1), lambda i, s: (0, 0, 0))],
        out_specs=pl.BlockSpec((1, KPAD, RT), lambda i, s: (i, 0, 0)),
        scratch_shapes=[pltpu.VMEM((NCHUNK, CH, RT), jnp.float32)],
    )
    hrows = h3.reshape(nb, RT, HID)
    return pl.pallas_call(
        _topk_body,
        grid_spec=grid_spec,
        out_shape=jax.ShapeDtypeStruct((nb, KPAD, RT), jnp.int32),
    )(bounds, hrows, h3, sqrT, sqc, brT, bc)


def _topk_fixed(h, sq, bf32, bounds):
    nb = N // RT
    return _topk(h.reshape(NCHUNK, CH, HID),
                 sq.reshape(nb, 1, RT),
                 sq.reshape(NCHUNK, CH, 1),
                 bf32.reshape(nb, 1, RT),
                 bf32.reshape(NCHUNK, CH, 1),
                 bounds)


def _make_gather():
    info = plsc.get_sparse_core_info()
    nw = info.num_cores * info.num_subcores
    total = N * KNN
    bpw = total // nw
    chunk = 320
    nchunks = bpw // chunk
    mesh = plsc.VectorSubcoreMesh(core_axis_name="c", subcore_axis_name="s")

    @functools.partial(
        pl.kernel, mesh=mesh,
        out_type=jax.ShapeDtypeStruct((total, 2 * HID), jnp.float32),
        scratch_types=[pltpu.VMEM((bpw,), jnp.int32),
                       pltpu.VMEM((chunk, 2 * HID), jnp.float32),
                       pltpu.VMEM((chunk, 2 * HID), jnp.float32),
                       pltpu.SemaphoreType.DMA,
                       pltpu.SemaphoreType.DMA],
    )
    def gather(table_hbm, idx_hbm, out_hbm, idx_v, rows0, rows1, sem0,
               sem1):
        wid = lax.axis_index("s") * info.num_cores + lax.axis_index("c")
        base = wid * bpw
        pltpu.sync_copy(idx_hbm.at[pl.ds(base, bpw)], idx_v)
        bufs = [rows0, rows1]
        sems = [sem0, sem1]

        def start(t):
            idx_slice = idx_v.at[pl.ds(t * chunk, chunk)]
            return pltpu.async_copy(table_hbm.at[idx_slice],
                                    bufs[t % 2], sems[t % 2])

        pending = start(0)
        for t in range(nchunks):
            pending.wait()
            if t + 1 < nchunks:
                pending = start(t + 1)
            pltpu.sync_copy(bufs[t % 2],
                            out_hbm.at[pl.ds(base + t * chunk, chunk)])

    return gather


def _edge_body(a_ref, bg_ref, h_ref, w2_ref, b2_ref, w3_ref, b3_ref,
               g_ref, bl_ref, wl_ref, bll_ref, rc_ref, o_ref):
    a = a_ref[...]
    ae = jnp.broadcast_to(a[None, :, :], (KNN, RE, HID)).reshape(
        KNN * RE, HID)
    m1 = _elu(ae + bg_ref[:, :HID])
    m2 = _elu(jnp.dot(m1, w2_ref[...],
                      preferred_element_type=jnp.float32) + b2_ref[...])
    m3 = jnp.dot(m2, w3_ref[...],
                 preferred_element_type=jnp.float32) + b3_ref[...]
    agg = jnp.max(m3.reshape(KNN, RE, HID), axis=0)
    mu = jnp.mean(agg, axis=1, keepdims=True)
    var = jnp.mean((agg - mu) ** 2, axis=1, keepdims=True)
    y = (agg - mu) / jnp.sqrt(var + 1e-5) * g_ref[...] + bl_ref[...]
    o = jnp.dot(_elu(y), wl_ref[...],
                preferred_element_type=jnp.float32) + bll_ref[...]
    o_ref[...] = h_ref[...] + rc_ref[0, 0] * o


def _edge(a, bg, h, w2, b2, w3, b3, g, bln, wl, bl, rc):
    return pl.pallas_call(
        _edge_body,
        grid=(N // RE,),
        in_specs=[pl.BlockSpec((RE, HID), lambda i: (i, 0)),
                  pl.BlockSpec((RE * KNN, 2 * HID), lambda i: (i, 0)),
                  pl.BlockSpec((RE, HID), lambda i: (i, 0)),
                  pl.BlockSpec((HID, HID), lambda i: (0, 0)),
                  pl.BlockSpec((1, HID), lambda i: (0, 0)),
                  pl.BlockSpec((HID, HID), lambda i: (0, 0)),
                  pl.BlockSpec((1, HID), lambda i: (0, 0)),
                  pl.BlockSpec((1, HID), lambda i: (0, 0)),
                  pl.BlockSpec((1, HID), lambda i: (0, 0)),
                  pl.BlockSpec((HID, HID), lambda i: (0, 0)),
                  pl.BlockSpec((1, HID), lambda i: (0, 0)),
                  pl.BlockSpec((1, 1), lambda i: (0, 0))],
        out_specs=pl.BlockSpec((RE, HID), lambda i: (i, 0)),
        out_shape=jax.ShapeDtypeStruct((N, HID), jnp.float32),
    )(a, bg, h, w2, b2, w3, b3, g, bln, wl, bl, rc)


def _reg_body(h_ref, br_ref, w0_ref, b0_ref, w1_ref, b1_ref, w2_ref,
              b2_ref, w3_ref, b3_ref, o_ref, pool_ref):
    i = pl.program_id(0)
    nb = pl.num_programs(0)

    @pl.when(i == 0)
    def _():
        pool_ref[...] = jnp.full((NSEG, HID), NEG_BIG, jnp.float32)

    r = jnp.dot(h_ref[...], w0_ref[...],
                preferred_element_type=jnp.float32) + b0_ref[...]
    br = br_ref[...]
    for s in range(NSEG):
        rs = jnp.where(br == jnp.float32(s), r, NEG_BIG)
        ps = jnp.max(rs, axis=0, keepdims=True)
        pool_ref[pl.ds(s, 1), :] = jnp.maximum(pool_ref[pl.ds(s, 1), :], ps)

    @pl.when(i == nb - 1)
    def _():
        p = pool_ref[...]
        t = _elu(jnp.dot(p, w1_ref[...],
                         preferred_element_type=jnp.float32) + b1_ref[...])
        t = _elu(jnp.dot(t, w2_ref[...],
                         preferred_element_type=jnp.float32) + b2_ref[...])
        o_ref[...] = jnp.dot(t, w3_ref[...],
                             preferred_element_type=jnp.float32) + b3_ref[...]


def _reg(h, br, ws):
    (w0, b0), (w1, b1), (w2, b2), (w3, b3) = ws
    return pl.pallas_call(
        _reg_body,
        grid=(N // RP,),
        in_specs=[pl.BlockSpec((RP, HID), lambda i: (i, 0)),
                  pl.BlockSpec((RP, 1), lambda i: (i, 0)),
                  pl.BlockSpec((HID, HID), lambda i: (0, 0)),
                  pl.BlockSpec((1, HID), lambda i: (0, 0)),
                  pl.BlockSpec((HID, HID), lambda i: (0, 0)),
                  pl.BlockSpec((1, HID), lambda i: (0, 0)),
                  pl.BlockSpec((HID, HID), lambda i: (0, 0)),
                  pl.BlockSpec((1, HID), lambda i: (0, 0)),
                  pl.BlockSpec((HID, NCOMP), lambda i: (0, 0)),
                  pl.BlockSpec((1, NCOMP), lambda i: (0, 0))],
        out_specs=pl.BlockSpec((NSEG, NCOMP), lambda i: (0, 0)),
        out_shape=jax.ShapeDtypeStruct((NSEG, NCOMP), jnp.float32),
        scratch_shapes=[pltpu.VMEM((NSEG, HID), jnp.float32)],
    )(h, br, w0, b0, w1, b1, w2, b2, w3, b3)


def kernel(x, batch, params):
    xp = jnp.pad(x, ((0, 0), (0, 5)))
    wf = jnp.pad(params['ffm'][0], ((0, 5), (0, 0)))
    bf = params['ffm'][1].reshape(1, HID)
    h = _ffm(xp, wf, bf)

    batch = batch.astype(jnp.int32)
    bf32 = batch.astype(jnp.float32)
    br_rows = bf32.reshape(N, 1)

    seg_ids = jnp.arange(NSEG, dtype=batch.dtype)
    seg_start = jnp.searchsorted(batch, seg_ids, side='left')
    seg_end = jnp.searchsorted(batch, seg_ids, side='right')
    b_lo = batch[::RT]
    b_hi = batch[RT - 1::RT]
    c0 = (seg_start[b_lo] // CH).astype(jnp.int32)
    c1 = ((seg_end[b_hi] + CH - 1) // CH).astype(jnp.int32)
    bounds = jnp.stack([c0, c1], axis=1)

    gather = _make_gather()

    for lp in params['layers']:
        a, bmat, sq = _pre(h, lp['mlp1'][0], lp['mlp1'][1].reshape(1, HID))
        idx = _topk_fixed(h, sq, bf32, bounds)
        idxf = idx[:, :KNN, :].reshape(N * KNN)
        bg = gather(bmat, idxf)
        h = _edge(a, bg, h,
                  lp['mlp2'][0], lp['mlp2'][1].reshape(1, HID),
                  lp['mlp3'][0], lp['mlp3'][1].reshape(1, HID),
                  lp['ln_g'].reshape(1, HID), lp['ln_b'].reshape(1, HID),
                  lp['lin'][0], lp['lin'][1].reshape(1, HID),
                  lp['rc'].reshape(1, 1))

    ws = [(params['reg'][j][0],
           params['reg'][j][1].reshape(1, -1)) for j in range(4)]
    return _reg(h, br_rows, ws)

# --- scband reference (transcript-rebuilt; emitter-appended) ---
"""Pipeline reference for scband-residual-dgcnregression-module-40312563040393 (READ-ONLY COPY).

The authoritative reference and input builder live on the scoring server;
editing this copy changes nothing except your own understanding.
"""

import jax, jax.numpy as jnp
import numpy as np

HID = 64
K = 20
NSEG = 8
NCOMP = 512
NLAYERS = 3
N = 8192


def _init_params(key):
    ks = iter(jax.random.split(key, 64))
    def lin(i, o):
        return [jax.random.normal(next(ks), (i, o), dtype=jnp.float32) * (1.0 / np.sqrt(i)),
                jnp.zeros((o,), dtype=jnp.float32)]
    params = {}
    params['ffm'] = lin(3, HID)
    layers = []
    for _ in range(NLAYERS):
        lp = {
            'mlp1': lin(2 * HID, HID),
            'mlp2': lin(HID, HID),
            'mlp3': lin(HID, HID),
            'ln_g': jnp.ones((HID,), jnp.float32),
            'ln_b': jnp.zeros((HID,), jnp.float32),
            'lin': lin(HID, HID),
            'rc': jnp.array(0.1, dtype=jnp.float32),
        }
        layers.append(lp)
    params['layers'] = layers
    params['reg'] = [lin(HID, HID), lin(HID, HID), lin(HID, HID), lin(HID, NCOMP)]
    return params


def setup_inputs(seed: int = 0):
    key = jax.random.key(seed)
    k1, k2, k3 = jax.random.split(key, 3)
    x = jax.random.normal(k1, (N, 3), dtype=jnp.float32)
    batch = jnp.sort(jax.random.randint(k2, (N,), 0, NSEG))
    params = _init_params(k3)
    return {'x': x, 'batch': batch, 'params': params}


def _knn_idx(h, batch, k):
    hs = jax.lax.stop_gradient(h)
    sq = jnp.sum(hs * hs, axis=1)
    d = sq[:, None] - 2.0 * (hs @ hs.T) + sq[None, :]
    mask = batch[:, None] != batch[None, :]
    d = jnp.where(mask, jnp.inf, d)
    _, idx = jax.lax.top_k(-d, k)
    return idx


def _layer_norm(x, g, b):
    mu = jnp.mean(x, axis=-1, keepdims=True)
    var = jnp.var(x, axis=-1, keepdims=True)
    return (x - mu) / jnp.sqrt(var + 1e-5) * g + b


def _edge_layer(h, batch, lp):
    idx = _knn_idx(h, batch, K)  # [N, K] includes self (dist 0)
    x_j = h[idx]                 # gather neighbor features [N, K, HID]
    x_i = jnp.broadcast_to(h[:, None, :], x_j.shape)
    e = jnp.concatenate([x_i, x_j - x_i], axis=-1)
    m = jax.nn.elu(e @ lp['mlp1'][0] + lp['mlp1'][1])
    m = jax.nn.elu(m @ lp['mlp2'][0] + lp['mlp2'][1])
    m = m @ lp['mlp3'][0] + lp['mlp3'][1]
    agg = jnp.max(m, axis=1)     # 'max' aggregation over neighbors
    out = jax.nn.elu(_layer_norm(agg, lp['ln_g'], lp['ln_b']))
    out = out @ lp['lin'][0] + lp['lin'][1]
    return out * lp['rc']        # ResidualCoefficient (learned scalar)


def reference(x, batch, params):
    h = x @ params['ffm'][0] + params['ffm'][1]
    for lp in params['layers']:
        h = h + _edge_layer(h, batch, lp)
    r = h @ params['reg'][0][0] + params['reg'][0][1]
    pooled = jax.ops.segment_max(r, batch, num_segments=NSEG)  # global_max_pool
    r = jax.nn.elu(pooled @ params['reg'][1][0] + params['reg'][1][1])
    r = jax.nn.elu(r @ params['reg'][2][0] + params['reg'][2][1])
    r = r @ params['reg'][3][0] + params['reg'][3][1]
    return r

if __name__ == "__main__":
    import jax
    _d = setup_inputs()
    print(jax.jit(kernel)(*tuple(_d.values())))

</pallas_src>

<mosaic_0001>
#map = affine_map<(d0, d1) -> (0, 0)>
#map1 = affine_map<(d0, d1) -> (0)>
module attributes {stable_mosaic.version = 14 : i64} {
  func.func @gather(%arg0: i32, %arg1: i32, %arg2: memref<8192x128xf32, #tpu.memory_space<hbm>>, %arg3: memref<163840xi32, #tpu.memory_space<hbm>>, %arg4: memref<163840x128xf32, #tpu.memory_space<hbm>>, %arg5: memref<5120xi32, #tpu.memory_space<vmem>>, %arg6: memref<320x128xf32, #tpu.memory_space<vmem>>, %arg7: memref<320x128xf32, #tpu.memory_space<vmem>>, %arg8: memref<!tpu.dma_semaphore, #tpu.memory_space<semaphore_mem>>, %arg9: memref<!tpu.dma_semaphore, #tpu.memory_space<semaphore_mem>>) attributes {dimension_semantics = [#tpu.dimension_semantics<core_parallel>, #tpu.dimension_semantics<subcore_parallel>], iteration_bounds = array<i64: 2, 16>, scalar_prefetch = 0 : i64, scratch_operands = 5 : i64, tpu.core_type = #tpu.core_type<sc_vector_subcore>, window_params = [{transform_indices = #map}, {transform_indices = #map1}, {transform_indices = #map}]} {
    %mul3A = arith.constant 2 : i32
    %mul3A_0 = arith.muli %arg1, %mul3A : i32
    %add3A = arith.addi %mul3A_0, %arg0 : i32
    %mul3A_1 = arith.constant 5120 : i32
    %mul3A_2 = arith.muli %add3A, %mul3A_1 : i32
    "tpu.region"() ({
      %run_scoped3A = tpu.sem_alloc : memref<!tpu.dma_semaphore, #tpu.memory_space<semaphore_mem>>
      %dma_start3A_193 = tpu.memref_slice %arg3[%mul3A_2] : memref<163840xi32, #tpu.memory_space<hbm>> -> memref<5120xi32, #tpu.memory_space<hbm>>
      %dma_start3A_194 = tpu.memref_slice %arg3[%mul3A_2] : memref<163840xi32, #tpu.memory_space<hbm>> -> memref<5120xi32, #tpu.memory_space<hbm>>
      tpu.enqueue_dma source(%dma_start3A_194 : memref<5120xi32, #tpu.memory_space<hbm>>) target(%arg5 : memref<5120xi32, #tpu.memory_space<vmem>>) target_semaphore(%run_scoped3A : memref<!tpu.dma_semaphore, #tpu.memory_space<semaphore_mem>>)
      %dma_wait3A_195 = tpu.memref_slice %arg3[%mul3A_2] : memref<163840xi32, #tpu.memory_space<hbm>> -> memref<5120xi32, #tpu.memory_space<hbm>>
      %dma_wait3A_196 = tpu.memref_slice %arg3[%mul3A_2] : memref<163840xi32, #tpu.memory_space<hbm>> -> memref<5120xi32, #tpu.memory_space<hbm>>
      tpu.wait_dma2 semaphore(%run_scoped3A : memref<!tpu.dma_semaphore, #tpu.memory_space<semaphore_mem>>) src(%dma_wait3A_196 : memref<5120xi32, #tpu.memory_space<hbm>>) dst(%arg5 : memref<5120xi32, #tpu.memory_space<vmem>>)
      tpu.yield
    }) : () -> ()
    %dma_start3A = arith.constant 0 : i32
    %dma_start3A_3 = tpu.memref_slice %arg5[%dma_start3A] : memref<5120xi32, #tpu.memory_space<vmem>> -> memref<320xi32, #tpu.memory_space<vmem>>
    %dma_start3A_4 = arith.constant 0 : i32
    %dma_start3A_5 = arith.constant 0 : i32
    %dma_start3A_6 = tpu.memref_slice %arg2[%dma_start3A_4, %dma_start3A_5] : memref<8192x128xf32, #tpu.memory_space<hbm>> -> memref<8192x128xf32, #tpu.memory_space<hbm>>
    tpu.enqueue_indirect_dma source(%dma_start3A_6 : memref<8192x128xf32, #tpu.memory_space<hbm>>) target(%arg6 : memref<320x128xf32, #tpu.memory_space<vmem>>) offsets(%dma_start3A_3 : memref<320xi32, #tpu.memory_space<vmem>>) semaphore(%arg8 : memref<!tpu.dma_semaphore, #tpu.memory_space<semaphore_mem>>)
    %dma_wait3A = arith.constant 0 : i32
    %dma_wait3A_7 = tpu.memref_slice %arg5[%dma_wait3A] : memref<5120xi32, #tpu.memory_space<vmem>> -> memref<320xi32, #tpu.memory_space<vmem>>
    %dma_wait3A_8 = arith.constant 0 : i32
    %dma_wait3A_9 = arith.constant 0 : i32
    %dma_wait3A_10 = tpu.memref_slice %arg2[%dma_wait3A_8, %dma_wait3A_9] : memref<8192x128xf32, #tpu.memory_space<hbm>> -> memref<8192x128xf32, #tpu.memory_space<hbm>>
    tpu.wait_indirect_dma semaphore(%arg8 : memref<!tpu.dma_semaphore, #tpu.memory_space<semaphore_mem>>) src(%dma_wait3A_10 : memref<8192x128xf32, #tpu.memory_space<hbm>>) dst(%arg6 : memref<320x128xf32, #tpu.memory_space<vmem>>)
    %dma_start3A_11 = arith.constant 320 : i32
    %dma_start3A_12 = tpu.memref_slice %arg5[%dma_start3A_11] : memref<5120xi32, #tpu.memory_space<vmem>> -> memref<320xi32, #tpu.memory_space<vmem>>
    %dma_start3A_13 = arith.constant 0 : i32
    %dma_start3A_14 = arith.constant 0 : i32
    %dma_start3A_15 = tpu.memref_slice %arg2[%dma_start3A_13, %dma_start3A_14] : memref<8192x128xf32, #tpu.memory_space<hbm>> -> memref<8192x128xf32, #tpu.memory_space<hbm>>
    tpu.enqueue_indirect_dma source(%dma_start3A_15 : memref<8192x128xf32, #tpu.memory_space<hbm>>) target(%arg7 : memref<320x128xf32, #tpu.memory_space<vmem>>) offsets(%dma_start3A_12 : memref<320xi32, #tpu.memory_space<vmem>>) semaphore(%arg9 : memref<!tpu.dma_semaphore, #tpu.memory_space<semaphore_mem>>)
    %add3A_16 = arith.constant 0 : i32
    %add3A_17 = arith.addi %mul3A_2, %add3A_16 : i32
    "tpu.region"() ({
      %run_scoped3A = tpu.sem_alloc : memref<!tpu.dma_semaphore, #tpu.memory_space<semaphore_mem>>
      %dma_start3A_193 = arith.constant 0 : i32
      %dma_start3A_194 = tpu.memref_slice %arg4[%add3A_17, %dma_start3A_193] : memref<163840x128xf32, #tpu.memory_space<hbm>> -> memref<320x128xf32, #tpu.memory_space<hbm>>
      %dma_start3A_195 = arith.constant 0 : i32
      %dma_start3A_196 = tpu.memref_slice %arg4[%add3A_17, %dma_start3A_195] : memref<163840x128xf32, #tpu.memory_space<hbm>> -> memref<320x128xf32, #tpu.memory_space<hbm>>
      tpu.enqueue_dma source(%arg6 : memref<320x128xf32, #tpu.memory_space<vmem>>) target(%dma_start3A_196 : memref<320x128xf32, #tpu.memory_space<hbm>>) target_semaphore(%run_scoped3A : memref<!tpu.dma_semaphore, #tpu.memory_space<semaphore_mem>>)
      %dma_wait3A_197 = arith.constant 0 : i32
      %dma_wait3A_198 = tpu.memref_slice %arg4[%add3A_17, %dma_wait3A_197] : memref<163840x128xf32, #tpu.memory_space<hbm>> -> memref<320x128xf32, #tpu.memory_space<hbm>>
      %dma_wait3A_199 = arith.constant 0 : i32
      %dma_wait3A_200 = tpu.memref_slice %arg4[%add3A_17, %dma_wait3A_199] : memref<163840x128xf32, #tpu.memory_space<hbm>> -> memref<320x128xf32, #tpu.memory_space<hbm>>
      tpu.wait_dma2 semaphore(%run_scoped3A : memref<!tpu.dma_semaphore, #tpu.memory_space<semaphore_mem>>) src(%arg6 : memref<320x128xf32, #tpu.memory_space<vmem>>) dst(%dma_wait3A_200 : memref<320x128xf32, #tpu.memory_space<hbm>>)
      tpu.yield
    }) : () -> ()
    %dma_wait3A_18 = arith.constant 320 : i32
    %dma_wait3A_19 = tpu.memref_slice %arg5[%dma_wait3A_18] : memref<5120xi32, #tpu.memory_space<vmem>> -> memref<320xi32, #tpu.memory_space<vmem>>
    %dma_wait3A_20 = arith.constant 0 : i32
    %dma_wait3A_21 = arith.constant 0 : i32
    %dma_wait3A_22 = tpu.memref_slice %arg2[%dma_wait3A_20, %dma_wait3A_21] : memref<8192x128xf32, #tpu.memory_space<hbm>> -> memref<8192x128xf32, #tpu.memory_space<hbm>>
    tpu.wait_indirect_dma semaphore(%arg9 : memref<!tpu.dma_semaphore, #tpu.memory_space<semaphore_mem>>) src(%dma_wait3A_22 : memref<8192x128xf32, #tpu.memory_space<hbm>>) dst(%arg7 : memref<320x128xf32, #tpu.memory_space<vmem>>)
    %dma_start3A_23 = arith.constant 640 : i32
    %dma_start3A_24 = tpu.memref_slice %arg5[%dma_start3A_23] : memref<5120xi32, #tpu.memory_space<vmem>> -> memref<320xi32, #tpu.memory_space<vmem>>
    %dma_start3A_25 = arith.constant 0 : i32
    %dma_start3A_26 = arith.constant 0 : i32
    %dma_start3A_27 = tpu.memref_slice %arg2[%dma_start3A_25, %dma_start3A_26] : memref<8192x128xf32, #tpu.memory_space<hbm>> -> memref<8192x128xf32, #tpu.memory_space<hbm>>
    tpu.enqueue_indirect_dma source(%dma_start3A_27 : memref<8192x128xf32, #tpu.memory_space<hbm>>) target(%arg6 : memref<320x128xf32, #tpu.memory_space<vmem>>) offsets(%dma_start3A_24 : memref<320xi32, #tpu.memory_space<vmem>>) semaphore(%arg8 : memref<!tpu.dma_semaphore, #tpu.memory_space<semaphore_mem>>)
    %add3A_28 = arith.constant 320 : i32
    %add3A_29 = arith.addi %mul3A_2, %add3A_28 : i32
    "tpu.region"() ({
      %run_scoped3A = tpu.sem_alloc : memref<!tpu.dma_semaphore, #tpu.memory_space<semaphore_mem>>
      %dma_start3A_193 = arith.constant 0 : i32
      %dma_start3A_194 = tpu.memref_slice %arg4[%add3A_29, %dma_start3A_193] : memref<163840x128xf32, #tpu.memory_space<hbm>> -> memref<320x128xf32, #tpu.memory_space<hbm>>
      %dma_start3A_195 = arith.constant 0 : i32
      %dma_start3A_196 = tpu.memref_slice %arg4[%add3A_29, %dma_start3A_195] : memref<163840x128xf32, #tpu.memory_space<hbm>> -> memref<320x128xf32, #tpu.memory_space<hbm>>
      tpu.enqueue_dma source(%arg7 : memref<320x128xf32, #tpu.memory_space<vmem>>) target(%dma_start3A_196 : memref<320x128xf32, #tpu.memory_space<hbm>>) target_semaphore(%run_scoped3A : memref<!tpu.dma_semaphore, #tpu.memory_space<semaphore_mem>>)
      %dma_wait3A_197 = arith.constant 0 : i32
      %dma_wait3A_198 = tpu.memref_slice %arg4[%add3A_29, %dma_wait3A_197] : memref<163840x128xf32, #tpu.memory_space<hbm>> -> memref<320x128xf32, #tpu.memory_space<hbm>>
      %dma_wait3A_199 = arith.constant 0 : i32
      %dma_wait3A_200 = tpu.memref_slice %arg4[%add3A_29, %dma_wait3A_199] : memref<163840x128xf32, #tpu.memory_space<hbm>> -> memref<320x128xf32, #tpu.memory_space<hbm>>
      tpu.wait_dma2 semaphore(%run_scoped3A : memref<!tpu.dma_semaphore, #tpu.memory_space<semaphore_mem>>) src(%arg7 : memref<320x128xf32, #tpu.memory_space<vmem>>) dst(%dma_wait3A_200 : memref<320x128xf32, #tpu.memory_space<hbm>>)
      tpu.yield
    }) : () -> ()
    %dma_wait3A_30 = arith.constant 640 : i32
    %dma_wait3A_31 = tpu.memref_slice %arg5[%dma_wait3A_30] : memref<5120xi32, #tpu.memory_space<vmem>> -> memref<320xi32, #tpu.memory_space<vmem>>
    %dma_wait3A_32 = arith.constant 0 : i32
    %dma_wait3A_33 = arith.constant 0 : i32
    %dma_wait3A_34 = tpu.memref_slice %arg2[%dma_wait3A_32, %dma_wait3A_33] : memref<8192x128xf32, #tpu.memory_space<hbm>> -> memref<8192x128xf32, #tpu.memory_space<hbm>>
    tpu.wait_indirect_dma semaphore(%arg8 : memref<!tpu.dma_semaphore, #tpu.memory_space<semaphore_mem>>) src(%dma_wait3A_34 : memref<8192x128xf32, #tpu.memory_space<hbm>>) dst(%arg6 : memref<320x128xf32, #tpu.memory_space<vmem>>)
    %dma_start3A_35 = arith.constant 960 : i32
    %dma_start3A_36 = tpu.memref_slice %arg5[%dma_start3A_35] : memref<5120xi32, #tpu.memory_space<vmem>> -> memref<320xi32, #tpu.memory_space<vmem>>
    %dma_start3A_37 = arith.constant 0 : i32
    %dma_start3A_38 = arith.constant 0 : i32
    %dma_start3A_39 = tpu.memref_slice %arg2[%dma_start3A_37, %dma_start3A_38] : memref<8192x128xf32, #tpu.memory_space<hbm>> -> memref<8192x128xf32, #tpu.memory_space<hbm>>
    tpu.enqueue_indirect_dma source(%dma_start3A_39 : memref<8192x128xf32, #tpu.memory_space<hbm>>) target(%arg7 : memref<320x128xf32, #tpu.memory_space<vmem>>) offsets(%dma_start3A_36 : memref<320xi32, #tpu.memory_space<vmem>>) semaphore(%arg9 : memref<!tpu.dma_semaphore, #tpu.memory_space<semaphore_mem>>)
    %add3A_40 = arith.constant 640 : i32
    %add3A_41 = arith.addi %mul3A_2, %add3A_40 : i32
    "tpu.region"() ({
      %run_scoped3A = tpu.sem_alloc : memref<!tpu.dma_semaphore, #tpu.memory_space<semaphore_mem>>
      %dma_start3A_193 = arith.constant 0 : i32
      %dma_start3A_194 = tpu.memref_slice %arg4[%add3A_41, %dma_start3A_193] : memref<163840x128xf32, #tpu.memory_space<hbm>> -> memref<320x128xf32, #tpu.memory_space<hbm>>
      %dma_start3A_195 = arith.constant 0 : i32
      %dma_start3A_196 = tpu.memref_slice %arg4[%add3A_41, %dma_start3A_195] : memref<163840x128xf32, #tpu.memory_space<hbm>> -> memref<320x128xf32, #tpu.memory_space<hbm>>
      tpu.enqueue_dma source(%arg6 : memref<320x128xf32, #tpu.memory_space<vmem>>) target(%dma_start3A_196 : memref<320x128xf32, #tpu.memory_space<hbm>>) target_semaphore(%run_scoped3A : memref<!tpu.dma_semaphore, #tpu.memory_space<semaphore_mem>>)
      %dma_wait3A_197 = arith.constant 0 : i32
      %dma_wait3A_198 = tpu.memref_slice %arg4[%add3A_41, %dma_wait3A_197] : memref<163840x128xf32, #tpu.memory_space<hbm>> -> memref<320x128xf32, #tpu.memory_space<hbm>>
      %dma_wait3A_199 = arith.constant 0 : i32
      %dma_wait3A_200 = tpu.memref_slice %arg4[%add3A_41, %dma_wait3A_199] : memref<163840x128xf32, #tpu.memory_space<hbm>> -> memref<320x128xf32, #tpu.memory_space<hbm>>
      tpu.wait_dma2 semaphore(%run_scoped3A : memref<!tpu.dma_semaphore, #tpu.memory_space<semaphore_mem>>) src(%arg6 : memref<320x128xf32, #tpu.memory_space<vmem>>) dst(%dma_wait3A_200 : memref<320x128xf32, #tpu.memory_space<hbm>>)
      tpu.yield
    }) : () -> ()
    %dma_wait3A_42 = arith.constant 960 : i32
    %dma_wait3A_43 = tpu.memref_slice %arg5[%dma_wait3A_42] : memref<5120xi32, #tpu.memory_space<vmem>> -> memref<320xi32, #tpu.memory_space<vmem>>
    %dma_wait3A_44 = arith.constant 0 : i32
    %dma_wait3A_45 = arith.constant 0 : i32
    %dma_wait3A_46 = tpu.memref_slice %arg2[%dma_wait3A_44, %dma_wait3A_45] : memref<8192x128xf32, #tpu.memory_space<hbm>> -> memref<8192x128xf32, #tpu.memory_space<hbm>>
    tpu.wait_indirect_dma semaphore(%arg9 : memref<!tpu.dma_semaphore, #tpu.memory_space<semaphore_mem>>) src(%dma_wait3A_46 : memref<8192x128xf32, #tpu.memory_space<hbm>>) dst(%arg7 : memref<320x128xf32, #tpu.memory_space<vmem>>)
    %dma_start3A_47 = arith.constant 1280 : i32
    %dma_start3A_48 = tpu.memref_slice %arg5[%dma_start3A_47] : memref<5120xi32, #tpu.memory_space<vmem>> -> memref<320xi32, #tpu.memory_space<vmem>>
    %dma_start3A_49 = arith.constant 0 : i32
    %dma_start3A_50 = arith.constant 0 : i32
    %dma_start3A_51 = tpu.memref_slice %arg2[%dma_start3A_49, %dma_start3A_50] : memref<8192x128xf32, #tpu.memory_space<hbm>> -> memref<8192x128xf32, #tpu.memory_space<hbm>>
    tpu.enqueue_indirect_dma source(%dma_start3A_51 : memref<8192x128xf32, #tpu.memory_space<hbm>>) target(%arg6 : memref<320x128xf32, #tpu.memory_space<vmem>>) offsets(%dma_start3A_48 : memref<320xi32, #tpu.memory_space<vmem>>) semaphore(%arg8 : memref<!tpu.dma_semaphore, #tpu.memory_space<semaphore_mem>>)
    %add3A_52 = arith.constant 960 : i32
    %add3A_53 = arith.addi %mul3A_2, %add3A_52 : i32
    "tpu.region"() ({
      %run_scoped3A = tpu.sem_alloc : memref<!tpu.dma_semaphore, #tpu.memory_space<semaphore_mem>>
      %dma_start3A_193 = arith.constant 0 : i32
      %dma_start3A_194 = tpu.memref_slice %arg4[%add3A_53, %dma_start3A_193] : memref<163840x128xf32, #tpu.memory_space<hbm>> -> memref<320x128xf32, #tpu.memory_space<hbm>>
      %dma_start3A_195 = arith.constant 0 : i32
      %dma_start3A_196 = tpu.memref_slice %arg4[%add3A_53, %dma_start3A_195] : memref<163840x128xf32, #tpu.memory_space<hbm>> -> memref<320x128xf32, #tpu.memory_space<hbm>>
      tpu.enqueue_dma source(%arg7 : memref<320x128xf32, #tpu.memory_space<vmem>>) target(%dma_start3A_196 : memref<320x128xf32, #tpu.memory_space<hbm>>) target_semaphore(%run_scoped3A : memref<!tpu.dma_semaphore, #tpu.memory_space<semaphore_mem>>)
      %dma_wait3A_197 = arith.constant 0 : i32
      %dma_wait3A_198 = tpu.memref_slice %arg4[%add3A_53, %dma_wait3A_197] : memref<163840x128xf32, #tpu.memory_space<hbm>> -> memref<320x128xf32, #tpu.memory_space<hbm>>
      %dma_wait3A_199 = arith.constant 0 : i32
      %dma_wait3A_200 = tpu.memref_slice %arg4[%add3A_53, %dma_wait3A_199] : memref<163840x128xf32, #tpu.memory_space<hbm>> -> memref<320x128xf32, #tpu.memory_space<hbm>>
      tpu.wait_dma2 semaphore(%run_scoped3A : memref<!tpu.dma_semaphore, #tpu.memory_space<semaphore_mem>>) src(%arg7 : memref<320x128xf32, #tpu.memory_space<vmem>>) dst(%dma_wait3A_200 : memref<320x128xf32, #tpu.memory_space<hbm>>)
      tpu.yield
    }) : () -> ()
    %dma_wait3A_54 = arith.constant 1280 : i32
    %dma_wait3A_55 = tpu.memref_slice %arg5[%dma_wait3A_54] : memref<5120xi32, #tpu.memory_space<vmem>> -> memref<320xi32, #tpu.memory_space<vmem>>
    %dma_wait3A_56 = arith.constant 0 : i32
    %dma_wait3A_57 = arith.constant 0 : i32
    %dma_wait3A_58 = tpu.memref_slice %arg2[%dma_wait3A_56, %dma_wait3A_57] : memref<8192x128xf32, #tpu.memory_space<hbm>> -> memref<8192x128xf32, #tpu.memory_space<hbm>>
    tpu.wait_indirect_dma semaphore(%arg8 : memref<!tpu.dma_semaphore, #tpu.memory_space<semaphore_mem>>) src(%dma_wait3A_58 : memref<8192x128xf32, #tpu.memory_space<hbm>>) dst(%arg6 : memref<320x128xf32, #tpu.memory_space<vmem>>)
    %dma_start3A_59 = arith.constant 1600 : i32
    %dma_start3A_60 = tpu.memref_slice %arg5[%dma_start3A_59] : memref<5120xi32, #tpu.memory_space<vmem>> -> memref<320xi32, #tpu.memory_space<vmem>>
    %dma_start3A_61 = arith.constant 0 : i32
    %dma_start3A_62 = arith.constant 0 : i32
    %dma_start3A_63 = tpu.memref_slice %arg2[%dma_start3A_61, %dma_start3A_62] : memref<8192x128xf32, #tpu.memory_space<hbm>> -> memref<8192x128xf32, #tpu.memory_space<hbm>>
    tpu.enqueue_indirect_dma source(%dma_start3A_63 : memref<8192x128xf32, #tpu.memory_space<hbm>>) target(%arg7 : memref<320x128xf32, #tpu.memory_space<vmem>>) offsets(%dma_start3A_60 : memref<320xi32, #tpu.memory_space<vmem>>) semaphore(%arg9 : memref<!tpu.dma_semaphore, #tpu.memory_space<semaphore_mem>>)
    %add3A_64 = arith.constant 1280 : i32
    %add3A_65 = arith.addi %mul3A_2, %add3A_64 : i32
    "tpu.region"() ({
      %run_scoped3A = tpu.sem_alloc : memref<!tpu.dma_semaphore, #tpu.memory_space<semaphore_mem>>
      %dma_start3A_193 = arith.constant 0 : i32
      %dma_start3A_194 = tpu.memref_slice %arg4[%add3A_65, %dma_start3A_193] : memref<163840x128xf32, #tpu.memory_space<hbm>> -> memref<320x128xf32, #tpu.memory_space<hbm>>
      %dma_start3A_195 = arith.constant 0 : i32
      %dma_start3A_196 = tpu.memref_slice %arg4[%add3A_65, %dma_start3A_195] : memref<163840x128xf32, #tpu.memory_space<hbm>> -> memref<320x128xf32, #tpu.memory_space<hbm>>
      tpu.enqueue_dma source(%arg6 : memref<320x128xf32, #tpu.memory_space<vmem>>) target(%dma_start3A_196 : memref<320x128xf32, #tpu.memory_space<hbm>>) target_semaphore(%run_scoped3A : memref<!tpu.dma_semaphore, #tpu.memory_space<semaphore_mem>>)
      %dma_wait3A_197 = arith.constant 0 : i32
      %dma_wait3A_198 = tpu.memref_slice %arg4[%add3A_65, %dma_wait3A_197] : memref<163840x128xf32, #tpu.memory_space<hbm>> -> memref<320x128xf32, #tpu.memory_space<hbm>>
      %dma_wait3A_199 = arith.constant 0 : i32
      %dma_wait3A_200 = tpu.memref_slice %arg4[%add3A_65, %dma_wait3A_199] : memref<163840x128xf32, #tpu.memory_space<hbm>> -> memref<320x128xf32, #tpu.memory_space<hbm>>
      tpu.wait_dma2 semaphore(%run_scoped3A : memref<!tpu.dma_semaphore, #tpu.memory_space<semaphore_mem>>) src(%arg6 : memref<320x128xf32, #tpu.memory_space<vmem>>) dst(%dma_wait3A_200 : memref<320x128xf32, #tpu.memory_space<hbm>>)
      tpu.yield
    }) : () -> ()
    %dma_wait3A_66 = arith.constant 1600 : i32
    %dma_wait3A_67 = tpu.memref_slice %arg5[%dma_wait3A_66] : memref<5120xi32, #tpu.memory_space<vmem>> -> memref<320xi32, #tpu.memory_space<vmem>>
    %dma_wait3A_68 = arith.constant 0 : i32
    %dma_wait3A_69 = arith.constant 0 : i32
    %dma_wait3A_70 = tpu.memref_slice %arg2[%dma_wait3A_68, %dma_wait3A_69] : memref<8192x128xf32, #tpu.memory_space<hbm>> -> memref<8192x128xf32, #tpu.memory_space<hbm>>
    tpu.wait_indirect_dma semaphore(%arg9 : memref<!tpu.dma_semaphore, #tpu.memory_space<semaphore_mem>>) src(%dma_wait3A_70 : memref<8192x128xf32, #tpu.memory_space<hbm>>) dst(%arg7 : memref<320x128xf32, #tpu.memory_space<vmem>>)
    %dma_start3A_71 = arith.constant 1920 : i32
    %dma_start3A_72 = tpu.memref_slice %arg5[%dma_start3A_71] : memref<5120xi32, #tpu.memory_space<vmem>> -> memref<320xi32, #tpu.memory_space<vmem>>
    %dma_start3A_73 = arith.constant 0 : i32
    %dma_start3A_74 = arith.constant 0 : i32
    %dma_start3A_75 = tpu.memref_slice %arg2[%dma_start3A_73, %dma_start3A_74] : memref<8192x128xf32, #tpu.memory_space<hbm>> -> memref<8192x128xf32, #tpu.memory_space<hbm>>
    tpu.enqueue_indirect_dma source(%dma_start3A_75 : memref<8192x128xf32, #tpu.memory_space<hbm>>) target(%arg6 : memref<320x128xf32, #tpu.memory_space<vmem>>) offsets(%dma_start3A_72 : memref<320xi32, #tpu.memory_space<vmem>>) semaphore(%arg8 : memref<!tpu.dma_semaphore, #tpu.memory_space<semaphore_mem>>)
    %add3A_76 = arith.constant 1600 : i32
    %add3A_77 = arith.addi %mul3A_2, %add3A_76 : i32
    "tpu.region"() ({
      %run_scoped3A = tpu.sem_alloc : memref<!tpu.dma_semaphore, #tpu.memory_space<semaphore_mem>>
      %dma_start3A_193 = arith.constant 0 : i32
      %dma_start3A_194 = tpu.memref_slice %arg4[%add3A_77, %dma_start3A_193] : memref<163840x128xf32, #tpu.memory_space<hbm>> -> memref<320x128xf32, #tpu.memory_space<hbm>>
      %dma_start3A_195 = arith.constant 0 : i32
      %dma_start3A_196 = tpu.memref_slice %arg4[%add3A_77, %dma_start3A_195] : memref<163840x128xf32, #tpu.memory_space<hbm>> -> memref<320x128xf32, #tpu.memory_space<hbm>>
      tpu.enqueue_dma source(%arg7 : memref<320x128xf32, #tpu.memory_space<vmem>>) target(%dma_start3A_196 : memref<320x128xf32, #tpu.memory_space<hbm>>) target_semaphore(%run_scoped3A : memref<!tpu.dma_semaphore, #tpu.memory_space<semaphore_mem>>)
      %dma_wait3A_197 = arith.constant 0 : i32
      %dma_wait3A_198 = tpu.memref_slice %arg4[%add3A_77, %dma_wait3A_197] : memref<163840x128xf32, #tpu.memory_space<hbm>> -> memref<320x128xf32, #tpu.memory_space<hbm>>
      %dma_wait3A_199 = arith.constant 0 : i32
      %dma_wait3A_200 = tpu.memref_slice %arg4[%add3A_77, %dma_wait3A_199] : memref<163840x128xf32, #tpu.memory_space<hbm>> -> memref<320x128xf32, #tpu.memory_space<hbm>>
      tpu.wait_dma2 semaphore(%run_scoped3A : memref<!tpu.dma_semaphore, #tpu.memory_space<semaphore_mem>>) src(%arg7 : memref<320x128xf32, #tpu.memory_space<vmem>>) dst(%dma_wait3A_200 : memref<320x128xf32, #tpu.memory_space<hbm>>)
      tpu.yield
    }) : () -> ()
    %dma_wait3A_78 = arith.constant 1920 : i32
    %dma_wait3A_79 = tpu.memref_slice %arg5[%dma_wait3A_78] : memref<5120xi32, #tpu.memory_space<vmem>> -> memref<320xi32, #tpu.memory_space<vmem>>
    %dma_wait3A_80 = arith.constant 0 : i32
    %dma_wait3A_81 = arith.constant 0 : i32
    %dma_wait3A_82 = tpu.memref_slice %arg2[%dma_wait3A_80, %dma_wait3A_81] : memref<8192x128xf32, #tpu.memory_space<hbm>> -> memref<8192x128xf32, #tpu.memory_space<hbm>>
    tpu.wait_indirect_dma semaphore(%arg8 : memref<!tpu.dma_semaphore, #tpu.memory_space<semaphore_mem>>) src(%dma_wait3A_82 : memref<8192x128xf32, #tpu.memory_space<hbm>>) dst(%arg6 : memref<320x128xf32, #tpu.memory_space<vmem>>)
    %dma_start3A_83 = arith.constant 2240 : i32
    %dma_start3A_84 = tpu.memref_slice %arg5[%dma_start3A_83] : memref<5120xi32, #tpu.memory_space<vmem>> -> memref<320xi32, #tpu.memory_space<vmem>>
    %dma_start3A_85 = arith.constant 0 : i32
    %dma_start3A_86 = arith.constant 0 : i32
    %dma_start3A_87 = tpu.memref_slice %arg2[%dma_start3A_85, %dma_start3A_86] : memref<8192x128xf32, #tpu.memory_space<hbm>> -> memref<8192x128xf32, #tpu.memory_space<hbm>>
    tpu.enqueue_indirect_dma source(%dma_start3A_87 : memref<8192x128xf32, #tpu.memory_space<hbm>>) target(%arg7 : memref<320x128xf32, #tpu.memory_space<vmem>>) offsets(%dma_start3A_84 : memref<320xi32, #tpu.memory_space<vmem>>) semaphore(%arg9 : memref<!tpu.dma_semaphore, #tpu.memory_space<semaphore_mem>>)
    %add3A_88 = arith.constant 1920 : i32
    %add3A_89 = arith.addi %mul3A_2, %add3A_88 : i32
    "tpu.region"() ({
      %run_scoped3A = tpu.sem_alloc : memref<!tpu.dma_semaphore, #tpu.memory_space<semaphore_mem>>
      %dma_start3A_193 = arith.constant 0 : i32
      %dma_start3A_194 = tpu.memref_slice %arg4[%add3A_89, %dma_start3A_193] : memref<163840x128xf32, #tpu.memory_space<hbm>> -> memref<320x128xf32, #tpu.memory_space<hbm>>
      %dma_start3A_195 = arith.constant 0 : i32
      %dma_start3A_196 = tpu.memref_slice %arg4[%add3A_89, %dma_start3A_195] : memref<163840x128xf32, #tpu.memory_space<hbm>> -> memref<320x128xf32, #tpu.memory_space<hbm>>
      tpu.enqueue_dma source(%arg6 : memref<320x128xf32, #tpu.memory_space<vmem>>) target(%dma_start3A_196 : memref<320x128xf32, #tpu.memory_space<hbm>>) target_semaphore(%run_scoped3A : memref<!tpu.dma_semaphore, #tpu.memory_space<semaphore_mem>>)
      %dma_wait3A_197 = arith.constant 0 : i32
      %dma_wait3A_198 = tpu.memref_slice %arg4[%add3A_89, %dma_wait3A_197] : memref<163840x128xf32, #tpu.memory_space<hbm>> -> memref<320x128xf32, #tpu.memory_space<hbm>>
      %dma_wait3A_199 = arith.constant 0 : i32
      %dma_wait3A_200 = tpu.memref_slice %arg4[%add3A_89, %dma_wait3A_199] : memref<163840x128xf32, #tpu.memory_space<hbm>> -> memref<320x128xf32, #tpu.memory_space<hbm>>
      tpu.wait_dma2 semaphore(%run_scoped3A : memref<!tpu.dma_semaphore, #tpu.memory_space<semaphore_mem>>) src(%arg6 : memref<320x128xf32, #tpu.memory_space<vmem>>) dst(%dma_wait3A_200 : memref<320x128xf32, #tpu.memory_space<hbm>>)
      tpu.yield
    }) : () -> ()
    %dma_wait3A_90 = arith.constant 2240 : i32
    %dma_wait3A_91 = tpu.memref_slice %arg5[%dma_wait3A_90] : memref<5120xi32, #tpu.memory_space<vmem>> -> memref<320xi32, #tpu.memory_space<vmem>>
    %dma_wait3A_92 = arith.constant 0 : i32
    %dma_wait3A_93 = arith.constant 0 : i32
    %dma_wait3A_94 = tpu.memref_slice %arg2[%dma_wait3A_92, %dma_wait3A_93] : memref<8192x128xf32, #tpu.memory_space<hbm>> -> memref<8192x128xf32, #tpu.memory_space<hbm>>
    tpu.wait_indirect_dma semaphore(%arg9 : memref<!tpu.dma_semaphore, #tpu.memory_space<semaphore_mem>>) src(%dma_wait3A_94 : memref<8192x128xf32, #tpu.memory_space<hbm>>) dst(%arg7 : memref<320x128xf32, #tpu.memory_space<vmem>>)
    %dma_start3A_95 = arith.constant 2560 : i32
    %dma_start3A_96 = tpu.memref_slice %arg5[%dma_start3A_95] : memref<5120xi32, #tpu.memory_space<vmem>> -> memref<320xi32, #tpu.memory_space<vmem>>
    %dma_start3A_97 = arith.constant 0 : i32
    %dma_start3A_98 = arith.constant 0 : i32
    %dma_start3A_99 = tpu.memref_slice %arg2[%dma_start3A_97, %dma_start3A_98] : memref<8192x128xf32, #tpu.memory_space<hbm>> -> memref<8192x128xf32, #tpu.memory_space<hbm>>
    tpu.enqueue_indirect_dma source(%dma_start3A_99 : memref<8192x128xf32, #tpu.memory_space<hbm>>) target(%arg6 : memref<320x128xf32, #tpu.memory_space<vmem>>) offsets(%dma_start3A_96 : memref<320xi32, #tpu.memory_space<vmem>>) semaphore(%arg8 : memref<!tpu.dma_semaphore, #tpu.memory_space<semaphore_mem>>)
    %add3A_100 = arith.constant 2240 : i32
    %add3A_101 = arith.addi %mul3A_2, %add3A_100 : i32
    "tpu.region"() ({
      %run_scoped3A = tpu.sem_alloc : memref<!tpu.dma_semaphore, #tpu.memory_space<semaphore_mem>>
      %dma_start3A_193 = arith.constant 0 : i32
      %dma_start3A_194 = tpu.memref_slice %arg4[%add3A_101, %dma_start3A_193] : memref<163840x128xf32, #tpu.memory_space<hbm>> -> memref<320x128xf32, #tpu.memory_space<hbm>>
      %dma_start3A_195 = arith.constant 0 : i32
      %dma_start3A_196 = tpu.memref_slice %arg4[%add3A_101, %dma_start3A_195] : memref<163840x128xf32, #tpu.memory_space<hbm>> -> memref<320x128xf32, #tpu.memory_space<hbm>>
      tpu.enqueue_dma source(%arg7 : memref<320x128xf32, #tpu.memory_space<vmem>>) target(%dma_start3A_196 : memref<320x128xf32, #tpu.memory_space<hbm>>) target_semaphore(%run_scoped3A : memref<!tpu.dma_semaphore, #tpu.memory_space<semaphore_mem>>)
      %dma_wait3A_197 = arith.constant 0 : i32
      %dma_wait3A_198 = tpu.memref_slice %arg4[%add3A_101, %dma_wait3A_197] : memref<163840x128xf32, #tpu.memory_space<hbm>> -> memref<320x128xf32, #tpu.memory_space<hbm>>
      %dma_wait3A_199 = arith.constant 0 : i32
      %dma_wait3A_200 = tpu.memref_slice %arg4[%add3A_101, %dma_wait3A_199] : memref<163840x128xf32, #tpu.memory_space<hbm>> -> memref<320x128xf32, #tpu.memory_space<hbm>>
      tpu.wait_dma2 semaphore(%run_scoped3A : memref<!tpu.dma_semaphore, #tpu.memory_space<semaphore_mem>>) src(%arg7 : memref<320x128xf32, #tpu.memory_space<vmem>>) dst(%dma_wait3A_200 : memref<320x128xf32, #tpu.memory_space<hbm>>)
      tpu.yield
    }) : () -> ()
    %dma_wait3A_102 = arith.constant 2560 : i32
    %dma_wait3A_103 = tpu.memref_slice %arg5[%dma_wait3A_102] : memref<5120xi32, #tpu.memory_space<vmem>> -> memref<320xi32, #tpu.memory_space<vmem>>
    %dma_wait3A_104 = arith.constant 0 : i32
    %dma_wait3A_105 = arith.constant 0 : i32
    %dma_wait3A_106 = tpu.memref_slice %arg2[%dma_wait3A_104, %dma_wait3A_105] : memref<8192x128xf32, #tpu.memory_space<hbm>> -> memref<8192x128xf32, #tpu.memory_space<hbm>>
    tpu.wait_indirect_dma semaphore(%arg8 : memref<!tpu.dma_semaphore, #tpu.memory_space<semaphore_mem>>) src(%dma_wait3A_106 : memref<8192x128xf32, #tpu.memory_space<hbm>>) dst(%arg6 : memref<320x128xf32, #tpu.memory_space<vmem>>)
    %dma_start3A_107 = arith.constant 2880 : i32
    %dma_start3A_108 = tpu.memref_slice %arg5[%dma_start3A_107] : memref<5120xi32, #tpu.memory_space<vmem>> -> memref<320xi32, #tpu.memory_space<vmem>>
    %dma_start3A_109 = arith.constant 0 : i32
    %dma_start3A_110 = arith.constant 0 : i32
    %dma_start3A_111 = tpu.memref_slice %arg2[%dma_start3A_109, %dma_start3A_110] : memref<8192x128xf32, #tpu.memory_space<hbm>> -> memref<8192x128xf32, #tpu.memory_space<hbm>>
    tpu.enqueue_indirect_dma source(%dma_start3A_111 : memref<8192x128xf32, #tpu.memory_space<hbm>>) target(%arg7 : memref<320x128xf32, #tpu.memory_space<vmem>>) offsets(%dma_start3A_108 : memref<320xi32, #tpu.memory_space<vmem>>) semaphore(%arg9 : memref<!tpu.dma_semaphore, #tpu.memory_space<semaphore_mem>>)
    %add3A_112 = arith.constant 2560 : i32
    %add3A_113 = arith.addi %mul3A_2, %add3A_112 : i32
    "tpu.region"() ({
      %run_scoped3A = tpu.sem_alloc : memref<!tpu.dma_semaphore, #tpu.memory_space<semaphore_mem>>
      %dma_start3A_193 = arith.constant 0 : i32
      %dma_start3A_194 = tpu.memref_slice %arg4[%add3A_113, %dma_start3A_193] : memref<163840x128xf32, #tpu.memory_space<hbm>> -> memref<320x128xf32, #tpu.memory_space<hbm>>
      %dma_start3A_195 = arith.constant 0 : i32
      %dma_start3A_196 = tpu.memref_slice %arg4[%add3A_113, %dma_start3A_195] : memref<163840x128xf32, #tpu.memory_space<hbm>> -> memref<320x128xf32, #tpu.memory_space<hbm>>
      tpu.enqueue_dma source(%arg6 : memref<320x128xf32, #tpu.memory_space<vmem>>) target(%dma_start3A_196 : memref<320x128xf32, #tpu.memory_space<hbm>>) target_semaphore(%run_scoped3A : memref<!tpu.dma_semaphore, #tpu.memory_space<semaphore_mem>>)
      %dma_wait3A_197 = arith.constant 0 : i32
      %dma_wait3A_198 = tpu.memref_slice %arg4[%add3A_113, %dma_wait3A_197] : memref<163840x128xf32, #tpu.memory_space<hbm>> -> memref<320x128xf32, #tpu.memory_space<hbm>>
      %dma_wait3A_199 = arith.constant 0 : i32
      %dma_wait3A_200 = tpu.memref_slice %arg4[%add3A_113, %dma_wait3A_199] : memref<163840x128xf32, #tpu.memory_space<hbm>> -> memref<320x128xf32, #tpu.memory_space<hbm>>
      tpu.wait_dma2 semaphore(%run_scoped3A : memref<!tpu.dma_semaphore, #tpu.memory_space<semaphore_mem>>) src(%arg6 : memref<320x128xf32, #tpu.memory_space<vmem>>) dst(%dma_wait3A_200 : memref<320x128xf32, #tpu.memory_space<hbm>>)
      tpu.yield
    }) : () -> ()
    %dma_wait3A_114 = arith.constant 2880 : i32
    %dma_wait3A_115 = tpu.memref_slice %arg5[%dma_wait3A_114] : memref<5120xi32, #tpu.memory_space<vmem>> -> memref<320xi32, #tpu.memory_space<vmem>>
    %dma_wait3A_116 = arith.constant 0 : i32
    %dma_wait3A_117 = arith.constant 0 : i32
    %dma_wait3A_118 = tpu.memref_slice %arg2[%dma_wait3A_116, %dma_wait3A_117] : memref<8192x128xf32, #tpu.memory_space<hbm>> -> memref<8192x128xf32, #tpu.memory_space<hbm>>
    tpu.wait_indirect_dma semaphore(%arg9 : memref<!tpu.dma_semaphore, #tpu.memory_space<semaphore_mem>>) src(%dma_wait3A_118 : memref<8192x128xf32, #tpu.memory_space<hbm>>) dst(%arg7 : memref<320x128xf32, #tpu.memory_space<vmem>>)
    %dma_start3A_119 = arith.constant 3200 : i32
    %dma_start3A_120 = tpu.memref_slice %arg5[%dma_start3A_119] : memref<5120xi32, #tpu.memory_space<vmem>> -> memref<320xi32, #tpu.memory_space<vmem>>
    %dma_start3A_121 = arith.constant 0 : i32
    %dma_start3A_122 = arith.constant 0 : i32
    %dma_start3A_123 = tpu.memref_slice %arg2[%dma_start3A_121, %dma_start3A_122] : memref<8192x128xf32, #tpu.memory_space<hbm>> -> memref<8192x128xf32, #tpu.memory_space<hbm>>
    tpu.enqueue_indirect_dma source(%dma_start3A_123 : memref<8192x128xf32, #tpu.memory_space<hbm>>) target(%arg6 : memref<320x128xf32, #tpu.memory_space<vmem>>) offsets(%dma_start3A_120 : memref<320xi32, #tpu.memory_space<vmem>>) semaphore(%arg8 : memref<!tpu.dma_semaphore, #tpu.memory_space<semaphore_mem>>)
    %add3A_124 = arith.constant 2880 : i32
    %add3A_125 = arith.addi %mul3A_2, %add3A_124 : i32
    "tpu.region"() ({
      %run_scoped3A = tpu.sem_alloc : memref<!tpu.dma_semaphore, #tpu.memory_space<semaphore_mem>>
      %dma_start3A_193 = arith.constant 0 : i32
      %dma_start3A_194 = tpu.memref_slice %arg4[%add3A_125, %dma_start3A_193] : memref<163840x128xf32, #tpu.memory_space<hbm>> -> memref<320x128xf32, #tpu.memory_space<hbm>>
      %dma_start3A_195 = arith.constant 0 : i32
      %dma_start3A_196 = tpu.memref_slice %arg4[%add3A_125, %dma_start3A_195] : memref<163840x128xf32, #tpu.memory_space<hbm>> -> memref<320x128xf32, #tpu.memory_space<hbm>>
      tpu.enqueue_dma source(%arg7 : memref<320x128xf32, #tpu.memory_space<vmem>>) target(%dma_start3A_196 : memref<320x128xf32, #tpu.memory_space<hbm>>) target_semaphore(%run_scoped3A : memref<!tpu.dma_semaphore, #tpu.memory_space<semaphore_mem>>)
      %dma_wait3A_197 = arith.constant 0 : i32
      %dma_wait3A_198 = tpu.memref_slice %arg4[%add3A_125, %dma_wait3A_197] : memref<163840x128xf32, #tpu.memory_space<hbm>> -> memref<320x128xf32, #tpu.memory_space<hbm>>
      %dma_wait3A_199 = arith.constant 0 : i32
      %dma_wait3A_200 = tpu.memref_slice %arg4[%add3A_125, %dma_wait3A_199] : memref<163840x128xf32, #tpu.memory_space<hbm>> -> memref<320x128xf32, #tpu.memory_space<hbm>>
      tpu.wait_dma2 semaphore(%run_scoped3A : memref<!tpu.dma_semaphore, #tpu.memory_space<semaphore_mem>>) src(%arg7 : memref<320x128xf32, #tpu.memory_space<vmem>>) dst(%dma_wait3A_200 : memref<320x128xf32, #tpu.memory_space<hbm>>)
      tpu.yield
    }) : () -> ()
    %dma_wait3A_126 = arith.constant 3200 : i32
    %dma_wait3A_127 = tpu.memref_slice %arg5[%dma_wait3A_126] : memref<5120xi32, #tpu.memory_space<vmem>> -> memref<320xi32, #tpu.memory_space<vmem>>
    %dma_wait3A_128 = arith.constant 0 : i32
    %dma_wait3A_129 = arith.constant 0 : i32
    %dma_wait3A_130 = tpu.memref_slice %arg2[%dma_wait3A_128, %dma_wait3A_129] : memref<8192x128xf32, #tpu.memory_space<hbm>> -> memref<8192x128xf32, #tpu.memory_space<hbm>>
    tpu.wait_indirect_dma semaphore(%arg8 : memref<!tpu.dma_semaphore, #tpu.memory_space<semaphore_mem>>) src(%dma_wait3A_130 : memref<8192x128xf32, #tpu.memory_space<hbm>>) dst(%arg6 : memref<320x128xf32, #tpu.memory_space<vmem>>)
    %dma_start3A_131 = arith.constant 3520 : i32
    %dma_start3A_132 = tpu.memref_slice %arg5[%dma_start3A_131] : memref<5120xi32, #tpu.memory_space<vmem>> -> memref<320xi32, #tpu.memory_space<vmem>>
    %dma_start3A_133 = arith.constant 0 : i32
    %dma_start3A_134 = arith.constant 0 : i32
    %dma_start3A_135 = tpu.memref_slice %arg2[%dma_start3A_133, %dma_start3A_134] : memref<8192x128xf32, #tpu.memory_space<hbm>> -> memref<8192x128xf32, #tpu.memory_space<hbm>>
    tpu.enqueue_indirect_dma source(%dma_start3A_135 : memref<8192x128xf32, #tpu.memory_space<hbm>>) target(%arg7 : memref<320x128xf32, #tpu.memory_space<vmem>>) offsets(%dma_start3A_132 : memref<320xi32, #tpu.memory_space<vmem>>) semaphore(%arg9 : memref<!tpu.dma_semaphore, #tpu.memory_space<semaphore_mem>>)
    %add3A_136 = arith.constant 3200 : i32
    %add3A_137 = arith.addi %mul3A_2, %add3A_136 : i32
    "tpu.region"() ({
      %run_scoped3A = tpu.sem_alloc : memref<!tpu.dma_semaphore, #tpu.memory_space<semaphore_mem>>
      %dma_start3A_193 = arith.constant 0 : i32
      %dma_start3A_194 = tpu.memref_slice %arg4[%add3A_137, %dma_start3A_193] : memref<163840x128xf32, #tpu.memory_space<hbm>> -> memref<320x128xf32, #tpu.memory_space<hbm>>
      %dma_start3A_195 = arith.constant 0 : i32
      %dma_start3A_196 = tpu.memref_slice %arg4[%add3A_137, %dma_start3A_195] : memref<163840x128xf32, #tpu.memory_space<hbm>> -> memref<320x128xf32, #tpu.memory_space<hbm>>
      tpu.enqueue_dma source(%arg6 : memref<320x128xf32, #tpu.memory_space<vmem>>) target(%dma_start3A_196 : memref<320x128xf32, #tpu.memory_space<hbm>>) target_semaphore(%run_scoped3A : memref<!tpu.dma_semaphore, #tpu.memory_space<semaphore_mem>>)
      %dma_wait3A_197 = arith.constant 0 : i32
      %dma_wait3A_198 = tpu.memref_slice %arg4[%add3A_137, %dma_wait3A_197] : memref<163840x128xf32, #tpu.memory_space<hbm>> -> memref<320x128xf32, #tpu.memory_space<hbm>>
      %dma_wait3A_199 = arith.constant 0 : i32
      %dma_wait3A_200 = tpu.memref_slice %arg4[%add3A_137, %dma_wait3A_199] : memref<163840x128xf32, #tpu.memory_space<hbm>> -> memref<320x128xf32, #tpu.memory_space<hbm>>
      tpu.wait_dma2 semaphore(%run_scoped3A : memref<!tpu.dma_semaphore, #tpu.memory_space<semaphore_mem>>) src(%arg6 : memref<320x128xf32, #tpu.memory_space<vmem>>) dst(%dma_wait3A_200 : memref<320x128xf32, #tpu.memory_space<hbm>>)
      tpu.yield
    }) : () -> ()
    %dma_wait3A_138 = arith.constant 3520 : i32
    %dma_wait3A_139 = tpu.memref_slice %arg5[%dma_wait3A_138] : memref<5120xi32, #tpu.memory_space<vmem>> -> memref<320xi32, #tpu.memory_space<vmem>>
    %dma_wait3A_140 = arith.constant 0 : i32
    %dma_wait3A_141 = arith.constant 0 : i32
    %dma_wait3A_142 = tpu.memref_slice %arg2[%dma_wait3A_140, %dma_wait3A_141] : memref<8192x128xf32, #tpu.memory_space<hbm>> -> memref<8192x128xf32, #tpu.memory_space<hbm>>
    tpu.wait_indirect_dma semaphore(%arg9 : memref<!tpu.dma_semaphore, #tpu.memory_space<semaphore_mem>>) src(%dma_wait3A_142 : memref<8192x128xf32, #tpu.memory_space<hbm>>) dst(%arg7 : memref<320x128xf32, #tpu.memory_space<vmem>>)
    %dma_start3A_143 = arith.constant 3840 : i32
    %dma_start3A_144 = tpu.memref_slice %arg5[%dma_start3A_143] : memref<5120xi32, #tpu.memory_space<vmem>> -> memref<320xi32, #tpu.memory_space<vmem>>
    %dma_start3A_145 = arith.constant 0 : i32
    %dma_start3A_146 = arith.constant 0 : i32
    %dma_start3A_147 = tpu.memref_slice %arg2[%dma_start3A_145, %dma_start3A_146] : memref<8192x128xf32, #tpu.memory_space<hbm>> -> memref<8192x128xf32, #tpu.memory_space<hbm>>
    tpu.enqueue_indirect_dma source(%dma_start3A_147 : memref<8192x128xf32, #tpu.memory_space<hbm>>) target(%arg6 : memref<320x128xf32, #tpu.memory_space<vmem>>) offsets(%dma_start3A_144 : memref<320xi32, #tpu.memory_space<vmem>>) semaphore(%arg8 : memref<!tpu.dma_semaphore, #tpu.memory_space<semaphore_mem>>)
    %add3A_148 = arith.constant 3520 : i32
    %add3A_149 = arith.addi %mul3A_2, %add3A_148 : i32
    "tpu.region"() ({
      %run_scoped3A = tpu.sem_alloc : memref<!tpu.dma_semaphore, #tpu.memory_space<semaphore_mem>>
      %dma_start3A_193 = arith.constant 0 : i32
      %dma_start3A_194 = tpu.memref_slice %arg4[%add3A_149, %dma_start3A_193] : memref<163840x128xf32, #tpu.memory_space<hbm>> -> memref<320x128xf32, #tpu.memory_space<hbm>>
      %dma_start3A_195 = arith.constant 0 : i32
      %dma_start3A_196 = tpu.memref_slice %arg4[%add3A_149, %dma_start3A_195] : memref<163840x128xf32, #tpu.memory_space<hbm>> -> memref<320x128xf32, #tpu.memory_space<hbm>>
      tpu.enqueue_dma source(%arg7 : memref<320x128xf32, #tpu.memory_space<vmem>>) target(%dma_start3A_196 : memref<320x128xf32, #tpu.memory_space<hbm>>) target_semaphore(%run_scoped3A : memref<!tpu.dma_semaphore, #tpu.memory_space<semaphore_mem>>)
      %dma_wait3A_197 = arith.constant 0 : i32
      %dma_wait3A_198 = tpu.memref_slice %arg4[%add3A_149, %dma_wait3A_197] : memref<163840x128xf32, #tpu.memory_space<hbm>> -> memref<320x128xf32, #tpu.memory_space<hbm>>
      %dma_wait3A_199 = arith.constant 0 : i32
      %dma_wait3A_200 = tpu.memref_slice %arg4[%add3A_149, %dma_wait3A_199] : memref<163840x128xf32, #tpu.memory_space<hbm>> -> memref<320x128xf32, #tpu.memory_space<hbm>>
      tpu.wait_dma2 semaphore(%run_scoped3A : memref<!tpu.dma_semaphore, #tpu.memory_space<semaphore_mem>>) src(%arg7 : memref<320x128xf32, #tpu.memory_space<vmem>>) dst(%dma_wait3A_200 : memref<320x128xf32, #tpu.memory_space<hbm>>)
      tpu.yield
    }) : () -> ()
    %dma_wait3A_150 = arith.constant 3840 : i32
    %dma_wait3A_151 = tpu.memref_slice %arg5[%dma_wait3A_150] : memref<5120xi32, #tpu.memory_space<vmem>> -> memref<320xi32, #tpu.memory_space<vmem>>
    %dma_wait3A_152 = arith.constant 0 : i32
    %dma_wait3A_153 = arith.constant 0 : i32
    %dma_wait3A_154 = tpu.memref_slice %arg2[%dma_wait3A_152, %dma_wait3A_153] : memref<8192x128xf32, #tpu.memory_space<hbm>> -> memref<8192x128xf32, #tpu.memory_space<hbm>>
    tpu.wait_indirect_dma semaphore(%arg8 : memref<!tpu.dma_semaphore, #tpu.memory_space<semaphore_mem>>) src(%dma_wait3A_154 : memref<8192x128xf32, #tpu.memory_space<hbm>>) dst(%arg6 : memref<320x128xf32, #tpu.memory_space<vmem>>)
    %dma_start3A_155 = arith.constant 4160 : i32
    %dma_start3A_156 = tpu.memref_slice %arg5[%dma_start3A_155] : memref<5120xi32, #tpu.memory_space<vmem>> -> memref<320xi32, #tpu.memory_space<vmem>>
    %dma_start3A_157 = arith.constant 0 : i32
    %dma_start3A_158 = arith.constant 0 : i32
    %dma_start3A_159 = tpu.memref_slice %arg2[%dma_start3A_157, %dma_start3A_158] : memref<8192x128xf32, #tpu.memory_space<hbm>> -> memref<8192x128xf32, #tpu.memory_space<hbm>>
    tpu.enqueue_indirect_dma source(%dma_start3A_159 : memref<8192x128xf32, #tpu.memory_space<hbm>>) target(%arg7 : memref<320x128xf32, #tpu.memory_space<vmem>>) offsets(%dma_start3A_156 : memref<320xi32, #tpu.memory_space<vmem>>) semaphore(%arg9 : memref<!tpu.dma_semaphore, #tpu.memory_space<semaphore_mem>>)
    %add3A_160 = arith.constant 3840 : i32
    %add3A_161 = arith.addi %mul3A_2, %add3A_160 : i32
    "tpu.region"() ({
      %run_scoped3A = tpu.sem_alloc : memref<!tpu.dma_semaphore, #tpu.memory_space<semaphore_mem>>
      %dma_start3A_193 = arith.constant 0 : i32
      %dma_start3A_194 = tpu.memref_slice %arg4[%add3A_161, %dma_start3A_193] : memref<163840x128xf32, #tpu.memory_space<hbm>> -> memref<320x128xf32, #tpu.memory_space<hbm>>
      %dma_start3A_195 = arith.constant 0 : i32
      %dma_start3A_196 = tpu.memref_slice %arg4[%add3A_161, %dma_start3A_195] : memref<163840x128xf32, #tpu.memory_space<hbm>> -> memref<320x128xf32, #tpu.memory_space<hbm>>
      tpu.enqueue_dma source(%arg6 : memref<320x128xf32, #tpu.memory_space<vmem>>) target(%dma_start3A_196 : memref<320x128xf32, #tpu.memory_space<hbm>>) target_semaphore(%run_scoped3A : memref<!tpu.dma_semaphore, #tpu.memory_space<semaphore_mem>>)
      %dma_wait3A_197 = arith.constant 0 : i32
      %dma_wait3A_198 = tpu.memref_slice %arg4[%add3A_161, %dma_wait3A_197] : memref<163840x128xf32, #tpu.memory_space<hbm>> -> memref<320x128xf32, #tpu.memory_space<hbm>>
      %dma_wait3A_199 = arith.constant 0 : i32
      %dma_wait3A_200 = tpu.memref_slice %arg4[%add3A_161, %dma_wait3A_199] : memref<163840x128xf32, #tpu.memory_space<hbm>> -> memref<320x128xf32, #tpu.memory_space<hbm>>
      tpu.wait_dma2 semaphore(%run_scoped3A : memref<!tpu.dma_semaphore, #tpu.memory_space<semaphore_mem>>) src(%arg6 : memref<320x128xf32, #tpu.memory_space<vmem>>) dst(%dma_wait3A_200 : memref<320x128xf32, #tpu.memory_space<hbm>>)
      tpu.yield
    }) : () -> ()
    %dma_wait3A_162 = arith.constant 4160 : i32
    %dma_wait3A_163 = tpu.memref_slice %arg5[%dma_wait3A_162] : memref<5120xi32, #tpu.memory_space<vmem>> -> memref<320xi32, #tpu.memory_space<vmem>>
    %dma_wait3A_164 = arith.constant 0 : i32
    %dma_wait3A_165 = arith.constant 0 : i32
    %dma_wait3A_166 = tpu.memref_slice %arg2[%dma_wait3A_164, %dma_wait3A_165] : memref<8192x128xf32, #tpu.memory_space<hbm>> -> memref<8192x128xf32, #tpu.memory_space<hbm>>
    tpu.wait_indirect_dma semaphore(%arg9 : memref<!tpu.dma_semaphore, #tpu.memory_space<semaphore_mem>>) src(%dma_wait3A_166 : memref<8192x128xf32, #tpu.memory_space<hbm>>) dst(%arg7 : memref<320x128xf32, #tpu.memory_space<vmem>>)
    %dma_start3A_167 = arith.constant 4480 : i32
    %dma_start3A_168 = tpu.memref_slice %arg5[%dma_start3A_167] : memref<5120xi32, #tpu.memory_space<vmem>> -> memref<320xi32, #tpu.memory_space<vmem>>
    %dma_start3A_169 = arith.constant 0 : i32
    %dma_start3A_170 = arith.constant 0 : i32
    %dma_start3A_171 = tpu.memref_slice %arg2[%dma_start3A_169, %dma_start3A_170] : memref<8192x128xf32, #tpu.memory_space<hbm>> -> memref<8192x128xf32, #tpu.memory_space<hbm>>
    tpu.enqueue_indirect_dma source(%dma_start3A_171 : memref<8192x128xf32, #tpu.memory_space<hbm>>) target(%arg6 : memref<320x128xf32, #tpu.memory_space<vmem>>) offsets(%dma_start3A_168 : memref<320xi32, #tpu.memory_space<vmem>>) semaphore(%arg8 : memref<!tpu.dma_semaphore, #tpu.memory_space<semaphore_mem>>)
    %add3A_172 = arith.constant 4160 : i32
    %add3A_173 = arith.addi %mul3A_2, %add3A_172 : i32
    "tpu.region"() ({
      %run_scoped3A = tpu.sem_alloc : memref<!tpu.dma_semaphore, #tpu.memory_space<semaphore_mem>>
      %dma_start3A_193 = arith.constant 0 : i32
      %dma_start3A_194 = tpu.memref_slice %arg4[%add3A_173, %dma_start3A_193] : memref<163840x128xf32, #tpu.memory_space<hbm>> -> memref<320x128xf32, #tpu.memory_space<hbm>>
      %dma_start3A_195 = arith.constant 0 : i32
      %dma_start3A_196 = tpu.memref_slice %arg4[%add3A_173, %dma_start3A_195] : memref<163840x128xf32, #tpu.memory_space<hbm>> -> memref<320x128xf32, #tpu.memory_space<hbm>>
      tpu.enqueue_dma source(%arg7 : memref<320x128xf32, #tpu.memory_space<vmem>>) target(%dma_start3A_196 : memref<320x128xf32, #tpu.memory_space<hbm>>) target_semaphore(%run_scoped3A : memref<!tpu.dma_semaphore, #tpu.memory_space<semaphore_mem>>)
      %dma_wait3A_197 = arith.constant 0 : i32
      %dma_wait3A_198 = tpu.memref_slice %arg4[%add3A_173, %dma_wait3A_197] : memref<163840x128xf32, #tpu.memory_space<hbm>> -> memref<320x128xf32, #tpu.memory_space<hbm>>
      %dma_wait3A_199 = arith.constant 0 : i32
      %dma_wait3A_200 = tpu.memref_slice %arg4[%add3A_173, %dma_wait3A_199] : memref<163840x128xf32, #tpu.memory_space<hbm>> -> memref<320x128xf32, #tpu.memory_space<hbm>>
      tpu.wait_dma2 semaphore(%run_scoped3A : memref<!tpu.dma_semaphore, #tpu.memory_space<semaphore_mem>>) src(%arg7 : memref<320x128xf32, #tpu.memory_space<vmem>>) dst(%dma_wait3A_200 : memref<320x128xf32, #tpu.memory_space<hbm>>)
      tpu.yield
    }) : () -> ()
    %dma_wait3A_174 = arith.constant 4480 : i32
    %dma_wait3A_175 = tpu.memref_slice %arg5[%dma_wait3A_174] : memref<5120xi32, #tpu.memory_space<vmem>> -> memref<320xi32, #tpu.memory_space<vmem>>
    %dma_wait3A_176 = arith.constant 0 : i32
    %dma_wait3A_177 = arith.constant 0 : i32
    %dma_wait3A_178 = tpu.memref_slice %arg2[%dma_wait3A_176, %dma_wait3A_177] : memref<8192x128xf32, #tpu.memory_space<hbm>> -> memref<8192x128xf32, #tpu.memory_space<hbm>>
    tpu.wait_indirect_dma semaphore(%arg8 : memref<!tpu.dma_semaphore, #tpu.memory_space<semaphore_mem>>) src(%dma_wait3A_178 : memref<8192x128xf32, #tpu.memory_space<hbm>>) dst(%arg6 : memref<320x128xf32, #tpu.memory_space<vmem>>)
    %dma_start3A_179 = arith.constant 4800 : i32
    %dma_start3A_180 = tpu.memref_slice %arg5[%dma_start3A_179] : memref<5120xi32, #tpu.memory_space<vmem>> -> memref<320xi32, #tpu.memory_space<vmem>>
    %dma_start3A_181 = arith.constant 0 : i32
    %dma_start3A_182 = arith.constant 0 : i32
    %dma_start3A_183 = tpu.memref_slice %arg2[%dma_start3A_181, %dma_start3A_182] : memref<8192x128xf32, #tpu.memory_space<hbm>> -> memref<8192x128xf32, #tpu.memory_space<hbm>>
    tpu.enqueue_indirect_dma source(%dma_start3A_183 : memref<8192x128xf32, #tpu.memory_space<hbm>>) target(%arg7 : memref<320x128xf32, #tpu.memory_space<vmem>>) offsets(%dma_start3A_180 : memref<320xi32, #tpu.memory_space<vmem>>) semaphore(%arg9 : memref<!tpu.dma_semaphore, #tpu.memory_space<semaphore_mem>>)
    %add3A_184 = arith.constant 4480 : i32
    %add3A_185 = arith.addi %mul3A_2, %add3A_184 : i32
    "tpu.region"() ({
      %run_scoped3A = tpu.sem_alloc : memref<!tpu.dma_semaphore, #tpu.memory_space<semaphore_mem>>
      %dma_start3A_193 = arith.constant 0 : i32
      %dma_start3A_194 = tpu.memref_slice %arg4[%add3A_185, %dma_start3A_193] : memref<163840x128xf32, #tpu.memory_space<hbm>> -> memref<320x128xf32, #tpu.memory_space<hbm>>
      %dma_start3A_195 = arith.constant 0 : i32
      %dma_start3A_196 = tpu.memref_slice %arg4[%add3A_185, %dma_start3A_195] : memref<163840x128xf32, #tpu.memory_space<hbm>> -> memref<320x128xf32, #tpu.memory_space<hbm>>
      tpu.enqueue_dma source(%arg6 : memref<320x128xf32, #tpu.memory_space<vmem>>) target(%dma_start3A_196 : memref<320x128xf32, #tpu.memory_space<hbm>>) target_semaphore(%run_scoped3A : memref<!tpu.dma_semaphore, #tpu.memory_space<semaphore_mem>>)
      %dma_wait3A_197 = arith.constant 0 : i32
      %dma_wait3A_198 = tpu.memref_slice %arg4[%add3A_185, %dma_wait3A_197] : memref<163840x128xf32, #tpu.memory_space<hbm>> -> memref<320x128xf32, #tpu.memory_space<hbm>>
      %dma_wait3A_199 = arith.constant 0 : i32
      %dma_wait3A_200 = tpu.memref_slice %arg4[%add3A_185, %dma_wait3A_199] : memref<163840x128xf32, #tpu.memory_space<hbm>> -> memref<320x128xf32, #tpu.memory_space<hbm>>
      tpu.wait_dma2 semaphore(%run_scoped3A : memref<!tpu.dma_semaphore, #tpu.memory_space<semaphore_mem>>) src(%arg6 : memref<320x128xf32, #tpu.memory_space<vmem>>) dst(%dma_wait3A_200 : memref<320x128xf32, #tpu.memory_space<hbm>>)
      tpu.yield
    }) : () -> ()
    %dma_wait3A_186 = arith.constant 4800 : i32
    %dma_wait3A_187 = tpu.memref_slice %arg5[%dma_wait3A_186] : memref<5120xi32, #tpu.memory_space<vmem>> -> memref<320xi32, #tpu.memory_space<vmem>>
    %dma_wait3A_188 = arith.constant 0 : i32
    %dma_wait3A_189 = arith.constant 0 : i32
    %dma_wait3A_190 = tpu.memref_slice %arg2[%dma_wait3A_188, %dma_wait3A_189] : memref<8192x128xf32, #tpu.memory_space<hbm>> -> memref<8192x128xf32, #tpu.memory_space<hbm>>
    tpu.wait_indirect_dma semaphore(%arg9 : memref<!tpu.dma_semaphore, #tpu.memory_space<semaphore_mem>>) src(%dma_wait3A_190 : memref<8192x128xf32, #tpu.memory_space<hbm>>) dst(%arg7 : memref<320x128xf32, #tpu.memory_space<vmem>>)
    %add3A_191 = arith.constant 4800 : i32
    %add3A_192 = arith.addi %mul3A_2, %add3A_191 : i32
    "tpu.region"() ({
      %run_scoped3A = tpu.sem_alloc : memref<!tpu.dma_semaphore, #tpu.memory_space<semaphore_mem>>
      %dma_start3A_193 = arith.constant 0 : i32
      %dma_start3A_194 = tpu.memref_slice %arg4[%add3A_192, %dma_start3A_193] : memref<163840x128xf32, #tpu.memory_space<hbm>> -> memref<320x128xf32, #tpu.memory_space<hbm>>
      %dma_start3A_195 = arith.constant 0 : i32
      %dma_start3A_196 = tpu.memref_slice %arg4[%add3A_192, %dma_start3A_195] : memref<163840x128xf32, #tpu.memory_space<hbm>> -> memref<320x128xf32, #tpu.memory_space<hbm>>
      tpu.enqueue_dma source(%arg7 : memref<320x128xf32, #tpu.memory_space<vmem>>) target(%dma_start3A_196 : memref<320x128xf32, #tpu.memory_space<hbm>>) target_semaphore(%run_scoped3A : memref<!tpu.dma_semaphore, #tpu.memory_space<semaphore_mem>>)
      %dma_wait3A_197 = arith.constant 0 : i32
      %dma_wait3A_198 = tpu.memref_slice %arg4[%add3A_192, %dma_wait3A_197] : memref<163840x128xf32, #tpu.memory_space<hbm>> -> memref<320x128xf32, #tpu.memory_space<hbm>>
      %dma_wait3A_199 = arith.constant 0 : i32
      %dma_wait3A_200 = tpu.memref_slice %arg4[%add3A_192, %dma_wait3A_199] : memref<163840x128xf32, #tpu.memory_space<hbm>> -> memref<320x128xf32, #tpu.memory_space<hbm>>
      tpu.wait_dma2 semaphore(%run_scoped3A : memref<!tpu.dma_semaphore, #tpu.memory_space<semaphore_mem>>) src(%arg7 : memref<320x128xf32, #tpu.memory_space<vmem>>) dst(%dma_wait3A_200 : memref<320x128xf32, #tpu.memory_space<hbm>>)
      tpu.yield
    }) : () -> ()
    return
  }
}

#map = affine_map<(d0, d1) -> (0, 0)>
#map1 = affine_map<(d0, d1) -> (0)>
module attributes {stable_mosaic.version = 14 : i64} {
  func.func @gather(%arg0: i32, %arg1: i32, %arg2: memref<8192x128xf32, #tpu.memory_space<hbm>>, %arg3: memref<163840xi32, #tpu.memory_space<hbm>>, %arg4: memref<163840x128xf32, #tpu.memory_space<hbm>>, %arg5: memref<5120xi32, #tpu.memory_space<vmem>>, %arg6: memref<320x128xf32, #tpu.memory_space<vmem>>, %arg7: memref<320x128xf32, #tpu.memory_space<vmem>>, %arg8: memref<!tpu.dma_semaphore, #tpu.memory_space<semaphore_mem>>, %arg9: memref<!tpu.dma_semaphore, #tpu.memory_space<semaphore_mem>>) attributes {dimension_semantics = [#tpu.dimension_semantics<core_parallel>, #tpu.dimension_semantics<subcore_parallel>], iteration_bounds = array<i64: 2, 16>, scalar_prefetch = 0 : i64, scratch_operands = 5 : i64, tpu.core_type = #tpu.core_type<sc_vector_subcore>, window_params = [{transform_indices = #map}, {transform_indices = #map1}, {transform_indices = #map}]} {
    %mul3A = arith.constant 2 : i32
    %mul3A_0 = arith.muli %arg1, %mul3A : i32
    %add3A = arith.addi %mul3A_0, %arg0 : i32
    %mul3A_1 = arith.constant 5120 : i32
    %mul3A_2 = arith.muli %add3A, %mul3A_1 : i32
    "tpu.region"() ({
      %run_scoped3A = tpu.sem_alloc : memref<!tpu.dma_semaphore, #tpu.memory_space<semaphore_mem>>
      %dma_start3A_193 = tpu.memref_slice %arg3[%mul3A_2] : memref<163840xi32, #tpu.memory_space<hbm>> -> memref<5120xi32, #tpu.memory_space<hbm>>
      %dma_start3A_194 = tpu.memref_slice %arg3[%mul3A_2] : memref<163840xi32, #tpu.memory_space<hbm>> -> memref<5120xi32, #tpu.memory_space<hbm>>
      tpu.enqueue_dma source(%dma_start3A_194 : memref<5120xi32, #tpu.memory_space<hbm>>) target(%arg5 : memref<5120xi32, #tpu.memory_space<vmem>>) target_semaphore(%run_scoped3A : memref<!tpu.dma_semaphore, #tpu.memory_space<semaphore_mem>>)
      %dma_wait3A_195 = tpu.memref_slice %arg3[%mul3A_2] : memref<163840xi32, #tpu.memory_space<hbm>> -> memref<5120xi32, #tpu.memory_space<hbm>>
      %dma_wait3A_196 = tpu.memref_slice %arg3[%mul3A_2] : memref<163840xi32, #tpu.memory_space<hbm>> -> memref<5120xi32, #tpu.memory_space<hbm>>
      tpu.wait_dma2 semaphore(%run_scoped3A : memref<!tpu.dma_semaphore, #tpu.memory_space<semaphore_mem>>) src(%dma_wait3A_196 : memref<5120xi32, #tpu.memory_space<hbm>>) dst(%arg5 : memref<5120xi32, #tpu.memory_space<vmem>>)
      tpu.yield
    }) : () -> ()
    %dma_start3A = arith.constant 0 : i32
    %dma_start3A_3 = tpu.memref_slice %arg5[%dma_start3A] : memref<5120xi32, #tpu.memory_space<vmem>> -> memref<320xi32, #tpu.memory_space<vmem>>
    %dma_start3A_4 = arith.constant 0 : i32
    %dma_start3A_5 = arith.constant 0 : i32
    %dma_start3A_6 = tpu.memref_slice %arg2[%dma_start3A_4, %dma_start3A_5] : memref<8192x128xf32, #tpu.memory_space<hbm>> -> memref<8192x128xf32, #tpu.memory_space<hbm>>
    tpu.enqueue_indirect_dma source(%dma_start3A_6 : memref<8192x128xf32, #tpu.memory_space<hbm>>) target(%arg6 : memref<320x128xf32, #tpu.memory_space<vmem>>) offsets(%dma_start3A_3 : memref<320xi32, #tpu.memory_space<vmem>>) semaphore(%arg8 : memref<!tpu.dma_semaphore, #tpu.memory_space<semaphore_mem>>)
    %dma_wait3A = arith.constant 0 : i32
    %dma_wait3A_7 = tpu.memref_slice %arg5[%dma_wait3A] : memref<5120xi32, #tpu.memory_space<vmem>> -> memref<320xi32, #tpu.memory_space<vmem>>
    %dma_wait3A_8 = arith.constant 0 : i32
    %dma_wait3A_9 = arith.constant 0 : i32
    %dma_wait3A_10 = tpu.memref_slice %arg2[%dma_wait3A_8, %dma_wait3A_9] : memref<8192x128xf32, #tpu.memory_space<hbm>> -> memref<8192x128xf32, #tpu.memory_space<hbm>>
    tpu.wait_indirect_dma semaphore(%arg8 : memref<!tpu.dma_semaphore, #tpu.memory_space<semaphore_mem>>) src(%dma_wait3A_10 : memref<8192x128xf32, #tpu.memory_space<hbm>>) dst(%arg6 : memref<320x128xf32, #tpu.memory_space<vmem>>)
    %dma_start3A_11 = arith.constant 320 : i32
    %dma_start3A_12 = tpu.memref_slice %arg5[%dma_start3A_11] : memref<5120xi32, #tpu.memory_space<vmem>> -> memref<320xi32, #tpu.memory_space<vmem>>
    %dma_start3A_13 = arith.constant 0 : i32
    %dma_start3A_14 = arith.constant 0 : i32
    %dma_start3A_15 = tpu.memref_slice %arg2[%dma_start3A_13, %dma_start3A_14] : memref<8192x128xf32, #tpu.memory_space<hbm>> -> memref<8192x128xf32, #tpu.memory_space<hbm>>
    tpu.enqueue_indirect_dma source(%dma_start3A_15 : memref<8192x128xf32, #tpu.memory_space<hbm>>) target(%arg7 : memref<320x128xf32, #tpu.memory_space<vmem>>) offsets(%dma_start3A_12 : memref<320xi32, #tpu.memory_space<vmem>>) semaphore(%arg9 : memref<!tpu.dma_semaphore, #tpu.memory_space<semaphore_mem>>)
    %add3A_16 = arith.constant 0 : i32
    %add3A_17 = arith.addi %mul3A_2, %add3A_16 : i32
    "tpu.region"() ({
      %run_scoped3A = tpu.sem_alloc : memref<!tpu.dma_semaphore, #tpu.memory_space<semaphore_mem>>
      %dma_start3A_193 = arith.constant 0 : i32
      %dma_start3A_194 = tpu.memref_slice %arg4[%add3A_17, %dma_start3A_193] : memref<163840x128xf32, #tpu.memory_space<hbm>> -> memref<320x128xf32, #tpu.memory_space<hbm>>
      %dma_start3A_195 = arith.constant 0 : i32
      %dma_start3A_196 = tpu.memref_slice %arg4[%add3A_17, %dma_start3A_195] : memref<163840x128xf32, #tpu.memory_space<hbm>> -> memref<320x128xf32, #tpu.memory_space<hbm>>
      tpu.enqueue_dma source(%arg6 : memref<320x128xf32, #tpu.memory_space<vmem>>) target(%dma_start3A_196 : memref<320x128xf32, #tpu.memory_space<hbm>>) target_semaphore(%run_scoped3A : memref<!tpu.dma_semaphore, #tpu.memory_space<semaphore_mem>>)
      %dma_wait3A_197 = arith.constant 0 : i32
      %dma_wait3A_198 = tpu.memref_slice %arg4[%add3A_17, %dma_wait3A_197] : memref<163840x128xf32, #tpu.memory_space<hbm>> -> memref<320x128xf32, #tpu.memory_space<hbm>>
      %dma_wait3A_199 = arith.constant 0 : i32
      %dma_wait3A_200 = tpu.memref_slice %arg4[%add3A_17, %dma_wait3A_199] : memref<163840x128xf32, #tpu.memory_space<hbm>> -> memref<320x128xf32, #tpu.memory_space<hbm>>
      tpu.wait_dma2 semaphore(%run_scoped3A : memref<!tpu.dma_semaphore, #tpu.memory_space<semaphore_mem>>) src(%arg6 : memref<320x128xf32, #tpu.memory_space<vmem>>) dst(%dma_wait3A_200 : memref<320x128xf32, #tpu.memory_space<hbm>>)
      tpu.yield
    }) : () -> ()
    %dma_wait3A_18 = arith.constant 320 : i32
    %dma_wait3A_19 = tpu.memref_slice %arg5[%dma_wait3A_18] : memref<5120xi32, #tpu.memory_space<vmem>> -> memref<320xi32, #tpu.memory_space<vmem>>
    %dma_wait3A_20 = arith.constant 0 : i32
    %dma_wait3A_21 = arith.constant 0 : i32
    %dma_wait3A_22 = tpu.memref_slice %arg2[%dma_wait3A_20, %dma_wait3A_21] : memref<8192x128xf32, #tpu.memory_space<hbm>> -> memref<8192x128xf32, #tpu.memory_space<hbm>>
    tpu.wait_indirect_dma semaphore(%arg9 : memref<!tpu.dma_semaphore, #tpu.memory_space<semaphore_mem>>) src(%dma_wait3A_22 : memref<8192x128xf32, #tpu.memory_space<hbm>>) dst(%arg7 : memref<320x128xf32, #tpu.memory_space<vmem>>)
    %dma_start3A_23 = arith.constant 640 : i32
    %dma_start3A_24 = tpu.memref_slice %arg5[%dma_start3A_23] : memref<5120xi32, #tpu.memory_space<vmem>> -> memref<320xi32, #tpu.memory_space<vmem>>
    %dma_start3A_25 = arith.constant 0 : i32
    %dma_start3A_26 = arith.constant 0 : i32
    %dma_start3A_27 = tpu.memref_slice %arg2[%dma_start3A_25, %dma_start3A_26] : memref<8192x128xf32, #tpu.memory_space<hbm>> -> memref<8192x128xf32, #tpu.memory_space<hbm>>
    tpu.enqueue_indirect_dma source(%dma_start3A_27 : memref<8192x128xf32, #tpu.memory_space<hbm>>) target(%arg6 : memref<320x128xf32, #tpu.memory_space<vmem>>) offsets(%dma_start3A_24 : memref<320xi32, #tpu.memory_space<vmem>>) semaphore(%arg8 : memref<!tpu.dma_semaphore, #tpu.memory_space<semaphore_mem>>)
    %add3A_28 = arith.constant 320 : i32
    %add3A_29 = arith.addi %mul3A_2, %add3A_28 : i32
    "tpu.region"() ({
      %run_scoped3A = tpu.sem_alloc : memref<!tpu.dma_semaphore, #tpu.memory_space<semaphore_mem>>
      %dma_start3A_193 = arith.constant 0 : i32
      %dma_start3A_194 = tpu.memref_slice %arg4[%add3A_29, %dma_start3A_193] : memref<163840x128xf32, #tpu.memory_space<hbm>> -> memref<320x128xf32, #tpu.memory_space<hbm>>
      %dma_start3A_195 = arith.constant 0 : i32
      %dma_start3A_196 = tpu.memref_slice %arg4[%add3A_29, %dma_start3A_195] : memref<163840x128xf32, #tpu.memory_space<hbm>> -> memref<320x128xf32, #tpu.memory_space<hbm>>
      tpu.enqueue_dma source(%arg7 : memref<320x128xf32, #tpu.memory_space<vmem>>) target(%dma_start3A_196 : memref<320x128xf32, #tpu.memory_space<hbm>>) target_semaphore(%run_scoped3A : memref<!tpu.dma_semaphore, #tpu.memory_space<semaphore_mem>>)
      %dma_wait3A_197 = arith.constant 0 : i32
      %dma_wait3A_198 = tpu.memref_slice %arg4[%add3A_29, %dma_wait3A_197] : memref<163840x128xf32, #tpu.memory_space<hbm>> -> memref<320x128xf32, #tpu.memory_space<hbm>>
      %dma_wait3A_199 = arith.constant 0 : i32
      %dma_wait3A_200 = tpu.memref_slice %arg4[%add3A_29, %dma_wait3A_199] : memref<163840x128xf32, #tpu.memory_space<hbm>> -> memref<320x128xf32, #tpu.memory_space<hbm>>
      tpu.wait_dma2 semaphore(%run_scoped3A : memref<!tpu.dma_semaphore, #tpu.memory_space<semaphore_mem>>) src(%arg7 : memref<320x128xf32, #tpu.memory_space<vmem>>) dst(%dma_wait3A_200 : memref<320x128xf32, #tpu.memory_space<hbm>>)
      tpu.yield
    }) : () -> ()
    %dma_wait3A_30 = arith.constant 640 : i32
    %dma_wait3A_31 = tpu.memref_slice %arg5[%dma_wait3A_30] : memref<5120xi32, #tpu.memory_space<vmem>> -> memref<320xi32, #tpu.memory_space<vmem>>
    %dma_wait3A_32 = arith.constant 0 : i32
    %dma_wait3A_33 = arith.constant 0 : i32
    %dma_wait3A_34 = tpu.memref_slice %arg2[%dma_wait3A_32, %dma_wait3A_33] : memref<8192x128xf32, #tpu.memory_space<hbm>> -> memref<8192x128xf32, #tpu.memory_space<hbm>>
    tpu.wait_indirect_dma semaphore(%arg8 : memref<!tpu.dma_semaphore, #tpu.memory_space<semaphore_mem>>) src(%dma_wait3A_34 : memref<8192x128xf32, #tpu.memory_space<hbm>>) dst(%arg6 : memref<320x128xf32, #tpu.memory_space<vmem>>)
    %dma_start3A_35 = arith.constant 960 : i32
    %dma_start3A_36 = tpu.memref_slice %arg5[%dma_start3A_35] : memref<5120xi32, #tpu.memory_space<vmem>> -> memref<320xi32, #tpu.memory_space<vmem>>
    %dma_start3A_37 = arith.constant 0 : i32
    %dma_start3A_38 = arith.constant 0 : i32
    %dma_start3A_39 = tpu.memref_slice %arg2[%dma_start3A_37, %dma_start3A_38] : memref<8192x128xf32, #tpu.memory_space<hbm>> -> memref<8192x128xf32, #tpu.memory_space<hbm>>
    tpu.enqueue_indirect_dma source(%dma_start3A_39 : memref<8192x128xf32, #tpu.memory_space<hbm>>) target(%arg7 : memref<320x128xf32, #tpu.memory_space<vmem>>) offsets(%dma_start3A_36 : memref<320xi32, #tpu.memory_space<vmem>>) semaphore(%arg9 : memref<!tpu.dma_semaphore, #tpu.memory_space<semaphore_mem>>)
    %add3A_40 = arith.constant 640 : i32
    %add3A_41 = arith.addi %mul3A_2, %add3A_40 : i32
    "tpu.region"() ({
      %run_scoped3A = tpu.sem_alloc : memref<!tpu.dma_semaphore, #tpu.memory_space<semaphore_mem>>
      %dma_start3A_193 = arith.constant 0 : i32
      %dma_start3A_194 = tpu.memref_slice %arg4[%add3A_41, %dma_start3A_193] : memref<163840x128xf32, #tpu.memory_space<hbm>> -> memref<320x128xf32, #tpu.memory_space<hbm>>
      %dma_start3A_195 = arith.constant 0 : i32
      %dma_start3A_196 = tpu.memref_slice %arg4[%add3A_41, %dma_start3A_195] : memref<163840x128xf32, #tpu.memory_space<hbm>> -> memref<320x128xf32, #tpu.memory_space<hbm>>
      tpu.enqueue_dma source(%arg6 : memref<320x128xf32, #tpu.memory_space<vmem>>) target(%dma_start3A_196 : memref<320x128xf32, #tpu.memory_space<hbm>>) target_semaphore(%run_scoped3A : memref<!tpu.dma_semaphore, #tpu.memory_space<semaphore_mem>>)
      %dma_wait3A_197 = arith.constant 0 : i32
      %dma_wait3A_198 = tpu.memref_slice %arg4[%add3A_41, %dma_wait3A_197] : memref<163840x128xf32, #tpu.memory_space<hbm>> -> memref<320x128xf32, #tpu.memory_space<hbm>>
      %dma_wait3A_199 = arith.constant 0 : i32
      %dma_wait3A_200 = tpu.memref_slice %arg4[%add3A_41, %dma_wait3A_199] : memref<163840x128xf32, #tpu.memory_space<hbm>> -> memref<320x128xf32, #tpu.memory_space<hbm>>
      tpu.wait_dma2 semaphore(%run_scoped3A : memref<!tpu.dma_semaphore, #tpu.memory_space<semaphore_mem>>) src(%arg6 : memref<320x128xf32, #tpu.memory_space<vmem>>) dst(%dma_wait3A_200 : memref<320x128xf32, #tpu.memory_space<hbm>>)
      tpu.yield
    }) : () -> ()
    %dma_wait3A_42 = arith.constant 960 : i32
    %dma_wait3A_43 = tpu.memref_slice %arg5[%dma_wait3A_42] : memref<5120xi32, #tpu.memory_space<vmem>> -> memref<320xi32, #tpu.memory_space<vmem>>
    %dma_wait3A_44 = arith.constant 0 : i32
    %dma_wait3A_45 = arith.constant 0 : i32
    %dma_wait3A_46 = tpu.memref_slice %arg2[%dma_wait3A_44, %dma_wait3A_45] : memref<8192x128xf32, #tpu.memory_space<hbm>> -> memref<8192x128xf32, #tpu.memory_space<hbm>>
    tpu.wait_indirect_dma semaphore(%arg9 : memref<!tpu.dma_semaphore, #tpu.memory_space<semaphore_mem>>) src(%dma_wait3A_46 : memref<8192x128xf32, #tpu.memory_space<hbm>>) dst(%arg7 : memref<320x128xf32, #tpu.memory_space<vmem>>)
    %dma_start3A_47 = arith.constant 1280 : i32
    %dma_start3A_48 = tpu.memref_slice %arg5[%dma_start3A_47] : memref<5120xi32, #tpu.memory_space<vmem>> -> memref<320xi32, #tpu.memory_space<vmem>>
    %dma_start3A_49 = arith.constant 0 : i32
    %dma_start3A_50 = arith.constant 0 : i32
    %dma_start3A_51 = tpu.memref_slice %arg2[%dma_start3A_49, %dma_start3A_50] : memref<8192x128xf32, #tpu.memory_space<hbm>> -> memref<8192x128xf32, #tpu.memory_space<hbm>>
    tpu.enqueue_indirect_dma source(%dma_start3A_51 : memref<8192x128xf32, #tpu.memory_space<hbm>>) target(%arg6 : memref<320x128xf32, #tpu.memory_space<vmem>>) offsets(%dma_start3A_48 : memref<320xi32, #tpu.memory_space<vmem>>) semaphore(%arg8 : memref<!tpu.dma_semaphore, #tpu.memory_space<semaphore_mem>>)
    %add3A_52 = arith.constant 960 : i32
    %add3A_53 = arith.addi %mul3A_2, %add3A_52 : i32
    "tpu.region"() ({
      %run_scoped3A = tpu.sem_alloc : memref<!tpu.dma_semaphore, #tpu.memory_space<semaphore_mem>>
      %dma_start3A_193 = arith.constant 0 : i32
      %dma_start3A_194 = tpu.memref_slice %arg4[%add3A_53, %dma_start3A_193] : memref<163840x128xf32, #tpu.memory_space<hbm>> -> memref<320x128xf32, #tpu.memory_space<hbm>>
      %dma_start3A_195 = arith.constant 0 : i32
      %dma_start3A_196 = tpu.memref_slice %arg4[%add3A_53, %dma_start3A_195] : memref<163840x128xf32, #tpu.memory_space<hbm>> -> memref<320x128xf32, #tpu.memory_space<hbm>>
      tpu.enqueue_dma source(%arg7 : memref<320x128xf32, #tpu.memory_space<vmem>>) target(%dma_start3A_196 : memref<320x128xf32, #tpu.memory_space<hbm>>) target_semaphore(%run_scoped3A : memref<!tpu.dma_semaphore, #tpu.memory_space<semaphore_mem>>)
      %dma_wait3A_197 = arith.constant 0 : i32
      %dma_wait3A_198 = tpu.memref_slice %arg4[%add3A_53, %dma_wait3A_197] : memref<163840x128xf32, #tpu.memory_space<hbm>> -> memref<320x128xf32, #tpu.memory_space<hbm>>
      %dma_wait3A_199 = arith.constant 0 : i32
      %dma_wait3A_200 = tpu.memref_slice %arg4[%add3A_53, %dma_wait3A_199] : memref<163840x128xf32, #tpu.memory_space<hbm>> -> memref<320x128xf32, #tpu.memory_space<hbm>>
      tpu.wait_dma2 semaphore(%run_scoped3A : memref<!tpu.dma_semaphore, #tpu.memory_space<semaphore_mem>>) src(%arg7 : memref<320x128xf32, #tpu.memory_space<vmem>>) dst(%dma_wait3A_200 : memref<320x128xf32, #tpu.memory_space<hbm>>)
      tpu.yield
    }) : () -> ()
    %dma_wait3A_54 = arith.constant 1280 : i32
    %dma_wait3A_55 = tpu.memref_slice %arg5[%dma_wait3A_54] : memref<5120xi32, #tpu.memory_space<vmem>> -> memref<320xi32, #tpu.memory_space<vmem>>
    %dma_wait3A_56 = arith.constant 0 : i32
    %dma_wait3A_57 = arith.constant 0 : i32
    %dma_wait3A_58 = tpu.memref_slice %arg2[%dma_wait3A_56, %dma_wait3A_57] : memref<8192x128xf32, #tpu.memory_space<hbm>> -> memref<8192x128xf32, #tpu.memory_space<hbm>>
    tpu.wait_indirect_dma semaphore(%arg8 : memref<!tpu.dma_semaphore, #tpu.memory_space<semaphore_mem>>) src(%dma_wait3A_58 : memref<8192x128xf32, #tpu.memory_space<hbm>>) dst(%arg6 : memref<320x128xf32, #tpu.memory_space<vmem>>)
    %dma_start3A_59 = arith.constant 1600 : i32
    %dma_start3A_60 = tpu.memref_slice %arg5[%dma_start3A_59] : memref<5120xi32, #tpu.memory_space<vmem>> -> memref<320xi32, #tpu.memory_space<vmem>>
    %dma_start3A_61 = arith.constant 0 : i32
    %dma_start3A_62 = arith.constant 0 : i32
    %dma_start3A_63 = tpu.memref_slice %arg2[%dma_start3A_61, %dma_start3A_62] : memref<8192x128xf32, #tpu.memory_space<hbm>> -> memref<8192x128xf32, #tpu.memory_space<hbm>>
    tpu.enqueue_indirect_dma source(%dma_start3A_63 : memref<8192x128xf32, #tpu.memory_space<hbm>>) target(%arg7 : memref<320x128xf32, #tpu.memory_space<vmem>>) offsets(%dma_start3A_60 : memref<320xi32, #tpu.memory_space<vmem>>) semaphore(%arg9 : memref<!tpu.dma_semaphore, #tpu.memory_space<semaphore_mem>>)
    %add3A_64 = arith.constant 1280 : i32
    %add3A_65 = arith.addi %mul3A_2, %add3A_64 : i32
    "tpu.region"() ({
      %run_scoped3A = tpu.sem_alloc : memref<!tpu.dma_semaphore, #tpu.memory_space<semaphore_mem>>
      %dma_start3A_193 = arith.constant 0 : i32
      %dma_start3A_194 = tpu.memref_slice %arg4[%add3A_65, %dma_start3A_193] : memref<163840x128xf32, #tpu.memory_space<hbm>> -> memref<320x128xf32, #tpu.memory_space<hbm>>
      %dma_start3A_195 = arith.constant 0 : i32
      %dma_start3A_196 = tpu.memref_slice %arg4[%add3A_65, %dma_start3A_195] : memref<163840x128xf32, #tpu.memory_space<hbm>> -> memref<320x128xf32, #tpu.memory_space<hbm>>
      tpu.enqueue_dma source(%arg6 : memref<320x128xf32, #tpu.memory_space<vmem>>) target(%dma_start3A_196 : memref<320x128xf32, #tpu.memory_space<hbm>>) target_semaphore(%run_scoped3A : memref<!tpu.dma_semaphore, #tpu.memory_space<semaphore_mem>>)
      %dma_wait3A_197 = arith.constant 0 : i32
      %dma_wait3A_198 = tpu.memref_slice %arg4[%add3A_65, %dma_wait3A_197] : memref<163840x128xf32, #tpu.memory_space<hbm>> -> memref<320x128xf32, #tpu.memory_space<hbm>>
      %dma_wait3A_199 = arith.constant 0 : i32
      %dma_wait3A_200 = tpu.memref_slice %arg4[%add3A_65, %dma_wait3A_199] : memref<163840x128xf32, #tpu.memory_space<hbm>> -> memref<320x128xf32, #tpu.memory_space<hbm>>
      tpu.wait_dma2 semaphore(%run_scoped3A : memref<!tpu.dma_semaphore, #tpu.memory_space<semaphore_mem>>) src(%arg6 : memref<320x128xf32, #tpu.memory_space<vmem>>) dst(%dma_wait3A_200 : memref<320x128xf32, #tpu.memory_space<hbm>>)
      tpu.yield
    }) : () -> ()
    %dma_wait3A_66 = arith.constant 1600 : i32
    %dma_wait3A_67 = tpu.memref_slice %arg5[%dma_wait3A_66] : memref<5120xi32, #tpu.memory_space<vmem>> -> memref<320xi32, #tpu.memory_space<vmem>>
    %dma_wait3A_68 = arith.constant 0 : i32
    %dma_wait3A_69 = arith.constant 0 : i32
    %dma_wait3A_70 = tpu.memref_slice %arg2[%dma_wait3A_68, %dma_wait3A_69] : memref<8192x128xf32, #tpu.memory_space<hbm>> -> memref<8192x128xf32, #tpu.memory_space<hbm>>
    tpu.wait_indirect_dma semaphore(%arg9 : memref<!tpu.dma_semaphore, #tpu.memory_space<semaphore_mem>>) src(%dma_wait3A_70 : memref<8192x128xf32, #tpu.memory_space<hbm>>) dst(%arg7 : memref<320x128xf32, #tpu.memory_space<vmem>>)
    %dma_start3A_71 = arith.constant 1920 : i32
    %dma_start3A_72 = tpu.memref_slice %arg5[%dma_start3A_71] : memref<5120xi32, #tpu.memory_space<vmem>> -> memref<320xi32, #tpu.memory_space<vmem>>
    %dma_start3A_73 = arith.constant 0 : i32
    %dma_start3A_74 = arith.constant 0 : i32
    %dma_start3A_75 = tpu.memref_slice %arg2[%dma_start3A_73, %dma_start3A_74] : memref<8192x128xf32, #tpu.memory_space<hbm>> -> memref<8192x128xf32, #tpu.memory_space<hbm>>
    tpu.enqueue_indirect_dma source(%dma_start3A_75 : memref<8192x128xf32, #tpu.memory_space<hbm>>) target(%arg6 : memref<320x128xf32, #tpu.memory_space<vmem>>) offsets(%dma_start3A_72 : memref<320xi32, #tpu.memory_space<vmem>>) semaphore(%arg8 : memref<!tpu.dma_semaphore, #tpu.memory_space<semaphore_mem>>)
    %add3A_76 = arith.constant 1600 : i32
    %add3A_77 = arith.addi %mul3A_2, %add3A_76 : i32
    "tpu.region"() ({
      %run_scoped3A = tpu.sem_alloc : memref<!tpu.dma_semaphore, #tpu.memory_space<semaphore_mem>>
      %dma_start3A_193 = arith.constant 0 : i32
      %dma_start3A_194 = tpu.memref_slice %arg4[%add3A_77, %dma_start3A_193] : memref<163840x128xf32, #tpu.memory_space<hbm>> -> memref<320x128xf32, #tpu.memory_space<hbm>>
      %dma_start3A_195 = arith.constant 0 : i32
      %dma_start3A_196 = tpu.memref_slice %arg4[%add3A_77, %dma_start3A_195] : memref<163840x128xf32, #tpu.memory_space<hbm>> -> memref<320x128xf32, #tpu.memory_space<hbm>>
      tpu.enqueue_dma source(%arg7 : memref<320x128xf32, #tpu.memory_space<vmem>>) target(%dma_start3A_196 : memref<320x128xf32, #tpu.memory_space<hbm>>) target_semaphore(%run_scoped3A : memref<!tpu.dma_semaphore, #tpu.memory_space<semaphore_mem>>)
      %dma_wait3A_197 = arith.constant 0 : i32
      %dma_wait3A_198 = tpu.memref_slice %arg4[%add3A_77, %dma_wait3A_197] : memref<163840x128xf32, #tpu.memory_space<hbm>> -> memref<320x128xf32, #tpu.memory_space<hbm>>
      %dma_wait3A_199 = arith.constant 0 : i32
      %dma_wait3A_200 = tpu.memref_slice %arg4[%add3A_77, %dma_wait3A_199] : memref<163840x128xf32, #tpu.memory_space<hbm>> -> memref<320x128xf32, #tpu.memory_space<hbm>>
      tpu.wait_dma2 semaphore(%run_scoped3A : memref<!tpu.dma_semaphore, #tpu.memory_space<semaphore_mem>>) src(%arg7 : memref<320x128xf32, #tpu.memory_space<vmem>>) dst(%dma_wait3A_200 : memref<320x128xf32, #tpu.memory_space<hbm>>)
      tpu.yield
    }) : () -> ()
    %dma_wait3A_78 = arith.constant 1920 : i32
    %dma_wait3A_79 = tpu.memref_slice %arg5[%dma_wait3A_78] : memref<5120xi32, #tpu.memory_space<vmem>> -> memref<320xi32, #tpu.memory_space<vmem>>
    %dma_wait3A_80 = arith.constant 0 : i32
    %dma_wait3A_81 = arith.constant 0 : i32
    %dma_wait3A_82 = tpu.memref_slice %arg2[%dma_wait3A_80, %dma_wait3A_81] : memref<8192x128xf32, #tpu.memory_space<hbm>> -> memref<8192x128xf32, #tpu.memory_space<hbm>>
    tpu.wait_indirect_dma semaphore(%arg8 : memref<!tpu.dma_semaphore, #tpu.memory_space<semaphore_mem>>) src(%dma_wait3A_82 : memref<8192x128xf32, #tpu.memory_space<hbm>>) dst(%arg6 : memref<320x128xf32, #tpu.memory_space<vmem>>)
    %dma_start3A_83 = arith.constant 2240 : i32
    %dma_start3A_84 = tpu.memref_slice %arg5[%dma_start3A_83] : memref<5120xi32, #tpu.memory_space<vmem>> -> memref<320xi32, #tpu.memory_space<vmem>>
    %dma_start3A_85 = arith.constant 0 : i32
    %dma_start3A_86 = arith.constant 0 : i32
    %dma_start3A_87 = tpu.memref_slice %arg2[%dma_start3A_85, %dma_start3A_86] : memref<8192x128xf32, #tpu.memory_space<hbm>> -> memref<8192x128xf32, #tpu.memory_space<hbm>>
    tpu.enqueue_indirect_dma source(%dma_start3A_87 : memref<8192x128xf32, #tpu.memory_space<hbm>>) target(%arg7 : memref<320x128xf32, #tpu.memory_space<vmem>>) offsets(%dma_start3A_84 : memref<320xi32, #tpu.memory_space<vmem>>) semaphore(%arg9 : memref<!tpu.dma_semaphore, #tpu.memory_space<semaphore_mem>>)
    %add3A_88 = arith.constant 1920 : i32
    %add3A_89 = arith.addi %mul3A_2, %add3A_88 : i32
    "tpu.region"() ({
      %run_scoped3A = tpu.sem_alloc : memref<!tpu.dma_semaphore, #tpu.memory_space<semaphore_mem>>
      %dma_start3A_193 = arith.constant 0 : i32
      %dma_start3A_194 = tpu.memref_slice %arg4[%add3A_89, %dma_start3A_193] : memref<163840x128xf32, #tpu.memory_space<hbm>> -> memref<320x128xf32, #tpu.memory_space<hbm>>
      %dma_start3A_195 = arith.constant 0 : i32
      %dma_start3A_196 = tpu.memref_slice %arg4[%add3A_89, %dma_start3A_195] : memref<163840x128xf32, #tpu.memory_space<hbm>> -> memref<320x128xf32, #tpu.memory_space<hbm>>
      tpu.enqueue_dma source(%arg6 : memref<320x128xf32, #tpu.memory_space<vmem>>) target(%dma_start3A_196 : memref<320x128xf32, #tpu.memory_space<hbm>>) target_semaphore(%run_scoped3A : memref<!tpu.dma_semaphore, #tpu.memory_space<semaphore_mem>>)
      %dma_wait3A_197 = arith.constant 0 : i32
      %dma_wait3A_198 = tpu.memref_slice %arg4[%add3A_89, %dma_wait3A_197] : memref<163840x128xf32, #tpu.memory_space<hbm>> -> memref<320x128xf32, #tpu.memory_space<hbm>>
      %dma_wait3A_199 = arith.constant 0 : i32
      %dma_wait3A_200 = tpu.memref_slice %arg4[%add3A_89, %dma_wait3A_199] : memref<163840x128xf32, #tpu.memory_space<hbm>> -> memref<320x128xf32, #tpu.memory_space<hbm>>
      tpu.wait_dma2 semaphore(%run_scoped3A : memref<!tpu.dma_semaphore, #tpu.memory_space<semaphore_mem>>) src(%arg6 : memref<320x128xf32, #tpu.memory_space<vmem>>) dst(%dma_wait3A_200 : memref<320x128xf32, #tpu.memory_space<hbm>>)
      tpu.yield
    }) : () -> ()
    %dma_wait3A_90 = arith.constant 2240 : i32
    %dma_wait3A_91 = tpu.memref_slice %arg5[%dma_wait3A_90] : memref<5120xi32, #tpu.memory_space<vmem>> -> memref<320xi32, #tpu.memory_space<vmem>>
    %dma_wait3A_92 = arith.constant 0 : i32
    %dma_wait3A_93 = arith.constant 0 : i32
    %dma_wait3A_94 = tpu.memref_slice %arg2[%dma_wait3A_92, %dma_wait3A_93] : memref<8192x128xf32, #tpu.memory_space<hbm>> -> memref<8192x128xf32, #tpu.memory_space<hbm>>
    tpu.wait_indirect_dma semaphore(%arg9 : memref<!tpu.dma_semaphore, #tpu.memory_space<semaphore_mem>>) src(%dma_wait3A_94 : memref<8192x128xf32, #tpu.memory_space<hbm>>) dst(%arg7 : memref<320x128xf32, #tpu.memory_space<vmem>>)
    %dma_start3A_95 = arith.constant 2560 : i32
    %dma_start3A_96 = tpu.memref_slice %arg5[%dma_start3A_95] : memref<5120xi32, #tpu.memory_space<vmem>> -> memref<320xi32, #tpu.memory_space<vmem>>
    %dma_start3A_97 = arith.constant 0 : i32
    %dma_start3A_98 = arith.constant 0 : i32
    %dma_start3A_99 = tpu.memref_slice %arg2[%dma_start3A_97, %dma_start3A_98] : memref<8192x128xf32, #tpu.memory_space<hbm>> -> memref<8192x128xf32, #tpu.memory_space<hbm>>
    tpu.enqueue_indirect_dma source(%dma_start3A_99 : memref<8192x128xf32, #tpu.memory_space<hbm>>) target(%arg6 : memref<320x128xf32, #tpu.memory_space<vmem>>) offsets(%dma_start3A_96 : memref<320xi32, #tpu.memory_space<vmem>>) semaphore(%arg8 : memref<!tpu.dma_semaphore, #tpu.memory_space<semaphore_mem>>)
    %add3A_100 = arith.constant 2240 : i32
    %add3A_101 = arith.addi %mul3A_2, %add3A_100 : i32
    "tpu.region"() ({
      %run_scoped3A = tpu.sem_alloc : memref<!tpu.dma_semaphore, #tpu.memory_space<semaphore_mem>>
      %dma_start3A_193 = arith.constant 0 : i32
      %dma_start3A_194 = tpu.memref_slice %arg4[%add3A_101, %dma_start3A_193] : memref<163840x128xf32, #tpu.memory_space<hbm>> -> memref<320x128xf32, #tpu.memory_space<hbm>>
      %dma_start3A_195 = arith.constant 0 : i32
      %dma_start3A_196 = tpu.memref_slice %arg4[%add3A_101, %dma_start3A_195] : memref<163840x128xf32, #tpu.memory_space<hbm>> -> memref<320x128xf32, #tpu.memory_space<hbm>>
      tpu.enqueue_dma source(%arg7 : memref<320x128xf32, #tpu.memory_space<vmem>>) target(%dma_start3A_196 : memref<320x128xf32, #tpu.memory_space<hbm>>) target_semaphore(%run_scoped3A : memref<!tpu.dma_semaphore, #tpu.memory_space<semaphore_mem>>)
      %dma_wait3A_197 = arith.constant 0 : i32
      %dma_wait3A_198 = tpu.memref_slice %arg4[%add3A_101, %dma_wait3A_197] : memref<163840x128xf32, #tpu.memory_space<hbm>> -> memref<320x128xf32, #tpu.memory_space<hbm>>
      %dma_wait3A_199 = arith.constant 0 : i32
      %dma_wait3A_200 = tpu.memref_slice %arg4[%add3A_101, %dma_wait3A_199] : memref<163840x128xf32, #tpu.memory_space<hbm>> -> memref<320x128xf32, #tpu.memory_space<hbm>>
      tpu.wait_dma2 semaphore(%run_scoped3A : memref<!tpu.dma_semaphore, #tpu.memory_space<semaphore_mem>>) src(%arg7 : memref<320x128xf32, #tpu.memory_space<vmem>>) dst(%dma_wait3A_200 : memref<320x128xf32, #tpu.memory_space<hbm>>)
      tpu.yield
    }) : () -> ()
    %dma_wait3A_102 = arith.constant 2560 : i32
    %dma_wait3A_103 = tpu.memref_slice %arg5[%dma_wait3A_102] : memref<5120xi32, #tpu.memory_space<vmem>> -> memref<320xi32, #tpu.memory_space<vmem>>
    %dma_wait3A_104 = arith.constant 0 : i32
    %dma_wait3A_105 = arith.constant 0 : i32
    %dma_wait3A_106 = tpu.memref_slice %arg2[%dma_wait3A_104, %dma_wait3A_105] : memref<8192x128xf32, #tpu.memory_space<hbm>> -> memref<8192x128xf32, #tpu.memory_space<hbm>>
    tpu.wait_indirect_dma semaphore(%arg8 : memref<!tpu.dma_semaphore, #tpu.memory_space<semaphore_mem>>) src(%dma_wait3A_106 : memref<8192x128xf32, #tpu.memory_space<hbm>>) dst(%arg6 : memref<320x128xf32, #tpu.memory_space<vmem>>)
    %dma_start3A_107 = arith.constant 2880 : i32
    %dma_start3A_108 = tpu.memref_slice %arg5[%dma_start3A_107] : memref<5120xi32, #tpu.memory_space<vmem>> -> memref<320xi32, #tpu.memory_space<vmem>>
    %dma_start3A_109 = arith.constant 0 : i32
    %dma_start3A_110 = arith.constant 0 : i32
    %dma_start3A_111 = tpu.memref_slice %arg2[%dma_start3A_109, %dma_start3A_110] : memref<8192x128xf32, #tpu.memory_space<hbm>> -> memref<8192x128xf32, #tpu.memory_space<hbm>>
    tpu.enqueue_indirect_dma source(%dma_start3A_111 : memref<8192x128xf32, #tpu.memory_space<hbm>>) target(%arg7 : memref<320x128xf32, #tpu.memory_space<vmem>>) offsets(%dma_start3A_108 : memref<320xi32, #tpu.memory_space<vmem>>) semaphore(%arg9 : memref<!tpu.dma_semaphore, #tpu.memory_space<semaphore_mem>>)
    %add3A_112 = arith.constant 2560 : i32
    %add3A_113 = arith.addi %mul3A_2, %add3A_112 : i32
    "tpu.region"() ({
      %run_scoped3A = tpu.sem_alloc : memref<!tpu.dma_semaphore, #tpu.memory_space<semaphore_mem>>
      %dma_start3A_193 = arith.constant 0 : i32
      %dma_start3A_194 = tpu.memref_slice %arg4[%add3A_113, %dma_start3A_193] : memref<163840x128xf32, #tpu.memory_space<hbm>> -> memref<320x128xf32, #tpu.memory_space<hbm>>
      %dma_start3A_195 = arith.constant 0 : i32
      %dma_start3A_196 = tpu.memref_slice %arg4[%add3A_113, %dma_start3A_195] : memref<163840x128xf32, #tpu.memory_space<hbm>> -> memref<320x128xf32, #tpu.memory_space<hbm>>
      tpu.enqueue_dma source(%arg6 : memref<320x128xf32, #tpu.memory_space<vmem>>) target(%dma_start3A_196 : memref<320x128xf32, #tpu.memory_space<hbm>>) target_semaphore(%run_scoped3A : memref<!tpu.dma_semaphore, #tpu.memory_space<semaphore_mem>>)
      %dma_wait3A_197 = arith.constant 0 : i32
      %dma_wait3A_198 = tpu.memref_slice %arg4[%add3A_113, %dma_wait3A_197] : memref<163840x128xf32, #tpu.memory_space<hbm>> -> memref<320x128xf32, #tpu.memory_space<hbm>>
      %dma_wait3A_199 = arith.constant 0 : i32
      %dma_wait3A_200 = tpu.memref_slice %arg4[%add3A_113, %dma_wait3A_199] : memref<163840x128xf32, #tpu.memory_space<hbm>> -> memref<320x128xf32, #tpu.memory_space<hbm>>
      tpu.wait_dma2 semaphore(%run_scoped3A : memref<!tpu.dma_semaphore, #tpu.memory_space<semaphore_mem>>) src(%arg6 : memref<320x128xf32, #tpu.memory_space<vmem>>) dst(%dma_wait3A_200 : memref<320x128xf32, #tpu.memory_space<hbm>>)
      tpu.yield
    }) : () -> ()
    %dma_wait3A_114 = arith.constant 2880 : i32
    %dma_wait3A_115 = tpu.memref_slice %arg5[%dma_wait3A_114] : memref<5120xi32, #tpu.memory_space<vmem>> -> memref<320xi32, #tpu.memory_space<vmem>>
    %dma_wait3A_116 = arith.constant 0 : i32
    %dma_wait3A_117 = arith.constant 0 : i32
    %dma_wait3A_118 = tpu.memref_slice %arg2[%dma_wait3A_116, %dma_wait3A_117] : memref<8192x128xf32, #tpu.memory_space<hbm>> -> memref<8192x128xf32, #tpu.memory_space<hbm>>
    tpu.wait_indirect_dma semaphore(%arg9 : memref<!tpu.dma_semaphore, #tpu.memory_space<semaphore_mem>>) src(%dma_wait3A_118 : memref<8192x128xf32, #tpu.memory_space<hbm>>) dst(%arg7 : memref<320x128xf32, #tpu.memory_space<vmem>>)
    %dma_start3A_119 = arith.constant 3200 : i32
    %dma_start3A_120 = tpu.memref_slice %arg5[%dma_start3A_119] : memref<5120xi32, #tpu.memory_space<vmem>> -> memref<320xi32, #tpu.memory_space<vmem>>
    %dma_start3A_121 = arith.constant 0 : i32
    %dma_start3A_122 = arith.constant 0 : i32
    %dma_start3A_123 = tpu.memref_slice %arg2[%dma_start3A_121, %dma_start3A_122] : memref<8192x128xf32, #tpu.memory_space<hbm>> -> memref<8192x128xf32, #tpu.memory_space<hbm>>
    tpu.enqueue_indirect_dma source(%dma_start3A_123 : memref<8192x128xf32, #tpu.memory_space<hbm>>) target(%arg6 : memref<320x128xf32, #tpu.memory_space<vmem>>) offsets(%dma_start3A_120 : memref<320xi32, #tpu.memory_space<vmem>>) semaphore(%arg8 : memref<!tpu.dma_semaphore, #tpu.memory_space<semaphore_mem>>)
    %add3A_124 = arith.constant 2880 : i32
    %add3A_125 = arith.addi %mul3A_2, %add3A_124 : i32
    "tpu.region"() ({
      %run_scoped3A = tpu.sem_alloc : memref<!tpu.dma_semaphore, #tpu.memory_space<semaphore_mem>>
      %dma_start3A_193 = arith.constant 0 : i32
      %dma_start3A_194 = tpu.memref_slice %arg4[%add3A_125, %dma_start3A_193] : memref<163840x128xf32, #tpu.memory_space<hbm>> -> memref<320x128xf32, #tpu.memory_space<hbm>>
      %dma_start3A_195 = arith.constant 0 : i32
      %dma_start3A_196 = tpu.memref_slice %arg4[%add3A_125, %dma_start3A_195] : memref<163840x128xf32, #tpu.memory_space<hbm>> -> memref<320x128xf32, #tpu.memory_space<hbm>>
      tpu.enqueue_dma source(%arg7 : memref<320x128xf32, #tpu.memory_space<vmem>>) target(%dma_start3A_196 : memref<320x128xf32, #tpu.memory_space<hbm>>) target_semaphore(%run_scoped3A : memref<!tpu.dma_semaphore, #tpu.memory_space<semaphore_mem>>)
      %dma_wait3A_197 = arith.constant 0 : i32
      %dma_wait3A_198 = tpu.memref_slice %arg4[%add3A_125, %dma_wait3A_197] : memref<163840x128xf32, #tpu.memory_space<hbm>> -> memref<320x128xf32, #tpu.memory_space<hbm>>
      %dma_wait3A_199 = arith.constant 0 : i32
      %dma_wait3A_200 = tpu.memref_slice %arg4[%add3A_125, %dma_wait3A_199] : memref<163840x128xf32, #tpu.memory_space<hbm>> -> memref<320x128xf32, #tpu.memory_space<hbm>>
      tpu.wait_dma2 semaphore(%run_scoped3A : memref<!tpu.dma_semaphore, #tpu.memory_space<semaphore_mem>>) src(%arg7 : memref<320x128xf32, #tpu.memory_space<vmem>>) dst(%dma_wait3A_200 : memref<320x128xf32, #tpu.memory_space<hbm>>)
      tpu.yield
    }) : () -> ()
    %dma_wait3A_126 = arith.constant 3200 : i32
    %dma_wait3A_127 = tpu.memref_slice %arg5[%dma_wait3A_126] : memref<5120xi32, #tpu.memory_space<vmem>> -> memref<320xi32, #tpu.memory_space<vmem>>
    %dma_wait3A_128 = arith.constant 0 : i32
    %dma_wait3A_129 = arith.constant 0 : i32
    %dma_wait3A_130 = tpu.memref_slice %arg2[%dma_wait3A_128, %dma_wait3A_129] : memref<8192x128xf32, #tpu.memory_space<hbm>> -> memref<8192x128xf32, #tpu.memory_space<hbm>>
    tpu.wait_indirect_dma semaphore(%arg8 : memref<!tpu.dma_semaphore, #tpu.memory_space<semaphore_mem>>) src(%dma_wait3A_130 : memref<8192x128xf32, #tpu.memory_space<hbm>>) dst(%arg6 : memref<320x128xf32, #tpu.memory_space<vmem>>)
    %dma_start3A_131 = arith.constant 3520 : i32
    %dma_start3A_132 = tpu.memref_slice %arg5[%dma_start3A_131] : memref<5120xi32, #tpu.memory_space<vmem>> -> memref<320xi32, #tpu.memory_space<vmem>>
    %dma_start3A_133 = arith.constant 0 : i32
    %dma_start3A_134 = arith.constant 0 : i32
    %dma_start3A_135 = tpu.memref_slice %arg2[%dma_start3A_133, %dma_start3A_134] : memref<8192x128xf32, #tpu.memory_space<hbm>> -> memref<8192x128xf32, #tpu.memory_space<hbm>>
    tpu.enqueue_indirect_dma source(%dma_start3A_135 : memref<8192x128xf32, #tpu.memory_space<hbm>>) target(%arg7 : memref<320x128xf32, #tpu.memory_space<vmem>>) offsets(%dma_start3A_132 : memref<320xi32, #tpu.memory_space<vmem>>) semaphore(%arg9 : memref<!tpu.dma_semaphore, #tpu.memory_space<semaphore_mem>>)
    %add3A_136 = arith.constant 3200 : i32
    %add3A_137 = arith.addi %mul3A_2, %add3A_136 : i32
    "tpu.region"() ({
      %run_scoped3A = tpu.sem_alloc : memref<!tpu.dma_semaphore, #tpu.memory_space<semaphore_mem>>
      %dma_start3A_193 = arith.constant 0 : i32
      %dma_start3A_194 = tpu.memref_slice %arg4[%add3A_137, %dma_start3A_193] : memref<163840x128xf32, #tpu.memory_space<hbm>> -> memref<320x128xf32, #tpu.memory_space<hbm>>
      %dma_start3A_195 = arith.constant 0 : i32
      %dma_start3A_196 = tpu.memref_slice %arg4[%add3A_137, %dma_start3A_195] : memref<163840x128xf32, #tpu.memory_space<hbm>> -> memref<320x128xf32, #tpu.memory_space<hbm>>
      tpu.enqueue_dma source(%arg6 : memref<320x128xf32, #tpu.memory_space<vmem>>) target(%dma_start3A_196 : memref<320x128xf32, #tpu.memory_space<hbm>>) target_semaphore(%run_scoped3A : memref<!tpu.dma_semaphore, #tpu.memory_space<semaphore_mem>>)
      %dma_wait3A_197 = arith.constant 0 : i32
      %dma_wait3A_198 = tpu.memref_slice %arg4[%add3A_137, %dma_wait3A_197] : memref<163840x128xf32, #tpu.memory_space<hbm>> -> memref<320x128xf32, #tpu.memory_space<hbm>>
      %dma_wait3A_199 = arith.constant 0 : i32
      %dma_wait3A_200 = tpu.memref_slice %arg4[%add3A_137, %dma_wait3A_199] : memref<163840x128xf32, #tpu.memory_space<hbm>> -> memref<320x128xf32, #tpu.memory_space<hbm>>
      tpu.wait_dma2 semaphore(%run_scoped3A : memref<!tpu.dma_semaphore, #tpu.memory_space<semaphore_mem>>) src(%arg6 : memref<320x128xf32, #tpu.memory_space<vmem>>) dst(%dma_wait3A_200 : memref<320x128xf32, #tpu.memory_space<hbm>>)
      tpu.yield
    }) : () -> ()
    %dma_wait3A_138 = arith.constant 3520 : i32
    %dma_wait3A_139 = tpu.memref_slice %arg5[%dma_wait3A_138] : memref<5120xi32, #tpu.memory_space<vmem>> -> memref<320xi32, #tpu.memory_space<vmem>>
    %dma_wait3A_140 = arith.constant 0 : i32
    %dma_wait3A_141 = arith.constant 0 : i32
    %dma_wait3A_142 = tpu.memref_slice %arg2[%dma_wait3A_140, %dma_wait3A_141] : memref<8192x128xf32, #tpu.memory_space<hbm>> -> memref<8192x128xf32, #tpu.memory_space<hbm>>
    tpu.wait_indirect_dma semaphore(%arg9 : memref<!tpu.dma_semaphore, #tpu.memory_space<semaphore_mem>>) src(%dma_wait3A_142 : memref<8192x128xf32, #tpu.memory_space<hbm>>) dst(%arg7 : memref<320x128xf32, #tpu.memory_space<vmem>>)
    %dma_start3A_143 = arith.constant 3840 : i32
    %dma_start3A_144 = tpu.memref_slice %arg5[%dma_start3A_143] : memref<5120xi32, #tpu.memory_space<vmem>> -> memref<320xi32, #tpu.memory_space<vmem>>
    %dma_start3A_145 = arith.constant 0 : i32
    %dma_start3A_146 = arith.constant 0 : i32
    %dma_start3A_147 = tpu.memref_slice %arg2[%dma_start3A_145, %dma_start3A_146] : memref<8192x128xf32, #tpu.memory_space<hbm>> -> memref<8192x128xf32, #tpu.memory_space<hbm>>
    tpu.enqueue_indirect_dma source(%dma_start3A_147 : memref<8192x128xf32, #tpu.memory_space<hbm>>) target(%arg6 : memref<320x128xf32, #tpu.memory_space<vmem>>) offsets(%dma_start3A_144 : memref<320xi32, #tpu.memory_space<vmem>>) semaphore(%arg8 : memref<!tpu.dma_semaphore, #tpu.memory_space<semaphore_mem>>)
    %add3A_148 = arith.constant 3520 : i32
    %add3A_149 = arith.addi %mul3A_2, %add3A_148 : i32
    "tpu.region"() ({
      %run_scoped3A = tpu.sem_alloc : memref<!tpu.dma_semaphore, #tpu.memory_space<semaphore_mem>>
      %dma_start3A_193 = arith.constant 0 : i32
      %dma_start3A_194 = tpu.memref_slice %arg4[%add3A_149, %dma_start3A_193] : memref<163840x128xf32, #tpu.memory_space<hbm>> -> memref<320x128xf32, #tpu.memory_space<hbm>>
      %dma_start3A_195 = arith.constant 0 : i32
      %dma_start3A_196 = tpu.memref_slice %arg4[%add3A_149, %dma_start3A_195] : memref<163840x128xf32, #tpu.memory_space<hbm>> -> memref<320x128xf32, #tpu.memory_space<hbm>>
      tpu.enqueue_dma source(%arg7 : memref<320x128xf32, #tpu.memory_space<vmem>>) target(%dma_start3A_196 : memref<320x128xf32, #tpu.memory_space<hbm>>) target_semaphore(%run_scoped3A : memref<!tpu.dma_semaphore, #tpu.memory_space<semaphore_mem>>)
      %dma_wait3A_197 = arith.constant 0 : i32
      %dma_wait3A_198 = tpu.memref_slice %arg4[%add3A_149, %dma_wait3A_197] : memref<163840x128xf32, #tpu.memory_space<hbm>> -> memref<320x128xf32, #tpu.memory_space<hbm>>
      %dma_wait3A_199 = arith.constant 0 : i32
      %dma_wait3A_200 = tpu.memref_slice %arg4[%add3A_149, %dma_wait3A_199] : memref<163840x128xf32, #tpu.memory_space<hbm>> -> memref<320x128xf32, #tpu.memory_space<hbm>>
      tpu.wait_dma2 semaphore(%run_scoped3A : memref<!tpu.dma_semaphore, #tpu.memory_space<semaphore_mem>>) src(%arg7 : memref<320x128xf32, #tpu.memory_space<vmem>>) dst(%dma_wait3A_200 : memref<320x128xf32, #tpu.memory_space<hbm>>)
      tpu.yield
    }) : () -> ()
    %dma_wait3A_150 = arith.constant 3840 : i32
    %dma_wait3A_151 = tpu.memref_slice %arg5[%dma_wait3A_150] : memref<5120xi32, #tpu.memory_space<vmem>> -> memref<320xi32, #tpu.memory_space<vmem>>
    %dma_wait3A_152 = arith.constant 0 : i32
    %dma_wait3A_153 = arith.constant 0 : i32
    %dma_wait3A_154 = tpu.memref_slice %arg2[%dma_wait3A_152, %dma_wait3A_153] : memref<8192x128xf32, #tpu.memory_space<hbm>> -> memref<8192x128xf32, #tpu.memory_space<hbm>>
    tpu.wait_indirect_dma semaphore(%arg8 : memref<!tpu.dma_semaphore, #tpu.memory_space<semaphore_mem>>) src(%dma_wait3A_154 : memref<8192x128xf32, #tpu.memory_space<hbm>>) dst(%arg6 : memref<320x128xf32, #tpu.memory_space<vmem>>)
    %dma_start3A_155 = arith.constant 4160 : i32
    %dma_start3A_156 = tpu.memref_slice %arg5[%dma_start3A_155] : memref<5120xi32, #tpu.memory_space<vmem>> -> memref<320xi32, #tpu.memory_space<vmem>>
    %dma_start3A_157 = arith.constant 0 : i32
    %dma_start3A_158 = arith.constant 0 : i32
    %dma_start3A_159 = tpu.memref_slice %arg2[%dma_start3A_157, %dma_start3A_158] : memref<8192x128xf32, #tpu.memory_space<hbm>> -> memref<8192x128xf32, #tpu.memory_space<hbm>>
    tpu.enqueue_indirect_dma source(%dma_start3A_159 : memref<8192x128xf32, #tpu.memory_space<hbm>>) target(%arg7 : memref<320x128xf32, #tpu.memory_space<vmem>>) offsets(%dma_start3A_156 : memref<320xi32, #tpu.memory_space<vmem>>) semaphore(%arg9 : memref<!tpu.dma_semaphore, #tpu.memory_space<semaphore_mem>>)
    %add3A_160 = arith.constant 3840 : i32
    %add3A_161 = arith.addi %mul3A_2, %add3A_160 : i32
    "tpu.region"() ({
      %run_scoped3A = tpu.sem_alloc : memref<!tpu.dma_semaphore, #tpu.memory_space<semaphore_mem>>
      %dma_start3A_193 = arith.constant 0 : i32
      %dma_start3A_194 = tpu.memref_slice %arg4[%add3A_161, %dma_start3A_193] : memref<163840x128xf32, #tpu.memory_space<hbm>> -> memref<320x128xf32, #tpu.memory_space<hbm>>
      %dma_start3A_195 = arith.constant 0 : i32
      %dma_start3A_196 = tpu.memref_slice %arg4[%add3A_161, %dma_start3A_195] : memref<163840x128xf32, #tpu.memory_space<hbm>> -> memref<320x128xf32, #tpu.memory_space<hbm>>
      tpu.enqueue_dma source(%arg6 : memref<320x128xf32, #tpu.memory_space<vmem>>) target(%dma_start3A_196 : memref<320x128xf32, #tpu.memory_space<hbm>>) target_semaphore(%run_scoped3A : memref<!tpu.dma_semaphore, #tpu.memory_space<semaphore_mem>>)
      %dma_wait3A_197 = arith.constant 0 : i32
      %dma_wait3A_198 = tpu.memref_slice %arg4[%add3A_161, %dma_wait3A_197] : memref<163840x128xf32, #tpu.memory_space<hbm>> -> memref<320x128xf32, #tpu.memory_space<hbm>>
      %dma_wait3A_199 = arith.constant 0 : i32
      %dma_wait3A_200 = tpu.memref_slice %arg4[%add3A_161, %dma_wait3A_199] : memref<163840x128xf32, #tpu.memory_space<hbm>> -> memref<320x128xf32, #tpu.memory_space<hbm>>
      tpu.wait_dma2 semaphore(%run_scoped3A : memref<!tpu.dma_semaphore, #tpu.memory_space<semaphore_mem>>) src(%arg6 : memref<320x128xf32, #tpu.memory_space<vmem>>) dst(%dma_wait3A_200 : memref<320x128xf32, #tpu.memory_space<hbm>>)
      tpu.yield
    }) : () -> ()
    %dma_wait3A_162 = arith.constant 4160 : i32
    %dma_wait3A_163 = tpu.memref_slice %arg5[%dma_wait3A_162] : memref<5120xi32, #tpu.memory_space<vmem>> -> memref<320xi32, #tpu.memory_space<vmem>>
    %dma_wait3A_164 = arith.constant 0 : i32
    %dma_wait3A_165 = arith.constant 0 : i32
    %dma_wait3A_166 = tpu.memref_slice %arg2[%dma_wait3A_164, %dma_wait3A_165] : memref<8192x128xf32, #tpu.memory_space<hbm>> -> memref<8192x128xf32, #tpu.memory_space<hbm>>
    tpu.wait_indirect_dma semaphore(%arg9 : memref<!tpu.dma_semaphore, #tpu.memory_space<semaphore_mem>>) src(%dma_wait3A_166 : memref<8192x128xf32, #tpu.memory_space<hbm>>) dst(%arg7 : memref<320x128xf32, #tpu.memory_space<vmem>>)
    %dma_start3A_167 = arith.constant 4480 : i32
    %dma_start3A_168 = tpu.memref_slice %arg5[%dma_start3A_167] : memref<5120xi32, #tpu.memory_space<vmem>> -> memref<320xi32, #tpu.memory_space<vmem>>
    %dma_start3A_169 = arith.constant 0 : i32
    %dma_start3A_170 = arith.constant 0 : i32
    %dma_start3A_171 = tpu.memref_slice %arg2[%dma_start3A_169, %dma_start3A_170] : memref<8192x128xf32, #tpu.memory_space<hbm>> -> memref<8192x128xf32, #tpu.memory_space<hbm>>
    tpu.enqueue_indirect_dma source(%dma_start3A_171 : memref<8192x128xf32, #tpu.memory_space<hbm>>) target(%arg6 : memref<320x128xf32, #tpu.memory_space<vmem>>) offsets(%dma_start3A_168 : memref<320xi32, #tpu.memory_space<vmem>>) semaphore(%arg8 : memref<!tpu.dma_semaphore, #tpu.memory_space<semaphore_mem>>)
    %add3A_172 = arith.constant 4160 : i32
    %add3A_173 = arith.addi %mul3A_2, %add3A_172 : i32
    "tpu.region"() ({
      %run_scoped3A = tpu.sem_alloc : memref<!tpu.dma_semaphore, #tpu.memory_space<semaphore_mem>>
      %dma_start3A_193 = arith.constant 0 : i32
      %dma_start3A_194 = tpu.memref_slice %arg4[%add3A_173, %dma_start3A_193] : memref<163840x128xf32, #tpu.memory_space<hbm>> -> memref<320x128xf32, #tpu.memory_space<hbm>>
      %dma_start3A_195 = arith.constant 0 : i32
      %dma_start3A_196 = tpu.memref_slice %arg4[%add3A_173, %dma_start3A_195] : memref<163840x128xf32, #tpu.memory_space<hbm>> -> memref<320x128xf32, #tpu.memory_space<hbm>>
      tpu.enqueue_dma source(%arg7 : memref<320x128xf32, #tpu.memory_space<vmem>>) target(%dma_start3A_196 : memref<320x128xf32, #tpu.memory_space<hbm>>) target_semaphore(%run_scoped3A : memref<!tpu.dma_semaphore, #tpu.memory_space<semaphore_mem>>)
      %dma_wait3A_197 = arith.constant 0 : i32
      %dma_wait3A_198 = tpu.memref_slice %arg4[%add3A_173, %dma_wait3A_197] : memref<163840x128xf32, #tpu.memory_space<hbm>> -> memref<320x128xf32, #tpu.memory_space<hbm>>
      %dma_wait3A_199 = arith.constant 0 : i32
      %dma_wait3A_200 = tpu.memref_slice %arg4[%add3A_173, %dma_wait3A_199] : memref<163840x128xf32, #tpu.memory_space<hbm>> -> memref<320x128xf32, #tpu.memory_space<hbm>>
      tpu.wait_dma2 semaphore(%run_scoped3A : memref<!tpu.dma_semaphore, #tpu.memory_space<semaphore_mem>>) src(%arg7 : memref<320x128xf32, #tpu.memory_space<vmem>>) dst(%dma_wait3A_200 : memref<320x128xf32, #tpu.memory_space<hbm>>)
      tpu.yield
    }) : () -> ()
    %dma_wait3A_174 = arith.constant 4480 : i32
    %dma_wait3A_175 = tpu.memref_slice %arg5[%dma_wait3A_174] : memref<5120xi32, #tpu.memory_space<vmem>> -> memref<320xi32, #tpu.memory_space<vmem>>
    %dma_wait3A_176 = arith.constant 0 : i32
    %dma_wait3A_177 = arith.constant 0 : i32
    %dma_wait3A_178 = tpu.memref_slice %arg2[%dma_wait3A_176, %dma_wait3A_177] : memref<8192x128xf32, #tpu.memory_space<hbm>> -> memref<8192x128xf32, #tpu.memory_space<hbm>>
    tpu.wait_indirect_dma semaphore(%arg8 : memref<!tpu.dma_semaphore, #tpu.memory_space<semaphore_mem>>) src(%dma_wait3A_178 : memref<8192x128xf32, #tpu.memory_space<hbm>>) dst(%arg6 : memref<320x128xf32, #tpu.memory_space<vmem>>)
    %dma_start3A_179 = arith.constant 4800 : i32
    %dma_start3A_180 = tpu.memref_slice %arg5[%dma_start3A_179] : memref<5120xi32, #tpu.memory_space<vmem>> -> memref<320xi32, #tpu.memory_space<vmem>>
    %dma_start3A_181 = arith.constant 0 : i32
    %dma_start3A_182 = arith.constant 0 : i32
    %dma_start3A_183 = tpu.memref_slice %arg2[%dma_start3A_181, %dma_start3A_182] : memref<8192x128xf32, #tpu.memory_space<hbm>> -> memref<8192x128xf32, #tpu.memory_space<hbm>>
    tpu.enqueue_indirect_dma source(%dma_start3A_183 : memref<8192x128xf32, #tpu.memory_space<hbm>>) target(%arg7 : memref<320x128xf32, #tpu.memory_space<vmem>>) offsets(%dma_start3A_180 : memref<320xi32, #tpu.memory_space<vmem>>) semaphore(%arg9 : memref<!tpu.dma_semaphore, #tpu.memory_space<semaphore_mem>>)
    %add3A_184 = arith.constant 4480 : i32
    %add3A_185 = arith.addi %mul3A_2, %add3A_184 : i32
    "tpu.region"() ({
      %run_scoped3A = tpu.sem_alloc : memref<!tpu.dma_semaphore, #tpu.memory_space<semaphore_mem>>
      %dma_start3A_193 = arith.constant 0 : i32
      %dma_start3A_194 = tpu.memref_slice %arg4[%add3A_185, %dma_start3A_193] : memref<163840x128xf32, #tpu.memory_space<hbm>> -> memref<320x128xf32, #tpu.memory_space<hbm>>
      %dma_start3A_195 = arith.constant 0 : i32
      %dma_start3A_196 = tpu.memref_slice %arg4[%add3A_185, %dma_start3A_195] : memref<163840x128xf32, #tpu.memory_space<hbm>> -> memref<320x128xf32, #tpu.memory_space<hbm>>
      tpu.enqueue_dma source(%arg6 : memref<320x128xf32, #tpu.memory_space<vmem>>) target(%dma_start3A_196 : memref<320x128xf32, #tpu.memory_space<hbm>>) target_semaphore(%run_scoped3A : memref<!tpu.dma_semaphore, #tpu.memory_space<semaphore_mem>>)
      %dma_wait3A_197 = arith.constant 0 : i32
      %dma_wait3A_198 = tpu.memref_slice %arg4[%add3A_185, %dma_wait3A_197] : memref<163840x128xf32, #tpu.memory_space<hbm>> -> memref<320x128xf32, #tpu.memory_space<hbm>>
      %dma_wait3A_199 = arith.constant 0 : i32
      %dma_wait3A_200 = tpu.memref_slice %arg4[%add3A_185, %dma_wait3A_199] : memref<163840x128xf32, #tpu.memory_space<hbm>> -> memref<320x128xf32, #tpu.memory_space<hbm>>
      tpu.wait_dma2 semaphore(%run_scoped3A : memref<!tpu.dma_semaphore, #tpu.memory_space<semaphore_mem>>) src(%arg6 : memref<320x128xf32, #tpu.memory_space<vmem>>) dst(%dma_wait3A_200 : memref<320x128xf32, #tpu.memory_space<hbm>>)
      tpu.yield
    }) : () -> ()
    %dma_wait3A_186 = arith.constant 4800 : i32
    %dma_wait3A_187 = tpu.memref_slice %arg5[%dma_wait3A_186] : memref<5120xi32, #tpu.memory_space<vmem>> -> memref<320xi32, #tpu.memory_space<vmem>>
    %dma_wait3A_188 = arith.constant 0 : i32
    %dma_wait3A_189 = arith.constant 0 : i32
    %dma_wait3A_190 = tpu.memref_slice %arg2[%dma_wait3A_188, %dma_wait3A_189] : memref<8192x128xf32, #tpu.memory_space<hbm>> -> memref<8192x128xf32, #tpu.memory_space<hbm>>
    tpu.wait_indirect_dma semaphore(%arg9 : memref<!tpu.dma_semaphore, #tpu.memory_space<semaphore_mem>>) src(%dma_wait3A_190 : memref<8192x128xf32, #tpu.memory_space<hbm>>) dst(%arg7 : memref<320x128xf32, #tpu.memory_space<vmem>>)
    %add3A_191 = arith.constant 4800 : i32
    %add3A_192 = arith.addi %mul3A_2, %add3A_191 : i32
    "tpu.region"() ({
      %run_scoped3A = tpu.sem_alloc : memref<!tpu.dma_semaphore, #tpu.memory_space<semaphore_mem>>
      %dma_start3A_193 = arith.constant 0 : i32
      %dma_start3A_194 = tpu.memref_slice %arg4[%add3A_192, %dma_start3A_193] : memref<163840x128xf32, #tpu.memory_space<hbm>> -> memref<320x128xf32, #tpu.memory_space<hbm>>
      %dma_start3A_195 = arith.constant 0 : i32
      %dma_start3A_196 = tpu.memref_slice %arg4[%add3A_192, %dma_start3A_195] : memref<163840x128xf32, #tpu.memory_space<hbm>> -> memref<320x128xf32, #tpu.memory_space<hbm>>
      tpu.enqueue_dma source(%arg7 : memref<320x128xf32, #tpu.memory_space<vmem>>) target(%dma_start3A_196 : memref<320x128xf32, #tpu.memory_space<hbm>>) target_semaphore(%run_scoped3A : memref<!tpu.dma_semaphore, #tpu.memory_space<semaphore_mem>>)
      %dma_wait3A_197 = arith.constant 0 : i32
      %dma_wait3A_198 = tpu.memref_slice %arg4[%add3A_192, %dma_wait3A_197] : memref<163840x128xf32, #tpu.memory_space<hbm>> -> memref<320x128xf32, #tpu.memory_space<hbm>>
      %dma_wait3A_199 = arith.constant 0 : i32
      %dma_wait3A_200 = tpu.memref_slice %arg4[%add3A_192, %dma_wait3A_199] : memref<163840x128xf32, #tpu.memory_space<hbm>> -> memref<320x128xf32, #tpu.memory_space<hbm>>
      tpu.wait_dma2 semaphore(%run_scoped3A : memref<!tpu.dma_semaphore, #tpu.memory_space<semaphore_mem>>) src(%arg7 : memref<320x128xf32, #tpu.memory_space<vmem>>) dst(%dma_wait3A_200 : memref<320x128xf32, #tpu.memory_space<hbm>>)
      tpu.yield
    }) : () -> ()
    return
  }
}

#map = affine_map<(d0, d1) -> (0, 0)>
#map1 = affine_map<(d0, d1) -> (0)>
module attributes {stable_mosaic.version = 14 : i64} {
  func.func @gather(%arg0: i32, %arg1: i32, %arg2: memref<8192x128xf32, #tpu.memory_space<hbm>>, %arg3: memref<163840xi32, #tpu.memory_space<hbm>>, %arg4: memref<163840x128xf32, #tpu.memory_space<hbm>>, %arg5: memref<5120xi32, #tpu.memory_space<vmem>>, %arg6: memref<320x128xf32, #tpu.memory_space<vmem>>, %arg7: memref<320x128xf32, #tpu.memory_space<vmem>>, %arg8: memref<!tpu.dma_semaphore, #tpu.memory_space<semaphore_mem>>, %arg9: memref<!tpu.dma_semaphore, #tpu.memory_space<semaphore_mem>>) attributes {dimension_semantics = [#tpu.dimension_semantics<core_parallel>, #tpu.dimension_semantics<subcore_parallel>], iteration_bounds = array<i64: 2, 16>, scalar_prefetch = 0 : i64, scratch_operands = 5 : i64, tpu.core_type = #tpu.core_type<sc_vector_subcore>, window_params = [{transform_indices = #map}, {transform_indices = #map1}, {transform_indices = #map}]} {
    %mul3A = arith.constant 2 : i32
    %mul3A_0 = arith.muli %arg1, %mul3A : i32
    %add3A = arith.addi %mul3A_0, %arg0 : i32
    %mul3A_1 = arith.constant 5120 : i32
    %mul3A_2 = arith.muli %add3A, %mul3A_1 : i32
    "tpu.region"() ({
      %run_scoped3A = tpu.sem_alloc : memref<!tpu.dma_semaphore, #tpu.memory_space<semaphore_mem>>
      %dma_start3A_193 = tpu.memref_slice %arg3[%mul3A_2] : memref<163840xi32, #tpu.memory_space<hbm>> -> memref<5120xi32, #tpu.memory_space<hbm>>
      %dma_start3A_194 = tpu.memref_slice %arg3[%mul3A_2] : memref<163840xi32, #tpu.memory_space<hbm>> -> memref<5120xi32, #tpu.memory_space<hbm>>
      tpu.enqueue_dma source(%dma_start3A_194 : memref<5120xi32, #tpu.memory_space<hbm>>) target(%arg5 : memref<5120xi32, #tpu.memory_space<vmem>>) target_semaphore(%run_scoped3A : memref<!tpu.dma_semaphore, #tpu.memory_space<semaphore_mem>>)
      %dma_wait3A_195 = tpu.memref_slice %arg3[%mul3A_2] : memref<163840xi32, #tpu.memory_space<hbm>> -> memref<5120xi32, #tpu.memory_space<hbm>>
      %dma_wait3A_196 = tpu.memref_slice %arg3[%mul3A_2] : memref<163840xi32, #tpu.memory_space<hbm>> -> memref<5120xi32, #tpu.memory_space<hbm>>
      tpu.wait_dma2 semaphore(%run_scoped3A : memref<!tpu.dma_semaphore, #tpu.memory_space<semaphore_mem>>) src(%dma_wait3A_196 : memref<5120xi32, #tpu.memory_space<hbm>>) dst(%arg5 : memref<5120xi32, #tpu.memory_space<vmem>>)
      tpu.yield
    }) : () -> ()
    %dma_start3A = arith.constant 0 : i32
    %dma_start3A_3 = tpu.memref_slice %arg5[%dma_start3A] : memref<5120xi32, #tpu.memory_space<vmem>> -> memref<320xi32, #tpu.memory_space<vmem>>
    %dma_start3A_4 = arith.constant 0 : i32
    %dma_start3A_5 = arith.constant 0 : i32
    %dma_start3A_6 = tpu.memref_slice %arg2[%dma_start3A_4, %dma_start3A_5] : memref<8192x128xf32, #tpu.memory_space<hbm>> -> memref<8192x128xf32, #tpu.memory_space<hbm>>
    tpu.enqueue_indirect_dma source(%dma_start3A_6 : memref<8192x128xf32, #tpu.memory_space<hbm>>) target(%arg6 : memref<320x128xf32, #tpu.memory_space<vmem>>) offsets(%dma_start3A_3 : memref<320xi32, #tpu.memory_space<vmem>>) semaphore(%arg8 : memref<!tpu.dma_semaphore, #tpu.memory_space<semaphore_mem>>)
    %dma_wait3A = arith.constant 0 : i32
    %dma_wait3A_7 = tpu.memref_slice %arg5[%dma_wait3A] : memref<5120xi32, #tpu.memory_space<vmem>> -> memref<320xi32, #tpu.memory_space<vmem>>
    %dma_wait3A_8 = arith.constant 0 : i32
    %dma_wait3A_9 = arith.constant 0 : i32
    %dma_wait3A_10 = tpu.memref_slice %arg2[%dma_wait3A_8, %dma_wait3A_9] : memref<8192x128xf32, #tpu.memory_space<hbm>> -> memref<8192x128xf32, #tpu.memory_space<hbm>>
    tpu.wait_indirect_dma semaphore(%arg8 : memref<!tpu.dma_semaphore, #tpu.memory_space<semaphore_mem>>) src(%dma_wait3A_10 : memref<8192x128xf32, #tpu.memory_space<hbm>>) dst(%arg6 : memref<320x128xf32, #tpu.memory_space<vmem>>)
    %dma_start3A_11 = arith.constant 320 : i32
    %dma_start3A_12 = tpu.memref_slice %arg5[%dma_start3A_11] : memref<5120xi32, #tpu.memory_space<vmem>> -> memref<320xi32, #tpu.memory_space<vmem>>
    %dma_start3A_13 = arith.constant 0 : i32
    %dma_start3A_14 = arith.constant 0 : i32
    %dma_start3A_15 = tpu.memref_slice %arg2[%dma_start3A_13, %dma_start3A_14] : memref<8192x128xf32, #tpu.memory_space<hbm>> -> memref<8192x128xf32, #tpu.memory_space<hbm>>
    tpu.enqueue_indirect_dma source(%dma_start3A_15 : memref<8192x128xf32, #tpu.memory_space<hbm>>) target(%arg7 : memref<320x128xf32, #tpu.memory_space<vmem>>) offsets(%dma_start3A_12 : memref<320xi32, #tpu.memory_space<vmem>>) semaphore(%arg9 : memref<!tpu.dma_semaphore, #tpu.memory_space<semaphore_mem>>)
    %add3A_16 = arith.constant 0 : i32
    %add3A_17 = arith.addi %mul3A_2, %add3A_16 : i32
    "tpu.region"() ({
      %run_scoped3A = tpu.sem_alloc : memref<!tpu.dma_semaphore, #tpu.memory_space<semaphore_mem>>
      %dma_start3A_193 = arith.constant 0 : i32
      %dma_start3A_194 = tpu.memref_slice %arg4[%add3A_17, %dma_start3A_193] : memref<163840x128xf32, #tpu.memory_space<hbm>> -> memref<320x128xf32, #tpu.memory_space<hbm>>
      %dma_start3A_195 = arith.constant 0 : i32
      %dma_start3A_196 = tpu.memref_slice %arg4[%add3A_17, %dma_start3A_195] : memref<163840x128xf32, #tpu.memory_space<hbm>> -> memref<320x128xf32, #tpu.memory_space<hbm>>
      tpu.enqueue_dma source(%arg6 : memref<320x128xf32, #tpu.memory_space<vmem>>) target(%dma_start3A_196 : memref<320x128xf32, #tpu.memory_space<hbm>>) target_semaphore(%run_scoped3A : memref<!tpu.dma_semaphore, #tpu.memory_space<semaphore_mem>>)
      %dma_wait3A_197 = arith.constant 0 : i32
      %dma_wait3A_198 = tpu.memref_slice %arg4[%add3A_17, %dma_wait3A_197] : memref<163840x128xf32, #tpu.memory_space<hbm>> -> memref<320x128xf32, #tpu.memory_space<hbm>>
      %dma_wait3A_199 = arith.constant 0 : i32
      %dma_wait3A_200 = tpu.memref_slice %arg4[%add3A_17, %dma_wait3A_199] : memref<163840x128xf32, #tpu.memory_space<hbm>> -> memref<320x128xf32, #tpu.memory_space<hbm>>
      tpu.wait_dma2 semaphore(%run_scoped3A : memref<!tpu.dma_semaphore, #tpu.memory_space<semaphore_mem>>) src(%arg6 : memref<320x128xf32, #tpu.memory_space<vmem>>) dst(%dma_wait3A_200 : memref<320x128xf32, #tpu.memory_space<hbm>>)
      tpu.yield
    }) : () -> ()
    %dma_wait3A_18 = arith.constant 320 : i32
    %dma_wait3A_19 = tpu.memref_slice %arg5[%dma_wait3A_18] : memref<5120xi32, #tpu.memory_space<vmem>> -> memref<320xi32, #tpu.memory_space<vmem>>
    %dma_wait3A_20 = arith.constant 0 : i32
    %dma_wait3A_21 = arith.constant 0 : i32
    %dma_wait3A_22 = tpu.memref_slice %arg2[%dma_wait3A_20, %dma_wait3A_21] : memref<8192x128xf32, #tpu.memory_space<hbm>> -> memref<8192x128xf32, #tpu.memory_space<hbm>>
    tpu.wait_indirect_dma semaphore(%arg9 : memref<!tpu.dma_semaphore, #tpu.memory_space<semaphore_mem>>) src(%dma_wait3A_22 : memref<8192x128xf32, #tpu.memory_space<hbm>>) dst(%arg7 : memref<320x128xf32, #tpu.memory_space<vmem>>)
    %dma_start3A_23 = arith.constant 640 : i32
    %dma_start3A_24 = tpu.memref_slice %arg5[%dma_start3A_23] : memref<5120xi32, #tpu.memory_space<vmem>> -> memref<320xi32, #tpu.memory_space<vmem>>
    %dma_start3A_25 = arith.constant 0 : i32
    %dma_start3A_26 = arith.constant 0 : i32
    %dma_start3A_27 = tpu.memref_slice %arg2[%dma_start3A_25, %dma_start3A_26] : memref<8192x128xf32, #tpu.memory_space<hbm>> -> memref<8192x128xf32, #tpu.memory_space<hbm>>
    tpu.enqueue_indirect_dma source(%dma_start3A_27 : memref<8192x128xf32, #tpu.memory_space<hbm>>) target(%arg6 : memref<320x128xf32, #tpu.memory_space<vmem>>) offsets(%dma_start3A_24 : memref<320xi32, #tpu.memory_space<vmem>>) semaphore(%arg8 : memref<!tpu.dma_semaphore, #tpu.memory_space<semaphore_mem>>)
    %add3A_28 = arith.constant 320 : i32
    %add3A_29 = arith.addi %mul3A_2, %add3A_28 : i32
    "tpu.region"() ({
      %run_scoped3A = tpu.sem_alloc : memref<!tpu.dma_semaphore, #tpu.memory_space<semaphore_mem>>
      %dma_start3A_193 = arith.constant 0 : i32
      %dma_start3A_194 = tpu.memref_slice %arg4[%add3A_29, %dma_start3A_193] : memref<163840x128xf32, #tpu.memory_space<hbm>> -> memref<320x128xf32, #tpu.memory_space<hbm>>
      %dma_start3A_195 = arith.constant 0 : i32
      %dma_start3A_196 = tpu.memref_slice %arg4[%add3A_29, %dma_start3A_195] : memref<163840x128xf32, #tpu.memory_space<hbm>> -> memref<320x128xf32, #tpu.memory_space<hbm>>
      tpu.enqueue_dma source(%arg7 : memref<320x128xf32, #tpu.memory_space<vmem>>) target(%dma_start3A_196 : memref<320x128xf32, #tpu.memory_space<hbm>>) target_semaphore(%run_scoped3A : memref<!tpu.dma_semaphore, #tpu.memory_space<semaphore_mem>>)
      %dma_wait3A_197 = arith.constant 0 : i32
      %dma_wait3A_198 = tpu.memref_slice %arg4[%add3A_29, %dma_wait3A_197] : memref<163840x128xf32, #tpu.memory_space<hbm>> -> memref<320x128xf32, #tpu.memory_space<hbm>>
      %dma_wait3A_199 = arith.constant 0 : i32
      %dma_wait3A_200 = tpu.memref_slice %arg4[%add3A_29, %dma_wait3A_199] : memref<163840x128xf32, #tpu.memory_space<hbm>> -> memref<320x128xf32, #tpu.memory_space<hbm>>
      tpu.wait_dma2 semaphore(%run_scoped3A : memref<!tpu.dma_semaphore, #tpu.memory_space<semaphore_mem>>) src(%arg7 : memref<320x128xf32, #tpu.memory_space<vmem>>) dst(%dma_wait3A_200 : memref<320x128xf32, #tpu.memory_space<hbm>>)
      tpu.yield
    }) : () -> ()
    %dma_wait3A_30 = arith.constant 640 : i32
    %dma_wait3A_31 = tpu.memref_slice %arg5[%dma_wait3A_30] : memref<5120xi32, #tpu.memory_space<vmem>> -> memref<320xi32, #tpu.memory_space<vmem>>
    %dma_wait3A_32 = arith.constant 0 : i32
    %dma_wait3A_33 = arith.constant 0 : i32
    %dma_wait3A_34 = tpu.memref_slice %arg2[%dma_wait3A_32, %dma_wait3A_33] : memref<8192x128xf32, #tpu.memory_space<hbm>> -> memref<8192x128xf32, #tpu.memory_space<hbm>>
    tpu.wait_indirect_dma semaphore(%arg8 : memref<!tpu.dma_semaphore, #tpu.memory_space<semaphore_mem>>) src(%dma_wait3A_34 : memref<8192x128xf32, #tpu.memory_space<hbm>>) dst(%arg6 : memref<320x128xf32, #tpu.memory_space<vmem>>)
    %dma_start3A_35 = arith.constant 960 : i32
    %dma_start3A_36 = tpu.memref_slice %arg5[%dma_start3A_35] : memref<5120xi32, #tpu.memory_space<vmem>> -> memref<320xi32, #tpu.memory_space<vmem>>
    %dma_start3A_37 = arith.constant 0 : i32
    %dma_start3A_38 = arith.constant 0 : i32
    %dma_start3A_39 = tpu.memref_slice %arg2[%dma_start3A_37, %dma_start3A_38] : memref<8192x128xf32, #tpu.memory_space<hbm>> -> memref<8192x128xf32, #tpu.memory_space<hbm>>
    tpu.enqueue_indirect_dma source(%dma_start3A_39 : memref<8192x128xf32, #tpu.memory_space<hbm>>) target(%arg7 : memref<320x128xf32, #tpu.memory_space<vmem>>) offsets(%dma_start3A_36 : memref<320xi32, #tpu.memory_space<vmem>>) semaphore(%arg9 : memref<!tpu.dma_semaphore, #tpu.memory_space<semaphore_mem>>)
    %add3A_40 = arith.constant 640 : i32
    %add3A_41 = arith.addi %mul3A_2, %add3A_40 : i32
    "tpu.region"() ({
      %run_scoped3A = tpu.sem_alloc : memref<!tpu.dma_semaphore, #tpu.memory_space<semaphore_mem>>
      %dma_start3A_193 = arith.constant 0 : i32
      %dma_start3A_194 = tpu.memref_slice %arg4[%add3A_41, %dma_start3A_193] : memref<163840x128xf32, #tpu.memory_space<hbm>> -> memref<320x128xf32, #tpu.memory_space<hbm>>
      %dma_start3A_195 = arith.constant 0 : i32
      %dma_start3A_196 = tpu.memref_slice %arg4[%add3A_41, %dma_start3A_195] : memref<163840x128xf32, #tpu.memory_space<hbm>> -> memref<320x128xf32, #tpu.memory_space<hbm>>
      tpu.enqueue_dma source(%arg6 : memref<320x128xf32, #tpu.memory_space<vmem>>) target(%dma_start3A_196 : memref<320x128xf32, #tpu.memory_space<hbm>>) target_semaphore(%run_scoped3A : memref<!tpu.dma_semaphore, #tpu.memory_space<semaphore_mem>>)
      %dma_wait3A_197 = arith.constant 0 : i32
      %dma_wait3A_198 = tpu.memref_slice %arg4[%add3A_41, %dma_wait3A_197] : memref<163840x128xf32, #tpu.memory_space<hbm>> -> memref<320x128xf32, #tpu.memory_space<hbm>>
      %dma_wait3A_199 = arith.constant 0 : i32
      %dma_wait3A_200 = tpu.memref_slice %arg4[%add3A_41, %dma_wait3A_199] : memref<163840x128xf32, #tpu.memory_space<hbm>> -> memref<320x128xf32, #tpu.memory_space<hbm>>
      tpu.wait_dma2 semaphore(%run_scoped3A : memref<!tpu.dma_semaphore, #tpu.memory_space<semaphore_mem>>) src(%arg6 : memref<320x128xf32, #tpu.memory_space<vmem>>) dst(%dma_wait3A_200 : memref<320x128xf32, #tpu.memory_space<hbm>>)
      tpu.yield
    }) : () -> ()
    %dma_wait3A_42 = arith.constant 960 : i32
    %dma_wait3A_43 = tpu.memref_slice %arg5[%dma_wait3A_42] : memref<5120xi32, #tpu.memory_space<vmem>> -> memref<320xi32, #tpu.memory_space<vmem>>
    %dma_wait3A_44 = arith.constant 0 : i32
    %dma_wait3A_45 = arith.constant 0 : i32
    %dma_wait3A_46 = tpu.memref_slice %arg2[%dma_wait3A_44, %dma_wait3A_45] : memref<8192x128xf32, #tpu.memory_space<hbm>> -> memref<8192x128xf32, #tpu.memory_space<hbm>>
    tpu.wait_indirect_dma semaphore(%arg9 : memref<!tpu.dma_semaphore, #tpu.memory_space<semaphore_mem>>) src(%dma_wait3A_46 : memref<8192x128xf32, #tpu.memory_space<hbm>>) dst(%arg7 : memref<320x128xf32, #tpu.memory_space<vmem>>)
    %dma_start3A_47 = arith.constant 1280 : i32
    %dma_start3A_48 = tpu.memref_slice %arg5[%dma_start3A_47] : memref<5120xi32, #tpu.memory_space<vmem>> -> memref<320xi32, #tpu.memory_space<vmem>>
    %dma_start3A_49 = arith.constant 0 : i32
    %dma_start3A_50 = arith.constant 0 : i32
    %dma_start3A_51 = tpu.memref_slice %arg2[%dma_start3A_49, %dma_start3A_50] : memref<8192x128xf32, #tpu.memory_space<hbm>> -> memref<8192x128xf32, #tpu.memory_space<hbm>>
    tpu.enqueue_indirect_dma source(%dma_start3A_51 : memref<8192x128xf32, #tpu.memory_space<hbm>>) target(%arg6 : memref<320x128xf32, #tpu.memory_space<vmem>>) offsets(%dma_start3A_48 : memref<320xi32, #tpu.memory_space<vmem>>) semaphore(%arg8 : memref<!tpu.dma_semaphore, #tpu.memory_space<semaphore_mem>>)
    %add3A_52 = arith.constant 960 : i32
    %add3A_53 = arith.addi %mul3A_2, %add3A_52 : i32
    "tpu.region"() ({
      %run_scoped3A = tpu.sem_alloc : memref<!tpu.dma_semaphore, #tpu.memory_space<semaphore_mem>>
      %dma_start3A_193 = arith.constant 0 : i32
      %dma_start3A_194 = tpu.memref_slice %arg4[%add3A_53, %dma_start3A_193] : memref<163840x128xf32, #tpu.memory_space<hbm>> -> memref<320x128xf32, #tpu.memory_space<hbm>>
      %dma_start3A_195 = arith.constant 0 : i32
      %dma_start3A_196 = tpu.memref_slice %arg4[%add3A_53, %dma_start3A_195] : memref<163840x128xf32, #tpu.memory_space<hbm>> -> memref<320x128xf32, #tpu.memory_space<hbm>>
      tpu.enqueue_dma source(%arg7 : memref<320x128xf32, #tpu.memory_space<vmem>>) target(%dma_start3A_196 : memref<320x128xf32, #tpu.memory_space<hbm>>) target_semaphore(%run_scoped3A : memref<!tpu.dma_semaphore, #tpu.memory_space<semaphore_mem>>)
      %dma_wait3A_197 = arith.constant 0 : i32
      %dma_wait3A_198 = tpu.memref_slice %arg4[%add3A_53, %dma_wait3A_197] : memref<163840x128xf32, #tpu.memory_space<hbm>> -> memref<320x128xf32, #tpu.memory_space<hbm>>
      %dma_wait3A_199 = arith.constant 0 : i32
      %dma_wait3A_200 = tpu.memref_slice %arg4[%add3A_53, %dma_wait3A_199] : memref<163840x128xf32, #tpu.memory_space<hbm>> -> memref<320x128xf32, #tpu.memory_space<hbm>>
      tpu.wait_dma2 semaphore(%run_scoped3A : memref<!tpu.dma_semaphore, #tpu.memory_space<semaphore_mem>>) src(%arg7 : memref<320x128xf32, #tpu.memory_space<vmem>>) dst(%dma_wait3A_200 : memref<320x128xf32, #tpu.memory_space<hbm>>)
      tpu.yield
    }) : () -> ()
    %dma_wait3A_54 = arith.constant 1280 : i32
    %dma_wait3A_55 = tpu.memref_slice %arg5[%dma_wait3A_54] : memref<5120xi32, #tpu.memory_space<vmem>> -> memref<320xi32, #tpu.memory_space<vmem>>
    %dma_wait3A_56 = arith.constant 0 : i32
    %dma_wait3A_57 = arith.constant 0 : i32
    %dma_wait3A_58 = tpu.memref_slice %arg2[%dma_wait3A_56, %dma_wait3A_57] : memref<8192x128xf32, #tpu.memory_space<hbm>> -> memref<8192x128xf32, #tpu.memory_space<hbm>>
    tpu.wait_indirect_dma semaphore(%arg8 : memref<!tpu.dma_semaphore, #tpu.memory_space<semaphore_mem>>) src(%dma_wait3A_58 : memref<8192x128xf32, #tpu.memory_space<hbm>>) dst(%arg6 : memref<320x128xf32, #tpu.memory_space<vmem>>)
    %dma_start3A_59 = arith.constant 1600 : i32
    %dma_start3A_60 = tpu.memref_slice %arg5[%dma_start3A_59] : memref<5120xi32, #tpu.memory_space<vmem>> -> memref<320xi32, #tpu.memory_space<vmem>>
    %dma_start3A_61 = arith.constant 0 : i32
    %dma_start3A_62 = arith.constant 0 : i32
    %dma_start3A_63 = tpu.memref_slice %arg2[%dma_start3A_61, %dma_start3A_62] : memref<8192x128xf32, #tpu.memory_space<hbm>> -> memref<8192x128xf32, #tpu.memory_space<hbm>>
    tpu.enqueue_indirect_dma source(%dma_start3A_63 : memref<8192x128xf32, #tpu.memory_space<hbm>>) target(%arg7 : memref<320x128xf32, #tpu.memory_space<vmem>>) offsets(%dma_start3A_60 : memref<320xi32, #tpu.memory_space<vmem>>) semaphore(%arg9 : memref<!tpu.dma_semaphore, #tpu.memory_space<semaphore_mem>>)
    %add3A_64 = arith.constant 1280 : i32
    %add3A_65 = arith.addi %mul3A_2, %add3A_64 : i32
    "tpu.region"() ({
      %run_scoped3A = tpu.sem_alloc : memref<!tpu.dma_semaphore, #tpu.memory_space<semaphore_mem>>
      %dma_start3A_193 = arith.constant 0 : i32
      %dma_start3A_194 = tpu.memref_slice %arg4[%add3A_65, %dma_start3A_193] : memref<163840x128xf32, #tpu.memory_space<hbm>> -> memref<320x128xf32, #tpu.memory_space<hbm>>
      %dma_start3A_195 = arith.constant 0 : i32
      %dma_start3A_196 = tpu.memref_slice %arg4[%add3A_65, %dma_start3A_195] : memref<163840x128xf32, #tpu.memory_space<hbm>> -> memref<320x128xf32, #tpu.memory_space<hbm>>
      tpu.enqueue_dma source(%arg6 : memref<320x128xf32, #tpu.memory_space<vmem>>) target(%dma_start3A_196 : memref<320x128xf32, #tpu.memory_space<hbm>>) target_semaphore(%run_scoped3A : memref<!tpu.dma_semaphore, #tpu.memory_space<semaphore_mem>>)
      %dma_wait3A_197 = arith.constant 0 : i32
      %dma_wait3A_198 = tpu.memref_slice %arg4[%add3A_65, %dma_wait3A_197] : memref<163840x128xf32, #tpu.memory_space<hbm>> -> memref<320x128xf32, #tpu.memory_space<hbm>>
      %dma_wait3A_199 = arith.constant 0 : i32
      %dma_wait3A_200 = tpu.memref_slice %arg4[%add3A_65, %dma_wait3A_199] : memref<163840x128xf32, #tpu.memory_space<hbm>> -> memref<320x128xf32, #tpu.memory_space<hbm>>
      tpu.wait_dma2 semaphore(%run_scoped3A : memref<!tpu.dma_semaphore, #tpu.memory_space<semaphore_mem>>) src(%arg6 : memref<320x128xf32, #tpu.memory_space<vmem>>) dst(%dma_wait3A_200 : memref<320x128xf32, #tpu.memory_space<hbm>>)
      tpu.yield
    }) : () -> ()
    %dma_wait3A_66 = arith.constant 1600 : i32
    %dma_wait3A_67 = tpu.memref_slice %arg5[%dma_wait3A_66] : memref<5120xi32, #tpu.memory_space<vmem>> -> memref<320xi32, #tpu.memory_space<vmem>>
    %dma_wait3A_68 = arith.constant 0 : i32
    %dma_wait3A_69 = arith.constant 0 : i32
    %dma_wait3A_70 = tpu.memref_slice %arg2[%dma_wait3A_68, %dma_wait3A_69] : memref<8192x128xf32, #tpu.memory_space<hbm>> -> memref<8192x128xf32, #tpu.memory_space<hbm>>
    tpu.wait_indirect_dma semaphore(%arg9 : memref<!tpu.dma_semaphore, #tpu.memory_space<semaphore_mem>>) src(%dma_wait3A_70 : memref<8192x128xf32, #tpu.memory_space<hbm>>) dst(%arg7 : memref<320x128xf32, #tpu.memory_space<vmem>>)
    %dma_start3A_71 = arith.constant 1920 : i32
    %dma_start3A_72 = tpu.memref_slice %arg5[%dma_start3A_71] : memref<5120xi32, #tpu.memory_space<vmem>> -> memref<320xi32, #tpu.memory_space<vmem>>
    %dma_start3A_73 = arith.constant 0 : i32
    %dma_start3A_74 = arith.constant 0 : i32
    %dma_start3A_75 = tpu.memref_slice %arg2[%dma_start3A_73, %dma_start3A_74] : memref<8192x128xf32, #tpu.memory_space<hbm>> -> memref<8192x128xf32, #tpu.memory_space<hbm>>
    tpu.enqueue_indirect_dma source(%dma_start3A_75 : memref<8192x128xf32, #tpu.memory_space<hbm>>) target(%arg6 : memref<320x128xf32, #tpu.memory_space<vmem>>) offsets(%dma_start3A_72 : memref<320xi32, #tpu.memory_space<vmem>>) semaphore(%arg8 : memref<!tpu.dma_semaphore, #tpu.memory_space<semaphore_mem>>)
    %add3A_76 = arith.constant 1600 : i32
    %add3A_77 = arith.addi %mul3A_2, %add3A_76 : i32
    "tpu.region"() ({
      %run_scoped3A = tpu.sem_alloc : memref<!tpu.dma_semaphore, #tpu.memory_space<semaphore_mem>>
      %dma_start3A_193 = arith.constant 0 : i32
      %dma_start3A_194 = tpu.memref_slice %arg4[%add3A_77, %dma_start3A_193] : memref<163840x128xf32, #tpu.memory_space<hbm>> -> memref<320x128xf32, #tpu.memory_space<hbm>>
      %dma_start3A_195 = arith.constant 0 : i32
      %dma_start3A_196 = tpu.memref_slice %arg4[%add3A_77, %dma_start3A_195] : memref<163840x128xf32, #tpu.memory_space<hbm>> -> memref<320x128xf32, #tpu.memory_space<hbm>>
      tpu.enqueue_dma source(%arg7 : memref<320x128xf32, #tpu.memory_space<vmem>>) target(%dma_start3A_196 : memref<320x128xf32, #tpu.memory_space<hbm>>) target_semaphore(%run_scoped3A : memref<!tpu.dma_semaphore, #tpu.memory_space<semaphore_mem>>)
      %dma_wait3A_197 = arith.constant 0 : i32
      %dma_wait3A_198 = tpu.memref_slice %arg4[%add3A_77, %dma_wait3A_197] : memref<163840x128xf32, #tpu.memory_space<hbm>> -> memref<320x128xf32, #tpu.memory_space<hbm>>
      %dma_wait3A_199 = arith.constant 0 : i32
      %dma_wait3A_200 = tpu.memref_slice %arg4[%add3A_77, %dma_wait3A_199] : memref<163840x128xf32, #tpu.memory_space<hbm>> -> memref<320x128xf32, #tpu.memory_space<hbm>>
      tpu.wait_dma2 semaphore(%run_scoped3A : memref<!tpu.dma_semaphore, #tpu.memory_space<semaphore_mem>>) src(%arg7 : memref<320x128xf32, #tpu.memory_space<vmem>>) dst(%dma_wait3A_200 : memref<320x128xf32, #tpu.memory_space<hbm>>)
      tpu.yield
    }) : () -> ()
    %dma_wait3A_78 = arith.constant 1920 : i32
    %dma_wait3A_79 = tpu.memref_slice %arg5[%dma_wait3A_78] : memref<5120xi32, #tpu.memory_space<vmem>> -> memref<320xi32, #tpu.memory_space<vmem>>
    %dma_wait3A_80 = arith.constant 0 : i32
    %dma_wait3A_81 = arith.constant 0 : i32
    %dma_wait3A_82 = tpu.memref_slice %arg2[%dma_wait3A_80, %dma_wait3A_81] : memref<8192x128xf32, #tpu.memory_space<hbm>> -> memref<8192x128xf32, #tpu.memory_space<hbm>>
    tpu.wait_indirect_dma semaphore(%arg8 : memref<!tpu.dma_semaphore, #tpu.memory_space<semaphore_mem>>) src(%dma_wait3A_82 : memref<8192x128xf32, #tpu.memory_space<hbm>>) dst(%arg6 : memref<320x128xf32, #tpu.memory_space<vmem>>)
    %dma_start3A_83 = arith.constant 2240 : i32
    %dma_start3A_84 = tpu.memref_slice %arg5[%dma_start3A_83] : memref<5120xi32, #tpu.memory_space<vmem>> -> memref<320xi32, #tpu.memory_space<vmem>>
    %dma_start3A_85 = arith.constant 0 : i32
    %dma_start3A_86 = arith.constant 0 : i32
    %dma_start3A_87 = tpu.memref_slice %arg2[%dma_start3A_85, %dma_start3A_86] : memref<8192x128xf32, #tpu.memory_space<hbm>> -> memref<8192x128xf32, #tpu.memory_space<hbm>>
    tpu.enqueue_indirect_dma source(%dma_start3A_87 : memref<8192x128xf32, #tpu.memory_space<hbm>>) target(%arg7 : memref<320x128xf32, #tpu.memory_space<vmem>>) offsets(%dma_start3A_84 : memref<320xi32, #tpu.memory_space<vmem>>) semaphore(%arg9 : memref<!tpu.dma_semaphore, #tpu.memory_space<semaphore_mem>>)
    %add3A_88 = arith.constant 1920 : i32
    %add3A_89 = arith.addi %mul3A_2, %add3A_88 : i32
    "tpu.region"() ({
      %run_scoped3A = tpu.sem_alloc : memref<!tpu.dma_semaphore, #tpu.memory_space<semaphore_mem>>
      %dma_start3A_193 = arith.constant 0 : i32
      %dma_start3A_194 = tpu.memref_slice %arg4[%add3A_89, %dma_start3A_193] : memref<163840x128xf32, #tpu.memory_space<hbm>> -> memref<320x128xf32, #tpu.memory_space<hbm>>
      %dma_start3A_195 = arith.constant 0 : i32
      %dma_start3A_196 = tpu.memref_slice %arg4[%add3A_89, %dma_start3A_195] : memref<163840x128xf32, #tpu.memory_space<hbm>> -> memref<320x128xf32, #tpu.memory_space<hbm>>
      tpu.enqueue_dma source(%arg6 : memref<320x128xf32, #tpu.memory_space<vmem>>) target(%dma_start3A_196 : memref<320x128xf32, #tpu.memory_space<hbm>>) target_semaphore(%run_scoped3A : memref<!tpu.dma_semaphore, #tpu.memory_space<semaphore_mem>>)
      %dma_wait3A_197 = arith.constant 0 : i32
      %dma_wait3A_198 = tpu.memref_slice %arg4[%add3A_89, %dma_wait3A_197] : memref<163840x128xf32, #tpu.memory_space<hbm>> -> memref<320x128xf32, #tpu.memory_space<hbm>>
      %dma_wait3A_199 = arith.constant 0 : i32
      %dma_wait3A_200 = tpu.memref_slice %arg4[%add3A_89, %dma_wait3A_199] : memref<163840x128xf32, #tpu.memory_space<hbm>> -> memref<320x128xf32, #tpu.memory_space<hbm>>
      tpu.wait_dma2 semaphore(%run_scoped3A : memref<!tpu.dma_semaphore, #tpu.memory_space<semaphore_mem>>) src(%arg6 : memref<320x128xf32, #tpu.memory_space<vmem>>) dst(%dma_wait3A_200 : memref<320x128xf32, #tpu.memory_space<hbm>>)
      tpu.yield
    }) : () -> ()
    %dma_wait3A_90 = arith.constant 2240 : i32
    %dma_wait3A_91 = tpu.memref_slice %arg5[%dma_wait3A_90] : memref<5120xi32, #tpu.memory_space<vmem>> -> memref<320xi32, #tpu.memory_space<vmem>>
    %dma_wait3A_92 = arith.constant 0 : i32
    %dma_wait3A_93 = arith.constant 0 : i32
    %dma_wait3A_94 = tpu.memref_slice %arg2[%dma_wait3A_92, %dma_wait3A_93] : memref<8192x128xf32, #tpu.memory_space<hbm>> -> memref<8192x128xf32, #tpu.memory_space<hbm>>
    tpu.wait_indirect_dma semaphore(%arg9 : memref<!tpu.dma_semaphore, #tpu.memory_space<semaphore_mem>>) src(%dma_wait3A_94 : memref<8192x128xf32, #tpu.memory_space<hbm>>) dst(%arg7 : memref<320x128xf32, #tpu.memory_space<vmem>>)
    %dma_start3A_95 = arith.constant 2560 : i32
    %dma_start3A_96 = tpu.memref_slice %arg5[%dma_start3A_95] : memref<5120xi32, #tpu.memory_space<vmem>> -> memref<320xi32, #tpu.memory_space<vmem>>
    %dma_start3A_97 = arith.constant 0 : i32
    %dma_start3A_98 = arith.constant 0 : i32
    %dma_start3A_99 = tpu.memref_slice %arg2[%dma_start3A_97, %dma_start3A_98] : memref<8192x128xf32, #tpu.memory_space<hbm>> -> memref<8192x128xf32, #tpu.memory_space<hbm>>
    tpu.enqueue_indirect_dma source(%dma_start3A_99 : memref<8192x128xf32, #tpu.memory_space<hbm>>) target(%arg6 : memref<320x128xf32, #tpu.memory_space<vmem>>) offsets(%dma_start3A_96 : memref<320xi32, #tpu.memory_space<vmem>>) semaphore(%arg8 : memref<!tpu.dma_semaphore, #tpu.memory_space<semaphore_mem>>)
    %add3A_100 = arith.constant 2240 : i32
    %add3A_101 = arith.addi %mul3A_2, %add3A_100 : i32
    "tpu.region"() ({
      %run_scoped3A = tpu.sem_alloc : memref<!tpu.dma_semaphore, #tpu.memory_space<semaphore_mem>>
      %dma_start3A_193 = arith.constant 0 : i32
      %dma_start3A_194 = tpu.memref_slice %arg4[%add3A_101, %dma_start3A_193] : memref<163840x128xf32, #tpu.memory_space<hbm>> -> memref<320x128xf32, #tpu.memory_space<hbm>>
      %dma_start3A_195 = arith.constant 0 : i32
      %dma_start3A_196 = tpu.memref_slice %arg4[%add3A_101, %dma_start3A_195] : memref<163840x128xf32, #tpu.memory_space<hbm>> -> memref<320x128xf32, #tpu.memory_space<hbm>>
      tpu.enqueue_dma source(%arg7 : memref<320x128xf32, #tpu.memory_space<vmem>>) target(%dma_start3A_196 : memref<320x128xf32, #tpu.memory_space<hbm>>) target_semaphore(%run_scoped3A : memref<!tpu.dma_semaphore, #tpu.memory_space<semaphore_mem>>)
      %dma_wait3A_197 = arith.constant 0 : i32
      %dma_wait3A_198 = tpu.memref_slice %arg4[%add3A_101, %dma_wait3A_197] : memref<163840x128xf32, #tpu.memory_space<hbm>> -> memref<320x128xf32, #tpu.memory_space<hbm>>
      %dma_wait3A_199 = arith.constant 0 : i32
      %dma_wait3A_200 = tpu.memref_slice %arg4[%add3A_101, %dma_wait3A_199] : memref<163840x128xf32, #tpu.memory_space<hbm>> -> memref<320x128xf32, #tpu.memory_space<hbm>>
      tpu.wait_dma2 semaphore(%run_scoped3A : memref<!tpu.dma_semaphore, #tpu.memory_space<semaphore_mem>>) src(%arg7 : memref<320x128xf32, #tpu.memory_space<vmem>>) dst(%dma_wait3A_200 : memref<320x128xf32, #tpu.memory_space<hbm>>)
      tpu.yield
    }) : () -> ()
    %dma_wait3A_102 = arith.constant 2560 : i32
    %dma_wait3A_103 = tpu.memref_slice %arg5[%dma_wait3A_102] : memref<5120xi32, #tpu.memory_space<vmem>> -> memref<320xi32, #tpu.memory_space<vmem>>
    %dma_wait3A_104 = arith.constant 0 : i32
    %dma_wait3A_105 = arith.constant 0 : i32
    %dma_wait3A_106 = tpu.memref_slice %arg2[%dma_wait3A_104, %dma_wait3A_105] : memref<8192x128xf32, #tpu.memory_space<hbm>> -> memref<8192x128xf32, #tpu.memory_space<hbm>>
    tpu.wait_indirect_dma semaphore(%arg8 : memref<!tpu.dma_semaphore, #tpu.memory_space<semaphore_mem>>) src(%dma_wait3A_106 : memref<8192x128xf32, #tpu.memory_space<hbm>>) dst(%arg6 : memref<320x128xf32, #tpu.memory_space<vmem>>)
    %dma_start3A_107 = arith.constant 2880 : i32
    %dma_start3A_108 = tpu.memref_slice %arg5[%dma_start3A_107] : memref<5120xi32, #tpu.memory_space<vmem>> -> memref<320xi32, #tpu.memory_space<vmem>>
    %dma_start3A_109 = arith.constant 0 : i32
    %dma_start3A_110 = arith.constant 0 : i32
    %dma_start3A_111 = tpu.memref_slice %arg2[%dma_start3A_109, %dma_start3A_110] : memref<8192x128xf32, #tpu.memory_space<hbm>> -> memref<8192x128xf32, #tpu.memory_space<hbm>>
    tpu.enqueue_indirect_dma source(%dma_start3A_111 : memref<8192x128xf32, #tpu.memory_space<hbm>>) target(%arg7 : memref<320x128xf32, #tpu.memory_space<vmem>>) offsets(%dma_start3A_108 : memref<320xi32, #tpu.memory_space<vmem>>) semaphore(%arg9 : memref<!tpu.dma_semaphore, #tpu.memory_space<semaphore_mem>>)
    %add3A_112 = arith.constant 2560 : i32
    %add3A_113 = arith.addi %mul3A_2, %add3A_112 : i32
    "tpu.region"() ({
      %run_scoped3A = tpu.sem_alloc : memref<!tpu.dma_semaphore, #tpu.memory_space<semaphore_mem>>
      %dma_start3A_193 = arith.constant 0 : i32
      %dma_start3A_194 = tpu.memref_slice %arg4[%add3A_113, %dma_start3A_193] : memref<163840x128xf32, #tpu.memory_space<hbm>> -> memref<320x128xf32, #tpu.memory_space<hbm>>
      %dma_start3A_195 = arith.constant 0 : i32
      %dma_start3A_196 = tpu.memref_slice %arg4[%add3A_113, %dma_start3A_195] : memref<163840x128xf32, #tpu.memory_space<hbm>> -> memref<320x128xf32, #tpu.memory_space<hbm>>
      tpu.enqueue_dma source(%arg6 : memref<320x128xf32, #tpu.memory_space<vmem>>) target(%dma_start3A_196 : memref<320x128xf32, #tpu.memory_space<hbm>>) target_semaphore(%run_scoped3A : memref<!tpu.dma_semaphore, #tpu.memory_space<semaphore_mem>>)
      %dma_wait3A_197 = arith.constant 0 : i32
      %dma_wait3A_198 = tpu.memref_slice %arg4[%add3A_113, %dma_wait3A_197] : memref<163840x128xf32, #tpu.memory_space<hbm>> -> memref<320x128xf32, #tpu.memory_space<hbm>>
      %dma_wait3A_199 = arith.constant 0 : i32
      %dma_wait3A_200 = tpu.memref_slice %arg4[%add3A_113, %dma_wait3A_199] : memref<163840x128xf32, #tpu.memory_space<hbm>> -> memref<320x128xf32, #tpu.memory_space<hbm>>
      tpu.wait_dma2 semaphore(%run_scoped3A : memref<!tpu.dma_semaphore, #tpu.memory_space<semaphore_mem>>) src(%arg6 : memref<320x128xf32, #tpu.memory_space<vmem>>) dst(%dma_wait3A_200 : memref<320x128xf32, #tpu.memory_space<hbm>>)
      tpu.yield
    }) : () -> ()
    %dma_wait3A_114 = arith.constant 2880 : i32
    %dma_wait3A_115 = tpu.memref_slice %arg5[%dma_wait3A_114] : memref<5120xi32, #tpu.memory_space<vmem>> -> memref<320xi32, #tpu.memory_space<vmem>>
    %dma_wait3A_116 = arith.constant 0 : i32
    %dma_wait3A_117 = arith.constant 0 : i32
    %dma_wait3A_118 = tpu.memref_slice %arg2[%dma_wait3A_116, %dma_wait3A_117] : memref<8192x128xf32, #tpu.memory_space<hbm>> -> memref<8192x128xf32, #tpu.memory_space<hbm>>
    tpu.wait_indirect_dma semaphore(%arg9 : memref<!tpu.dma_semaphore, #tpu.memory_space<semaphore_mem>>) src(%dma_wait3A_118 : memref<8192x128xf32, #tpu.memory_space<hbm>>) dst(%arg7 : memref<320x128xf32, #tpu.memory_space<vmem>>)
    %dma_start3A_119 = arith.constant 3200 : i32
    %dma_start3A_120 = tpu.memref_slice %arg5[%dma_start3A_119] : memref<5120xi32, #tpu.memory_space<vmem>> -> memref<320xi32, #tpu.memory_space<vmem>>
    %dma_start3A_121 = arith.constant 0 : i32
    %dma_start3A_122 = arith.constant 0 : i32
    %dma_start3A_123 = tpu.memref_slice %arg2[%dma_start3A_121, %dma_start3A_122] : memref<8192x128xf32, #tpu.memory_space<hbm>> -> memref<8192x128xf32, #tpu.memory_space<hbm>>
    tpu.enqueue_indirect_dma source(%dma_start3A_123 : memref<8192x128xf32, #tpu.memory_space<hbm>>) target(%arg6 : memref<320x128xf32, #tpu.memory_space<vmem>>) offsets(%dma_start3A_120 : memref<320xi32, #tpu.memory_space<vmem>>) semaphore(%arg8 : memref<!tpu.dma_semaphore, #tpu.memory_space<semaphore_mem>>)
    %add3A_124 = arith.constant 2880 : i32
    %add3A_125 = arith.addi %mul3A_2, %add3A_124 : i32
    "tpu.region"() ({
      %run_scoped3A = tpu.sem_alloc : memref<!tpu.dma_semaphore, #tpu.memory_space<semaphore_mem>>
      %dma_start3A_193 = arith.constant 0 : i32
      %dma_start3A_194 = tpu.memref_slice %arg4[%add3A_125, %dma_start3A_193] : memref<163840x128xf32, #tpu.memory_space<hbm>> -> memref<320x128xf32, #tpu.memory_space<hbm>>
      %dma_start3A_195 = arith.constant 0 : i32
      %dma_start3A_196 = tpu.memref_slice %arg4[%add3A_125, %dma_start3A_195] : memref<163840x128xf32, #tpu.memory_space<hbm>> -> memref<320x128xf32, #tpu.memory_space<hbm>>
      tpu.enqueue_dma source(%arg7 : memref<320x128xf32, #tpu.memory_space<vmem>>) target(%dma_start3A_196 : memref<320x128xf32, #tpu.memory_space<hbm>>) target_semaphore(%run_scoped3A : memref<!tpu.dma_semaphore, #tpu.memory_space<semaphore_mem>>)
      %dma_wait3A_197 = arith.constant 0 : i32
      %dma_wait3A_198 = tpu.memref_slice %arg4[%add3A_125, %dma_wait3A_197] : memref<163840x128xf32, #tpu.memory_space<hbm>> -> memref<320x128xf32, #tpu.memory_space<hbm>>
      %dma_wait3A_199 = arith.constant 0 : i32
      %dma_wait3A_200 = tpu.memref_slice %arg4[%add3A_125, %dma_wait3A_199] : memref<163840x128xf32, #tpu.memory_space<hbm>> -> memref<320x128xf32, #tpu.memory_space<hbm>>
      tpu.wait_dma2 semaphore(%run_scoped3A : memref<!tpu.dma_semaphore, #tpu.memory_space<semaphore_mem>>) src(%arg7 : memref<320x128xf32, #tpu.memory_space<vmem>>) dst(%dma_wait3A_200 : memref<320x128xf32, #tpu.memory_space<hbm>>)
      tpu.yield
    }) : () -> ()
    %dma_wait3A_126 = arith.constant 3200 : i32
    %dma_wait3A_127 = tpu.memref_slice %arg5[%dma_wait3A_126] : memref<5120xi32, #tpu.memory_space<vmem>> -> memref<320xi32, #tpu.memory_space<vmem>>
    %dma_wait3A_128 = arith.constant 0 : i32
    %dma_wait3A_129 = arith.constant 0 : i32
    %dma_wait3A_130 = tpu.memref_slice %arg2[%dma_wait3A_128, %dma_wait3A_129] : memref<8192x128xf32, #tpu.memory_space<hbm>> -> memref<8192x128xf32, #tpu.memory_space<hbm>>
    tpu.wait_indirect_dma semaphore(%arg8 : memref<!tpu.dma_semaphore, #tpu.memory_space<semaphore_mem>>) src(%dma_wait3A_130 : memref<8192x128xf32, #tpu.memory_space<hbm>>) dst(%arg6 : memref<320x128xf32, #tpu.memory_space<vmem>>)
    %dma_start3A_131 = arith.constant 3520 : i32
    %dma_start3A_132 = tpu.memref_slice %arg5[%dma_start3A_131] : memref<5120xi32, #tpu.memory_space<vmem>> -> memref<320xi32, #tpu.memory_space<vmem>>
    %dma_start3A_133 = arith.constant 0 : i32
    %dma_start3A_134 = arith.constant 0 : i32
    %dma_start3A_135 = tpu.memref_slice %arg2[%dma_start3A_133, %dma_start3A_134] : memref<8192x128xf32, #tpu.memory_space<hbm>> -> memref<8192x128xf32, #tpu.memory_space<hbm>>
    tpu.enqueue_indirect_dma source(%dma_start3A_135 : memref<8192x128xf32, #tpu.memory_space<hbm>>) target(%arg7 : memref<320x128xf32, #tpu.memory_space<vmem>>) offsets(%dma_start3A_132 : memref<320xi32, #tpu.memory_space<vmem>>) semaphore(%arg9 : memref<!tpu.dma_semaphore, #tpu.memory_space<semaphore_mem>>)
    %add3A_136 = arith.constant 3200 : i32
    %add3A_137 = arith.addi %mul3A_2, %add3A_136 : i32
    "tpu.region"() ({
      %run_scoped3A = tpu.sem_alloc : memref<!tpu.dma_semaphore, #tpu.memory_space<semaphore_mem>>
      %dma_start3A_193 = arith.constant 0 : i32
      %dma_start3A_194 = tpu.memref_slice %arg4[%add3A_137, %dma_start3A_193] : memref<163840x128xf32, #tpu.memory_space<hbm>> -> memref<320x128xf32, #tpu.memory_space<hbm>>
      %dma_start3A_195 = arith.constant 0 : i32
      %dma_start3A_196 = tpu.memref_slice %arg4[%add3A_137, %dma_start3A_195] : memref<163840x128xf32, #tpu.memory_space<hbm>> -> memref<320x128xf32, #tpu.memory_space<hbm>>
      tpu.enqueue_dma source(%arg6 : memref<320x128xf32, #tpu.memory_space<vmem>>) target(%dma_start3A_196 : memref<320x128xf32, #tpu.memory_space<hbm>>) target_semaphore(%run_scoped3A : memref<!tpu.dma_semaphore, #tpu.memory_space<semaphore_mem>>)
      %dma_wait3A_197 = arith.constant 0 : i32
      %dma_wait3A_198 = tpu.memref_slice %arg4[%add3A_137, %dma_wait3A_197] : memref<163840x128xf32, #tpu.memory_space<hbm>> -> memref<320x128xf32, #tpu.memory_space<hbm>>
      %dma_wait3A_199 = arith.constant 0 : i32
      %dma_wait3A_200 = tpu.memref_slice %arg4[%add3A_137, %dma_wait3A_199] : memref<163840x128xf32, #tpu.memory_space<hbm>> -> memref<320x128xf32, #tpu.memory_space<hbm>>
      tpu.wait_dma2 semaphore(%run_scoped3A : memref<!tpu.dma_semaphore, #tpu.memory_space<semaphore_mem>>) src(%arg6 : memref<320x128xf32, #tpu.memory_space<vmem>>) dst(%dma_wait3A_200 : memref<320x128xf32, #tpu.memory_space<hbm>>)
      tpu.yield
    }) : () -> ()
    %dma_wait3A_138 = arith.constant 3520 : i32
    %dma_wait3A_139 = tpu.memref_slice %arg5[%dma_wait3A_138] : memref<5120xi32, #tpu.memory_space<vmem>> -> memref<320xi32, #tpu.memory_space<vmem>>
    %dma_wait3A_140 = arith.constant 0 : i32
    %dma_wait3A_141 = arith.constant 0 : i32
    %dma_wait3A_142 = tpu.memref_slice %arg2[%dma_wait3A_140, %dma_wait3A_141] : memref<8192x128xf32, #tpu.memory_space<hbm>> -> memref<8192x128xf32, #tpu.memory_space<hbm>>
    tpu.wait_indirect_dma semaphore(%arg9 : memref<!tpu.dma_semaphore, #tpu.memory_space<semaphore_mem>>) src(%dma_wait3A_142 : memref<8192x128xf32, #tpu.memory_space<hbm>>) dst(%arg7 : memref<320x128xf32, #tpu.memory_space<vmem>>)
    %dma_start3A_143 = arith.constant 3840 : i32
    %dma_start3A_144 = tpu.memref_slice %arg5[%dma_start3A_143] : memref<5120xi32, #tpu.memory_space<vmem>> -> memref<320xi32, #tpu.memory_space<vmem>>
    %dma_start3A_145 = arith.constant 0 : i32
    %dma_start3A_146 = arith.constant 0 : i32
    %dma_start3A_147 = tpu.memref_slice %arg2[%dma_start3A_145, %dma_start3A_146] : memref<8192x128xf32, #tpu.memory_space<hbm>> -> memref<8192x128xf32, #tpu.memory_space<hbm>>
    tpu.enqueue_indirect_dma source(%dma_start3A_147 : memref<8192x128xf32, #tpu.memory_space<hbm>>) target(%arg6 : memref<320x128xf32, #tpu.memory_space<vmem>>) offsets(%dma_start3A_144 : memref<320xi32, #tpu.memory_space<vmem>>) semaphore(%arg8 : memref<!tpu.dma_semaphore, #tpu.memory_space<semaphore_mem>>)
    %add3A_148 = arith.constant 3520 : i32
    %add3A_149 = arith.addi %mul3A_2, %add3A_148 : i32
    "tpu.region"() ({
      %run_scoped3A = tpu.sem_alloc : memref<!tpu.dma_semaphore, #tpu.memory_space<semaphore_mem>>
      %dma_start3A_193 = arith.constant 0 : i32
      %dma_start3A_194 = tpu.memref_slice %arg4[%add3A_149, %dma_start3A_193] : memref<163840x128xf32, #tpu.memory_space<hbm>> -> memref<320x128xf32, #tpu.memory_space<hbm>>
      %dma_start3A_195 = arith.constant 0 : i32
      %dma_start3A_196 = tpu.memref_slice %arg4[%add3A_149, %dma_start3A_195] : memref<163840x128xf32, #tpu.memory_space<hbm>> -> memref<320x128xf32, #tpu.memory_space<hbm>>
      tpu.enqueue_dma source(%arg7 : memref<320x128xf32, #tpu.memory_space<vmem>>) target(%dma_start3A_196 : memref<320x128xf32, #tpu.memory_space<hbm>>) target_semaphore(%run_scoped3A : memref<!tpu.dma_semaphore, #tpu.memory_space<semaphore_mem>>)
      %dma_wait3A_197 = arith.constant 0 : i32
      %dma_wait3A_198 = tpu.memref_slice %arg4[%add3A_149, %dma_wait3A_197] : memref<163840x128xf32, #tpu.memory_space<hbm>> -> memref<320x128xf32, #tpu.memory_space<hbm>>
      %dma_wait3A_199 = arith.constant 0 : i32
      %dma_wait3A_200 = tpu.memref_slice %arg4[%add3A_149, %dma_wait3A_199] : memref<163840x128xf32, #tpu.memory_space<hbm>> -> memref<320x128xf32, #tpu.memory_space<hbm>>
      tpu.wait_dma2 semaphore(%run_scoped3A : memref<!tpu.dma_semaphore, #tpu.memory_space<semaphore_mem>>) src(%arg7 : memref<320x128xf32, #tpu.memory_space<vmem>>) dst(%dma_wait3A_200 : memref<320x128xf32, #tpu.memory_space<hbm>>)
      tpu.yield
    }) : () -> ()
    %dma_wait3A_150 = arith.constant 3840 : i32
    %dma_wait3A_151 = tpu.memref_slice %arg5[%dma_wait3A_150] : memref<5120xi32, #tpu.memory_space<vmem>> -> memref<320xi32, #tpu.memory_space<vmem>>
    %dma_wait3A_152 = arith.constant 0 : i32
    %dma_wait3A_153 = arith.constant 0 : i32
    %dma_wait3A_154 = tpu.memref_slice %arg2[%dma_wait3A_152, %dma_wait3A_153] : memref<8192x128xf32, #tpu.memory_space<hbm>> -> memref<8192x128xf32, #tpu.memory_space<hbm>>
    tpu.wait_indirect_dma semaphore(%arg8 : memref<!tpu.dma_semaphore, #tpu.memory_space<semaphore_mem>>) src(%dma_wait3A_154 : memref<8192x128xf32, #tpu.memory_space<hbm>>) dst(%arg6 : memref<320x128xf32, #tpu.memory_space<vmem>>)
    %dma_start3A_155 = arith.constant 4160 : i32
    %dma_start3A_156 = tpu.memref_slice %arg5[%dma_start3A_155] : memref<5120xi32, #tpu.memory_space<vmem>> -> memref<320xi32, #tpu.memory_space<vmem>>
    %dma_start3A_157 = arith.constant 0 : i32
    %dma_start3A_158 = arith.constant 0 : i32
    %dma_start3A_159 = tpu.memref_slice %arg2[%dma_start3A_157, %dma_start3A_158] : memref<8192x128xf32, #tpu.memory_space<hbm>> -> memref<8192x128xf32, #tpu.memory_space<hbm>>
    tpu.enqueue_indirect_dma source(%dma_start3A_159 : memref<8192x128xf32, #tpu.memory_space<hbm>>) target(%arg7 : memref<320x128xf32, #tpu.memory_space<vmem>>) offsets(%dma_start3A_156 : memref<320xi32, #tpu.memory_space<vmem>>) semaphore(%arg9 : memref<!tpu.dma_semaphore, #tpu.memory_space<semaphore_mem>>)
    %add3A_160 = arith.constant 3840 : i32
    %add3A_161 = arith.addi %mul3A_2, %add3A_160 : i32
    "tpu.region"() ({
      %run_scoped3A = tpu.sem_alloc : memref<!tpu.dma_semaphore, #tpu.memory_space<semaphore_mem>>
      %dma_start3A_193 = arith.constant 0 : i32
      %dma_start3A_194 = tpu.memref_slice %arg4[%add3A_161, %dma_start3A_193] : memref<163840x128xf32, #tpu.memory_space<hbm>> -> memref<320x128xf32, #tpu.memory_space<hbm>>
      %dma_start3A_195 = arith.constant 0 : i32
      %dma_start3A_196 = tpu.memref_slice %arg4[%add3A_161, %dma_start3A_195] : memref<163840x128xf32, #tpu.memory_space<hbm>> -> memref<320x128xf32, #tpu.memory_space<hbm>>
      tpu.enqueue_dma source(%arg6 : memref<320x128xf32, #tpu.memory_space<vmem>>) target(%dma_start3A_196 : memref<320x128xf32, #tpu.memory_space<hbm>>) target_semaphore(%run_scoped3A : memref<!tpu.dma_semaphore, #tpu.memory_space<semaphore_mem>>)
      %dma_wait3A_197 = arith.constant 0 : i32
      %dma_wait3A_198 = tpu.memref_slice %arg4[%add3A_161, %dma_wait3A_197] : memref<163840x128xf32, #tpu.memory_space<hbm>> -> memref<320x128xf32, #tpu.memory_space<hbm>>
      %dma_wait3A_199 = arith.constant 0 : i32
      %dma_wait3A_200 = tpu.memref_slice %arg4[%add3A_161, %dma_wait3A_199] : memref<163840x128xf32, #tpu.memory_space<hbm>> -> memref<320x128xf32, #tpu.memory_space<hbm>>
      tpu.wait_dma2 semaphore(%run_scoped3A : memref<!tpu.dma_semaphore, #tpu.memory_space<semaphore_mem>>) src(%arg6 : memref<320x128xf32, #tpu.memory_space<vmem>>) dst(%dma_wait3A_200 : memref<320x128xf32, #tpu.memory_space<hbm>>)
      tpu.yield
    }) : () -> ()
    %dma_wait3A_162 = arith.constant 4160 : i32
    %dma_wait3A_163 = tpu.memref_slice %arg5[%dma_wait3A_162] : memref<5120xi32, #tpu.memory_space<vmem>> -> memref<320xi32, #tpu.memory_space<vmem>>
    %dma_wait3A_164 = arith.constant 0 : i32
    %dma_wait3A_165 = arith.constant 0 : i32
    %dma_wait3A_166 = tpu.memref_slice %arg2[%dma_wait3A_164, %dma_wait3A_165] : memref<8192x128xf32, #tpu.memory_space<hbm>> -> memref<8192x128xf32, #tpu.memory_space<hbm>>
    tpu.wait_indirect_dma semaphore(%arg9 : memref<!tpu.dma_semaphore, #tpu.memory_space<semaphore_mem>>) src(%dma_wait3A_166 : memref<8192x128xf32, #tpu.memory_space<hbm>>) dst(%arg7 : memref<320x128xf32, #tpu.memory_space<vmem>>)
    %dma_start3A_167 = arith.constant 4480 : i32
    %dma_start3A_168 = tpu.memref_slice %arg5[%dma_start3A_167] : memref<5120xi32, #tpu.memory_space<vmem>> -> memref<320xi32, #tpu.memory_space<vmem>>
    %dma_start3A_169 = arith.constant 0 : i32
    %dma_start3A_170 = arith.constant 0 : i32
    %dma_start3A_171 = tpu.memref_slice %arg2[%dma_start3A_169, %dma_start3A_170] : memref<8192x128xf32, #tpu.memory_space<hbm>> -> memref<8192x128xf32, #tpu.memory_space<hbm>>
    tpu.enqueue_indirect_dma source(%dma_start3A_171 : memref<8192x128xf32, #tpu.memory_space<hbm>>) target(%arg6 : memref<320x128xf32, #tpu.memory_space<vmem>>) offsets(%dma_start3A_168 : memref<320xi32, #tpu.memory_space<vmem>>) semaphore(%arg8 : memref<!tpu.dma_semaphore, #tpu.memory_space<semaphore_mem>>)
    %add3A_172 = arith.constant 4160 : i32
    %add3A_173 = arith.addi %mul3A_2, %add3A_172 : i32
    "tpu.region"() ({
      %run_scoped3A = tpu.sem_alloc : memref<!tpu.dma_semaphore, #tpu.memory_space<semaphore_mem>>
      %dma_start3A_193 = arith.constant 0 : i32
      %dma_start3A_194 = tpu.memref_slice %arg4[%add3A_173, %dma_start3A_193] : memref<163840x128xf32, #tpu.memory_space<hbm>> -> memref<320x128xf32, #tpu.memory_space<hbm>>
      %dma_start3A_195 = arith.constant 0 : i32
      %dma_start3A_196 = tpu.memref_slice %arg4[%add3A_173, %dma_start3A_195] : memref<163840x128xf32, #tpu.memory_space<hbm>> -> memref<320x128xf32, #tpu.memory_space<hbm>>
      tpu.enqueue_dma source(%arg7 : memref<320x128xf32, #tpu.memory_space<vmem>>) target(%dma_start3A_196 : memref<320x128xf32, #tpu.memory_space<hbm>>) target_semaphore(%run_scoped3A : memref<!tpu.dma_semaphore, #tpu.memory_space<semaphore_mem>>)
      %dma_wait3A_197 = arith.constant 0 : i32
      %dma_wait3A_198 = tpu.memref_slice %arg4[%add3A_173, %dma_wait3A_197] : memref<163840x128xf32, #tpu.memory_space<hbm>> -> memref<320x128xf32, #tpu.memory_space<hbm>>
      %dma_wait3A_199 = arith.constant 0 : i32
      %dma_wait3A_200 = tpu.memref_slice %arg4[%add3A_173, %dma_wait3A_199] : memref<163840x128xf32, #tpu.memory_space<hbm>> -> memref<320x128xf32, #tpu.memory_space<hbm>>
      tpu.wait_dma2 semaphore(%run_scoped3A : memref<!tpu.dma_semaphore, #tpu.memory_space<semaphore_mem>>) src(%arg7 : memref<320x128xf32, #tpu.memory_space<vmem>>) dst(%dma_wait3A_200 : memref<320x128xf32, #tpu.memory_space<hbm>>)
      tpu.yield
    }) : () -> ()
    %dma_wait3A_174 = arith.constant 4480 : i32
    %dma_wait3A_175 = tpu.memref_slice %arg5[%dma_wait3A_174] : memref<5120xi32, #tpu.memory_space<vmem>> -> memref<320xi32, #tpu.memory_space<vmem>>
    %dma_wait3A_176 = arith.constant 0 : i32
    %dma_wait3A_177 = arith.constant 0 : i32
    %dma_wait3A_178 = tpu.memref_slice %arg2[%dma_wait3A_176, %dma_wait3A_177] : memref<8192x128xf32, #tpu.memory_space<hbm>> -> memref<8192x128xf32, #tpu.memory_space<hbm>>
    tpu.wait_indirect_dma semaphore(%arg8 : memref<!tpu.dma_semaphore, #tpu.memory_space<semaphore_mem>>) src(%dma_wait3A_178 : memref<8192x128xf32, #tpu.memory_space<hbm>>) dst(%arg6 : memref<320x128xf32, #tpu.memory_space<vmem>>)
    %dma_start3A_179 = arith.constant 4800 : i32
    %dma_start3A_180 = tpu.memref_slice %arg5[%dma_start3A_179] : memref<5120xi32, #tpu.memory_space<vmem>> -> memref<320xi32, #tpu.memory_space<vmem>>
    %dma_start3A_181 = arith.constant 0 : i32
    %dma_start3A_182 = arith.constant 0 : i32
    %dma_start3A_183 = tpu.memref_slice %arg2[%dma_start3A_181, %dma_start3A_182] : memref<8192x128xf32, #tpu.memory_space<hbm>> -> memref<8192x128xf32, #tpu.memory_space<hbm>>
    tpu.enqueue_indirect_dma source(%dma_start3A_183 : memref<8192x128xf32, #tpu.memory_space<hbm>>) target(%arg7 : memref<320x128xf32, #tpu.memory_space<vmem>>) offsets(%dma_start3A_180 : memref<320xi32, #tpu.memory_space<vmem>>) semaphore(%arg9 : memref<!tpu.dma_semaphore, #tpu.memory_space<semaphore_mem>>)
    %add3A_184 = arith.constant 4480 : i32
    %add3A_185 = arith.addi %mul3A_2, %add3A_184 : i32
    "tpu.region"() ({
      %run_scoped3A = tpu.sem_alloc : memref<!tpu.dma_semaphore, #tpu.memory_space<semaphore_mem>>
      %dma_start3A_193 = arith.constant 0 : i32
      %dma_start3A_194 = tpu.memref_slice %arg4[%add3A_185, %dma_start3A_193] : memref<163840x128xf32, #tpu.memory_space<hbm>> -> memref<320x128xf32, #tpu.memory_space<hbm>>
      %dma_start3A_195 = arith.constant 0 : i32
      %dma_start3A_196 = tpu.memref_slice %arg4[%add3A_185, %dma_start3A_195] : memref<163840x128xf32, #tpu.memory_space<hbm>> -> memref<320x128xf32, #tpu.memory_space<hbm>>
      tpu.enqueue_dma source(%arg6 : memref<320x128xf32, #tpu.memory_space<vmem>>) target(%dma_start3A_196 : memref<320x128xf32, #tpu.memory_space<hbm>>) target_semaphore(%run_scoped3A : memref<!tpu.dma_semaphore, #tpu.memory_space<semaphore_mem>>)
      %dma_wait3A_197 = arith.constant 0 : i32
      %dma_wait3A_198 = tpu.memref_slice %arg4[%add3A_185, %dma_wait3A_197] : memref<163840x128xf32, #tpu.memory_space<hbm>> -> memref<320x128xf32, #tpu.memory_space<hbm>>
      %dma_wait3A_199 = arith.constant 0 : i32
      %dma_wait3A_200 = tpu.memref_slice %arg4[%add3A_185, %dma_wait3A_199] : memref<163840x128xf32, #tpu.memory_space<hbm>> -> memref<320x128xf32, #tpu.memory_space<hbm>>
      tpu.wait_dma2 semaphore(%run_scoped3A : memref<!tpu.dma_semaphore, #tpu.memory_space<semaphore_mem>>) src(%arg6 : memref<320x128xf32, #tpu.memory_space<vmem>>) dst(%dma_wait3A_200 : memref<320x128xf32, #tpu.memory_space<hbm>>)
      tpu.yield
    }) : () -> ()
    %dma_wait3A_186 = arith.constant 4800 : i32
    %dma_wait3A_187 = tpu.memref_slice %arg5[%dma_wait3A_186] : memref<5120xi32, #tpu.memory_space<vmem>> -> memref<320xi32, #tpu.memory_space<vmem>>
    %dma_wait3A_188 = arith.constant 0 : i32
    %dma_wait3A_189 = arith.constant 0 : i32
    %dma_wait3A_190 = tpu.memref_slice %arg2[%dma_wait3A_188, %dma_wait3A_189] : memref<8192x128xf32, #tpu.memory_space<hbm>> -> memref<8192x128xf32, #tpu.memory_space<hbm>>
    tpu.wait_indirect_dma semaphore(%arg9 : memref<!tpu.dma_semaphore, #tpu.memory_space<semaphore_mem>>) src(%dma_wait3A_190 : memref<8192x128xf32, #tpu.memory_space<hbm>>) dst(%arg7 : memref<320x128xf32, #tpu.memory_space<vmem>>)
    %add3A_191 = arith.constant 4800 : i32
    %add3A_192 = arith.addi %mul3A_2, %add3A_191 : i32
    "tpu.region"() ({
      %run_scoped3A = tpu.sem_alloc : memref<!tpu.dma_semaphore, #tpu.memory_space<semaphore_mem>>
      %dma_start3A_193 = arith.constant 0 : i32
      %dma_start3A_194 = tpu.memref_slice %arg4[%add3A_192, %dma_start3A_193] : memref<163840x128xf32, #tpu.memory_space<hbm>> -> memref<320x128xf32, #tpu.memory_space<hbm>>
      %dma_start3A_195 = arith.constant 0 : i32
      %dma_start3A_196 = tpu.memref_slice %arg4[%add3A_192, %dma_start3A_195] : memref<163840x128xf32, #tpu.memory_space<hbm>> -> memref<320x128xf32, #tpu.memory_space<hbm>>
      tpu.enqueue_dma source(%arg7 : memref<320x128xf32, #tpu.memory_space<vmem>>) target(%dma_start3A_196 : memref<320x128xf32, #tpu.memory_space<hbm>>) target_semaphore(%run_scoped3A : memref<!tpu.dma_semaphore, #tpu.memory_space<semaphore_mem>>)
      %dma_wait3A_197 = arith.constant 0 : i32
      %dma_wait3A_198 = tpu.memref_slice %arg4[%add3A_192, %dma_wait3A_197] : memref<163840x128xf32, #tpu.memory_space<hbm>> -> memref<320x128xf32, #tpu.memory_space<hbm>>
      %dma_wait3A_199 = arith.constant 0 : i32
      %dma_wait3A_200 = tpu.memref_slice %arg4[%add3A_192, %dma_wait3A_199] : memref<163840x128xf32, #tpu.memory_space<hbm>> -> memref<320x128xf32, #tpu.memory_space<hbm>>
      tpu.wait_dma2 semaphore(%run_scoped3A : memref<!tpu.dma_semaphore, #tpu.memory_space<semaphore_mem>>) src(%arg7 : memref<320x128xf32, #tpu.memory_space<vmem>>) dst(%dma_wait3A_200 : memref<320x128xf32, #tpu.memory_space<hbm>>)
      tpu.yield
    }) : () -> ()
    return
  }
}

module attributes {stable_mosaic.version = 14 : i64} {
  func.func @_ffm_body(%arg0: i32, %arg1: memref<1024x8xf32, #tpu.memory_space<vmem>>, %arg2: memref<8x64xf32, #tpu.memory_space<vmem>>, %arg3: memref<1x64xf32, #tpu.memory_space<vmem>>, %arg4: memref<1024x64xf32, #tpu.memory_space<vmem>>) attributes {dimension_semantics = [#tpu.dimension_semantics<arbitrary>], iteration_bounds = array<i64: 8>, scalar_prefetch = 0 : i64, scratch_operands = 0 : i64, tpu.core_type = #tpu.core_type<tc>, window_params = [{transform_indices = @transform_0, window_bounds = array<i64: 1024, 8>}, {pipeline_mode = #tpu.pipeline_mode<synchronous>, transform_indices = @transform_1, window_bounds = array<i64: 8, 64>}, {pipeline_mode = #tpu.pipeline_mode<synchronous>, transform_indices = @transform_2, window_bounds = array<i64: 1, 64>}, {transform_indices = @transform_3, window_bounds = array<i64: 1024, 64>}]} {
    %get3A = arith.constant 0 : index
    %get3A_0 = arith.constant 0 : index
    %get3A_1 = vector.load %arg1[%get3A, %get3A_0] : memref<1024x8xf32, #tpu.memory_space<vmem>>, vector<1024x8xf32>
    %get3A_2 = arith.constant 0 : index
    %get3A_3 = arith.constant 0 : index
    %get3A_4 = vector.load %arg2[%get3A_2, %get3A_3] : memref<8x64xf32, #tpu.memory_space<vmem>>, vector<8x64xf32>
    %dot_general3A = arith.constant dense<0.000000e+00> : vector<1024x64xf32>
    %dot_general3A_5 = tpu.matmul %get3A_1, %get3A_4, %dot_general3A {dimension_numbers = #tpu.dot_dimension_numbers<[1], [0], [0], [1], [0, 0, 1, 1], [], []>, transpose_lhs_hint = false} : vector<1024x8xf32>, vector<8x64xf32>, vector<1024x64xf32> -> vector<1024x64xf32>
    %get3A_6 = arith.constant 0 : index
    %get3A_7 = arith.constant 0 : index
    %get3A_8 = vector.load %arg3[%get3A_6, %get3A_7] : memref<1x64xf32, #tpu.memory_space<vmem>>, vector<1x64xf32>
    %add3A = vector.broadcast %get3A_8 : vector<1x64xf32> to vector<1024x64xf32>
    %add3A_9 = arith.addf %dot_general3A_5, %add3A : vector<1024x64xf32>
    %swap3A = arith.constant 0 : index
    %swap3A_10 = arith.constant 0 : index
    %swap3A_11 = vector.load %arg4[%swap3A, %swap3A_10] : memref<1024x64xf32, #tpu.memory_space<vmem>>, vector<1024x64xf32>
    tpu.vector_store %arg4[%swap3A, %swap3A_10], %add3A_9 {strides = array<i32>} : memref<1024x64xf32, #tpu.memory_space<vmem>>, vector<1024x64xf32>,
    return
  }
  func.func @transform_0(%arg0: i32) -> (i32, i32) {
    %c0_i32 = arith.constant 0 : i32
    %c0_i32_0 = arith.constant 0 : i32
    return %arg0, %c0_i32 : i32, i32
  }
  func.func @transform_1(%arg0: i32) -> (i32, i32) {
    %c0_i32 = arith.constant 0 : i32
    %c0_i32_0 = arith.constant 0 : i32
    %c0_i32_1 = arith.constant 0 : i32
    return %c0_i32, %c0_i32_0 : i32, i32
  }
  func.func @transform_2(%arg0: i32) -> (i32, i32) {
    %c0_i32 = arith.constant 0 : i32
    %c0_i32_0 = arith.constant 0 : i32
    %c0_i32_1 = arith.constant 0 : i32
    return %c0_i32, %c0_i32_0 : i32, i32
  }
  func.func @transform_3(%arg0: i32) -> (i32, i32) {
    %c0_i32 = arith.constant 0 : i32
    %c0_i32_0 = arith.constant 0 : i32
    return %arg0, %c0_i32 : i32, i32
  }
}

module attributes {stable_mosaic.version = 14 : i64} {
  func.func @_pre_body(%arg0: i32, %arg1: memref<1024x64xf32, #tpu.memory_space<vmem>>, %arg2: memref<128x64xf32, #tpu.memory_space<vmem>>, %arg3: memref<1x64xf32, #tpu.memory_space<vmem>>, %arg4: memref<1024x64xf32, #tpu.memory_space<vmem>>, %arg5: memref<1024x128xf32, #tpu.memory_space<vmem>>, %arg6: memref<1024x1xf32, #tpu.memory_space<vmem>>) attributes {dimension_semantics = [#tpu.dimension_semantics<arbitrary>], iteration_bounds = array<i64: 8>, scalar_prefetch = 0 : i64, scratch_operands = 0 : i64, tpu.core_type = #tpu.core_type<tc>, window_params = [{transform_indices = @transform_0, window_bounds = array<i64: 1024, 64>}, {pipeline_mode = #tpu.pipeline_mode<synchronous>, transform_indices = @transform_1, window_bounds = array<i64: 128, 64>}, {pipeline_mode = #tpu.pipeline_mode<synchronous>, transform_indices = @transform_2, window_bounds = array<i64: 1, 64>}, {transform_indices = @transform_3, window_bounds = array<i64: 1024, 64>}, {transform_indices = @transform_4, window_bounds = array<i64: 1024, 128>}, {transform_indices = @transform_5, window_bounds = array<i64: 1024, 1>}]} {
    %get3A = arith.constant 0 : index
    %get3A_0 = arith.constant 0 : index
    %get3A_1 = vector.load %arg1[%get3A, %get3A_0] : memref<1024x64xf32, #tpu.memory_space<vmem>>, vector<1024x64xf32>
    %get3A_2 = arith.constant 0 : index
    %get3A_3 = arith.constant 0 : index
    %get3A_4 = vector.load %arg2[%get3A_2, %get3A_3] : memref<128x64xf32, #tpu.memory_space<vmem>>, vector<64x64xf32>
    %get3A_5 = arith.constant 64 : index
    %get3A_6 = arith.constant 0 : index
    %get3A_7 = vector.load %arg2[%get3A_5, %get3A_6] : memref<128x64xf32, #tpu.memory_space<vmem>>, vector<64x64xf32>
    %sub3A = arith.subf %get3A_4, %get3A_7 : vector<64x64xf32>
    %dot_general3A = arith.constant dense<0.000000e+00> : vector<1024x64xf32>
    %dot_general3A_8 = tpu.matmul %get3A_1, %sub3A, %dot_general3A {dimension_numbers = #tpu.dot_dimension_numbers<[1], [0], [0], [1], [0, 0, 1, 1], [], []>, transpose_lhs_hint = false} : vector<1024x64xf32>, vector<64x64xf32>, vector<1024x64xf32> -> vector<1024x64xf32>
    %get3A_9 = arith.constant 0 : index
    %get3A_10 = arith.constant 0 : index
    %get3A_11 = vector.load %arg3[%get3A_9, %get3A_10] : memref<1x64xf32, #tpu.memory_space<vmem>>, vector<1x64xf32>
    %add3A = vector.broadcast %get3A_11 : vector<1x64xf32> to vector<1024x64xf32>
    %add3A_12 = arith.addf %dot_general3A_8, %add3A : vector<1024x64xf32>
    %swap3A = arith.constant 0 : index
    %swap3A_13 = arith.constant 0 : index
    %swap3A_14 = vector.load %arg4[%swap3A, %swap3A_13] : memref<1024x64xf32, #tpu.memory_space<vmem>>, vector<1024x64xf32>
    tpu.vector_store %arg4[%swap3A, %swap3A_13], %add3A_12 {strides = array<i32>} : memref<1024x64xf32, #tpu.memory_space<vmem>>, vector<1024x64xf32>,
    %dot_general3A_15 = arith.constant dense<0.000000e+00> : vector<1024x64xf32>
    %dot_general3A_16 = tpu.matmul %get3A_1, %get3A_7, %dot_general3A_15 {dimension_numbers = #tpu.dot_dimension_numbers<[1], [0], [0], [1], [0, 0, 1, 1], [], []>, transpose_lhs_hint = false} : vector<1024x64xf32>, vector<64x64xf32>, vector<1024x64xf32> -> vector<1024x64xf32>
    %swap3A_17 = arith.constant 0 : index
    %swap3A_18 = arith.constant 0 : index
    %swap3A_19 = vector.load %arg5[%swap3A_17, %swap3A_18] : memref<1024x128xf32, #tpu.memory_space<vmem>>, vector<1024x64xf32>
    tpu.vector_store %arg5[%swap3A_17, %swap3A_18], %dot_general3A_16 {strides = array<i32>} : memref<1024x128xf32, #tpu.memory_space<vmem>>, vector<1024x64xf32>,
    %mul3A = arith.mulf %get3A_1, %get3A_1 : vector<1024x64xf32>
    %reduce_sum3A = arith.constant dense<0.000000e+00> : vector<1024xf32>
    %reduce_sum3A_20 = vector.multi_reduction <add>, %mul3A, %reduce_sum3A [1] : vector<1024x64xf32> to vector<1024xf32>
    %broadcast_in_dim3A = vector.shape_cast %reduce_sum3A_20 : vector<1024xf32> to vector<1024x1xf32>
    %swap3A_21 = arith.constant 0 : index
    %swap3A_22 = arith.constant 0 : index
    %swap3A_23 = vector.load %arg6[%swap3A_21, %swap3A_22] : memref<1024x1xf32, #tpu.memory_space<vmem>>, vector<1024x1xf32>
    tpu.vector_store %arg6[%swap3A_21, %swap3A_22], %broadcast_in_dim3A {strides = array<i32>} : memref<1024x1xf32, #tpu.memory_space<vmem>>, vector<1024x1xf32>,
    return
  }
  func.func @transform_0(%arg0: i32) -> (i32, i32) {
    %c0_i32 = arith.constant 0 : i32
    %c0_i32_0 = arith.constant 0 : i32
    return %arg0, %c0_i32 : i32, i32
  }
  func.func @transform_1(%arg0: i32) -> (i32, i32) {
    %c0_i32 = arith.constant 0 : i32
    %c0_i32_0 = arith.constant 0 : i32
    %c0_i32_1 = arith.constant 0 : i32
    return %c0_i32, %c0_i32_0 : i32, i32
  }
  func.func @transform_2(%arg0: i32) -> (i32, i32) {
    %c0_i32 = arith.constant 0 : i32
    %c0_i32_0 = arith.constant 0 : i32
    %c0_i32_1 = arith.constant 0 : i32
    return %c0_i32, %c0_i32_0 : i32, i32
  }
  func.func @transform_3(%arg0: i32) -> (i32, i32) {
    %c0_i32 = arith.constant 0 : i32
    %c0_i32_0 = arith.constant 0 : i32
    return %arg0, %c0_i32 : i32, i32
  }
  func.func @transform_4(%arg0: i32) -> (i32, i32) {
    %c0_i32 = arith.constant 0 : i32
    %c0_i32_0 = arith.constant 0 : i32
    return %arg0, %c0_i32 : i32, i32
  }
  func.func @transform_5(%arg0: i32) -> (i32, i32) {
    %c0_i32 = arith.constant 0 : i32
    %c0_i32_0 = arith.constant 0 : i32
    return %arg0, %c0_i32 : i32, i32
  }
}

module attributes {stable_mosaic.version = 14 : i64} {
  func.func @_topk_body(%arg0: i32, %arg1: memref<64x2xi32, #tpu.memory_space<smem>>, %arg2: memref<1x128x64xf32, #tpu.memory_space<vmem>>, %arg3: memref<32x256x64xf32, #tpu.memory_space<vmem>>, %arg4: memref<1x1x128xf32, #tpu.memory_space<vmem>>, %arg5: memref<32x256x1xf32, #tpu.memory_space<vmem>>, %arg6: memref<1x1x128xf32, #tpu.memory_space<vmem>>, %arg7: memref<32x256x1xf32, #tpu.memory_space<vmem>>, %arg8: memref<1x32x128xi32, #tpu.memory_space<vmem>>, %arg9: memref<32x256x128xf32, #tpu.memory_space<vmem>>) attributes {dimension_semantics = [#tpu.dimension_semantics<arbitrary>], iteration_bounds = array<i64: 64>, scalar_prefetch = 1 : i64, scratch_operands = 1 : i64, tpu.core_type = #tpu.core_type<tc>, window_params = [{transform_indices = @transform_0, window_bounds = array<i64: 1, 128, 64>}, {pipeline_mode = #tpu.pipeline_mode<synchronous>, transform_indices = @transform_1, window_bounds = array<i64: 32, 256, 64>}, {transform_indices = @transform_2, window_bounds = array<i64: 1, 1, 128>}, {pipeline_mode = #tpu.pipeline_mode<synchronous>, transform_indices = @transform_3, window_bounds = array<i64: 32, 256, 1>}, {transform_indices = @transform_4, window_bounds = array<i64: 1, 1, 128>}, {pipeline_mode = #tpu.pipeline_mode<synchronous>, transform_indices = @transform_5, window_bounds = array<i64: 32, 256, 1>}, {transform_indices = @transform_6, window_bounds = array<i64: 1, 32, 128>}]} {
    %get3A = arith.index_cast %arg0 : i32 to index
    %get3A_0 = arith.constant 0 : index
    %get3A_1 = memref.load %arg1[%get3A, %get3A_0] : memref<64x2xi32, #tpu.memory_space<smem>>
    %get3A_2 = arith.index_cast %arg0 : i32 to index
    %get3A_3 = arith.constant 1 : index
    %get3A_4 = memref.load %arg1[%get3A_2, %get3A_3] : memref<64x2xi32, #tpu.memory_space<smem>>
    %get3A_5 = arith.constant 0 : index
    %get3A_6 = arith.constant 0 : index
    %get3A_7 = arith.constant 0 : index
    %get3A_8 = vector.load %arg2[%get3A_5, %get3A_6, %get3A_7] : memref<1x128x64xf32, #tpu.memory_space<vmem>>, vector<1x128x64xf32>
    %get3A_9 = vector.shape_cast %get3A_8 : vector<1x128x64xf32> to vector<128x64xf32>
    %get3A_10 = arith.constant 0 : index
    %get3A_11 = arith.constant 0 : index
    %get3A_12 = arith.constant 0 : index
    %get3A_13 = vector.load %arg4[%get3A_10, %get3A_11, %get3A_12] : memref<1x1x128xf32, #tpu.memory_space<vmem>>, vector<1x1x128xf32>
    %get3A_14 = vector.shape_cast %get3A_13 : vector<1x1x128xf32> to vector<1x128xf32>
    %get3A_15 = arith.constant 0 : index
    %get3A_16 = arith.constant 0 : index
    %get3A_17 = arith.constant 0 : index
    %get3A_18 = vector.load %arg6[%get3A_15, %get3A_16, %get3A_17] : memref<1x1x128xf32, #tpu.memory_space<vmem>>, vector<1x1x128xf32>
    %get3A_19 = vector.shape_cast %get3A_18 : vector<1x1x128xf32> to vector<1x128xf32>
    %iota3A = tpu.iota {dimensions = array<i32: 0>} : vector<256x128xi32>
    %broadcast_in_dim3A = arith.constant 0x7F800000 : f32
    %broadcast_in_dim3A_20 = vector.broadcast %broadcast_in_dim3A : f32 to vector<1x128xf32>
    %broadcast_in_dim3A_21 = arith.constant 1073741824 : i32
    %broadcast_in_dim3A_22 = vector.broadcast %broadcast_in_dim3A_21 : i32 to vector<1x128xi32>
    %while3A = arith.subi %get3A_4, %get3A_1 : i32
    %while3A_23 = arith.addi %get3A_1, %while3A : i32
    %while3A_24 = arith.constant 1 : i32
    %while3A_25 = arith.divsi %while3A, %while3A_24 : i32
    %while3A_26 = arith.muli %while3A_25, %while3A_24 : i32
    %while3A_27 = arith.addi %get3A_1, %while3A_26 : i32
    %while3A_28 = arith.constant 1 : i32
    %while3A_29:4 = scf.for %while3A_244 = %get3A_1 to %while3A_27 step %while3A_28 iter_args(%while3A_245 = %broadcast_in_dim3A_20, %while3A_246 = %broadcast_in_dim3A_22, %while3A_247 = %broadcast_in_dim3A_20, %while3A_248 = %broadcast_in_dim3A_22) -> (vector<1x128xf32>, vector<1x128xi32>, vector<1x128xf32>, vector<1x128xi32>)  : i32 {
      %get3A_249 = arith.index_cast %while3A_244 : i32 to index
      %get3A_250 = arith.constant 0 : index
      %get3A_251 = arith.constant 0 : index
      %get3A_252 = vector.load %arg3[%get3A_249, %get3A_250, %get3A_251] : memref<32x256x64xf32, #tpu.memory_space<vmem>>, vector<1x256x64xf32>
      %get3A_253 = vector.shape_cast %get3A_252 : vector<1x256x64xf32> to vector<256x64xf32>
      %dot_general3A = arith.constant dense<0.000000e+00> : vector<256x128xf32>
      %dot_general3A_254 = tpu.matmul %get3A_253, %get3A_9, %dot_general3A {dimension_numbers = #tpu.dot_dimension_numbers<[1], [1], [0], [0], [0, 0, 1, 0], [], []>, transpose_lhs_hint = false} : vector<256x64xf32>, vector<128x64xf32>, vector<256x128xf32> -> vector<256x128xf32>
      %mul3A = arith.constant 2.000000e+00 : f32
      %mul3A_255 = vector.broadcast %mul3A : f32 to vector<256x128xf32>
      %mul3A_256 = arith.mulf %mul3A_255, %dot_general3A_254 : vector<256x128xf32>
      %sub3A = vector.broadcast %get3A_14 : vector<1x128xf32> to vector<256x128xf32>
      %sub3A_257 = arith.subf %sub3A, %mul3A_256 : vector<256x128xf32>
      %get3A_258 = arith.index_cast %while3A_244 : i32 to index
      %get3A_259 = arith.constant 0 : index
      %get3A_260 = arith.constant 0 : index
      %get3A_261 = vector.load %arg5[%get3A_258, %get3A_259, %get3A_260] : memref<32x256x1xf32, #tpu.memory_space<vmem>>, vector<1x256x1xf32>
      %get3A_262 = vector.shape_cast %get3A_261 : vector<1x256x1xf32> to vector<256x1xf32>
      %add3A = vector.broadcast %get3A_262 : vector<256x1xf32> to vector<256x128xf32>
      %add3A_263 = arith.addf %sub3A_257, %add3A : vector<256x128xf32>
      %get3A_264 = arith.index_cast %while3A_244 : i32 to index
      %get3A_265 = arith.constant 0 : index
      %get3A_266 = arith.constant 0 : index
      %get3A_267 = vector.load %arg7[%get3A_264, %get3A_265, %get3A_266] : memref<32x256x1xf32, #tpu.memory_space<vmem>>, vector<1x256x1xf32>
      %get3A_268 = vector.shape_cast %get3A_267 : vector<1x256x1xf32> to vector<256x1xf32>
      %ne3A = vector.broadcast %get3A_19 : vector<1x128xf32> to vector<256x128xf32>
      %ne3A_269 = vector.broadcast %get3A_268 : vector<256x1xf32> to vector<256x128xf32>
      %ne3A_270 = arith.cmpf one, %ne3A, %ne3A_269 : vector<256x128xf32>
      %jit3A_271 = arith.constant 0x7F800000 : f32
      %broadcast_in_dim3A_272 = vector.broadcast %jit3A_271 : f32 to vector<256x128xf32>
      %select_n3A = arith.select %ne3A_270, %broadcast_in_dim3A_272, %add3A_263 : vector<256x128xi1>, vector<256x128xf32>
      %swap3A_273 = arith.index_cast %while3A_244 : i32 to index
      %swap3A_274 = arith.constant 0 : index
      %swap3A_275 = arith.constant 0 : index
      %swap3A_276 = vector.load %arg9[%swap3A_273, %swap3A_274, %swap3A_275] : memref<32x256x128xf32, #tpu.memory_space<vmem>>, vector<1x256x128xf32>
      %swap3A_277 = vector.shape_cast %swap3A_276 : vector<1x256x128xf32> to vector<256x128xf32>
      %swap3A_278 = vector.shape_cast %select_n3A : vector<256x128xf32> to vector<1x256x128xf32>
      tpu.vector_store %arg9[%swap3A_273, %swap3A_274, %swap3A_275], %swap3A_278 {strides = array<i32>} : memref<32x256x128xf32, #tpu.memory_space<vmem>>, vector<1x256x128xf32>,
      %reduce_min3A = arith.constant dense<0x7F800000> : vector<128xf32>
      %reduce_min3A_279 = vector.multi_reduction <minimumf>, %select_n3A, %reduce_min3A [0] : vector<256x128xf32> to vector<128xf32>
      %broadcast_in_dim3A_280 = vector.shape_cast %reduce_min3A_279 : vector<128xf32> to vector<1x128xf32>
      %argmin3A = tpu.reduce_index %select_n3A {axis = 0 : i32, kind = #tpu.reduction_kind<arg_min>} : vector<256x128xf32> -> vector<128xi32>
      %reshape3A = vector.shape_cast %argmin3A : vector<128xi32> to vector<1x128xi32>
      %mul3A_281 = arith.constant 256 : i32
      %mul3A_282 = arith.muli %while3A_244, %mul3A_281 : i32
      %add3A_283 = vector.broadcast %mul3A_282 : i32 to vector<1x128xi32>
      %add3A_284 = arith.addi %reshape3A, %add3A_283 : vector<1x128xi32>
      %eq3A = vector.broadcast %reshape3A : vector<1x128xi32> to vector<256x128xi32>
      %eq3A_285 = arith.cmpi eq, %iota3A, %eq3A : vector<256x128xi32>
      %jit3A_286 = arith.constant 0x7F800000 : f32
      %broadcast_in_dim3A_287 = vector.broadcast %jit3A_286 : f32 to vector<256x128xf32>
      %select_n3A_288 = arith.select %eq3A_285, %broadcast_in_dim3A_287, %select_n3A : vector<256x128xi1>, vector<256x128xf32>
      %reduce_min3A_289 = arith.constant dense<0x7F800000> : vector<128xf32>
      %reduce_min3A_290 = vector.multi_reduction <minimumf>, %select_n3A_288, %reduce_min3A_289 [0] : vector<256x128xf32> to vector<128xf32>
      %broadcast_in_dim3A_291 = vector.shape_cast %reduce_min3A_290 : vector<128xf32> to vector<1x128xf32>
      %argmin3A_292 = tpu.reduce_index %select_n3A_288 {axis = 0 : i32, kind = #tpu.reduction_kind<arg_min>} : vector<256x128xf32> -> vector<128xi32>
      %reshape3A_293 = vector.shape_cast %argmin3A_292 : vector<128xi32> to vector<1x128xi32>
      %mul3A_294 = arith.constant 256 : i32
      %mul3A_295 = arith.muli %while3A_244, %mul3A_294 : i32
      %add3A_296 = vector.broadcast %mul3A_295 : i32 to vector<1x128xi32>
      %add3A_297 = arith.addi %reshape3A_293, %add3A_296 : vector<1x128xi32>
      %lt3A = arith.cmpf olt, %broadcast_in_dim3A_280, %while3A_245 : vector<1x128xf32>
      %eq3A_298 = arith.cmpf oeq, %broadcast_in_dim3A_280, %while3A_245 : vector<1x128xf32>
      %lt3A_299 = arith.cmpi slt, %add3A_284, %while3A_246 : vector<1x128xi32>
      %and3A = arith.andi %eq3A_298, %lt3A_299 : vector<1x128xi1>
      %or3A = arith.ori %lt3A, %and3A : vector<1x128xi1>
      %select_n3A_300 = arith.select %or3A, %broadcast_in_dim3A_280, %while3A_245 : vector<1x128xi1>, vector<1x128xf32>
      %select_n3A_301 = arith.select %or3A, %add3A_284, %while3A_246 : vector<1x128xi1>, vector<1x128xi32>
      %select_n3A_302 = arith.select %or3A, %while3A_245, %broadcast_in_dim3A_280 : vector<1x128xi1>, vector<1x128xf32>
      %select_n3A_303 = arith.select %or3A, %while3A_246, %add3A_284 : vector<1x128xi1>, vector<1x128xi32>
      %select_n3A_304 = arith.select %or3A, %broadcast_in_dim3A_291, %while3A_247 : vector<1x128xi1>, vector<1x128xf32>
      %select_n3A_305 = arith.select %or3A, %add3A_297, %while3A_248 : vector<1x128xi1>, vector<1x128xi32>
      %lt3A_306 = arith.cmpf olt, %select_n3A_302, %select_n3A_304 : vector<1x128xf32>
      %eq3A_307 = arith.cmpf oeq, %select_n3A_302, %select_n3A_304 : vector<1x128xf32>
      %lt3A_308 = arith.cmpi slt, %select_n3A_303, %select_n3A_305 : vector<1x128xi32>
      %and3A_309 = arith.andi %eq3A_307, %lt3A_308 : vector<1x128xi1>
      %or3A_310 = arith.ori %lt3A_306, %and3A_309 : vector<1x128xi1>
      %select_n3A_311 = arith.select %or3A_310, %select_n3A_302, %select_n3A_304 : vector<1x128xi1>, vector<1x128xf32>
      %select_n3A_312 = arith.select %or3A_310, %select_n3A_303, %select_n3A_305 : vector<1x128xi1>, vector<1x128xi32>
      scf.yield %select_n3A_300, %select_n3A_301, %select_n3A_311, %select_n3A_312 : vector<1x128xf32>, vector<1x128xi32>, vector<1x128xf32>, vector<1x128xi32>
    }
    %while3A_30 = arith.constant 1 : i32
    %while3A_31:4 = scf.for %while3A_244 = %while3A_27 to %while3A_23 step %while3A_30 iter_args(%while3A_245 = %while3A_29#0, %while3A_246 = %while3A_29#1, %while3A_247 = %while3A_29#2, %while3A_248 = %while3A_29#3) -> (vector<1x128xf32>, vector<1x128xi32>, vector<1x128xf32>, vector<1x128xi32>)  : i32 {
      %get3A_249 = arith.index_cast %while3A_244 : i32 to index
      %get3A_250 = arith.constant 0 : index
      %get3A_251 = arith.constant 0 : index
      %get3A_252 = vector.load %arg3[%get3A_249, %get3A_250, %get3A_251] : memref<32x256x64xf32, #tpu.memory_space<vmem>>, vector<1x256x64xf32>
      %get3A_253 = vector.shape_cast %get3A_252 : vector<1x256x64xf32> to vector<256x64xf32>
      %dot_general3A = arith.constant dense<0.000000e+00> : vector<256x128xf32>
      %dot_general3A_254 = tpu.matmul %get3A_253, %get3A_9, %dot_general3A {dimension_numbers = #tpu.dot_dimension_numbers<[1], [1], [0], [0], [0, 0, 1, 0], [], []>, transpose_lhs_hint = false} : vector<256x64xf32>, vector<128x64xf32>, vector<256x128xf32> -> vector<256x128xf32>
      %mul3A = arith.constant 2.000000e+00 : f32
      %mul3A_255 = vector.broadcast %mul3A : f32 to vector<256x128xf32>
      %mul3A_256 = arith.mulf %mul3A_255, %dot_general3A_254 : vector<256x128xf32>
      %sub3A = vector.broadcast %get3A_14 : vector<1x128xf32> to vector<256x128xf32>
      %sub3A_257 = arith.subf %sub3A, %mul3A_256 : vector<256x128xf32>
      %get3A_258 = arith.index_cast %while3A_244 : i32 to index
      %get3A_259 = arith.constant 0 : index
      %get3A_260 = arith.constant 0 : index
      %get3A_261 = vector.load %arg5[%get3A_258, %get3A_259, %get3A_260] : memref<32x256x1xf32, #tpu.memory_space<vmem>>, vector<1x256x1xf32>
      %get3A_262 = vector.shape_cast %get3A_261 : vector<1x256x1xf32> to vector<256x1xf32>
      %add3A = vector.broadcast %get3A_262 : vector<256x1xf32> to vector<256x128xf32>
      %add3A_263 = arith.addf %sub3A_257, %add3A : vector<256x128xf32>
      %get3A_264 = arith.index_cast %while3A_244 : i32 to index
      %get3A_265 = arith.constant 0 : index
      %get3A_266 = arith.constant 0 : index
      %get3A_267 = vector.load %arg7[%get3A_264, %get3A_265, %get3A_266] : memref<32x256x1xf32, #tpu.memory_space<vmem>>, vector<1x256x1xf32>
      %get3A_268 = vector.shape_cast %get3A_267 : vector<1x256x1xf32> to vector<256x1xf32>
      %ne3A = vector.broadcast %get3A_19 : vector<1x128xf32> to vector<256x128xf32>
      %ne3A_269 = vector.broadcast %get3A_268 : vector<256x1xf32> to vector<256x128xf32>
      %ne3A_270 = arith.cmpf one, %ne3A, %ne3A_269 : vector<256x128xf32>
      %jit3A_271 = arith.constant 0x7F800000 : f32
      %broadcast_in_dim3A_272 = vector.broadcast %jit3A_271 : f32 to vector<256x128xf32>
      %select_n3A = arith.select %ne3A_270, %broadcast_in_dim3A_272, %add3A_263 : vector<256x128xi1>, vector<256x128xf32>
      %swap3A_273 = arith.index_cast %while3A_244 : i32 to index
      %swap3A_274 = arith.constant 0 : index
      %swap3A_275 = arith.constant 0 : index
      %swap3A_276 = vector.load %arg9[%swap3A_273, %swap3A_274, %swap3A_275] : memref<32x256x128xf32, #tpu.memory_space<vmem>>, vector<1x256x128xf32>
      %swap3A_277 = vector.shape_cast %swap3A_276 : vector<1x256x128xf32> to vector<256x128xf32>
      %swap3A_278 = vector.shape_cast %select_n3A : vector<256x128xf32> to vector<1x256x128xf32>
      tpu.vector_store %arg9[%swap3A_273, %swap3A_274, %swap3A_275], %swap3A_278 {strides = array<i32>} : memref<32x256x128xf32, #tpu.memory_space<vmem>>, vector<1x256x128xf32>,
      %reduce_min3A = arith.constant dense<0x7F800000> : vector<128xf32>
      %reduce_min3A_279 = vector.multi_reduction <minimumf>, %select_n3A, %reduce_min3A [0] : vector<256x128xf32> to vector<128xf32>
      %broadcast_in_dim3A_280 = vector.shape_cast %reduce_min3A_279 : vector<128xf32> to vector<1x128xf32>
      %argmin3A = tpu.reduce_index %select_n3A {axis = 0 : i32, kind = #tpu.reduction_kind<arg_min>} : vector<256x128xf32> -> vector<128xi32>
      %reshape3A = vector.shape_cast %argmin3A : vector<128xi32> to vector<1x128xi32>
      %mul3A_281 = arith.constant 256 : i32
      %mul3A_282 = arith.muli %while3A_244, %mul3A_281 : i32
      %add3A_283 = vector.broadcast %mul3A_282 : i32 to vector<1x128xi32>
      %add3A_284 = arith.addi %reshape3A, %add3A_283 : vector<1x128xi32>
      %eq3A = vector.broadcast %reshape3A : vector<1x128xi32> to vector<256x128xi32>
      %eq3A_285 = arith.cmpi eq, %iota3A, %eq3A : vector<256x128xi32>
      %jit3A_286 = arith.constant 0x7F800000 : f32
      %broadcast_in_dim3A_287 = vector.broadcast %jit3A_286 : f32 to vector<256x128xf32>
      %select_n3A_288 = arith.select %eq3A_285, %broadcast_in_dim3A_287, %select_n3A : vector<256x128xi1>, vector<256x128xf32>
      %reduce_min3A_289 = arith.constant dense<0x7F800000> : vector<128xf32>
      %reduce_min3A_290 = vector.multi_reduction <minimumf>, %select_n3A_288, %reduce_min3A_289 [0] : vector<256x128xf32> to vector<128xf32>
      %broadcast_in_dim3A_291 = vector.shape_cast %reduce_min3A_290 : vector<128xf32> to vector<1x128xf32>
      %argmin3A_292 = tpu.reduce_index %select_n3A_288 {axis = 0 : i32, kind = #tpu.reduction_kind<arg_min>} : vector<256x128xf32> -> vector<128xi32>
      %reshape3A_293 = vector.shape_cast %argmin3A_292 : vector<128xi32> to vector<1x128xi32>
      %mul3A_294 = arith.constant 256 : i32
      %mul3A_295 = arith.muli %while3A_244, %mul3A_294 : i32
      %add3A_296 = vector.broadcast %mul3A_295 : i32 to vector<1x128xi32>
      %add3A_297 = arith.addi %reshape3A_293, %add3A_296 : vector<1x128xi32>
      %lt3A = arith.cmpf olt, %broadcast_in_dim3A_280, %while3A_245 : vector<1x128xf32>
      %eq3A_298 = arith.cmpf oeq, %broadcast_in_dim3A_280, %while3A_245 : vector<1x128xf32>
      %lt3A_299 = arith.cmpi slt, %add3A_284, %while3A_246 : vector<1x128xi32>
      %and3A = arith.andi %eq3A_298, %lt3A_299 : vector<1x128xi1>
      %or3A = arith.ori %lt3A, %and3A : vector<1x128xi1>
      %select_n3A_300 = arith.select %or3A, %broadcast_in_dim3A_280, %while3A_245 : vector<1x128xi1>, vector<1x128xf32>
      %select_n3A_301 = arith.select %or3A, %add3A_284, %while3A_246 : vector<1x128xi1>, vector<1x128xi32>
      %select_n3A_302 = arith.select %or3A, %while3A_245, %broadcast_in_dim3A_280 : vector<1x128xi1>, vector<1x128xf32>
      %select_n3A_303 = arith.select %or3A, %while3A_246, %add3A_284 : vector<1x128xi1>, vector<1x128xi32>
      %select_n3A_304 = arith.select %or3A, %broadcast_in_dim3A_291, %while3A_247 : vector<1x128xi1>, vector<1x128xf32>
      %select_n3A_305 = arith.select %or3A, %add3A_297, %while3A_248 : vector<1x128xi1>, vector<1x128xi32>
      %lt3A_306 = arith.cmpf olt, %select_n3A_302, %select_n3A_304 : vector<1x128xf32>
      %eq3A_307 = arith.cmpf oeq, %select_n3A_302, %select_n3A_304 : vector<1x128xf32>
      %lt3A_308 = arith.cmpi slt, %select_n3A_303, %select_n3A_305 : vector<1x128xi32>
      %and3A_309 = arith.andi %eq3A_307, %lt3A_308 : vector<1x128xi1>
      %or3A_310 = arith.ori %lt3A_306, %and3A_309 : vector<1x128xi1>
      %select_n3A_311 = arith.select %or3A_310, %select_n3A_302, %select_n3A_304 : vector<1x128xi1>, vector<1x128xf32>
      %select_n3A_312 = arith.select %or3A_310, %select_n3A_303, %select_n3A_305 : vector<1x128xi1>, vector<1x128xi32>
      scf.yield %select_n3A_300, %select_n3A_301, %select_n3A_311, %select_n3A_312 : vector<1x128xf32>, vector<1x128xi32>, vector<1x128xf32>, vector<1x128xi32>
    }
    %jit3A = arith.constant 0 : i32
    %jit3A_32 = arith.constant 8191 : i32
    %max3A = vector.broadcast %jit3A : i32 to vector<1x128xi32>
    %max3A_33 = arith.maxsi %max3A, %while3A_31#1 : vector<1x128xi32>
    %min3A = vector.broadcast %jit3A_32 : i32 to vector<1x128xi32>
    %min3A_34 = arith.minsi %min3A, %max3A_33 : vector<1x128xi32>
    %jit3A_35 = arith.constant 0 : i32
    %jit3A_36 = arith.constant 8191 : i32
    %max3A_37 = vector.broadcast %jit3A_35 : i32 to vector<1x128xi32>
    %max3A_38 = arith.maxsi %max3A_37, %while3A_31#3 : vector<1x128xi32>
    %min3A_39 = vector.broadcast %jit3A_36 : i32 to vector<1x128xi32>
    %min3A_40 = arith.minsi %min3A_39, %max3A_38 : vector<1x128xi32>
    %while3A_41 = arith.subi %get3A_4, %get3A_1 : i32
    %while3A_42 = arith.addi %get3A_1, %while3A_41 : i32
    %while3A_43 = arith.constant 1 : i32
    %while3A_44 = arith.divsi %while3A_41, %while3A_43 : i32
    %while3A_45 = arith.muli %while3A_44, %while3A_43 : i32
    %while3A_46 = arith.addi %get3A_1, %while3A_45 : i32
    %while3A_47 = arith.constant 1 : i32
    %while3A_48:4 = scf.for %while3A_244 = %get3A_1 to %while3A_46 step %while3A_47 iter_args(%while3A_245 = %broadcast_in_dim3A_20, %while3A_246 = %broadcast_in_dim3A_22, %while3A_247 = %broadcast_in_dim3A_20, %while3A_248 = %broadcast_in_dim3A_22) -> (vector<1x128xf32>, vector<1x128xi32>, vector<1x128xf32>, vector<1x128xi32>)  : i32 {
      %get3A_249 = arith.index_cast %while3A_244 : i32 to index
      %get3A_250 = arith.constant 0 : index
      %get3A_251 = arith.constant 0 : index
      %get3A_252 = vector.load %arg9[%get3A_249, %get3A_250, %get3A_251] : memref<32x256x128xf32, #tpu.memory_space<vmem>>, vector<1x256x128xf32>
      %get3A_253 = vector.shape_cast %get3A_252 : vector<1x256x128xf32> to vector<256x128xf32>
      %mul3A = arith.constant 256 : i32
      %mul3A_254 = arith.muli %while3A_244, %mul3A : i32
      %add3A = vector.broadcast %mul3A_254 : i32 to vector<256x128xi32>
      %add3A_255 = arith.addi %iota3A, %add3A : vector<256x128xi32>
      %eq3A = vector.broadcast %while3A_31#1 : vector<1x128xi32> to vector<256x128xi32>
      %eq3A_256 = arith.cmpi eq, %add3A_255, %eq3A : vector<256x128xi32>
      %eq3A_257 = vector.broadcast %while3A_31#3 : vector<1x128xi32> to vector<256x128xi32>
      %eq3A_258 = arith.cmpi eq, %add3A_255, %eq3A_257 : vector<256x128xi32>
      %or3A = arith.ori %eq3A_256, %eq3A_258 : vector<256x128xi1>
      %jit3A_259 = arith.constant 0x7F800000 : f32
      %broadcast_in_dim3A_260 = vector.broadcast %jit3A_259 : f32 to vector<256x128xf32>
      %select_n3A = arith.select %or3A, %broadcast_in_dim3A_260, %get3A_253 : vector<256x128xi1>, vector<256x128xf32>
      %swap3A_261 = arith.index_cast %while3A_244 : i32 to index
      %swap3A_262 = arith.constant 0 : index
      %swap3A_263 = arith.constant 0 : index
      %swap3A_264 = vector.load %arg9[%swap3A_261, %swap3A_262, %swap3A_263] : memref<32x256x128xf32, #tpu.memory_space<vmem>>, vector<1x256x128xf32>
      %swap3A_265 = vector.shape_cast %swap3A_264 : vector<1x256x128xf32> to vector<256x128xf32>
      %swap3A_266 = vector.shape_cast %select_n3A : vector<256x128xf32> to vector<1x256x128xf32>
      tpu.vector_store %arg9[%swap3A_261, %swap3A_262, %swap3A_263], %swap3A_266 {strides = array<i32>} : memref<32x256x128xf32, #tpu.memory_space<vmem>>, vector<1x256x128xf32>,
      %reduce_min3A = arith.constant dense<0x7F800000> : vector<128xf32>
      %reduce_min3A_267 = vector.multi_reduction <minimumf>, %select_n3A, %reduce_min3A [0] : vector<256x128xf32> to vector<128xf32>
      %broadcast_in_dim3A_268 = vector.shape_cast %reduce_min3A_267 : vector<128xf32> to vector<1x128xf32>
      %argmin3A = tpu.reduce_index %select_n3A {axis = 0 : i32, kind = #tpu.reduction_kind<arg_min>} : vector<256x128xf32> -> vector<128xi32>
      %reshape3A = vector.shape_cast %argmin3A : vector<128xi32> to vector<1x128xi32>
      %mul3A_269 = arith.constant 256 : i32
      %mul3A_270 = arith.muli %while3A_244, %mul3A_269 : i32
      %add3A_271 = vector.broadcast %mul3A_270 : i32 to vector<1x128xi32>
      %add3A_272 = arith.addi %reshape3A, %add3A_271 : vector<1x128xi32>
      %eq3A_273 = vector.broadcast %reshape3A : vector<1x128xi32> to vector<256x128xi32>
      %eq3A_274 = arith.cmpi eq, %iota3A, %eq3A_273 : vector<256x128xi32>
      %jit3A_275 = arith.constant 0x7F800000 : f32
      %broadcast_in_dim3A_276 = vector.broadcast %jit3A_275 : f32 to vector<256x128xf32>
      %select_n3A_277 = arith.select %eq3A_274, %broadcast_in_dim3A_276, %select_n3A : vector<256x128xi1>, vector<256x128xf32>
      %reduce_min3A_278 = arith.constant dense<0x7F800000> : vector<128xf32>
      %reduce_min3A_279 = vector.multi_reduction <minimumf>, %select_n3A_277, %reduce_min3A_278 [0] : vector<256x128xf32> to vector<128xf32>
      %broadcast_in_dim3A_280 = vector.shape_cast %reduce_min3A_279 : vector<128xf32> to vector<1x128xf32>
      %argmin3A_281 = tpu.reduce_index %select_n3A_277 {axis = 0 : i32, kind = #tpu.reduction_kind<arg_min>} : vector<256x128xf32> -> vector<128xi32>
      %reshape3A_282 = vector.shape_cast %argmin3A_281 : vector<128xi32> to vector<1x128xi32>
      %mul3A_283 = arith.constant 256 : i32
      %mul3A_284 = arith.muli %while3A_244, %mul3A_283 : i32
      %add3A_285 = vector.broadcast %mul3A_284 : i32 to vector<1x128xi32>
      %add3A_286 = arith.addi %reshape3A_282, %add3A_285 : vector<1x128xi32>
      %lt3A = arith.cmpf olt, %broadcast_in_dim3A_268, %while3A_245 : vector<1x128xf32>
      %eq3A_287 = arith.cmpf oeq, %broadcast_in_dim3A_268, %while3A_245 : vector<1x128xf32>
      %lt3A_288 = arith.cmpi slt, %add3A_272, %while3A_246 : vector<1x128xi32>
      %and3A = arith.andi %eq3A_287, %lt3A_288 : vector<1x128xi1>
      %or3A_289 = arith.ori %lt3A, %and3A : vector<1x128xi1>
      %select_n3A_290 = arith.select %or3A_289, %broadcast_in_dim3A_268, %while3A_245 : vector<1x128xi1>, vector<1x128xf32>
      %select_n3A_291 = arith.select %or3A_289, %add3A_272, %while3A_246 : vector<1x128xi1>, vector<1x128xi32>
      %select_n3A_292 = arith.select %or3A_289, %while3A_245, %broadcast_in_dim3A_268 : vector<1x128xi1>, vector<1x128xf32>
      %select_n3A_293 = arith.select %or3A_289, %while3A_246, %add3A_272 : vector<1x128xi1>, vector<1x128xi32>
      %select_n3A_294 = arith.select %or3A_289, %broadcast_in_dim3A_280, %while3A_247 : vector<1x128xi1>, vector<1x128xf32>
      %select_n3A_295 = arith.select %or3A_289, %add3A_286, %while3A_248 : vector<1x128xi1>, vector<1x128xi32>
      %lt3A_296 = arith.cmpf olt, %select_n3A_292, %select_n3A_294 : vector<1x128xf32>
      %eq3A_297 = arith.cmpf oeq, %select_n3A_292, %select_n3A_294 : vector<1x128xf32>
      %lt3A_298 = arith.cmpi slt, %select_n3A_293, %select_n3A_295 : vector<1x128xi32>
      %and3A_299 = arith.andi %eq3A_297, %lt3A_298 : vector<1x128xi1>
      %or3A_300 = arith.ori %lt3A_296, %and3A_299 : vector<1x128xi1>
      %select_n3A_301 = arith.select %or3A_300, %select_n3A_292, %select_n3A_294 : vector<1x128xi1>, vector<1x128xf32>
      %select_n3A_302 = arith.select %or3A_300, %select_n3A_293, %select_n3A_295 : vector<1x128xi1>, vector<1x128xi32>
      scf.yield %select_n3A_290, %select_n3A_291, %select_n3A_301, %select_n3A_302 : vector<1x128xf32>, vector<1x128xi32>, vector<1x128xf32>, vector<1x128xi32>
    }
    %while3A_49 = arith.constant 1 : i32
    %while3A_50:4 = scf.for %while3A_244 = %while3A_46 to %while3A_42 step %while3A_49 iter_args(%while3A_245 = %while3A_48#0, %while3A_246 = %while3A_48#1, %while3A_247 = %while3A_48#2, %while3A_248 = %while3A_48#3) -> (vector<1x128xf32>, vector<1x128xi32>, vector<1x128xf32>, vector<1x128xi32>)  : i32 {
      %get3A_249 = arith.index_cast %while3A_244 : i32 to index
      %get3A_250 = arith.constant 0 : index
      %get3A_251 = arith.constant 0 : index
      %get3A_252 = vector.load %arg9[%get3A_249, %get3A_250, %get3A_251] : memref<32x256x128xf32, #tpu.memory_space<vmem>>, vector<1x256x128xf32>
      %get3A_253 = vector.shape_cast %get3A_252 : vector<1x256x128xf32> to vector<256x128xf32>
      %mul3A = arith.constant 256 : i32
      %mul3A_254 = arith.muli %while3A_244, %mul3A : i32
      %add3A = vector.broadcast %mul3A_254 : i32 to vector<256x128xi32>
      %add3A_255 = arith.addi %iota3A, %add3A : vector<256x128xi32>
      %eq3A = vector.broadcast %while3A_31#1 : vector<1x128xi32> to vector<256x128xi32>
      %eq3A_256 = arith.cmpi eq, %add3A_255, %eq3A : vector<256x128xi32>
      %eq3A_257 = vector.broadcast %while3A_31#3 : vector<1x128xi32> to vector<256x128xi32>
      %eq3A_258 = arith.cmpi eq, %add3A_255, %eq3A_257 : vector<256x128xi32>
      %or3A = arith.ori %eq3A_256, %eq3A_258 : vector<256x128xi1>
      %jit3A_259 = arith.constant 0x7F800000 : f32
      %broadcast_in_dim3A_260 = vector.broadcast %jit3A_259 : f32 to vector<256x128xf32>
      %select_n3A = arith.select %or3A, %broadcast_in_dim3A_260, %get3A_253 : vector<256x128xi1>, vector<256x128xf32>
      %swap3A_261 = arith.index_cast %while3A_244 : i32 to index
      %swap3A_262 = arith.constant 0 : index
      %swap3A_263 = arith.constant 0 : index
      %swap3A_264 = vector.load %arg9[%swap3A_261, %swap3A_262, %swap3A_263] : memref<32x256x128xf32, #tpu.memory_space<vmem>>, vector<1x256x128xf32>
      %swap3A_265 = vector.shape_cast %swap3A_264 : vector<1x256x128xf32> to vector<256x128xf32>
      %swap3A_266 = vector.shape_cast %select_n3A : vector<256x128xf32> to vector<1x256x128xf32>
      tpu.vector_store %arg9[%swap3A_261, %swap3A_262, %swap3A_263], %swap3A_266 {strides = array<i32>} : memref<32x256x128xf32, #tpu.memory_space<vmem>>, vector<1x256x128xf32>,
      %reduce_min3A = arith.constant dense<0x7F800000> : vector<128xf32>
      %reduce_min3A_267 = vector.multi_reduction <minimumf>, %select_n3A, %reduce_min3A [0] : vector<256x128xf32> to vector<128xf32>
      %broadcast_in_dim3A_268 = vector.shape_cast %reduce_min3A_267 : vector<128xf32> to vector<1x128xf32>
      %argmin3A = tpu.reduce_index %select_n3A {axis = 0 : i32, kind = #tpu.reduction_kind<arg_min>} : vector<256x128xf32> -> vector<128xi32>
      %reshape3A = vector.shape_cast %argmin3A : vector<128xi32> to vector<1x128xi32>
      %mul3A_269 = arith.constant 256 : i32
      %mul3A_270 = arith.muli %while3A_244, %mul3A_269 : i32
      %add3A_271 = vector.broadcast %mul3A_270 : i32 to vector<1x128xi32>
      %add3A_272 = arith.addi %reshape3A, %add3A_271 : vector<1x128xi32>
      %eq3A_273 = vector.broadcast %reshape3A : vector<1x128xi32> to vector<256x128xi32>
      %eq3A_274 = arith.cmpi eq, %iota3A, %eq3A_273 : vector<256x128xi32>
      %jit3A_275 = arith.constant 0x7F800000 : f32
      %broadcast_in_dim3A_276 = vector.broadcast %jit3A_275 : f32 to vector<256x128xf32>
      %select_n3A_277 = arith.select %eq3A_274, %broadcast_in_dim3A_276, %select_n3A : vector<256x128xi1>, vector<256x128xf32>
      %reduce_min3A_278 = arith.constant dense<0x7F800000> : vector<128xf32>
      %reduce_min3A_279 = vector.multi_reduction <minimumf>, %select_n3A_277, %reduce_min3A_278 [0] : vector<256x128xf32> to vector<128xf32>
      %broadcast_in_dim3A_280 = vector.shape_cast %reduce_min3A_279 : vector<128xf32> to vector<1x128xf32>
      %argmin3A_281 = tpu.reduce_index %select_n3A_277 {axis = 0 : i32, kind = #tpu.reduction_kind<arg_min>} : vector<256x128xf32> -> vector<128xi32>
      %reshape3A_282 = vector.shape_cast %argmin3A_281 : vector<128xi32> to vector<1x128xi32>
      %mul3A_283 = arith.constant 256 : i32
      %mul3A_284 = arith.muli %while3A_244, %mul3A_283 : i32
      %add3A_285 = vector.broadcast %mul3A_284 : i32 to vector<1x128xi32>
      %add3A_286 = arith.addi %reshape3A_282, %add3A_285 : vector<1x128xi32>
      %lt3A = arith.cmpf olt, %broadcast_in_dim3A_268, %while3A_245 : vector<1x128xf32>
      %eq3A_287 = arith.cmpf oeq, %broadcast_in_dim3A_268, %while3A_245 : vector<1x128xf32>
      %lt3A_288 = arith.cmpi slt, %add3A_272, %while3A_246 : vector<1x128xi32>
      %and3A = arith.andi %eq3A_287, %lt3A_288 : vector<1x128xi1>
      %or3A_289 = arith.ori %lt3A, %and3A : vector<1x128xi1>
      %select_n3A_290 = arith.select %or3A_289, %broadcast_in_dim3A_268, %while3A_245 : vector<1x128xi1>, vector<1x128xf32>
      %select_n3A_291 = arith.select %or3A_289, %add3A_272, %while3A_246 : vector<1x128xi1>, vector<1x128xi32>
      %select_n3A_292 = arith.select %or3A_289, %while3A_245, %broadcast_in_dim3A_268 : vector<1x128xi1>, vector<1x128xf32>
      %select_n3A_293 = arith.select %or3A_289, %while3A_246, %add3A_272 : vector<1x128xi1>, vector<1x128xi32>
      %select_n3A_294 = arith.select %or3A_289, %broadcast_in_dim3A_280, %while3A_247 : vector<1x128xi1>, vector<1x128xf32>
      %select_n3A_295 = arith.select %or3A_289, %add3A_286, %while3A_248 : vector<1x128xi1>, vector<1x128xi32>
      %lt3A_296 = arith.cmpf olt, %select_n3A_292, %select_n3A_294 : vector<1x128xf32>
      %eq3A_297 = arith.cmpf oeq, %select_n3A_292, %select_n3A_294 : vector<1x128xf32>
      %lt3A_298 = arith.cmpi slt, %select_n3A_293, %select_n3A_295 : vector<1x128xi32>
      %and3A_299 = arith.andi %eq3A_297, %lt3A_298 : vector<1x128xi1>
      %or3A_300 = arith.ori %lt3A_296, %and3A_299 : vector<1x128xi1>
      %select_n3A_301 = arith.select %or3A_300, %select_n3A_292, %select_n3A_294 : vector<1x128xi1>, vector<1x128xf32>
      %select_n3A_302 = arith.select %or3A_300, %select_n3A_293, %select_n3A_295 : vector<1x128xi1>, vector<1x128xi32>
      scf.yield %select_n3A_290, %select_n3A_291, %select_n3A_301, %select_n3A_302 : vector<1x128xf32>, vector<1x128xi32>, vector<1x128xf32>, vector<1x128xi32>
    }
    %jit3A_51 = arith.constant 0 : i32
    %jit3A_52 = arith.constant 8191 : i32
    %max3A_53 = vector.broadcast %jit3A_51 : i32 to vector<1x128xi32>
    %max3A_54 = arith.maxsi %max3A_53, %while3A_50#1 : vector<1x128xi32>
    %min3A_55 = vector.broadcast %jit3A_52 : i32 to vector<1x128xi32>
    %min3A_56 = arith.minsi %min3A_55, %max3A_54 : vector<1x128xi32>
    %jit3A_57 = arith.constant 0 : i32
    %jit3A_58 = arith.constant 8191 : i32
    %max3A_59 = vector.broadcast %jit3A_57 : i32 to vector<1x128xi32>
    %max3A_60 = arith.maxsi %max3A_59, %while3A_50#3 : vector<1x128xi32>
    %min3A_61 = vector.broadcast %jit3A_58 : i32 to vector<1x128xi32>
    %min3A_62 = arith.minsi %min3A_61, %max3A_60 : vector<1x128xi32>
    %while3A_63 = arith.subi %get3A_4, %get3A_1 : i32
    %while3A_64 = arith.addi %get3A_1, %while3A_63 : i32
    %while3A_65 = arith.constant 1 : i32
    %while3A_66 = arith.divsi %while3A_63, %while3A_65 : i32
    %while3A_67 = arith.muli %while3A_66, %while3A_65 : i32
    %while3A_68 = arith.addi %get3A_1, %while3A_67 : i32
    %while3A_69 = arith.constant 1 : i32
    %while3A_70:4 = scf.for %while3A_244 = %get3A_1 to %while3A_68 step %while3A_69 iter_args(%while3A_245 = %broadcast_in_dim3A_20, %while3A_246 = %broadcast_in_dim3A_22, %while3A_247 = %broadcast_in_dim3A_20, %while3A_248 = %broadcast_in_dim3A_22) -> (vector<1x128xf32>, vector<1x128xi32>, vector<1x128xf32>, vector<1x128xi32>)  : i32 {
      %get3A_249 = arith.index_cast %while3A_244 : i32 to index
      %get3A_250 = arith.constant 0 : index
      %get3A_251 = arith.constant 0 : index
      %get3A_252 = vector.load %arg9[%get3A_249, %get3A_250, %get3A_251] : memref<32x256x128xf32, #tpu.memory_space<vmem>>, vector<1x256x128xf32>
      %get3A_253 = vector.shape_cast %get3A_252 : vector<1x256x128xf32> to vector<256x128xf32>
      %mul3A = arith.constant 256 : i32
      %mul3A_254 = arith.muli %while3A_244, %mul3A : i32
      %add3A = vector.broadcast %mul3A_254 : i32 to vector<256x128xi32>
      %add3A_255 = arith.addi %iota3A, %add3A : vector<256x128xi32>
      %eq3A = vector.broadcast %while3A_50#1 : vector<1x128xi32> to vector<256x128xi32>
      %eq3A_256 = arith.cmpi eq, %add3A_255, %eq3A : vector<256x128xi32>
      %eq3A_257 = vector.broadcast %while3A_50#3 : vector<1x128xi32> to vector<256x128xi32>
      %eq3A_258 = arith.cmpi eq, %add3A_255, %eq3A_257 : vector<256x128xi32>
      %or3A = arith.ori %eq3A_256, %eq3A_258 : vector<256x128xi1>
      %jit3A_259 = arith.constant 0x7F800000 : f32
      %broadcast_in_dim3A_260 = vector.broadcast %jit3A_259 : f32 to vector<256x128xf32>
      %select_n3A = arith.select %or3A, %broadcast_in_dim3A_260, %get3A_253 : vector<256x128xi1>, vector<256x128xf32>
      %swap3A_261 = arith.index_cast %while3A_244 : i32 to index
      %swap3A_262 = arith.constant 0 : index
      %swap3A_263 = arith.constant 0 : index
      %swap3A_264 = vector.load %arg9[%swap3A_261, %swap3A_262, %swap3A_263] : memref<32x256x128xf32, #tpu.memory_space<vmem>>, vector<1x256x128xf32>
      %swap3A_265 = vector.shape_cast %swap3A_264 : vector<1x256x128xf32> to vector<256x128xf32>
      %swap3A_266 = vector.shape_cast %select_n3A : vector<256x128xf32> to vector<1x256x128xf32>
      tpu.vector_store %arg9[%swap3A_261, %swap3A_262, %swap3A_263], %swap3A_266 {strides = array<i32>} : memref<32x256x128xf32, #tpu.memory_space<vmem>>, vector<1x256x128xf32>,
      %reduce_min3A = arith.constant dense<0x7F800000> : vector<128xf32>
      %reduce_min3A_267 = vector.multi_reduction <minimumf>, %select_n3A, %reduce_min3A [0] : vector<256x128xf32> to vector<128xf32>
      %broadcast_in_dim3A_268 = vector.shape_cast %reduce_min3A_267 : vector<128xf32> to vector<1x128xf32>
      %argmin3A = tpu.reduce_index %select_n3A {axis = 0 : i32, kind = #tpu.reduction_kind<arg_min>} : vector<256x128xf32> -> vector<128xi32>
      %reshape3A = vector.shape_cast %argmin3A : vector<128xi32> to vector<1x128xi32>
      %mul3A_269 = arith.constant 256 : i32
      %mul3A_270 = arith.muli %while3A_244, %mul3A_269 : i32
      %add3A_271 = vector.broadcast %mul3A_270 : i32 to vector<1x128xi32>
      %add3A_272 = arith.addi %reshape3A, %add3A_271 : vector<1x128xi32>
      %eq3A_273 = vector.broadcast %reshape3A : vector<1x128xi32> to vector<256x128xi32>
      %eq3A_274 = arith.cmpi eq, %iota3A, %eq3A_273 : vector<256x128xi32>
      %jit3A_275 = arith.constant 0x7F800000 : f32
      %broadcast_in_dim3A_276 = vector.broadcast %jit3A_275 : f32 to vector<256x128xf32>
      %select_n3A_277 = arith.select %eq3A_274, %broadcast_in_dim3A_276, %select_n3A : vector<256x128xi1>, vector<256x128xf32>
      %reduce_min3A_278 = arith.constant dense<0x7F800000> : vector<128xf32>
      %reduce_min3A_279 = vector.multi_reduction <minimumf>, %select_n3A_277, %reduce_min3A_278 [0] : vector<256x128xf32> to vector<128xf32>
      %broadcast_in_dim3A_280 = vector.shape_cast %reduce_min3A_279 : vector<128xf32> to vector<1x128xf32>
      %argmin3A_281 = tpu.reduce_index %select_n3A_277 {axis = 0 : i32, kind = #tpu.reduction_kind<arg_min>} : vector<256x128xf32> -> vector<128xi32>
      %reshape3A_282 = vector.shape_cast %argmin3A_281 : vector<128xi32> to vector<1x128xi32>
      %mul3A_283 = arith.constant 256 : i32
      %mul3A_284 = arith.muli %while3A_244, %mul3A_283 : i32
      %add3A_285 = vector.broadcast %mul3A_284 : i32 to vector<1x128xi32>
      %add3A_286 = arith.addi %reshape3A_282, %add3A_285 : vector<1x128xi32>
      %lt3A = arith.cmpf olt, %broadcast_in_dim3A_268, %while3A_245 : vector<1x128xf32>
      %eq3A_287 = arith.cmpf oeq, %broadcast_in_dim3A_268, %while3A_245 : vector<1x128xf32>
      %lt3A_288 = arith.cmpi slt, %add3A_272, %while3A_246 : vector<1x128xi32>
      %and3A = arith.andi %eq3A_287, %lt3A_288 : vector<1x128xi1>
      %or3A_289 = arith.ori %lt3A, %and3A : vector<1x128xi1>
      %select_n3A_290 = arith.select %or3A_289, %broadcast_in_dim3A_268, %while3A_245 : vector<1x128xi1>, vector<1x128xf32>
      %select_n3A_291 = arith.select %or3A_289, %add3A_272, %while3A_246 : vector<1x128xi1>, vector<1x128xi32>
      %select_n3A_292 = arith.select %or3A_289, %while3A_245, %broadcast_in_dim3A_268 : vector<1x128xi1>, vector<1x128xf32>
      %select_n3A_293 = arith.select %or3A_289, %while3A_246, %add3A_272 : vector<1x128xi1>, vector<1x128xi32>
      %select_n3A_294 = arith.select %or3A_289, %broadcast_in_dim3A_280, %while3A_247 : vector<1x128xi1>, vector<1x128xf32>
      %select_n3A_295 = arith.select %or3A_289, %add3A_286, %while3A_248 : vector<1x128xi1>, vector<1x128xi32>
      %lt3A_296 = arith.cmpf olt, %select_n3A_292, %select_n3A_294 : vector<1x128xf32>
      %eq3A_297 = arith.cmpf oeq, %select_n3A_292, %select_n3A_294 : vector<1x128xf32>
      %lt3A_298 = arith.cmpi slt, %select_n3A_293, %select_n3A_295 : vector<1x128xi32>
      %and3A_299 = arith.andi %eq3A_297, %lt3A_298 : vector<1x128xi1>
      %or3A_300 = arith.ori %lt3A_296, %and3A_299 : vector<1x128xi1>
      %select_n3A_301 = arith.select %or3A_300, %select_n3A_292, %select_n3A_294 : vector<1x128xi1>, vector<1x128xf32>
      %select_n3A_302 = arith.select %or3A_300, %select_n3A_293, %select_n3A_295 : vector<1x128xi1>, vector<1x128xi32>
      scf.yield %select_n3A_290, %select_n3A_291, %select_n3A_301, %select_n3A_302 : vector<1x128xf32>, vector<1x128xi32>, vector<1x128xf32>, vector<1x128xi32>
    }
    %while3A_71 = arith.constant 1 : i32
    %while3A_72:4 = scf.for %while3A_244 = %while3A_68 to %while3A_64 step %while3A_71 iter_args(%while3A_245 = %while3A_70#0, %while3A_246 = %while3A_70#1, %while3A_247 = %while3A_70#2, %while3A_248 = %while3A_70#3) -> (vector<1x128xf32>, vector<1x128xi32>, vector<1x128xf32>, vector<1x128xi32>)  : i32 {
      %get3A_249 = arith.index_cast %while3A_244 : i32 to index
      %get3A_250 = arith.constant 0 : index
      %get3A_251 = arith.constant 0 : index
      %get3A_252 = vector.load %arg9[%get3A_249, %get3A_250, %get3A_251] : memref<32x256x128xf32, #tpu.memory_space<vmem>>, vector<1x256x128xf32>
      %get3A_253 = vector.shape_cast %get3A_252 : vector<1x256x128xf32> to vector<256x128xf32>
      %mul3A = arith.constant 256 : i32
      %mul3A_254 = arith.muli %while3A_244, %mul3A : i32
      %add3A = vector.broadcast %mul3A_254 : i32 to vector<256x128xi32>
      %add3A_255 = arith.addi %iota3A, %add3A : vector<256x128xi32>
      %eq3A = vector.broadcast %while3A_50#1 : vector<1x128xi32> to vector<256x128xi32>
      %eq3A_256 = arith.cmpi eq, %add3A_255, %eq3A : vector<256x128xi32>
      %eq3A_257 = vector.broadcast %while3A_50#3 : vector<1x128xi32> to vector<256x128xi32>
      %eq3A_258 = arith.cmpi eq, %add3A_255, %eq3A_257 : vector<256x128xi32>
      %or3A = arith.ori %eq3A_256, %eq3A_258 : vector<256x128xi1>
      %jit3A_259 = arith.constant 0x7F800000 : f32
      %broadcast_in_dim3A_260 = vector.broadcast %jit3A_259 : f32 to vector<256x128xf32>
      %select_n3A = arith.select %or3A, %broadcast_in_dim3A_260, %get3A_253 : vector<256x128xi1>, vector<256x128xf32>
      %swap3A_261 = arith.index_cast %while3A_244 : i32 to index
      %swap3A_262 = arith.constant 0 : index
      %swap3A_263 = arith.constant 0 : index
      %swap3A_264 = vector.load %arg9[%swap3A_261, %swap3A_262, %swap3A_263] : memref<32x256x128xf32, #tpu.memory_space<vmem>>, vector<1x256x128xf32>
      %swap3A_265 = vector.shape_cast %swap3A_264 : vector<1x256x128xf32> to vector<256x128xf32>
      %swap3A_266 = vector.shape_cast %select_n3A : vector<256x128xf32> to vector<1x256x128xf32>
      tpu.vector_store %arg9[%swap3A_261, %swap3A_262, %swap3A_263], %swap3A_266 {strides = array<i32>} : memref<32x256x128xf32, #tpu.memory_space<vmem>>, vector<1x256x128xf32>,
      %reduce_min3A = arith.constant dense<0x7F800000> : vector<128xf32>
      %reduce_min3A_267 = vector.multi_reduction <minimumf>, %select_n3A, %reduce_min3A [0] : vector<256x128xf32> to vector<128xf32>
      %broadcast_in_dim3A_268 = vector.shape_cast %reduce_min3A_267 : vector<128xf32> to vector<1x128xf32>
      %argmin3A = tpu.reduce_index %select_n3A {axis = 0 : i32, kind = #tpu.reduction_kind<arg_min>} : vector<256x128xf32> -> vector<128xi32>
      %reshape3A = vector.shape_cast %argmin3A : vector<128xi32> to vector<1x128xi32>
      %mul3A_269 = arith.constant 256 : i32
      %mul3A_270 = arith.muli %while3A_244, %mul3A_269 : i32
      %add3A_271 = vector.broadcast %mul3A_270 : i32 to vector<1x128xi32>
      %add3A_272 = arith.addi %reshape3A, %add3A_271 : vector<1x128xi32>
      %eq3A_273 = vector.broadcast %reshape3A : vector<1x128xi32> to vector<256x128xi32>
      %eq3A_274 = arith.cmpi eq, %iota3A, %eq3A_273 : vector<256x128xi32>
      %jit3A_275 = arith.constant 0x7F800000 : f32
      %broadcast_in_dim3A_276 = vector.broadcast %jit3A_275 : f32 to vector<256x128xf32>
      %select_n3A_277 = arith.select %eq3A_274, %broadcast_in_dim3A_276, %select_n3A : vector<256x128xi1>, vector<256x128xf32>
      %reduce_min3A_278 = arith.constant dense<0x7F800000> : vector<128xf32>
      %reduce_min3A_279 = vector.multi_reduction <minimumf>, %select_n3A_277, %reduce_min3A_278 [0] : vector<256x128xf32> to vector<128xf32>
      %broadcast_in_dim3A_280 = vector.shape_cast %reduce_min3A_279 : vector<128xf32> to vector<1x128xf32>
      %argmin3A_281 = tpu.reduce_index %select_n3A_277 {axis = 0 : i32, kind = #tpu.reduction_kind<arg_min>} : vector<256x128xf32> -> vector<128xi32>
      %reshape3A_282 = vector.shape_cast %argmin3A_281 : vector<128xi32> to vector<1x128xi32>
      %mul3A_283 = arith.constant 256 : i32
      %mul3A_284 = arith.muli %while3A_244, %mul3A_283 : i32
      %add3A_285 = vector.broadcast %mul3A_284 : i32 to vector<1x128xi32>
      %add3A_286 = arith.addi %reshape3A_282, %add3A_285 : vector<1x128xi32>
      %lt3A = arith.cmpf olt, %broadcast_in_dim3A_268, %while3A_245 : vector<1x128xf32>
      %eq3A_287 = arith.cmpf oeq, %broadcast_in_dim3A_268, %while3A_245 : vector<1x128xf32>
      %lt3A_288 = arith.cmpi slt, %add3A_272, %while3A_246 : vector<1x128xi32>
      %and3A = arith.andi %eq3A_287, %lt3A_288 : vector<1x128xi1>
      %or3A_289 = arith.ori %lt3A, %and3A : vector<1x128xi1>
      %select_n3A_290 = arith.select %or3A_289, %broadcast_in_dim3A_268, %while3A_245 : vector<1x128xi1>, vector<1x128xf32>
      %select_n3A_291 = arith.select %or3A_289, %add3A_272, %while3A_246 : vector<1x128xi1>, vector<1x128xi32>
      %select_n3A_292 = arith.select %or3A_289, %while3A_245, %broadcast_in_dim3A_268 : vector<1x128xi1>, vector<1x128xf32>
      %select_n3A_293 = arith.select %or3A_289, %while3A_246, %add3A_272 : vector<1x128xi1>, vector<1x128xi32>
      %select_n3A_294 = arith.select %or3A_289, %broadcast_in_dim3A_280, %while3A_247 : vector<1x128xi1>, vector<1x128xf32>
      %select_n3A_295 = arith.select %or3A_289, %add3A_286, %while3A_248 : vector<1x128xi1>, vector<1x128xi32>
      %lt3A_296 = arith.cmpf olt, %select_n3A_292, %select_n3A_294 : vector<1x128xf32>
      %eq3A_297 = arith.cmpf oeq, %select_n3A_292, %select_n3A_294 : vector<1x128xf32>
      %lt3A_298 = arith.cmpi slt, %select_n3A_293, %select_n3A_295 : vector<1x128xi32>
      %and3A_299 = arith.andi %eq3A_297, %lt3A_298 : vector<1x128xi1>
      %or3A_300 = arith.ori %lt3A_296, %and3A_299 : vector<1x128xi1>
      %select_n3A_301 = arith.select %or3A_300, %select_n3A_292, %select_n3A_294 : vector<1x128xi1>, vector<1x128xf32>
      %select_n3A_302 = arith.select %or3A_300, %select_n3A_293, %select_n3A_295 : vector<1x128xi1>, vector<1x128xi32>
      scf.yield %select_n3A_290, %select_n3A_291, %select_n3A_301, %select_n3A_302 : vector<1x128xf32>, vector<1x128xi32>, vector<1x128xf32>, vector<1x128xi32>
    }
    %jit3A_73 = arith.constant 0 : i32
    %jit3A_74 = arith.constant 8191 : i32
    %max3A_75 = vector.broadcast %jit3A_73 : i32 to vector<1x128xi32>
    %max3A_76 = arith.maxsi %max3A_75, %while3A_72#1 : vector<1x128xi32>
    %min3A_77 = vector.broadcast %jit3A_74 : i32 to vector<1x128xi32>
    %min3A_78 = arith.minsi %min3A_77, %max3A_76 : vector<1x128xi32>
    %jit3A_79 = arith.constant 0 : i32
    %jit3A_80 = arith.constant 8191 : i32
    %max3A_81 = vector.broadcast %jit3A_79 : i32 to vector<1x128xi32>
    %max3A_82 = arith.maxsi %max3A_81, %while3A_72#3 : vector<1x128xi32>
    %min3A_83 = vector.broadcast %jit3A_80 : i32 to vector<1x128xi32>
    %min3A_84 = arith.minsi %min3A_83, %max3A_82 : vector<1x128xi32>
    %while3A_85 = arith.subi %get3A_4, %get3A_1 : i32
    %while3A_86 = arith.addi %get3A_1, %while3A_85 : i32
    %while3A_87 = arith.constant 1 : i32
    %while3A_88 = arith.divsi %while3A_85, %while3A_87 : i32
    %while3A_89 = arith.muli %while3A_88, %while3A_87 : i32
    %while3A_90 = arith.addi %get3A_1, %while3A_89 : i32
    %while3A_91 = arith.constant 1 : i32
    %while3A_92:4 = scf.for %while3A_244 = %get3A_1 to %while3A_90 step %while3A_91 iter_args(%while3A_245 = %broadcast_in_dim3A_20, %while3A_246 = %broadcast_in_dim3A_22, %while3A_247 = %broadcast_in_dim3A_20, %while3A_248 = %broadcast_in_dim3A_22) -> (vector<1x128xf32>, vector<1x128xi32>, vector<1x128xf32>, vector<1x128xi32>)  : i32 {
      %get3A_249 = arith.index_cast %while3A_244 : i32 to index
      %get3A_250 = arith.constant 0 : index
      %get3A_251 = arith.constant 0 : index
      %get3A_252 = vector.load %arg9[%get3A_249, %get3A_250, %get3A_251] : memref<32x256x128xf32, #tpu.memory_space<vmem>>, vector<1x256x128xf32>
      %get3A_253 = vector.shape_cast %get3A_252 : vector<1x256x128xf32> to vector<256x128xf32>
      %mul3A = arith.constant 256 : i32
      %mul3A_254 = arith.muli %while3A_244, %mul3A : i32
      %add3A = vector.broadcast %mul3A_254 : i32 to vector<256x128xi32>
      %add3A_255 = arith.addi %iota3A, %add3A : vector<256x128xi32>
      %eq3A = vector.broadcast %while3A_72#1 : vector<1x128xi32> to vector<256x128xi32>
      %eq3A_256 = arith.cmpi eq, %add3A_255, %eq3A : vector<256x128xi32>
      %eq3A_257 = vector.broadcast %while3A_72#3 : vector<1x128xi32> to vector<256x128xi32>
      %eq3A_258 = arith.cmpi eq, %add3A_255, %eq3A_257 : vector<256x128xi32>
      %or3A = arith.ori %eq3A_256, %eq3A_258 : vector<256x128xi1>
      %jit3A_259 = arith.constant 0x7F800000 : f32
      %broadcast_in_dim3A_260 = vector.broadcast %jit3A_259 : f32 to vector<256x128xf32>
      %select_n3A = arith.select %or3A, %broadcast_in_dim3A_260, %get3A_253 : vector<256x128xi1>, vector<256x128xf32>
      %swap3A_261 = arith.index_cast %while3A_244 : i32 to index
      %swap3A_262 = arith.constant 0 : index
      %swap3A_263 = arith.constant 0 : index
      %swap3A_264 = vector.load %arg9[%swap3A_261, %swap3A_262, %swap3A_263] : memref<32x256x128xf32, #tpu.memory_space<vmem>>, vector<1x256x128xf32>
      %swap3A_265 = vector.shape_cast %swap3A_264 : vector<1x256x128xf32> to vector<256x128xf32>
      %swap3A_266 = vector.shape_cast %select_n3A : vector<256x128xf32> to vector<1x256x128xf32>
      tpu.vector_store %arg9[%swap3A_261, %swap3A_262, %swap3A_263], %swap3A_266 {strides = array<i32>} : memref<32x256x128xf32, #tpu.memory_space<vmem>>, vector<1x256x128xf32>,
      %reduce_min3A = arith.constant dense<0x7F800000> : vector<128xf32>
      %reduce_min3A_267 = vector.multi_reduction <minimumf>, %select_n3A, %reduce_min3A [0] : vector<256x128xf32> to vector<128xf32>
      %broadcast_in_dim3A_268 = vector.shape_cast %reduce_min3A_267 : vector<128xf32> to vector<1x128xf32>
      %argmin3A = tpu.reduce_index %select_n3A {axis = 0 : i32, kind = #tpu.reduction_kind<arg_min>} : vector<256x128xf32> -> vector<128xi32>
      %reshape3A = vector.shape_cast %argmin3A : vector<128xi32> to vector<1x128xi32>
      %mul3A_269 = arith.constant 256 : i32
      %mul3A_270 = arith.muli %while3A_244, %mul3A_269 : i32
      %add3A_271 = vector.broadcast %mul3A_270 : i32 to vector<1x128xi32>
      %add3A_272 = arith.addi %reshape3A, %add3A_271 : vector<1x128xi32>
      %eq3A_273 = vector.broadcast %reshape3A : vector<1x128xi32> to vector<256x128xi32>
      %eq3A_274 = arith.cmpi eq, %iota3A, %eq3A_273 : vector<256x128xi32>
      %jit3A_275 = arith.constant 0x7F800000 : f32
      %broadcast_in_dim3A_276 = vector.broadcast %jit3A_275 : f32 to vector<256x128xf32>
      %select_n3A_277 = arith.select %eq3A_274, %broadcast_in_dim3A_276, %select_n3A : vector<256x128xi1>, vector<256x128xf32>
      %reduce_min3A_278 = arith.constant dense<0x7F800000> : vector<128xf32>
      %reduce_min3A_279 = vector.multi_reduction <minimumf>, %select_n3A_277, %reduce_min3A_278 [0] : vector<256x128xf32> to vector<128xf32>
      %broadcast_in_dim3A_280 = vector.shape_cast %reduce_min3A_279 : vector<128xf32> to vector<1x128xf32>
      %argmin3A_281 = tpu.reduce_index %select_n3A_277 {axis = 0 : i32, kind = #tpu.reduction_kind<arg_min>} : vector<256x128xf32> -> vector<128xi32>
      %reshape3A_282 = vector.shape_cast %argmin3A_281 : vector<128xi32> to vector<1x128xi32>
      %mul3A_283 = arith.constant 256 : i32
      %mul3A_284 = arith.muli %while3A_244, %mul3A_283 : i32
      %add3A_285 = vector.broadcast %mul3A_284 : i32 to vector<1x128xi32>
      %add3A_286 = arith.addi %reshape3A_282, %add3A_285 : vector<1x128xi32>
      %lt3A = arith.cmpf olt, %broadcast_in_dim3A_268, %while3A_245 : vector<1x128xf32>
      %eq3A_287 = arith.cmpf oeq, %broadcast_in_dim3A_268, %while3A_245 : vector<1x128xf32>
      %lt3A_288 = arith.cmpi slt, %add3A_272, %while3A_246 : vector<1x128xi32>
      %and3A = arith.andi %eq3A_287, %lt3A_288 : vector<1x128xi1>
      %or3A_289 = arith.ori %lt3A, %and3A : vector<1x128xi1>
      %select_n3A_290 = arith.select %or3A_289, %broadcast_in_dim3A_268, %while3A_245 : vector<1x128xi1>, vector<1x128xf32>
      %select_n3A_291 = arith.select %or3A_289, %add3A_272, %while3A_246 : vector<1x128xi1>, vector<1x128xi32>
      %select_n3A_292 = arith.select %or3A_289, %while3A_245, %broadcast_in_dim3A_268 : vector<1x128xi1>, vector<1x128xf32>
      %select_n3A_293 = arith.select %or3A_289, %while3A_246, %add3A_272 : vector<1x128xi1>, vector<1x128xi32>
      %select_n3A_294 = arith.select %or3A_289, %broadcast_in_dim3A_280, %while3A_247 : vector<1x128xi1>, vector<1x128xf32>
      %select_n3A_295 = arith.select %or3A_289, %add3A_286, %while3A_248 : vector<1x128xi1>, vector<1x128xi32>
      %lt3A_296 = arith.cmpf olt, %select_n3A_292, %select_n3A_294 : vector<1x128xf32>
      %eq3A_297 = arith.cmpf oeq, %select_n3A_292, %select_n3A_294 : vector<1x128xf32>
      %lt3A_298 = arith.cmpi slt, %select_n3A_293, %select_n3A_295 : vector<1x128xi32>
      %and3A_299 = arith.andi %eq3A_297, %lt3A_298 : vector<1x128xi1>
      %or3A_300 = arith.ori %lt3A_296, %and3A_299 : vector<1x128xi1>
      %select_n3A_301 = arith.select %or3A_300, %select_n3A_292, %select_n3A_294 : vector<1x128xi1>, vector<1x128xf32>
      %select_n3A_302 = arith.select %or3A_300, %select_n3A_293, %select_n3A_295 : vector<1x128xi1>, vector<1x128xi32>
      scf.yield %select_n3A_290, %select_n3A_291, %select_n3A_301, %select_n3A_302 : vector<1x128xf32>, vector<1x128xi32>, vector<1x128xf32>, vector<1x128xi32>
    }
    %while3A_93 = arith.constant 1 : i32
    %while3A_94:4 = scf.for %while3A_244 = %while3A_90 to %while3A_86 step %while3A_93 iter_args(%while3A_245 = %while3A_92#0, %while3A_246 = %while3A_92#1, %while3A_247 = %while3A_92#2, %while3A_248 = %while3A_92#3) -> (vector<1x128xf32>, vector<1x128xi32>, vector<1x128xf32>, vector<1x128xi32>)  : i32 {
      %get3A_249 = arith.index_cast %while3A_244 : i32 to index
      %get3A_250 = arith.constant 0 : index
      %get3A_251 = arith.constant 0 : index
      %get3A_252 = vector.load %arg9[%get3A_249, %get3A_250, %get3A_251] : memref<32x256x128xf32, #tpu.memory_space<vmem>>, vector<1x256x128xf32>
      %get3A_253 = vector.shape_cast %get3A_252 : vector<1x256x128xf32> to vector<256x128xf32>
      %mul3A = arith.constant 256 : i32
      %mul3A_254 = arith.muli %while3A_244, %mul3A : i32
      %add3A = vector.broadcast %mul3A_254 : i32 to vector<256x128xi32>
      %add3A_255 = arith.addi %iota3A, %add3A : vector<256x128xi32>
      %eq3A = vector.broadcast %while3A_72#1 : vector<1x128xi32> to vector<256x128xi32>
      %eq3A_256 = arith.cmpi eq, %add3A_255, %eq3A : vector<256x128xi32>
      %eq3A_257 = vector.broadcast %while3A_72#3 : vector<1x128xi32> to vector<256x128xi32>
      %eq3A_258 = arith.cmpi eq, %add3A_255, %eq3A_257 : vector<256x128xi32>
      %or3A = arith.ori %eq3A_256, %eq3A_258 : vector<256x128xi1>
      %jit3A_259 = arith.constant 0x7F800000 : f32
      %broadcast_in_dim3A_260 = vector.broadcast %jit3A_259 : f32 to vector<256x128xf32>
      %select_n3A = arith.select %or3A, %broadcast_in_dim3A_260, %get3A_253 : vector<256x128xi1>, vector<256x128xf32>
      %swap3A_261 = arith.index_cast %while3A_244 : i32 to index
      %swap3A_262 = arith.constant 0 : index
      %swap3A_263 = arith.constant 0 : index
      %swap3A_264 = vector.load %arg9[%swap3A_261, %swap3A_262, %swap3A_263] : memref<32x256x128xf32, #tpu.memory_space<vmem>>, vector<1x256x128xf32>
      %swap3A_265 = vector.shape_cast %swap3A_264 : vector<1x256x128xf32> to vector<256x128xf32>
      %swap3A_266 = vector.shape_cast %select_n3A : vector<256x128xf32> to vector<1x256x128xf32>
      tpu.vector_store %arg9[%swap3A_261, %swap3A_262, %swap3A_263], %swap3A_266 {strides = array<i32>} : memref<32x256x128xf32, #tpu.memory_space<vmem>>, vector<1x256x128xf32>,
      %reduce_min3A = arith.constant dense<0x7F800000> : vector<128xf32>
      %reduce_min3A_267 = vector.multi_reduction <minimumf>, %select_n3A, %reduce_min3A [0] : vector<256x128xf32> to vector<128xf32>
      %broadcast_in_dim3A_268 = vector.shape_cast %reduce_min3A_267 : vector<128xf32> to vector<1x128xf32>
      %argmin3A = tpu.reduce_index %select_n3A {axis = 0 : i32, kind = #tpu.reduction_kind<arg_min>} : vector<256x128xf32> -> vector<128xi32>
      %reshape3A = vector.shape_cast %argmin3A : vector<128xi32> to vector<1x128xi32>
      %mul3A_269 = arith.constant 256 : i32
      %mul3A_270 = arith.muli %while3A_244, %mul3A_269 : i32
      %add3A_271 = vector.broadcast %mul3A_270 : i32 to vector<1x128xi32>
      %add3A_272 = arith.addi %reshape3A, %add3A_271 : vector<1x128xi32>
      %eq3A_273 = vector.broadcast %reshape3A : vector<1x128xi32> to vector<256x128xi32>
      %eq3A_274 = arith.cmpi eq, %iota3A, %eq3A_273 : vector<256x128xi32>
      %jit3A_275 = arith.constant 0x7F800000 : f32
      %broadcast_in_dim3A_276 = vector.broadcast %jit3A_275 : f32 to vector<256x128xf32>
      %select_n3A_277 = arith.select %eq3A_274, %broadcast_in_dim3A_276, %select_n3A : vector<256x128xi1>, vector<256x128xf32>
      %reduce_min3A_278 = arith.constant dense<0x7F800000> : vector<128xf32>
      %reduce_min3A_279 = vector.multi_reduction <minimumf>, %select_n3A_277, %reduce_min3A_278 [0] : vector<256x128xf32> to vector<128xf32>
      %broadcast_in_dim3A_280 = vector.shape_cast %reduce_min3A_279 : vector<128xf32> to vector<1x128xf32>
      %argmin3A_281 = tpu.reduce_index %select_n3A_277 {axis = 0 : i32, kind = #tpu.reduction_kind<arg_min>} : vector<256x128xf32> -> vector<128xi32>
      %reshape3A_282 = vector.shape_cast %argmin3A_281 : vector<128xi32> to vector<1x128xi32>
      %mul3A_283 = arith.constant 256 : i32
      %mul3A_284 = arith.muli %while3A_244, %mul3A_283 : i32
      %add3A_285 = vector.broadcast %mul3A_284 : i32 to vector<1x128xi32>
      %add3A_286 = arith.addi %reshape3A_282, %add3A_285 : vector<1x128xi32>
      %lt3A = arith.cmpf olt, %broadcast_in_dim3A_268, %while3A_245 : vector<1x128xf32>
      %eq3A_287 = arith.cmpf oeq, %broadcast_in_dim3A_268, %while3A_245 : vector<1x128xf32>
      %lt3A_288 = arith.cmpi slt, %add3A_272, %while3A_246 : vector<1x128xi32>
      %and3A = arith.andi %eq3A_287, %lt3A_288 : vector<1x128xi1>
      %or3A_289 = arith.ori %lt3A, %and3A : vector<1x128xi1>
      %select_n3A_290 = arith.select %or3A_289, %broadcast_in_dim3A_268, %while3A_245 : vector<1x128xi1>, vector<1x128xf32>
      %select_n3A_291 = arith.select %or3A_289, %add3A_272, %while3A_246 : vector<1x128xi1>, vector<1x128xi32>
      %select_n3A_292 = arith.select %or3A_289, %while3A_245, %broadcast_in_dim3A_268 : vector<1x128xi1>, vector<1x128xf32>
      %select_n3A_293 = arith.select %or3A_289, %while3A_246, %add3A_272 : vector<1x128xi1>, vector<1x128xi32>
      %select_n3A_294 = arith.select %or3A_289, %broadcast_in_dim3A_280, %while3A_247 : vector<1x128xi1>, vector<1x128xf32>
      %select_n3A_295 = arith.select %or3A_289, %add3A_286, %while3A_248 : vector<1x128xi1>, vector<1x128xi32>
      %lt3A_296 = arith.cmpf olt, %select_n3A_292, %select_n3A_294 : vector<1x128xf32>
      %eq3A_297 = arith.cmpf oeq, %select_n3A_292, %select_n3A_294 : vector<1x128xf32>
      %lt3A_298 = arith.cmpi slt, %select_n3A_293, %select_n3A_295 : vector<1x128xi32>
      %and3A_299 = arith.andi %eq3A_297, %lt3A_298 : vector<1x128xi1>
      %or3A_300 = arith.ori %lt3A_296, %and3A_299 : vector<1x128xi1>
      %select_n3A_301 = arith.select %or3A_300, %select_n3A_292, %select_n3A_294 : vector<1x128xi1>, vector<1x128xf32>
      %select_n3A_302 = arith.select %or3A_300, %select_n3A_293, %select_n3A_295 : vector<1x128xi1>, vector<1x128xi32>
      scf.yield %select_n3A_290, %select_n3A_291, %select_n3A_301, %select_n3A_302 : vector<1x128xf32>, vector<1x128xi32>, vector<1x128xf32>, vector<1x128xi32>
    }
    %jit3A_95 = arith.constant 0 : i32
    %jit3A_96 = arith.constant 8191 : i32
    %max3A_97 = vector.broadcast %jit3A_95 : i32 to vector<1x128xi32>
    %max3A_98 = arith.maxsi %max3A_97, %while3A_94#1 : vector<1x128xi32>
    %min3A_99 = vector.broadcast %jit3A_96 : i32 to vector<1x128xi32>
    %min3A_100 = arith.minsi %min3A_99, %max3A_98 : vector<1x128xi32>
    %jit3A_101 = arith.constant 0 : i32
    %jit3A_102 = arith.constant 8191 : i32
    %max3A_103 = vector.broadcast %jit3A_101 : i32 to vector<1x128xi32>
    %max3A_104 = arith.maxsi %max3A_103, %while3A_94#3 : vector<1x128xi32>
    %min3A_105 = vector.broadcast %jit3A_102 : i32 to vector<1x128xi32>
    %min3A_106 = arith.minsi %min3A_105, %max3A_104 : vector<1x128xi32>
    %while3A_107 = arith.subi %get3A_4, %get3A_1 : i32
    %while3A_108 = arith.addi %get3A_1, %while3A_107 : i32
    %while3A_109 = arith.constant 1 : i32
    %while3A_110 = arith.divsi %while3A_107, %while3A_109 : i32
    %while3A_111 = arith.muli %while3A_110, %while3A_109 : i32
    %while3A_112 = arith.addi %get3A_1, %while3A_111 : i32
    %while3A_113 = arith.constant 1 : i32
    %while3A_114:4 = scf.for %while3A_244 = %get3A_1 to %while3A_112 step %while3A_113 iter_args(%while3A_245 = %broadcast_in_dim3A_20, %while3A_246 = %broadcast_in_dim3A_22, %while3A_247 = %broadcast_in_dim3A_20, %while3A_248 = %broadcast_in_dim3A_22) -> (vector<1x128xf32>, vector<1x128xi32>, vector<1x128xf32>, vector<1x128xi32>)  : i32 {
      %get3A_249 = arith.index_cast %while3A_244 : i32 to index
      %get3A_250 = arith.constant 0 : index
      %get3A_251 = arith.constant 0 : index
      %get3A_252 = vector.load %arg9[%get3A_249, %get3A_250, %get3A_251] : memref<32x256x128xf32, #tpu.memory_space<vmem>>, vector<1x256x128xf32>
      %get3A_253 = vector.shape_cast %get3A_252 : vector<1x256x128xf32> to vector<256x128xf32>
      %mul3A = arith.constant 256 : i32
      %mul3A_254 = arith.muli %while3A_244, %mul3A : i32
      %add3A = vector.broadcast %mul3A_254 : i32 to vector<256x128xi32>
      %add3A_255 = arith.addi %iota3A, %add3A : vector<256x128xi32>
      %eq3A = vector.broadcast %while3A_94#1 : vector<1x128xi32> to vector<256x128xi32>
      %eq3A_256 = arith.cmpi eq, %add3A_255, %eq3A : vector<256x128xi32>
      %eq3A_257 = vector.broadcast %while3A_94#3 : vector<1x128xi32> to vector<256x128xi32>
      %eq3A_258 = arith.cmpi eq, %add3A_255, %eq3A_257 : vector<256x128xi32>
      %or3A = arith.ori %eq3A_256, %eq3A_258 : vector<256x128xi1>
      %jit3A_259 = arith.constant 0x7F800000 : f32
      %broadcast_in_dim3A_260 = vector.broadcast %jit3A_259 : f32 to vector<256x128xf32>
      %select_n3A = arith.select %or3A, %broadcast_in_dim3A_260, %get3A_253 : vector<256x128xi1>, vector<256x128xf32>
      %swap3A_261 = arith.index_cast %while3A_244 : i32 to index
      %swap3A_262 = arith.constant 0 : index
      %swap3A_263 = arith.constant 0 : index
      %swap3A_264 = vector.load %arg9[%swap3A_261, %swap3A_262, %swap3A_263] : memref<32x256x128xf32, #tpu.memory_space<vmem>>, vector<1x256x128xf32>
      %swap3A_265 = vector.shape_cast %swap3A_264 : vector<1x256x128xf32> to vector<256x128xf32>
      %swap3A_266 = vector.shape_cast %select_n3A : vector<256x128xf32> to vector<1x256x128xf32>
      tpu.vector_store %arg9[%swap3A_261, %swap3A_262, %swap3A_263], %swap3A_266 {strides = array<i32>} : memref<32x256x128xf32, #tpu.memory_space<vmem>>, vector<1x256x128xf32>,
      %reduce_min3A = arith.constant dense<0x7F800000> : vector<128xf32>
      %reduce_min3A_267 = vector.multi_reduction <minimumf>, %select_n3A, %reduce_min3A [0] : vector<256x128xf32> to vector<128xf32>
      %broadcast_in_dim3A_268 = vector.shape_cast %reduce_min3A_267 : vector<128xf32> to vector<1x128xf32>
      %argmin3A = tpu.reduce_index %select_n3A {axis = 0 : i32, kind = #tpu.reduction_kind<arg_min>} : vector<256x128xf32> -> vector<128xi32>
      %reshape3A = vector.shape_cast %argmin3A : vector<128xi32> to vector<1x128xi32>
      %mul3A_269 = arith.constant 256 : i32
      %mul3A_270 = arith.muli %while3A_244, %mul3A_269 : i32
      %add3A_271 = vector.broadcast %mul3A_270 : i32 to vector<1x128xi32>
      %add3A_272 = arith.addi %reshape3A, %add3A_271 : vector<1x128xi32>
      %eq3A_273 = vector.broadcast %reshape3A : vector<1x128xi32> to vector<256x128xi32>
      %eq3A_274 = arith.cmpi eq, %iota3A, %eq3A_273 : vector<256x128xi32>
      %jit3A_275 = arith.constant 0x7F800000 : f32
      %broadcast_in_dim3A_276 = vector.broadcast %jit3A_275 : f32 to vector<256x128xf32>
      %select_n3A_277 = arith.select %eq3A_274, %broadcast_in_dim3A_276, %select_n3A : vector<256x128xi1>, vector<256x128xf32>
      %reduce_min3A_278 = arith.constant dense<0x7F800000> : vector<128xf32>
      %reduce_min3A_279 = vector.multi_reduction <minimumf>, %select_n3A_277, %reduce_min3A_278 [0] : vector<256x128xf32> to vector<128xf32>
      %broadcast_in_dim3A_280 = vector.shape_cast %reduce_min3A_279 : vector<128xf32> to vector<1x128xf32>
      %argmin3A_281 = tpu.reduce_index %select_n3A_277 {axis = 0 : i32, kind = #tpu.reduction_kind<arg_min>} : vector<256x128xf32> -> vector<128xi32>
      %reshape3A_282 = vector.shape_cast %argmin3A_281 : vector<128xi32> to vector<1x128xi32>
      %mul3A_283 = arith.constant 256 : i32
      %mul3A_284 = arith.muli %while3A_244, %mul3A_283 : i32
      %add3A_285 = vector.broadcast %mul3A_284 : i32 to vector<1x128xi32>
      %add3A_286 = arith.addi %reshape3A_282, %add3A_285 : vector<1x128xi32>
      %lt3A = arith.cmpf olt, %broadcast_in_dim3A_268, %while3A_245 : vector<1x128xf32>
      %eq3A_287 = arith.cmpf oeq, %broadcast_in_dim3A_268, %while3A_245 : vector<1x128xf32>
      %lt3A_288 = arith.cmpi slt, %add3A_272, %while3A_246 : vector<1x128xi32>
      %and3A = arith.andi %eq3A_287, %lt3A_288 : vector<1x128xi1>
      %or3A_289 = arith.ori %lt3A, %and3A : vector<1x128xi1>
      %select_n3A_290 = arith.select %or3A_289, %broadcast_in_dim3A_268, %while3A_245 : vector<1x128xi1>, vector<1x128xf32>
      %select_n3A_291 = arith.select %or3A_289, %add3A_272, %while3A_246 : vector<1x128xi1>, vector<1x128xi32>
      %select_n3A_292 = arith.select %or3A_289, %while3A_245, %broadcast_in_dim3A_268 : vector<1x128xi1>, vector<1x128xf32>
      %select_n3A_293 = arith.select %or3A_289, %while3A_246, %add3A_272 : vector<1x128xi1>, vector<1x128xi32>
      %select_n3A_294 = arith.select %or3A_289, %broadcast_in_dim3A_280, %while3A_247 : vector<1x128xi1>, vector<1x128xf32>
      %select_n3A_295 = arith.select %or3A_289, %add3A_286, %while3A_248 : vector<1x128xi1>, vector<1x128xi32>
      %lt3A_296 = arith.cmpf olt, %select_n3A_292, %select_n3A_294 : vector<1x128xf32>
      %eq3A_297 = arith.cmpf oeq, %select_n3A_292, %select_n3A_294 : vector<1x128xf32>
      %lt3A_298 = arith.cmpi slt, %select_n3A_293, %select_n3A_295 : vector<1x128xi32>
      %and3A_299 = arith.andi %eq3A_297, %lt3A_298 : vector<1x128xi1>
      %or3A_300 = arith.ori %lt3A_296, %and3A_299 : vector<1x128xi1>
      %select_n3A_301 = arith.select %or3A_300, %select_n3A_292, %select_n3A_294 : vector<1x128xi1>, vector<1x128xf32>
      %select_n3A_302 = arith.select %or3A_300, %select_n3A_293, %select_n3A_295 : vector<1x128xi1>, vector<1x128xi32>
      scf.yield %select_n3A_290, %select_n3A_291, %select_n3A_301, %select_n3A_302 : vector<1x128xf32>, vector<1x128xi32>, vector<1x128xf32>, vector<1x128xi32>
    }
    %while3A_115 = arith.constant 1 : i32
    %while3A_116:4 = scf.for %while3A_244 = %while3A_112 to %while3A_108 step %while3A_115 iter_args(%while3A_245 = %while3A_114#0, %while3A_246 = %while3A_114#1, %while3A_247 = %while3A_114#2, %while3A_248 = %while3A_114#3) -> (vector<1x128xf32>, vector<1x128xi32>, vector<1x128xf32>, vector<1x128xi32>)  : i32 {
      %get3A_249 = arith.index_cast %while3A_244 : i32 to index
      %get3A_250 = arith.constant 0 : index
      %get3A_251 = arith.constant 0 : index
      %get3A_252 = vector.load %arg9[%get3A_249, %get3A_250, %get3A_251] : memref<32x256x128xf32, #tpu.memory_space<vmem>>, vector<1x256x128xf32>
      %get3A_253 = vector.shape_cast %get3A_252 : vector<1x256x128xf32> to vector<256x128xf32>
      %mul3A = arith.constant 256 : i32
      %mul3A_254 = arith.muli %while3A_244, %mul3A : i32
      %add3A = vector.broadcast %mul3A_254 : i32 to vector<256x128xi32>
      %add3A_255 = arith.addi %iota3A, %add3A : vector<256x128xi32>
      %eq3A = vector.broadcast %while3A_94#1 : vector<1x128xi32> to vector<256x128xi32>
      %eq3A_256 = arith.cmpi eq, %add3A_255, %eq3A : vector<256x128xi32>
      %eq3A_257 = vector.broadcast %while3A_94#3 : vector<1x128xi32> to vector<256x128xi32>
      %eq3A_258 = arith.cmpi eq, %add3A_255, %eq3A_257 : vector<256x128xi32>
      %or3A = arith.ori %eq3A_256, %eq3A_258 : vector<256x128xi1>
      %jit3A_259 = arith.constant 0x7F800000 : f32
      %broadcast_in_dim3A_260 = vector.broadcast %jit3A_259 : f32 to vector<256x128xf32>
      %select_n3A = arith.select %or3A, %broadcast_in_dim3A_260, %get3A_253 : vector<256x128xi1>, vector<256x128xf32>
      %swap3A_261 = arith.index_cast %while3A_244 : i32 to index
      %swap3A_262 = arith.constant 0 : index
      %swap3A_263 = arith.constant 0 : index
      %swap3A_264 = vector.load %arg9[%swap3A_261, %swap3A_262, %swap3A_263] : memref<32x256x128xf32, #tpu.memory_space<vmem>>, vector<1x256x128xf32>
      %swap3A_265 = vector.shape_cast %swap3A_264 : vector<1x256x128xf32> to vector<256x128xf32>
      %swap3A_266 = vector.shape_cast %select_n3A : vector<256x128xf32> to vector<1x256x128xf32>
      tpu.vector_store %arg9[%swap3A_261, %swap3A_262, %swap3A_263], %swap3A_266 {strides = array<i32>} : memref<32x256x128xf32, #tpu.memory_space<vmem>>, vector<1x256x128xf32>,
      %reduce_min3A = arith.constant dense<0x7F800000> : vector<128xf32>
      %reduce_min3A_267 = vector.multi_reduction <minimumf>, %select_n3A, %reduce_min3A [0] : vector<256x128xf32> to vector<128xf32>
      %broadcast_in_dim3A_268 = vector.shape_cast %reduce_min3A_267 : vector<128xf32> to vector<1x128xf32>
      %argmin3A = tpu.reduce_index %select_n3A {axis = 0 : i32, kind = #tpu.reduction_kind<arg_min>} : vector<256x128xf32> -> vector<128xi32>
      %reshape3A = vector.shape_cast %argmin3A : vector<128xi32> to vector<1x128xi32>
      %mul3A_269 = arith.constant 256 : i32
      %mul3A_270 = arith.muli %while3A_244, %mul3A_269 : i32
      %add3A_271 = vector.broadcast %mul3A_270 : i32 to vector<1x128xi32>
      %add3A_272 = arith.addi %reshape3A, %add3A_271 : vector<1x128xi32>
      %eq3A_273 = vector.broadcast %reshape3A : vector<1x128xi32> to vector<256x128xi32>
      %eq3A_274 = arith.cmpi eq, %iota3A, %eq3A_273 : vector<256x128xi32>
      %jit3A_275 = arith.constant 0x7F800000 : f32
      %broadcast_in_dim3A_276 = vector.broadcast %jit3A_275 : f32 to vector<256x128xf32>
      %select_n3A_277 = arith.select %eq3A_274, %broadcast_in_dim3A_276, %select_n3A : vector<256x128xi1>, vector<256x128xf32>
      %reduce_min3A_278 = arith.constant dense<0x7F800000> : vector<128xf32>
      %reduce_min3A_279 = vector.multi_reduction <minimumf>, %select_n3A_277, %reduce_min3A_278 [0] : vector<256x128xf32> to vector<128xf32>
      %broadcast_in_dim3A_280 = vector.shape_cast %reduce_min3A_279 : vector<128xf32> to vector<1x128xf32>
      %argmin3A_281 = tpu.reduce_index %select_n3A_277 {axis = 0 : i32, kind = #tpu.reduction_kind<arg_min>} : vector<256x128xf32> -> vector<128xi32>
      %reshape3A_282 = vector.shape_cast %argmin3A_281 : vector<128xi32> to vector<1x128xi32>
      %mul3A_283 = arith.constant 256 : i32
      %mul3A_284 = arith.muli %while3A_244, %mul3A_283 : i32
      %add3A_285 = vector.broadcast %mul3A_284 : i32 to vector<1x128xi32>
      %add3A_286 = arith.addi %reshape3A_282, %add3A_285 : vector<1x128xi32>
      %lt3A = arith.cmpf olt, %broadcast_in_dim3A_268, %while3A_245 : vector<1x128xf32>
      %eq3A_287 = arith.cmpf oeq, %broadcast_in_dim3A_268, %while3A_245 : vector<1x128xf32>
      %lt3A_288 = arith.cmpi slt, %add3A_272, %while3A_246 : vector<1x128xi32>
      %and3A = arith.andi %eq3A_287, %lt3A_288 : vector<1x128xi1>
      %or3A_289 = arith.ori %lt3A, %and3A : vector<1x128xi1>
      %select_n3A_290 = arith.select %or3A_289, %broadcast_in_dim3A_268, %while3A_245 : vector<1x128xi1>, vector<1x128xf32>
      %select_n3A_291 = arith.select %or3A_289, %add3A_272, %while3A_246 : vector<1x128xi1>, vector<1x128xi32>
      %select_n3A_292 = arith.select %or3A_289, %while3A_245, %broadcast_in_dim3A_268 : vector<1x128xi1>, vector<1x128xf32>
      %select_n3A_293 = arith.select %or3A_289, %while3A_246, %add3A_272 : vector<1x128xi1>, vector<1x128xi32>
      %select_n3A_294 = arith.select %or3A_289, %broadcast_in_dim3A_280, %while3A_247 : vector<1x128xi1>, vector<1x128xf32>
      %select_n3A_295 = arith.select %or3A_289, %add3A_286, %while3A_248 : vector<1x128xi1>, vector<1x128xi32>
      %lt3A_296 = arith.cmpf olt, %select_n3A_292, %select_n3A_294 : vector<1x128xf32>
      %eq3A_297 = arith.cmpf oeq, %select_n3A_292, %select_n3A_294 : vector<1x128xf32>
      %lt3A_298 = arith.cmpi slt, %select_n3A_293, %select_n3A_295 : vector<1x128xi32>
      %and3A_299 = arith.andi %eq3A_297, %lt3A_298 : vector<1x128xi1>
      %or3A_300 = arith.ori %lt3A_296, %and3A_299 : vector<1x128xi1>
      %select_n3A_301 = arith.select %or3A_300, %select_n3A_292, %select_n3A_294 : vector<1x128xi1>, vector<1x128xf32>
      %select_n3A_302 = arith.select %or3A_300, %select_n3A_293, %select_n3A_295 : vector<1x128xi1>, vector<1x128xi32>
      scf.yield %select_n3A_290, %select_n3A_291, %select_n3A_301, %select_n3A_302 : vector<1x128xf32>, vector<1x128xi32>, vector<1x128xf32>, vector<1x128xi32>
    }
    %jit3A_117 = arith.constant 0 : i32
    %jit3A_118 = arith.constant 8191 : i32
    %max3A_119 = vector.broadcast %jit3A_117 : i32 to vector<1x128xi32>
    %max3A_120 = arith.maxsi %max3A_119, %while3A_116#1 : vector<1x128xi32>
    %min3A_121 = vector.broadcast %jit3A_118 : i32 to vector<1x128xi32>
    %min3A_122 = arith.minsi %min3A_121, %max3A_120 : vector<1x128xi32>
    %jit3A_123 = arith.constant 0 : i32
    %jit3A_124 = arith.constant 8191 : i32
    %max3A_125 = vector.broadcast %jit3A_123 : i32 to vector<1x128xi32>
    %max3A_126 = arith.maxsi %max3A_125, %while3A_116#3 : vector<1x128xi32>
    %min3A_127 = vector.broadcast %jit3A_124 : i32 to vector<1x128xi32>
    %min3A_128 = arith.minsi %min3A_127, %max3A_126 : vector<1x128xi32>
    %while3A_129 = arith.subi %get3A_4, %get3A_1 : i32
    %while3A_130 = arith.addi %get3A_1, %while3A_129 : i32
    %while3A_131 = arith.constant 1 : i32
    %while3A_132 = arith.divsi %while3A_129, %while3A_131 : i32
    %while3A_133 = arith.muli %while3A_132, %while3A_131 : i32
    %while3A_134 = arith.addi %get3A_1, %while3A_133 : i32
    %while3A_135 = arith.constant 1 : i32
    %while3A_136:4 = scf.for %while3A_244 = %get3A_1 to %while3A_134 step %while3A_135 iter_args(%while3A_245 = %broadcast_in_dim3A_20, %while3A_246 = %broadcast_in_dim3A_22, %while3A_247 = %broadcast_in_dim3A_20, %while3A_248 = %broadcast_in_dim3A_22) -> (vector<1x128xf32>, vector<1x128xi32>, vector<1x128xf32>, vector<1x128xi32>)  : i32 {
      %get3A_249 = arith.index_cast %while3A_244 : i32 to index
      %get3A_250 = arith.constant 0 : index
      %get3A_251 = arith.constant 0 : index
      %get3A_252 = vector.load %arg9[%get3A_249, %get3A_250, %get3A_251] : memref<32x256x128xf32, #tpu.memory_space<vmem>>, vector<1x256x128xf32>
      %get3A_253 = vector.shape_cast %get3A_252 : vector<1x256x128xf32> to vector<256x128xf32>
      %mul3A = arith.constant 256 : i32
      %mul3A_254 = arith.muli %while3A_244, %mul3A : i32
      %add3A = vector.broadcast %mul3A_254 : i32 to vector<256x128xi32>
      %add3A_255 = arith.addi %iota3A, %add3A : vector<256x128xi32>
      %eq3A = vector.broadcast %while3A_116#1 : vector<1x128xi32> to vector<256x128xi32>
      %eq3A_256 = arith.cmpi eq, %add3A_255, %eq3A : vector<256x128xi32>
      %eq3A_257 = vector.broadcast %while3A_116#3 : vector<1x128xi32> to vector<256x128xi32>
      %eq3A_258 = arith.cmpi eq, %add3A_255, %eq3A_257 : vector<256x128xi32>
      %or3A = arith.ori %eq3A_256, %eq3A_258 : vector<256x128xi1>
      %jit3A_259 = arith.constant 0x7F800000 : f32
      %broadcast_in_dim3A_260 = vector.broadcast %jit3A_259 : f32 to vector<256x128xf32>
      %select_n3A = arith.select %or3A, %broadcast_in_dim3A_260, %get3A_253 : vector<256x128xi1>, vector<256x128xf32>
      %swap3A_261 = arith.index_cast %while3A_244 : i32 to index
      %swap3A_262 = arith.constant 0 : index
      %swap3A_263 = arith.constant 0 : index
      %swap3A_264 = vector.load %arg9[%swap3A_261, %swap3A_262, %swap3A_263] : memref<32x256x128xf32, #tpu.memory_space<vmem>>, vector<1x256x128xf32>
      %swap3A_265 = vector.shape_cast %swap3A_264 : vector<1x256x128xf32> to vector<256x128xf32>
      %swap3A_266 = vector.shape_cast %select_n3A : vector<256x128xf32> to vector<1x256x128xf32>
      tpu.vector_store %arg9[%swap3A_261, %swap3A_262, %swap3A_263], %swap3A_266 {strides = array<i32>} : memref<32x256x128xf32, #tpu.memory_space<vmem>>, vector<1x256x128xf32>,
      %reduce_min3A = arith.constant dense<0x7F800000> : vector<128xf32>
      %reduce_min3A_267 = vector.multi_reduction <minimumf>, %select_n3A, %reduce_min3A [0] : vector<256x128xf32> to vector<128xf32>
      %broadcast_in_dim3A_268 = vector.shape_cast %reduce_min3A_267 : vector<128xf32> to vector<1x128xf32>
      %argmin3A = tpu.reduce_index %select_n3A {axis = 0 : i32, kind = #tpu.reduction_kind<arg_min>} : vector<256x128xf32> -> vector<128xi32>
      %reshape3A = vector.shape_cast %argmin3A : vector<128xi32> to vector<1x128xi32>
      %mul3A_269 = arith.constant 256 : i32
      %mul3A_270 = arith.muli %while3A_244, %mul3A_269 : i32
      %add3A_271 = vector.broadcast %mul3A_270 : i32 to vector<1x128xi32>
      %add3A_272 = arith.addi %reshape3A, %add3A_271 : vector<1x128xi32>
      %eq3A_273 = vector.broadcast %reshape3A : vector<1x128xi32> to vector<256x128xi32>
      %eq3A_274 = arith.cmpi eq, %iota3A, %eq3A_273 : vector<256x128xi32>
      %jit3A_275 = arith.constant 0x7F800000 : f32
      %broadcast_in_dim3A_276 = vector.broadcast %jit3A_275 : f32 to vector<256x128xf32>
      %select_n3A_277 = arith.select %eq3A_274, %broadcast_in_dim3A_276, %select_n3A : vector<256x128xi1>, vector<256x128xf32>
      %reduce_min3A_278 = arith.constant dense<0x7F800000> : vector<128xf32>
      %reduce_min3A_279 = vector.multi_reduction <minimumf>, %select_n3A_277, %reduce_min3A_278 [0] : vector<256x128xf32> to vector<128xf32>
      %broadcast_in_dim3A_280 = vector.shape_cast %reduce_min3A_279 : vector<128xf32> to vector<1x128xf32>
      %argmin3A_281 = tpu.reduce_index %select_n3A_277 {axis = 0 : i32, kind = #tpu.reduction_kind<arg_min>} : vector<256x128xf32> -> vector<128xi32>
      %reshape3A_282 = vector.shape_cast %argmin3A_281 : vector<128xi32> to vector<1x128xi32>
      %mul3A_283 = arith.constant 256 : i32
      %mul3A_284 = arith.muli %while3A_244, %mul3A_283 : i32
      %add3A_285 = vector.broadcast %mul3A_284 : i32 to vector<1x128xi32>
      %add3A_286 = arith.addi %reshape3A_282, %add3A_285 : vector<1x128xi32>
      %lt3A = arith.cmpf olt, %broadcast_in_dim3A_268, %while3A_245 : vector<1x128xf32>
      %eq3A_287 = arith.cmpf oeq, %broadcast_in_dim3A_268, %while3A_245 : vector<1x128xf32>
      %lt3A_288 = arith.cmpi slt, %add3A_272, %while3A_246 : vector<1x128xi32>
      %and3A = arith.andi %eq3A_287, %lt3A_288 : vector<1x128xi1>
      %or3A_289 = arith.ori %lt3A, %and3A : vector<1x128xi1>
      %select_n3A_290 = arith.select %or3A_289, %broadcast_in_dim3A_268, %while3A_245 : vector<1x128xi1>, vector<1x128xf32>
      %select_n3A_291 = arith.select %or3A_289, %add3A_272, %while3A_246 : vector<1x128xi1>, vector<1x128xi32>
      %select_n3A_292 = arith.select %or3A_289, %while3A_245, %broadcast_in_dim3A_268 : vector<1x128xi1>, vector<1x128xf32>
      %select_n3A_293 = arith.select %or3A_289, %while3A_246, %add3A_272 : vector<1x128xi1>, vector<1x128xi32>
      %select_n3A_294 = arith.select %or3A_289, %broadcast_in_dim3A_280, %while3A_247 : vector<1x128xi1>, vector<1x128xf32>
      %select_n3A_295 = arith.select %or3A_289, %add3A_286, %while3A_248 : vector<1x128xi1>, vector<1x128xi32>
      %lt3A_296 = arith.cmpf olt, %select_n3A_292, %select_n3A_294 : vector<1x128xf32>
      %eq3A_297 = arith.cmpf oeq, %select_n3A_292, %select_n3A_294 : vector<1x128xf32>
      %lt3A_298 = arith.cmpi slt, %select_n3A_293, %select_n3A_295 : vector<1x128xi32>
      %and3A_299 = arith.andi %eq3A_297, %lt3A_298 : vector<1x128xi1>
      %or3A_300 = arith.ori %lt3A_296, %and3A_299 : vector<1x128xi1>
      %select_n3A_301 = arith.select %or3A_300, %select_n3A_292, %select_n3A_294 : vector<1x128xi1>, vector<1x128xf32>
      %select_n3A_302 = arith.select %or3A_300, %select_n3A_293, %select_n3A_295 : vector<1x128xi1>, vector<1x128xi32>
      scf.yield %select_n3A_290, %select_n3A_291, %select_n3A_301, %select_n3A_302 : vector<1x128xf32>, vector<1x128xi32>, vector<1x128xf32>, vector<1x128xi32>
    }
    %while3A_137 = arith.constant 1 : i32
    %while3A_138:4 = scf.for %while3A_244 = %while3A_134 to %while3A_130 step %while3A_137 iter_args(%while3A_245 = %while3A_136#0, %while3A_246 = %while3A_136#1, %while3A_247 = %while3A_136#2, %while3A_248 = %while3A_136#3) -> (vector<1x128xf32>, vector<1x128xi32>, vector<1x128xf32>, vector<1x128xi32>)  : i32 {
      %get3A_249 = arith.index_cast %while3A_244 : i32 to index
      %get3A_250 = arith.constant 0 : index
      %get3A_251 = arith.constant 0 : index
      %get3A_252 = vector.load %arg9[%get3A_249, %get3A_250, %get3A_251] : memref<32x256x128xf32, #tpu.memory_space<vmem>>, vector<1x256x128xf32>
      %get3A_253 = vector.shape_cast %get3A_252 : vector<1x256x128xf32> to vector<256x128xf32>
      %mul3A = arith.constant 256 : i32
      %mul3A_254 = arith.muli %while3A_244, %mul3A : i32
      %add3A = vector.broadcast %mul3A_254 : i32 to vector<256x128xi32>
      %add3A_255 = arith.addi %iota3A, %add3A : vector<256x128xi32>
      %eq3A = vector.broadcast %while3A_116#1 : vector<1x128xi32> to vector<256x128xi32>
      %eq3A_256 = arith.cmpi eq, %add3A_255, %eq3A : vector<256x128xi32>
      %eq3A_257 = vector.broadcast %while3A_116#3 : vector<1x128xi32> to vector<256x128xi32>
      %eq3A_258 = arith.cmpi eq, %add3A_255, %eq3A_257 : vector<256x128xi32>
      %or3A = arith.ori %eq3A_256, %eq3A_258 : vector<256x128xi1>
      %jit3A_259 = arith.constant 0x7F800000 : f32
      %broadcast_in_dim3A_260 = vector.broadcast %jit3A_259 : f32 to vector<256x128xf32>
      %select_n3A = arith.select %or3A, %broadcast_in_dim3A_260, %get3A_253 : vector<256x128xi1>, vector<256x128xf32>
      %swap3A_261 = arith.index_cast %while3A_244 : i32 to index
      %swap3A_262 = arith.constant 0 : index
      %swap3A_263 = arith.constant 0 : index
      %swap3A_264 = vector.load %arg9[%swap3A_261, %swap3A_262, %swap3A_263] : memref<32x256x128xf32, #tpu.memory_space<vmem>>, vector<1x256x128xf32>
      %swap3A_265 = vector.shape_cast %swap3A_264 : vector<1x256x128xf32> to vector<256x128xf32>
      %swap3A_266 = vector.shape_cast %select_n3A : vector<256x128xf32> to vector<1x256x128xf32>
      tpu.vector_store %arg9[%swap3A_261, %swap3A_262, %swap3A_263], %swap3A_266 {strides = array<i32>} : memref<32x256x128xf32, #tpu.memory_space<vmem>>, vector<1x256x128xf32>,
      %reduce_min3A = arith.constant dense<0x7F800000> : vector<128xf32>
      %reduce_min3A_267 = vector.multi_reduction <minimumf>, %select_n3A, %reduce_min3A [0] : vector<256x128xf32> to vector<128xf32>
      %broadcast_in_dim3A_268 = vector.shape_cast %reduce_min3A_267 : vector<128xf32> to vector<1x128xf32>
      %argmin3A = tpu.reduce_index %select_n3A {axis = 0 : i32, kind = #tpu.reduction_kind<arg_min>} : vector<256x128xf32> -> vector<128xi32>
      %reshape3A = vector.shape_cast %argmin3A : vector<128xi32> to vector<1x128xi32>
      %mul3A_269 = arith.constant 256 : i32
      %mul3A_270 = arith.muli %while3A_244, %mul3A_269 : i32
      %add3A_271 = vector.broadcast %mul3A_270 : i32 to vector<1x128xi32>
      %add3A_272 = arith.addi %reshape3A, %add3A_271 : vector<1x128xi32>
      %eq3A_273 = vector.broadcast %reshape3A : vector<1x128xi32> to vector<256x128xi32>
      %eq3A_274 = arith.cmpi eq, %iota3A, %eq3A_273 : vector<256x128xi32>
      %jit3A_275 = arith.constant 0x7F800000 : f32
      %broadcast_in_dim3A_276 = vector.broadcast %jit3A_275 : f32 to vector<256x128xf32>
      %select_n3A_277 = arith.select %eq3A_274, %broadcast_in_dim3A_276, %select_n3A : vector<256x128xi1>, vector<256x128xf32>
      %reduce_min3A_278 = arith.constant dense<0x7F800000> : vector<128xf32>
      %reduce_min3A_279 = vector.multi_reduction <minimumf>, %select_n3A_277, %reduce_min3A_278 [0] : vector<256x128xf32> to vector<128xf32>
      %broadcast_in_dim3A_280 = vector.shape_cast %reduce_min3A_279 : vector<128xf32> to vector<1x128xf32>
      %argmin3A_281 = tpu.reduce_index %select_n3A_277 {axis = 0 : i32, kind = #tpu.reduction_kind<arg_min>} : vector<256x128xf32> -> vector<128xi32>
      %reshape3A_282 = vector.shape_cast %argmin3A_281 : vector<128xi32> to vector<1x128xi32>
      %mul3A_283 = arith.constant 256 : i32
      %mul3A_284 = arith.muli %while3A_244, %mul3A_283 : i32
      %add3A_285 = vector.broadcast %mul3A_284 : i32 to vector<1x128xi32>
      %add3A_286 = arith.addi %reshape3A_282, %add3A_285 : vector<1x128xi32>
      %lt3A = arith.cmpf olt, %broadcast_in_dim3A_268, %while3A_245 : vector<1x128xf32>
      %eq3A_287 = arith.cmpf oeq, %broadcast_in_dim3A_268, %while3A_245 : vector<1x128xf32>
      %lt3A_288 = arith.cmpi slt, %add3A_272, %while3A_246 : vector<1x128xi32>
      %and3A = arith.andi %eq3A_287, %lt3A_288 : vector<1x128xi1>
      %or3A_289 = arith.ori %lt3A, %and3A : vector<1x128xi1>
      %select_n3A_290 = arith.select %or3A_289, %broadcast_in_dim3A_268, %while3A_245 : vector<1x128xi1>, vector<1x128xf32>
      %select_n3A_291 = arith.select %or3A_289, %add3A_272, %while3A_246 : vector<1x128xi1>, vector<1x128xi32>
      %select_n3A_292 = arith.select %or3A_289, %while3A_245, %broadcast_in_dim3A_268 : vector<1x128xi1>, vector<1x128xf32>
      %select_n3A_293 = arith.select %or3A_289, %while3A_246, %add3A_272 : vector<1x128xi1>, vector<1x128xi32>
      %select_n3A_294 = arith.select %or3A_289, %broadcast_in_dim3A_280, %while3A_247 : vector<1x128xi1>, vector<1x128xf32>
      %select_n3A_295 = arith.select %or3A_289, %add3A_286, %while3A_248 : vector<1x128xi1>, vector<1x128xi32>
      %lt3A_296 = arith.cmpf olt, %select_n3A_292, %select_n3A_294 : vector<1x128xf32>
      %eq3A_297 = arith.cmpf oeq, %select_n3A_292, %select_n3A_294 : vector<1x128xf32>
      %lt3A_298 = arith.cmpi slt, %select_n3A_293, %select_n3A_295 : vector<1x128xi32>
      %and3A_299 = arith.andi %eq3A_297, %lt3A_298 : vector<1x128xi1>
      %or3A_300 = arith.ori %lt3A_296, %and3A_299 : vector<1x128xi1>
      %select_n3A_301 = arith.select %or3A_300, %select_n3A_292, %select_n3A_294 : vector<1x128xi1>, vector<1x128xf32>
      %select_n3A_302 = arith.select %or3A_300, %select_n3A_293, %select_n3A_295 : vector<1x128xi1>, vector<1x128xi32>
      scf.yield %select_n3A_290, %select_n3A_291, %select_n3A_301, %select_n3A_302 : vector<1x128xf32>, vector<1x128xi32>, vector<1x128xf32>, vector<1x128xi32>
    }
    %jit3A_139 = arith.constant 0 : i32
    %jit3A_140 = arith.constant 8191 : i32
    %max3A_141 = vector.broadcast %jit3A_139 : i32 to vector<1x128xi32>
    %max3A_142 = arith.maxsi %max3A_141, %while3A_138#1 : vector<1x128xi32>
    %min3A_143 = vector.broadcast %jit3A_140 : i32 to vector<1x128xi32>
    %min3A_144 = arith.minsi %min3A_143, %max3A_142 : vector<1x128xi32>
    %jit3A_145 = arith.constant 0 : i32
    %jit3A_146 = arith.constant 8191 : i32
    %max3A_147 = vector.broadcast %jit3A_145 : i32 to vector<1x128xi32>
    %max3A_148 = arith.maxsi %max3A_147, %while3A_138#3 : vector<1x128xi32>
    %min3A_149 = vector.broadcast %jit3A_146 : i32 to vector<1x128xi32>
    %min3A_150 = arith.minsi %min3A_149, %max3A_148 : vector<1x128xi32>
    %while3A_151 = arith.subi %get3A_4, %get3A_1 : i32
    %while3A_152 = arith.addi %get3A_1, %while3A_151 : i32
    %while3A_153 = arith.constant 1 : i32
    %while3A_154 = arith.divsi %while3A_151, %while3A_153 : i32
    %while3A_155 = arith.muli %while3A_154, %while3A_153 : i32
    %while3A_156 = arith.addi %get3A_1, %while3A_155 : i32
    %while3A_157 = arith.constant 1 : i32
    %while3A_158:4 = scf.for %while3A_244 = %get3A_1 to %while3A_156 step %while3A_157 iter_args(%while3A_245 = %broadcast_in_dim3A_20, %while3A_246 = %broadcast_in_dim3A_22, %while3A_247 = %broadcast_in_dim3A_20, %while3A_248 = %broadcast_in_dim3A_22) -> (vector<1x128xf32>, vector<1x128xi32>, vector<1x128xf32>, vector<1x128xi32>)  : i32 {
      %get3A_249 = arith.index_cast %while3A_244 : i32 to index
      %get3A_250 = arith.constant 0 : index
      %get3A_251 = arith.constant 0 : index
      %get3A_252 = vector.load %arg9[%get3A_249, %get3A_250, %get3A_251] : memref<32x256x128xf32, #tpu.memory_space<vmem>>, vector<1x256x128xf32>
      %get3A_253 = vector.shape_cast %get3A_252 : vector<1x256x128xf32> to vector<256x128xf32>
      %mul3A = arith.constant 256 : i32
      %mul3A_254 = arith.muli %while3A_244, %mul3A : i32
      %add3A = vector.broadcast %mul3A_254 : i32 to vector<256x128xi32>
      %add3A_255 = arith.addi %iota3A, %add3A : vector<256x128xi32>
      %eq3A = vector.broadcast %while3A_138#1 : vector<1x128xi32> to vector<256x128xi32>
      %eq3A_256 = arith.cmpi eq, %add3A_255, %eq3A : vector<256x128xi32>
      %eq3A_257 = vector.broadcast %while3A_138#3 : vector<1x128xi32> to vector<256x128xi32>
      %eq3A_258 = arith.cmpi eq, %add3A_255, %eq3A_257 : vector<256x128xi32>
      %or3A = arith.ori %eq3A_256, %eq3A_258 : vector<256x128xi1>
      %jit3A_259 = arith.constant 0x7F800000 : f32
      %broadcast_in_dim3A_260 = vector.broadcast %jit3A_259 : f32 to vector<256x128xf32>
      %select_n3A = arith.select %or3A, %broadcast_in_dim3A_260, %get3A_253 : vector<256x128xi1>, vector<256x128xf32>
      %swap3A_261 = arith.index_cast %while3A_244 : i32 to index
      %swap3A_262 = arith.constant 0 : index
      %swap3A_263 = arith.constant 0 : index
      %swap3A_264 = vector.load %arg9[%swap3A_261, %swap3A_262, %swap3A_263] : memref<32x256x128xf32, #tpu.memory_space<vmem>>, vector<1x256x128xf32>
      %swap3A_265 = vector.shape_cast %swap3A_264 : vector<1x256x128xf32> to vector<256x128xf32>
      %swap3A_266 = vector.shape_cast %select_n3A : vector<256x128xf32> to vector<1x256x128xf32>
      tpu.vector_store %arg9[%swap3A_261, %swap3A_262, %swap3A_263], %swap3A_266 {strides = array<i32>} : memref<32x256x128xf32, #tpu.memory_space<vmem>>, vector<1x256x128xf32>,
      %reduce_min3A = arith.constant dense<0x7F800000> : vector<128xf32>
      %reduce_min3A_267 = vector.multi_reduction <minimumf>, %select_n3A, %reduce_min3A [0] : vector<256x128xf32> to vector<128xf32>
      %broadcast_in_dim3A_268 = vector.shape_cast %reduce_min3A_267 : vector<128xf32> to vector<1x128xf32>
      %argmin3A = tpu.reduce_index %select_n3A {axis = 0 : i32, kind = #tpu.reduction_kind<arg_min>} : vector<256x128xf32> -> vector<128xi32>
      %reshape3A = vector.shape_cast %argmin3A : vector<128xi32> to vector<1x128xi32>
      %mul3A_269 = arith.constant 256 : i32
      %mul3A_270 = arith.muli %while3A_244, %mul3A_269 : i32
      %add3A_271 = vector.broadcast %mul3A_270 : i32 to vector<1x128xi32>
      %add3A_272 = arith.addi %reshape3A, %add3A_271 : vector<1x128xi32>
      %eq3A_273 = vector.broadcast %reshape3A : vector<1x128xi32> to vector<256x128xi32>
      %eq3A_274 = arith.cmpi eq, %iota3A, %eq3A_273 : vector<256x128xi32>
      %jit3A_275 = arith.constant 0x7F800000 : f32
      %broadcast_in_dim3A_276 = vector.broadcast %jit3A_275 : f32 to vector<256x128xf32>
      %select_n3A_277 = arith.select %eq3A_274, %broadcast_in_dim3A_276, %select_n3A : vector<256x128xi1>, vector<256x128xf32>
      %reduce_min3A_278 = arith.constant dense<0x7F800000> : vector<128xf32>
      %reduce_min3A_279 = vector.multi_reduction <minimumf>, %select_n3A_277, %reduce_min3A_278 [0] : vector<256x128xf32> to vector<128xf32>
      %broadcast_in_dim3A_280 = vector.shape_cast %reduce_min3A_279 : vector<128xf32> to vector<1x128xf32>
      %argmin3A_281 = tpu.reduce_index %select_n3A_277 {axis = 0 : i32, kind = #tpu.reduction_kind<arg_min>} : vector<256x128xf32> -> vector<128xi32>
      %reshape3A_282 = vector.shape_cast %argmin3A_281 : vector<128xi32> to vector<1x128xi32>
      %mul3A_283 = arith.constant 256 : i32
      %mul3A_284 = arith.muli %while3A_244, %mul3A_283 : i32
      %add3A_285 = vector.broadcast %mul3A_284 : i32 to vector<1x128xi32>
      %add3A_286 = arith.addi %reshape3A_282, %add3A_285 : vector<1x128xi32>
      %lt3A = arith.cmpf olt, %broadcast_in_dim3A_268, %while3A_245 : vector<1x128xf32>
      %eq3A_287 = arith.cmpf oeq, %broadcast_in_dim3A_268, %while3A_245 : vector<1x128xf32>
      %lt3A_288 = arith.cmpi slt, %add3A_272, %while3A_246 : vector<1x128xi32>
      %and3A = arith.andi %eq3A_287, %lt3A_288 : vector<1x128xi1>
      %or3A_289 = arith.ori %lt3A, %and3A : vector<1x128xi1>
      %select_n3A_290 = arith.select %or3A_289, %broadcast_in_dim3A_268, %while3A_245 : vector<1x128xi1>, vector<1x128xf32>
      %select_n3A_291 = arith.select %or3A_289, %add3A_272, %while3A_246 : vector<1x128xi1>, vector<1x128xi32>
      %select_n3A_292 = arith.select %or3A_289, %while3A_245, %broadcast_in_dim3A_268 : vector<1x128xi1>, vector<1x128xf32>
      %select_n3A_293 = arith.select %or3A_289, %while3A_246, %add3A_272 : vector<1x128xi1>, vector<1x128xi32>
      %select_n3A_294 = arith.select %or3A_289, %broadcast_in_dim3A_280, %while3A_247 : vector<1x128xi1>, vector<1x128xf32>
      %select_n3A_295 = arith.select %or3A_289, %add3A_286, %while3A_248 : vector<1x128xi1>, vector<1x128xi32>
      %lt3A_296 = arith.cmpf olt, %select_n3A_292, %select_n3A_294 : vector<1x128xf32>
      %eq3A_297 = arith.cmpf oeq, %select_n3A_292, %select_n3A_294 : vector<1x128xf32>
      %lt3A_298 = arith.cmpi slt, %select_n3A_293, %select_n3A_295 : vector<1x128xi32>
      %and3A_299 = arith.andi %eq3A_297, %lt3A_298 : vector<1x128xi1>
      %or3A_300 = arith.ori %lt3A_296, %and3A_299 : vector<1x128xi1>
      %select_n3A_301 = arith.select %or3A_300, %select_n3A_292, %select_n3A_294 : vector<1x128xi1>, vector<1x128xf32>
      %select_n3A_302 = arith.select %or3A_300, %select_n3A_293, %select_n3A_295 : vector<1x128xi1>, vector<1x128xi32>
      scf.yield %select_n3A_290, %select_n3A_291, %select_n3A_301, %select_n3A_302 : vector<1x128xf32>, vector<1x128xi32>, vector<1x128xf32>, vector<1x128xi32>
    }
    %while3A_159 = arith.constant 1 : i32
    %while3A_160:4 = scf.for %while3A_244 = %while3A_156 to %while3A_152 step %while3A_159 iter_args(%while3A_245 = %while3A_158#0, %while3A_246 = %while3A_158#1, %while3A_247 = %while3A_158#2, %while3A_248 = %while3A_158#3) -> (vector<1x128xf32>, vector<1x128xi32>, vector<1x128xf32>, vector<1x128xi32>)  : i32 {
      %get3A_249 = arith.index_cast %while3A_244 : i32 to index
      %get3A_250 = arith.constant 0 : index
      %get3A_251 = arith.constant 0 : index
      %get3A_252 = vector.load %arg9[%get3A_249, %get3A_250, %get3A_251] : memref<32x256x128xf32, #tpu.memory_space<vmem>>, vector<1x256x128xf32>
      %get3A_253 = vector.shape_cast %get3A_252 : vector<1x256x128xf32> to vector<256x128xf32>
      %mul3A = arith.constant 256 : i32
      %mul3A_254 = arith.muli %while3A_244, %mul3A : i32
      %add3A = vector.broadcast %mul3A_254 : i32 to vector<256x128xi32>
      %add3A_255 = arith.addi %iota3A, %add3A : vector<256x128xi32>
      %eq3A = vector.broadcast %while3A_138#1 : vector<1x128xi32> to vector<256x128xi32>
      %eq3A_256 = arith.cmpi eq, %add3A_255, %eq3A : vector<256x128xi32>
      %eq3A_257 = vector.broadcast %while3A_138#3 : vector<1x128xi32> to vector<256x128xi32>
      %eq3A_258 = arith.cmpi eq, %add3A_255, %eq3A_257 : vector<256x128xi32>
      %or3A = arith.ori %eq3A_256, %eq3A_258 : vector<256x128xi1>
      %jit3A_259 = arith.constant 0x7F800000 : f32
      %broadcast_in_dim3A_260 = vector.broadcast %jit3A_259 : f32 to vector<256x128xf32>
      %select_n3A = arith.select %or3A, %broadcast_in_dim3A_260, %get3A_253 : vector<256x128xi1>, vector<256x128xf32>
      %swap3A_261 = arith.index_cast %while3A_244 : i32 to index
      %swap3A_262 = arith.constant 0 : index
      %swap3A_263 = arith.constant 0 : index
      %swap3A_264 = vector.load %arg9[%swap3A_261, %swap3A_262, %swap3A_263] : memref<32x256x128xf32, #tpu.memory_space<vmem>>, vector<1x256x128xf32>
      %swap3A_265 = vector.shape_cast %swap3A_264 : vector<1x256x128xf32> to vector<256x128xf32>
      %swap3A_266 = vector.shape_cast %select_n3A : vector<256x128xf32> to vector<1x256x128xf32>
      tpu.vector_store %arg9[%swap3A_261, %swap3A_262, %swap3A_263], %swap3A_266 {strides = array<i32>} : memref<32x256x128xf32, #tpu.memory_space<vmem>>, vector<1x256x128xf32>,
      %reduce_min3A = arith.constant dense<0x7F800000> : vector<128xf32>
      %reduce_min3A_267 = vector.multi_reduction <minimumf>, %select_n3A, %reduce_min3A [0] : vector<256x128xf32> to vector<128xf32>
      %broadcast_in_dim3A_268 = vector.shape_cast %reduce_min3A_267 : vector<128xf32> to vector<1x128xf32>
      %argmin3A = tpu.reduce_index %select_n3A {axis = 0 : i32, kind = #tpu.reduction_kind<arg_min>} : vector<256x128xf32> -> vector<128xi32>
      %reshape3A = vector.shape_cast %argmin3A : vector<128xi32> to vector<1x128xi32>
      %mul3A_269 = arith.constant 256 : i32
      %mul3A_270 = arith.muli %while3A_244, %mul3A_269 : i32
      %add3A_271 = vector.broadcast %mul3A_270 : i32 to vector<1x128xi32>
      %add3A_272 = arith.addi %reshape3A, %add3A_271 : vector<1x128xi32>
      %eq3A_273 = vector.broadcast %reshape3A : vector<1x128xi32> to vector<256x128xi32>
      %eq3A_274 = arith.cmpi eq, %iota3A, %eq3A_273 : vector<256x128xi32>
      %jit3A_275 = arith.constant 0x7F800000 : f32
      %broadcast_in_dim3A_276 = vector.broadcast %jit3A_275 : f32 to vector<256x128xf32>
      %select_n3A_277 = arith.select %eq3A_274, %broadcast_in_dim3A_276, %select_n3A : vector<256x128xi1>, vector<256x128xf32>
      %reduce_min3A_278 = arith.constant dense<0x7F800000> : vector<128xf32>
      %reduce_min3A_279 = vector.multi_reduction <minimumf>, %select_n3A_277, %reduce_min3A_278 [0] : vector<256x128xf32> to vector<128xf32>
      %broadcast_in_dim3A_280 = vector.shape_cast %reduce_min3A_279 : vector<128xf32> to vector<1x128xf32>
      %argmin3A_281 = tpu.reduce_index %select_n3A_277 {axis = 0 : i32, kind = #tpu.reduction_kind<arg_min>} : vector<256x128xf32> -> vector<128xi32>
      %reshape3A_282 = vector.shape_cast %argmin3A_281 : vector<128xi32> to vector<1x128xi32>
      %mul3A_283 = arith.constant 256 : i32
      %mul3A_284 = arith.muli %while3A_244, %mul3A_283 : i32
      %add3A_285 = vector.broadcast %mul3A_284 : i32 to vector<1x128xi32>
      %add3A_286 = arith.addi %reshape3A_282, %add3A_285 : vector<1x128xi32>
      %lt3A = arith.cmpf olt, %broadcast_in_dim3A_268, %while3A_245 : vector<1x128xf32>
      %eq3A_287 = arith.cmpf oeq, %broadcast_in_dim3A_268, %while3A_245 : vector<1x128xf32>
      %lt3A_288 = arith.cmpi slt, %add3A_272, %while3A_246 : vector<1x128xi32>
      %and3A = arith.andi %eq3A_287, %lt3A_288 : vector<1x128xi1>
      %or3A_289 = arith.ori %lt3A, %and3A : vector<1x128xi1>
      %select_n3A_290 = arith.select %or3A_289, %broadcast_in_dim3A_268, %while3A_245 : vector<1x128xi1>, vector<1x128xf32>
      %select_n3A_291 = arith.select %or3A_289, %add3A_272, %while3A_246 : vector<1x128xi1>, vector<1x128xi32>
      %select_n3A_292 = arith.select %or3A_289, %while3A_245, %broadcast_in_dim3A_268 : vector<1x128xi1>, vector<1x128xf32>
      %select_n3A_293 = arith.select %or3A_289, %while3A_246, %add3A_272 : vector<1x128xi1>, vector<1x128xi32>
      %select_n3A_294 = arith.select %or3A_289, %broadcast_in_dim3A_280, %while3A_247 : vector<1x128xi1>, vector<1x128xf32>
      %select_n3A_295 = arith.select %or3A_289, %add3A_286, %while3A_248 : vector<1x128xi1>, vector<1x128xi32>
      %lt3A_296 = arith.cmpf olt, %select_n3A_292, %select_n3A_294 : vector<1x128xf32>
      %eq3A_297 = arith.cmpf oeq, %select_n3A_292, %select_n3A_294 : vector<1x128xf32>
      %lt3A_298 = arith.cmpi slt, %select_n3A_293, %select_n3A_295 : vector<1x128xi32>
      %and3A_299 = arith.andi %eq3A_297, %lt3A_298 : vector<1x128xi1>
      %or3A_300 = arith.ori %lt3A_296, %and3A_299 : vector<1x128xi1>
      %select_n3A_301 = arith.select %or3A_300, %select_n3A_292, %select_n3A_294 : vector<1x128xi1>, vector<1x128xf32>
      %select_n3A_302 = arith.select %or3A_300, %select_n3A_293, %select_n3A_295 : vector<1x128xi1>, vector<1x128xi32>
      scf.yield %select_n3A_290, %select_n3A_291, %select_n3A_301, %select_n3A_302 : vector<1x128xf32>, vector<1x128xi32>, vector<1x128xf32>, vector<1x128xi32>
    }
    %jit3A_161 = arith.constant 0 : i32
    %jit3A_162 = arith.constant 8191 : i32
    %max3A_163 = vector.broadcast %jit3A_161 : i32 to vector<1x128xi32>
    %max3A_164 = arith.maxsi %max3A_163, %while3A_160#1 : vector<1x128xi32>
    %min3A_165 = vector.broadcast %jit3A_162 : i32 to vector<1x128xi32>
    %min3A_166 = arith.minsi %min3A_165, %max3A_164 : vector<1x128xi32>
    %jit3A_167 = arith.constant 0 : i32
    %jit3A_168 = arith.constant 8191 : i32
    %max3A_169 = vector.broadcast %jit3A_167 : i32 to vector<1x128xi32>
    %max3A_170 = arith.maxsi %max3A_169, %while3A_160#3 : vector<1x128xi32>
    %min3A_171 = vector.broadcast %jit3A_168 : i32 to vector<1x128xi32>
    %min3A_172 = arith.minsi %min3A_171, %max3A_170 : vector<1x128xi32>
    %while3A_173 = arith.subi %get3A_4, %get3A_1 : i32
    %while3A_174 = arith.addi %get3A_1, %while3A_173 : i32
    %while3A_175 = arith.constant 1 : i32
    %while3A_176 = arith.divsi %while3A_173, %while3A_175 : i32
    %while3A_177 = arith.muli %while3A_176, %while3A_175 : i32
    %while3A_178 = arith.addi %get3A_1, %while3A_177 : i32
    %while3A_179 = arith.constant 1 : i32
    %while3A_180:4 = scf.for %while3A_244 = %get3A_1 to %while3A_178 step %while3A_179 iter_args(%while3A_245 = %broadcast_in_dim3A_20, %while3A_246 = %broadcast_in_dim3A_22, %while3A_247 = %broadcast_in_dim3A_20, %while3A_248 = %broadcast_in_dim3A_22) -> (vector<1x128xf32>, vector<1x128xi32>, vector<1x128xf32>, vector<1x128xi32>)  : i32 {
      %get3A_249 = arith.index_cast %while3A_244 : i32 to index
      %get3A_250 = arith.constant 0 : index
      %get3A_251 = arith.constant 0 : index
      %get3A_252 = vector.load %arg9[%get3A_249, %get3A_250, %get3A_251] : memref<32x256x128xf32, #tpu.memory_space<vmem>>, vector<1x256x128xf32>
      %get3A_253 = vector.shape_cast %get3A_252 : vector<1x256x128xf32> to vector<256x128xf32>
      %mul3A = arith.constant 256 : i32
      %mul3A_254 = arith.muli %while3A_244, %mul3A : i32
      %add3A = vector.broadcast %mul3A_254 : i32 to vector<256x128xi32>
      %add3A_255 = arith.addi %iota3A, %add3A : vector<256x128xi32>
      %eq3A = vector.broadcast %while3A_160#1 : vector<1x128xi32> to vector<256x128xi32>
      %eq3A_256 = arith.cmpi eq, %add3A_255, %eq3A : vector<256x128xi32>
      %eq3A_257 = vector.broadcast %while3A_160#3 : vector<1x128xi32> to vector<256x128xi32>
      %eq3A_258 = arith.cmpi eq, %add3A_255, %eq3A_257 : vector<256x128xi32>
      %or3A = arith.ori %eq3A_256, %eq3A_258 : vector<256x128xi1>
      %jit3A_259 = arith.constant 0x7F800000 : f32
      %broadcast_in_dim3A_260 = vector.broadcast %jit3A_259 : f32 to vector<256x128xf32>
      %select_n3A = arith.select %or3A, %broadcast_in_dim3A_260, %get3A_253 : vector<256x128xi1>, vector<256x128xf32>
      %swap3A_261 = arith.index_cast %while3A_244 : i32 to index
      %swap3A_262 = arith.constant 0 : index
      %swap3A_263 = arith.constant 0 : index
      %swap3A_264 = vector.load %arg9[%swap3A_261, %swap3A_262, %swap3A_263] : memref<32x256x128xf32, #tpu.memory_space<vmem>>, vector<1x256x128xf32>
      %swap3A_265 = vector.shape_cast %swap3A_264 : vector<1x256x128xf32> to vector<256x128xf32>
      %swap3A_266 = vector.shape_cast %select_n3A : vector<256x128xf32> to vector<1x256x128xf32>
      tpu.vector_store %arg9[%swap3A_261, %swap3A_262, %swap3A_263], %swap3A_266 {strides = array<i32>} : memref<32x256x128xf32, #tpu.memory_space<vmem>>, vector<1x256x128xf32>,
      %reduce_min3A = arith.constant dense<0x7F800000> : vector<128xf32>
      %reduce_min3A_267 = vector.multi_reduction <minimumf>, %select_n3A, %reduce_min3A [0] : vector<256x128xf32> to vector<128xf32>
      %broadcast_in_dim3A_268 = vector.shape_cast %reduce_min3A_267 : vector<128xf32> to vector<1x128xf32>
      %argmin3A = tpu.reduce_index %select_n3A {axis = 0 : i32, kind = #tpu.reduction_kind<arg_min>} : vector<256x128xf32> -> vector<128xi32>
      %reshape3A = vector.shape_cast %argmin3A : vector<128xi32> to vector<1x128xi32>
      %mul3A_269 = arith.constant 256 : i32
      %mul3A_270 = arith.muli %while3A_244, %mul3A_269 : i32
      %add3A_271 = vector.broadcast %mul3A_270 : i32 to vector<1x128xi32>
      %add3A_272 = arith.addi %reshape3A, %add3A_271 : vector<1x128xi32>
      %eq3A_273 = vector.broadcast %reshape3A : vector<1x128xi32> to vector<256x128xi32>
      %eq3A_274 = arith.cmpi eq, %iota3A, %eq3A_273 : vector<256x128xi32>
      %jit3A_275 = arith.constant 0x7F800000 : f32
      %broadcast_in_dim3A_276 = vector.broadcast %jit3A_275 : f32 to vector<256x128xf32>
      %select_n3A_277 = arith.select %eq3A_274, %broadcast_in_dim3A_276, %select_n3A : vector<256x128xi1>, vector<256x128xf32>
      %reduce_min3A_278 = arith.constant dense<0x7F800000> : vector<128xf32>
      %reduce_min3A_279 = vector.multi_reduction <minimumf>, %select_n3A_277, %reduce_min3A_278 [0] : vector<256x128xf32> to vector<128xf32>
      %broadcast_in_dim3A_280 = vector.shape_cast %reduce_min3A_279 : vector<128xf32> to vector<1x128xf32>
      %argmin3A_281 = tpu.reduce_index %select_n3A_277 {axis = 0 : i32, kind = #tpu.reduction_kind<arg_min>} : vector<256x128xf32> -> vector<128xi32>
      %reshape3A_282 = vector.shape_cast %argmin3A_281 : vector<128xi32> to vector<1x128xi32>
      %mul3A_283 = arith.constant 256 : i32
      %mul3A_284 = arith.muli %while3A_244, %mul3A_283 : i32
      %add3A_285 = vector.broadcast %mul3A_284 : i32 to vector<1x128xi32>
      %add3A_286 = arith.addi %reshape3A_282, %add3A_285 : vector<1x128xi32>
      %lt3A = arith.cmpf olt, %broadcast_in_dim3A_268, %while3A_245 : vector<1x128xf32>
      %eq3A_287 = arith.cmpf oeq, %broadcast_in_dim3A_268, %while3A_245 : vector<1x128xf32>
      %lt3A_288 = arith.cmpi slt, %add3A_272, %while3A_246 : vector<1x128xi32>
      %and3A = arith.andi %eq3A_287, %lt3A_288 : vector<1x128xi1>
      %or3A_289 = arith.ori %lt3A, %and3A : vector<1x128xi1>
      %select_n3A_290 = arith.select %or3A_289, %broadcast_in_dim3A_268, %while3A_245 : vector<1x128xi1>, vector<1x128xf32>
      %select_n3A_291 = arith.select %or3A_289, %add3A_272, %while3A_246 : vector<1x128xi1>, vector<1x128xi32>
      %select_n3A_292 = arith.select %or3A_289, %while3A_245, %broadcast_in_dim3A_268 : vector<1x128xi1>, vector<1x128xf32>
      %select_n3A_293 = arith.select %or3A_289, %while3A_246, %add3A_272 : vector<1x128xi1>, vector<1x128xi32>
      %select_n3A_294 = arith.select %or3A_289, %broadcast_in_dim3A_280, %while3A_247 : vector<1x128xi1>, vector<1x128xf32>
      %select_n3A_295 = arith.select %or3A_289, %add3A_286, %while3A_248 : vector<1x128xi1>, vector<1x128xi32>
      %lt3A_296 = arith.cmpf olt, %select_n3A_292, %select_n3A_294 : vector<1x128xf32>
      %eq3A_297 = arith.cmpf oeq, %select_n3A_292, %select_n3A_294 : vector<1x128xf32>
      %lt3A_298 = arith.cmpi slt, %select_n3A_293, %select_n3A_295 : vector<1x128xi32>
      %and3A_299 = arith.andi %eq3A_297, %lt3A_298 : vector<1x128xi1>
      %or3A_300 = arith.ori %lt3A_296, %and3A_299 : vector<1x128xi1>
      %select_n3A_301 = arith.select %or3A_300, %select_n3A_292, %select_n3A_294 : vector<1x128xi1>, vector<1x128xf32>
      %select_n3A_302 = arith.select %or3A_300, %select_n3A_293, %select_n3A_295 : vector<1x128xi1>, vector<1x128xi32>
      scf.yield %select_n3A_290, %select_n3A_291, %select_n3A_301, %select_n3A_302 : vector<1x128xf32>, vector<1x128xi32>, vector<1x128xf32>, vector<1x128xi32>
    }
    %while3A_181 = arith.constant 1 : i32
    %while3A_182:4 = scf.for %while3A_244 = %while3A_178 to %while3A_174 step %while3A_181 iter_args(%while3A_245 = %while3A_180#0, %while3A_246 = %while3A_180#1, %while3A_247 = %while3A_180#2, %while3A_248 = %while3A_180#3) -> (vector<1x128xf32>, vector<1x128xi32>, vector<1x128xf32>, vector<1x128xi32>)  : i32 {
      %get3A_249 = arith.index_cast %while3A_244 : i32 to index
      %get3A_250 = arith.constant 0 : index
      %get3A_251 = arith.constant 0 : index
      %get3A_252 = vector.load %arg9[%get3A_249, %get3A_250, %get3A_251] : memref<32x256x128xf32, #tpu.memory_space<vmem>>, vector<1x256x128xf32>
      %get3A_253 = vector.shape_cast %get3A_252 : vector<1x256x128xf32> to vector<256x128xf32>
      %mul3A = arith.constant 256 : i32
      %mul3A_254 = arith.muli %while3A_244, %mul3A : i32
      %add3A = vector.broadcast %mul3A_254 : i32 to vector<256x128xi32>
      %add3A_255 = arith.addi %iota3A, %add3A : vector<256x128xi32>
      %eq3A = vector.broadcast %while3A_160#1 : vector<1x128xi32> to vector<256x128xi32>
      %eq3A_256 = arith.cmpi eq, %add3A_255, %eq3A : vector<256x128xi32>
      %eq3A_257 = vector.broadcast %while3A_160#3 : vector<1x128xi32> to vector<256x128xi32>
      %eq3A_258 = arith.cmpi eq, %add3A_255, %eq3A_257 : vector<256x128xi32>
      %or3A = arith.ori %eq3A_256, %eq3A_258 : vector<256x128xi1>
      %jit3A_259 = arith.constant 0x7F800000 : f32
      %broadcast_in_dim3A_260 = vector.broadcast %jit3A_259 : f32 to vector<256x128xf32>
      %select_n3A = arith.select %or3A, %broadcast_in_dim3A_260, %get3A_253 : vector<256x128xi1>, vector<256x128xf32>
      %swap3A_261 = arith.index_cast %while3A_244 : i32 to index
      %swap3A_262 = arith.constant 0 : index
      %swap3A_263 = arith.constant 0 : index
      %swap3A_264 = vector.load %arg9[%swap3A_261, %swap3A_262, %swap3A_263] : memref<32x256x128xf32, #tpu.memory_space<vmem>>, vector<1x256x128xf32>
      %swap3A_265 = vector.shape_cast %swap3A_264 : vector<1x256x128xf32> to vector<256x128xf32>
      %swap3A_266 = vector.shape_cast %select_n3A : vector<256x128xf32> to vector<1x256x128xf32>
      tpu.vector_store %arg9[%swap3A_261, %swap3A_262, %swap3A_263], %swap3A_266 {strides = array<i32>} : memref<32x256x128xf32, #tpu.memory_space<vmem>>, vector<1x256x128xf32>,
      %reduce_min3A = arith.constant dense<0x7F800000> : vector<128xf32>
      %reduce_min3A_267 = vector.multi_reduction <minimumf>, %select_n3A, %reduce_min3A [0] : vector<256x128xf32> to vector<128xf32>
      %broadcast_in_dim3A_268 = vector.shape_cast %reduce_min3A_267 : vector<128xf32> to vector<1x128xf32>
      %argmin3A = tpu.reduce_index %select_n3A {axis = 0 : i32, kind = #tpu.reduction_kind<arg_min>} : vector<256x128xf32> -> vector<128xi32>
      %reshape3A = vector.shape_cast %argmin3A : vector<128xi32> to vector<1x128xi32>
      %mul3A_269 = arith.constant 256 : i32
      %mul3A_270 = arith.muli %while3A_244, %mul3A_269 : i32
      %add3A_271 = vector.broadcast %mul3A_270 : i32 to vector<1x128xi32>
      %add3A_272 = arith.addi %reshape3A, %add3A_271 : vector<1x128xi32>
      %eq3A_273 = vector.broadcast %reshape3A : vector<1x128xi32> to vector<256x128xi32>
      %eq3A_274 = arith.cmpi eq, %iota3A, %eq3A_273 : vector<256x128xi32>
      %jit3A_275 = arith.constant 0x7F800000 : f32
      %broadcast_in_dim3A_276 = vector.broadcast %jit3A_275 : f32 to vector<256x128xf32>
      %select_n3A_277 = arith.select %eq3A_274, %broadcast_in_dim3A_276, %select_n3A : vector<256x128xi1>, vector<256x128xf32>
      %reduce_min3A_278 = arith.constant dense<0x7F800000> : vector<128xf32>
      %reduce_min3A_279 = vector.multi_reduction <minimumf>, %select_n3A_277, %reduce_min3A_278 [0] : vector<256x128xf32> to vector<128xf32>
      %broadcast_in_dim3A_280 = vector.shape_cast %reduce_min3A_279 : vector<128xf32> to vector<1x128xf32>
      %argmin3A_281 = tpu.reduce_index %select_n3A_277 {axis = 0 : i32, kind = #tpu.reduction_kind<arg_min>} : vector<256x128xf32> -> vector<128xi32>
      %reshape3A_282 = vector.shape_cast %argmin3A_281 : vector<128xi32> to vector<1x128xi32>
      %mul3A_283 = arith.constant 256 : i32
      %mul3A_284 = arith.muli %while3A_244, %mul3A_283 : i32
      %add3A_285 = vector.broadcast %mul3A_284 : i32 to vector<1x128xi32>
      %add3A_286 = arith.addi %reshape3A_282, %add3A_285 : vector<1x128xi32>
      %lt3A = arith.cmpf olt, %broadcast_in_dim3A_268, %while3A_245 : vector<1x128xf32>
      %eq3A_287 = arith.cmpf oeq, %broadcast_in_dim3A_268, %while3A_245 : vector<1x128xf32>
      %lt3A_288 = arith.cmpi slt, %add3A_272, %while3A_246 : vector<1x128xi32>
      %and3A = arith.andi %eq3A_287, %lt3A_288 : vector<1x128xi1>
      %or3A_289 = arith.ori %lt3A, %and3A : vector<1x128xi1>
      %select_n3A_290 = arith.select %or3A_289, %broadcast_in_dim3A_268, %while3A_245 : vector<1x128xi1>, vector<1x128xf32>
      %select_n3A_291 = arith.select %or3A_289, %add3A_272, %while3A_246 : vector<1x128xi1>, vector<1x128xi32>
      %select_n3A_292 = arith.select %or3A_289, %while3A_245, %broadcast_in_dim3A_268 : vector<1x128xi1>, vector<1x128xf32>
      %select_n3A_293 = arith.select %or3A_289, %while3A_246, %add3A_272 : vector<1x128xi1>, vector<1x128xi32>
      %select_n3A_294 = arith.select %or3A_289, %broadcast_in_dim3A_280, %while3A_247 : vector<1x128xi1>, vector<1x128xf32>
      %select_n3A_295 = arith.select %or3A_289, %add3A_286, %while3A_248 : vector<1x128xi1>, vector<1x128xi32>
      %lt3A_296 = arith.cmpf olt, %select_n3A_292, %select_n3A_294 : vector<1x128xf32>
      %eq3A_297 = arith.cmpf oeq, %select_n3A_292, %select_n3A_294 : vector<1x128xf32>
      %lt3A_298 = arith.cmpi slt, %select_n3A_293, %select_n3A_295 : vector<1x128xi32>
      %and3A_299 = arith.andi %eq3A_297, %lt3A_298 : vector<1x128xi1>
      %or3A_300 = arith.ori %lt3A_296, %and3A_299 : vector<1x128xi1>
      %select_n3A_301 = arith.select %or3A_300, %select_n3A_292, %select_n3A_294 : vector<1x128xi1>, vector<1x128xf32>
      %select_n3A_302 = arith.select %or3A_300, %select_n3A_293, %select_n3A_295 : vector<1x128xi1>, vector<1x128xi32>
      scf.yield %select_n3A_290, %select_n3A_291, %select_n3A_301, %select_n3A_302 : vector<1x128xf32>, vector<1x128xi32>, vector<1x128xf32>, vector<1x128xi32>
    }
    %jit3A_183 = arith.constant 0 : i32
    %jit3A_184 = arith.constant 8191 : i32
    %max3A_185 = vector.broadcast %jit3A_183 : i32 to vector<1x128xi32>
    %max3A_186 = arith.maxsi %max3A_185, %while3A_182#1 : vector<1x128xi32>
    %min3A_187 = vector.broadcast %jit3A_184 : i32 to vector<1x128xi32>
    %min3A_188 = arith.minsi %min3A_187, %max3A_186 : vector<1x128xi32>
    %jit3A_189 = arith.constant 0 : i32
    %jit3A_190 = arith.constant 8191 : i32
    %max3A_191 = vector.broadcast %jit3A_189 : i32 to vector<1x128xi32>
    %max3A_192 = arith.maxsi %max3A_191, %while3A_182#3 : vector<1x128xi32>
    %min3A_193 = vector.broadcast %jit3A_190 : i32 to vector<1x128xi32>
    %min3A_194 = arith.minsi %min3A_193, %max3A_192 : vector<1x128xi32>
    %while3A_195 = arith.subi %get3A_4, %get3A_1 : i32
    %while3A_196 = arith.addi %get3A_1, %while3A_195 : i32
    %while3A_197 = arith.constant 1 : i32
    %while3A_198 = arith.divsi %while3A_195, %while3A_197 : i32
    %while3A_199 = arith.muli %while3A_198, %while3A_197 : i32
    %while3A_200 = arith.addi %get3A_1, %while3A_199 : i32
    %while3A_201 = arith.constant 1 : i32
    %while3A_202:4 = scf.for %while3A_244 = %get3A_1 to %while3A_200 step %while3A_201 iter_args(%while3A_245 = %broadcast_in_dim3A_20, %while3A_246 = %broadcast_in_dim3A_22, %while3A_247 = %broadcast_in_dim3A_20, %while3A_248 = %broadcast_in_dim3A_22) -> (vector<1x128xf32>, vector<1x128xi32>, vector<1x128xf32>, vector<1x128xi32>)  : i32 {
      %get3A_249 = arith.index_cast %while3A_244 : i32 to index
      %get3A_250 = arith.constant 0 : index
      %get3A_251 = arith.constant 0 : index
      %get3A_252 = vector.load %arg9[%get3A_249, %get3A_250, %get3A_251] : memref<32x256x128xf32, #tpu.memory_space<vmem>>, vector<1x256x128xf32>
      %get3A_253 = vector.shape_cast %get3A_252 : vector<1x256x128xf32> to vector<256x128xf32>
      %mul3A = arith.constant 256 : i32
      %mul3A_254 = arith.muli %while3A_244, %mul3A : i32
      %add3A = vector.broadcast %mul3A_254 : i32 to vector<256x128xi32>
      %add3A_255 = arith.addi %iota3A, %add3A : vector<256x128xi32>
      %eq3A = vector.broadcast %while3A_182#1 : vector<1x128xi32> to vector<256x128xi32>
      %eq3A_256 = arith.cmpi eq, %add3A_255, %eq3A : vector<256x128xi32>
      %eq3A_257 = vector.broadcast %while3A_182#3 : vector<1x128xi32> to vector<256x128xi32>
      %eq3A_258 = arith.cmpi eq, %add3A_255, %eq3A_257 : vector<256x128xi32>
      %or3A = arith.ori %eq3A_256, %eq3A_258 : vector<256x128xi1>
      %jit3A_259 = arith.constant 0x7F800000 : f32
      %broadcast_in_dim3A_260 = vector.broadcast %jit3A_259 : f32 to vector<256x128xf32>
      %select_n3A = arith.select %or3A, %broadcast_in_dim3A_260, %get3A_253 : vector<256x128xi1>, vector<256x128xf32>
      %swap3A_261 = arith.index_cast %while3A_244 : i32 to index
      %swap3A_262 = arith.constant 0 : index
      %swap3A_263 = arith.constant 0 : index
      %swap3A_264 = vector.load %arg9[%swap3A_261, %swap3A_262, %swap3A_263] : memref<32x256x128xf32, #tpu.memory_space<vmem>>, vector<1x256x128xf32>
      %swap3A_265 = vector.shape_cast %swap3A_264 : vector<1x256x128xf32> to vector<256x128xf32>
      %swap3A_266 = vector.shape_cast %select_n3A : vector<256x128xf32> to vector<1x256x128xf32>
      tpu.vector_store %arg9[%swap3A_261, %swap3A_262, %swap3A_263], %swap3A_266 {strides = array<i32>} : memref<32x256x128xf32, #tpu.memory_space<vmem>>, vector<1x256x128xf32>,
      %reduce_min3A = arith.constant dense<0x7F800000> : vector<128xf32>
      %reduce_min3A_267 = vector.multi_reduction <minimumf>, %select_n3A, %reduce_min3A [0] : vector<256x128xf32> to vector<128xf32>
      %broadcast_in_dim3A_268 = vector.shape_cast %reduce_min3A_267 : vector<128xf32> to vector<1x128xf32>
      %argmin3A = tpu.reduce_index %select_n3A {axis = 0 : i32, kind = #tpu.reduction_kind<arg_min>} : vector<256x128xf32> -> vector<128xi32>
      %reshape3A = vector.shape_cast %argmin3A : vector<128xi32> to vector<1x128xi32>
      %mul3A_269 = arith.constant 256 : i32
      %mul3A_270 = arith.muli %while3A_244, %mul3A_269 : i32
      %add3A_271 = vector.broadcast %mul3A_270 : i32 to vector<1x128xi32>
      %add3A_272 = arith.addi %reshape3A, %add3A_271 : vector<1x128xi32>
      %eq3A_273 = vector.broadcast %reshape3A : vector<1x128xi32> to vector<256x128xi32>
      %eq3A_274 = arith.cmpi eq, %iota3A, %eq3A_273 : vector<256x128xi32>
      %jit3A_275 = arith.constant 0x7F800000 : f32
      %broadcast_in_dim3A_276 = vector.broadcast %jit3A_275 : f32 to vector<256x128xf32>
      %select_n3A_277 = arith.select %eq3A_274, %broadcast_in_dim3A_276, %select_n3A : vector<256x128xi1>, vector<256x128xf32>
      %reduce_min3A_278 = arith.constant dense<0x7F800000> : vector<128xf32>
      %reduce_min3A_279 = vector.multi_reduction <minimumf>, %select_n3A_277, %reduce_min3A_278 [0] : vector<256x128xf32> to vector<128xf32>
      %broadcast_in_dim3A_280 = vector.shape_cast %reduce_min3A_279 : vector<128xf32> to vector<1x128xf32>
      %argmin3A_281 = tpu.reduce_index %select_n3A_277 {axis = 0 : i32, kind = #tpu.reduction_kind<arg_min>} : vector<256x128xf32> -> vector<128xi32>
      %reshape3A_282 = vector.shape_cast %argmin3A_281 : vector<128xi32> to vector<1x128xi32>
      %mul3A_283 = arith.constant 256 : i32
      %mul3A_284 = arith.muli %while3A_244, %mul3A_283 : i32
      %add3A_285 = vector.broadcast %mul3A_284 : i32 to vector<1x128xi32>
      %add3A_286 = arith.addi %reshape3A_282, %add3A_285 : vector<1x128xi32>
      %lt3A = arith.cmpf olt, %broadcast_in_dim3A_268, %while3A_245 : vector<1x128xf32>
      %eq3A_287 = arith.cmpf oeq, %broadcast_in_dim3A_268, %while3A_245 : vector<1x128xf32>
      %lt3A_288 = arith.cmpi slt, %add3A_272, %while3A_246 : vector<1x128xi32>
      %and3A = arith.andi %eq3A_287, %lt3A_288 : vector<1x128xi1>
      %or3A_289 = arith.ori %lt3A, %and3A : vector<1x128xi1>
      %select_n3A_290 = arith.select %or3A_289, %broadcast_in_dim3A_268, %while3A_245 : vector<1x128xi1>, vector<1x128xf32>
      %select_n3A_291 = arith.select %or3A_289, %add3A_272, %while3A_246 : vector<1x128xi1>, vector<1x128xi32>
      %select_n3A_292 = arith.select %or3A_289, %while3A_245, %broadcast_in_dim3A_268 : vector<1x128xi1>, vector<1x128xf32>
      %select_n3A_293 = arith.select %or3A_289, %while3A_246, %add3A_272 : vector<1x128xi1>, vector<1x128xi32>
      %select_n3A_294 = arith.select %or3A_289, %broadcast_in_dim3A_280, %while3A_247 : vector<1x128xi1>, vector<1x128xf32>
      %select_n3A_295 = arith.select %or3A_289, %add3A_286, %while3A_248 : vector<1x128xi1>, vector<1x128xi32>
      %lt3A_296 = arith.cmpf olt, %select_n3A_292, %select_n3A_294 : vector<1x128xf32>
      %eq3A_297 = arith.cmpf oeq, %select_n3A_292, %select_n3A_294 : vector<1x128xf32>
      %lt3A_298 = arith.cmpi slt, %select_n3A_293, %select_n3A_295 : vector<1x128xi32>
      %and3A_299 = arith.andi %eq3A_297, %lt3A_298 : vector<1x128xi1>
      %or3A_300 = arith.ori %lt3A_296, %and3A_299 : vector<1x128xi1>
      %select_n3A_301 = arith.select %or3A_300, %select_n3A_292, %select_n3A_294 : vector<1x128xi1>, vector<1x128xf32>
      %select_n3A_302 = arith.select %or3A_300, %select_n3A_293, %select_n3A_295 : vector<1x128xi1>, vector<1x128xi32>
      scf.yield %select_n3A_290, %select_n3A_291, %select_n3A_301, %select_n3A_302 : vector<1x128xf32>, vector<1x128xi32>, vector<1x128xf32>, vector<1x128xi32>
    }
    %while3A_203 = arith.constant 1 : i32
    %while3A_204:4 = scf.for %while3A_244 = %while3A_200 to %while3A_196 step %while3A_203 iter_args(%while3A_245 = %while3A_202#0, %while3A_246 = %while3A_202#1, %while3A_247 = %while3A_202#2, %while3A_248 = %while3A_202#3) -> (vector<1x128xf32>, vector<1x128xi32>, vector<1x128xf32>, vector<1x128xi32>)  : i32 {
      %get3A_249 = arith.index_cast %while3A_244 : i32 to index
      %get3A_250 = arith.constant 0 : index
      %get3A_251 = arith.constant 0 : index
      %get3A_252 = vector.load %arg9[%get3A_249, %get3A_250, %get3A_251] : memref<32x256x128xf32, #tpu.memory_space<vmem>>, vector<1x256x128xf32>
      %get3A_253 = vector.shape_cast %get3A_252 : vector<1x256x128xf32> to vector<256x128xf32>
      %mul3A = arith.constant 256 : i32
      %mul3A_254 = arith.muli %while3A_244, %mul3A : i32
      %add3A = vector.broadcast %mul3A_254 : i32 to vector<256x128xi32>
      %add3A_255 = arith.addi %iota3A, %add3A : vector<256x128xi32>
      %eq3A = vector.broadcast %while3A_182#1 : vector<1x128xi32> to vector<256x128xi32>
      %eq3A_256 = arith.cmpi eq, %add3A_255, %eq3A : vector<256x128xi32>
      %eq3A_257 = vector.broadcast %while3A_182#3 : vector<1x128xi32> to vector<256x128xi32>
      %eq3A_258 = arith.cmpi eq, %add3A_255, %eq3A_257 : vector<256x128xi32>
      %or3A = arith.ori %eq3A_256, %eq3A_258 : vector<256x128xi1>
      %jit3A_259 = arith.constant 0x7F800000 : f32
      %broadcast_in_dim3A_260 = vector.broadcast %jit3A_259 : f32 to vector<256x128xf32>
      %select_n3A = arith.select %or3A, %broadcast_in_dim3A_260, %get3A_253 : vector<256x128xi1>, vector<256x128xf32>
      %swap3A_261 = arith.index_cast %while3A_244 : i32 to index
      %swap3A_262 = arith.constant 0 : index
      %swap3A_263 = arith.constant 0 : index
      %swap3A_264 = vector.load %arg9[%swap3A_261, %swap3A_262, %swap3A_263] : memref<32x256x128xf32, #tpu.memory_space<vmem>>, vector<1x256x128xf32>
      %swap3A_265 = vector.shape_cast %swap3A_264 : vector<1x256x128xf32> to vector<256x128xf32>
      %swap3A_266 = vector.shape_cast %select_n3A : vector<256x128xf32> to vector<1x256x128xf32>
      tpu.vector_store %arg9[%swap3A_261, %swap3A_262, %swap3A_263], %swap3A_266 {strides = array<i32>} : memref<32x256x128xf32, #tpu.memory_space<vmem>>, vector<1x256x128xf32>,
      %reduce_min3A = arith.constant dense<0x7F800000> : vector<128xf32>
      %reduce_min3A_267 = vector.multi_reduction <minimumf>, %select_n3A, %reduce_min3A [0] : vector<256x128xf32> to vector<128xf32>
      %broadcast_in_dim3A_268 = vector.shape_cast %reduce_min3A_267 : vector<128xf32> to vector<1x128xf32>
      %argmin3A = tpu.reduce_index %select_n3A {axis = 0 : i32, kind = #tpu.reduction_kind<arg_min>} : vector<256x128xf32> -> vector<128xi32>
      %reshape3A = vector.shape_cast %argmin3A : vector<128xi32> to vector<1x128xi32>
      %mul3A_269 = arith.constant 256 : i32
      %mul3A_270 = arith.muli %while3A_244, %mul3A_269 : i32
      %add3A_271 = vector.broadcast %mul3A_270 : i32 to vector<1x128xi32>
      %add3A_272 = arith.addi %reshape3A, %add3A_271 : vector<1x128xi32>
      %eq3A_273 = vector.broadcast %reshape3A : vector<1x128xi32> to vector<256x128xi32>
      %eq3A_274 = arith.cmpi eq, %iota3A, %eq3A_273 : vector<256x128xi32>
      %jit3A_275 = arith.constant 0x7F800000 : f32
      %broadcast_in_dim3A_276 = vector.broadcast %jit3A_275 : f32 to vector<256x128xf32>
      %select_n3A_277 = arith.select %eq3A_274, %broadcast_in_dim3A_276, %select_n3A : vector<256x128xi1>, vector<256x128xf32>
      %reduce_min3A_278 = arith.constant dense<0x7F800000> : vector<128xf32>
      %reduce_min3A_279 = vector.multi_reduction <minimumf>, %select_n3A_277, %reduce_min3A_278 [0] : vector<256x128xf32> to vector<128xf32>
      %broadcast_in_dim3A_280 = vector.shape_cast %reduce_min3A_279 : vector<128xf32> to vector<1x128xf32>
      %argmin3A_281 = tpu.reduce_index %select_n3A_277 {axis = 0 : i32, kind = #tpu.reduction_kind<arg_min>} : vector<256x128xf32> -> vector<128xi32>
      %reshape3A_282 = vector.shape_cast %argmin3A_281 : vector<128xi32> to vector<1x128xi32>
      %mul3A_283 = arith.constant 256 : i32
      %mul3A_284 = arith.muli %while3A_244, %mul3A_283 : i32
      %add3A_285 = vector.broadcast %mul3A_284 : i32 to vector<1x128xi32>
      %add3A_286 = arith.addi %reshape3A_282, %add3A_285 : vector<1x128xi32>
      %lt3A = arith.cmpf olt, %broadcast_in_dim3A_268, %while3A_245 : vector<1x128xf32>
      %eq3A_287 = arith.cmpf oeq, %broadcast_in_dim3A_268, %while3A_245 : vector<1x128xf32>
      %lt3A_288 = arith.cmpi slt, %add3A_272, %while3A_246 : vector<1x128xi32>
      %and3A = arith.andi %eq3A_287, %lt3A_288 : vector<1x128xi1>
      %or3A_289 = arith.ori %lt3A, %and3A : vector<1x128xi1>
      %select_n3A_290 = arith.select %or3A_289, %broadcast_in_dim3A_268, %while3A_245 : vector<1x128xi1>, vector<1x128xf32>
      %select_n3A_291 = arith.select %or3A_289, %add3A_272, %while3A_246 : vector<1x128xi1>, vector<1x128xi32>
      %select_n3A_292 = arith.select %or3A_289, %while3A_245, %broadcast_in_dim3A_268 : vector<1x128xi1>, vector<1x128xf32>
      %select_n3A_293 = arith.select %or3A_289, %while3A_246, %add3A_272 : vector<1x128xi1>, vector<1x128xi32>
      %select_n3A_294 = arith.select %or3A_289, %broadcast_in_dim3A_280, %while3A_247 : vector<1x128xi1>, vector<1x128xf32>
      %select_n3A_295 = arith.select %or3A_289, %add3A_286, %while3A_248 : vector<1x128xi1>, vector<1x128xi32>
      %lt3A_296 = arith.cmpf olt, %select_n3A_292, %select_n3A_294 : vector<1x128xf32>
      %eq3A_297 = arith.cmpf oeq, %select_n3A_292, %select_n3A_294 : vector<1x128xf32>
      %lt3A_298 = arith.cmpi slt, %select_n3A_293, %select_n3A_295 : vector<1x128xi32>
      %and3A_299 = arith.andi %eq3A_297, %lt3A_298 : vector<1x128xi1>
      %or3A_300 = arith.ori %lt3A_296, %and3A_299 : vector<1x128xi1>
      %select_n3A_301 = arith.select %or3A_300, %select_n3A_292, %select_n3A_294 : vector<1x128xi1>, vector<1x128xf32>
      %select_n3A_302 = arith.select %or3A_300, %select_n3A_293, %select_n3A_295 : vector<1x128xi1>, vector<1x128xi32>
      scf.yield %select_n3A_290, %select_n3A_291, %select_n3A_301, %select_n3A_302 : vector<1x128xf32>, vector<1x128xi32>, vector<1x128xf32>, vector<1x128xi32>
    }
    %jit3A_205 = arith.constant 0 : i32
    %jit3A_206 = arith.constant 8191 : i32
    %max3A_207 = vector.broadcast %jit3A_205 : i32 to vector<1x128xi32>
    %max3A_208 = arith.maxsi %max3A_207, %while3A_204#1 : vector<1x128xi32>
    %min3A_209 = vector.broadcast %jit3A_206 : i32 to vector<1x128xi32>
    %min3A_210 = arith.minsi %min3A_209, %max3A_208 : vector<1x128xi32>
    %jit3A_211 = arith.constant 0 : i32
    %jit3A_212 = arith.constant 8191 : i32
    %max3A_213 = vector.broadcast %jit3A_211 : i32 to vector<1x128xi32>
    %max3A_214 = arith.maxsi %max3A_213, %while3A_204#3 : vector<1x128xi32>
    %min3A_215 = vector.broadcast %jit3A_212 : i32 to vector<1x128xi32>
    %min3A_216 = arith.minsi %min3A_215, %max3A_214 : vector<1x128xi32>
    %while3A_217 = arith.subi %get3A_4, %get3A_1 : i32
    %while3A_218 = arith.addi %get3A_1, %while3A_217 : i32
    %while3A_219 = arith.constant 1 : i32
    %while3A_220 = arith.divsi %while3A_217, %while3A_219 : i32
    %while3A_221 = arith.muli %while3A_220, %while3A_219 : i32
    %while3A_222 = arith.addi %get3A_1, %while3A_221 : i32
    %while3A_223 = arith.constant 1 : i32
    %while3A_224:4 = scf.for %while3A_244 = %get3A_1 to %while3A_222 step %while3A_223 iter_args(%while3A_245 = %broadcast_in_dim3A_20, %while3A_246 = %broadcast_in_dim3A_22, %while3A_247 = %broadcast_in_dim3A_20, %while3A_248 = %broadcast_in_dim3A_22) -> (vector<1x128xf32>, vector<1x128xi32>, vector<1x128xf32>, vector<1x128xi32>)  : i32 {
      %get3A_249 = arith.index_cast %while3A_244 : i32 to index
      %get3A_250 = arith.constant 0 : index
      %get3A_251 = arith.constant 0 : index
      %get3A_252 = vector.load %arg9[%get3A_249, %get3A_250, %get3A_251] : memref<32x256x128xf32, #tpu.memory_space<vmem>>, vector<1x256x128xf32>
      %get3A_253 = vector.shape_cast %get3A_252 : vector<1x256x128xf32> to vector<256x128xf32>
      %mul3A = arith.constant 256 : i32
      %mul3A_254 = arith.muli %while3A_244, %mul3A : i32
      %add3A = vector.broadcast %mul3A_254 : i32 to vector<256x128xi32>
      %add3A_255 = arith.addi %iota3A, %add3A : vector<256x128xi32>
      %eq3A = vector.broadcast %while3A_204#1 : vector<1x128xi32> to vector<256x128xi32>
      %eq3A_256 = arith.cmpi eq, %add3A_255, %eq3A : vector<256x128xi32>
      %eq3A_257 = vector.broadcast %while3A_204#3 : vector<1x128xi32> to vector<256x128xi32>
      %eq3A_258 = arith.cmpi eq, %add3A_255, %eq3A_257 : vector<256x128xi32>
      %or3A = arith.ori %eq3A_256, %eq3A_258 : vector<256x128xi1>
      %jit3A_259 = arith.constant 0x7F800000 : f32
      %broadcast_in_dim3A_260 = vector.broadcast %jit3A_259 : f32 to vector<256x128xf32>
      %select_n3A = arith.select %or3A, %broadcast_in_dim3A_260, %get3A_253 : vector<256x128xi1>, vector<256x128xf32>
      %reduce_min3A = arith.constant dense<0x7F800000> : vector<128xf32>
      %reduce_min3A_261 = vector.multi_reduction <minimumf>, %select_n3A, %reduce_min3A [0] : vector<256x128xf32> to vector<128xf32>
      %broadcast_in_dim3A_262 = vector.shape_cast %reduce_min3A_261 : vector<128xf32> to vector<1x128xf32>
      %argmin3A = tpu.reduce_index %select_n3A {axis = 0 : i32, kind = #tpu.reduction_kind<arg_min>} : vector<256x128xf32> -> vector<128xi32>
      %reshape3A = vector.shape_cast %argmin3A : vector<128xi32> to vector<1x128xi32>
      %mul3A_263 = arith.constant 256 : i32
      %mul3A_264 = arith.muli %while3A_244, %mul3A_263 : i32
      %add3A_265 = vector.broadcast %mul3A_264 : i32 to vector<1x128xi32>
      %add3A_266 = arith.addi %reshape3A, %add3A_265 : vector<1x128xi32>
      %eq3A_267 = vector.broadcast %reshape3A : vector<1x128xi32> to vector<256x128xi32>
      %eq3A_268 = arith.cmpi eq, %iota3A, %eq3A_267 : vector<256x128xi32>
      %jit3A_269 = arith.constant 0x7F800000 : f32
      %broadcast_in_dim3A_270 = vector.broadcast %jit3A_269 : f32 to vector<256x128xf32>
      %select_n3A_271 = arith.select %eq3A_268, %broadcast_in_dim3A_270, %select_n3A : vector<256x128xi1>, vector<256x128xf32>
      %reduce_min3A_272 = arith.constant dense<0x7F800000> : vector<128xf32>
      %reduce_min3A_273 = vector.multi_reduction <minimumf>, %select_n3A_271, %reduce_min3A_272 [0] : vector<256x128xf32> to vector<128xf32>
      %broadcast_in_dim3A_274 = vector.shape_cast %reduce_min3A_273 : vector<128xf32> to vector<1x128xf32>
      %argmin3A_275 = tpu.reduce_index %select_n3A_271 {axis = 0 : i32, kind = #tpu.reduction_kind<arg_min>} : vector<256x128xf32> -> vector<128xi32>
      %reshape3A_276 = vector.shape_cast %argmin3A_275 : vector<128xi32> to vector<1x128xi32>
      %mul3A_277 = arith.constant 256 : i32
      %mul3A_278 = arith.muli %while3A_244, %mul3A_277 : i32
      %add3A_279 = vector.broadcast %mul3A_278 : i32 to vector<1x128xi32>
      %add3A_280 = arith.addi %reshape3A_276, %add3A_279 : vector<1x128xi32>
      %lt3A = arith.cmpf olt, %broadcast_in_dim3A_262, %while3A_245 : vector<1x128xf32>
      %eq3A_281 = arith.cmpf oeq, %broadcast_in_dim3A_262, %while3A_245 : vector<1x128xf32>
      %lt3A_282 = arith.cmpi slt, %add3A_266, %while3A_246 : vector<1x128xi32>
      %and3A = arith.andi %eq3A_281, %lt3A_282 : vector<1x128xi1>
      %or3A_283 = arith.ori %lt3A, %and3A : vector<1x128xi1>
      %select_n3A_284 = arith.select %or3A_283, %broadcast_in_dim3A_262, %while3A_245 : vector<1x128xi1>, vector<1x128xf32>
      %select_n3A_285 = arith.select %or3A_283, %add3A_266, %while3A_246 : vector<1x128xi1>, vector<1x128xi32>
      %select_n3A_286 = arith.select %or3A_283, %while3A_245, %broadcast_in_dim3A_262 : vector<1x128xi1>, vector<1x128xf32>
      %select_n3A_287 = arith.select %or3A_283, %while3A_246, %add3A_266 : vector<1x128xi1>, vector<1x128xi32>
      %select_n3A_288 = arith.select %or3A_283, %broadcast_in_dim3A_274, %while3A_247 : vector<1x128xi1>, vector<1x128xf32>
      %select_n3A_289 = arith.select %or3A_283, %add3A_280, %while3A_248 : vector<1x128xi1>, vector<1x128xi32>
      %lt3A_290 = arith.cmpf olt, %select_n3A_286, %select_n3A_288 : vector<1x128xf32>
      %eq3A_291 = arith.cmpf oeq, %select_n3A_286, %select_n3A_288 : vector<1x128xf32>
      %lt3A_292 = arith.cmpi slt, %select_n3A_287, %select_n3A_289 : vector<1x128xi32>
      %and3A_293 = arith.andi %eq3A_291, %lt3A_292 : vector<1x128xi1>
      %or3A_294 = arith.ori %lt3A_290, %and3A_293 : vector<1x128xi1>
      %select_n3A_295 = arith.select %or3A_294, %select_n3A_286, %select_n3A_288 : vector<1x128xi1>, vector<1x128xf32>
      %select_n3A_296 = arith.select %or3A_294, %select_n3A_287, %select_n3A_289 : vector<1x128xi1>, vector<1x128xi32>
      scf.yield %select_n3A_284, %select_n3A_285, %select_n3A_295, %select_n3A_296 : vector<1x128xf32>, vector<1x128xi32>, vector<1x128xf32>, vector<1x128xi32>
    }
    %while3A_225 = arith.constant 1 : i32
    %while3A_226:4 = scf.for %while3A_244 = %while3A_222 to %while3A_218 step %while3A_225 iter_args(%while3A_245 = %while3A_224#0, %while3A_246 = %while3A_224#1, %while3A_247 = %while3A_224#2, %while3A_248 = %while3A_224#3) -> (vector<1x128xf32>, vector<1x128xi32>, vector<1x128xf32>, vector<1x128xi32>)  : i32 {
      %get3A_249 = arith.index_cast %while3A_244 : i32 to index
      %get3A_250 = arith.constant 0 : index
      %get3A_251 = arith.constant 0 : index
      %get3A_252 = vector.load %arg9[%get3A_249, %get3A_250, %get3A_251] : memref<32x256x128xf32, #tpu.memory_space<vmem>>, vector<1x256x128xf32>
      %get3A_253 = vector.shape_cast %get3A_252 : vector<1x256x128xf32> to vector<256x128xf32>
      %mul3A = arith.constant 256 : i32
      %mul3A_254 = arith.muli %while3A_244, %mul3A : i32
      %add3A = vector.broadcast %mul3A_254 : i32 to vector<256x128xi32>
      %add3A_255 = arith.addi %iota3A, %add3A : vector<256x128xi32>
      %eq3A = vector.broadcast %while3A_204#1 : vector<1x128xi32> to vector<256x128xi32>
      %eq3A_256 = arith.cmpi eq, %add3A_255, %eq3A : vector<256x128xi32>
      %eq3A_257 = vector.broadcast %while3A_204#3 : vector<1x128xi32> to vector<256x128xi32>
      %eq3A_258 = arith.cmpi eq, %add3A_255, %eq3A_257 : vector<256x128xi32>
      %or3A = arith.ori %eq3A_256, %eq3A_258 : vector<256x128xi1>
      %jit3A_259 = arith.constant 0x7F800000 : f32
      %broadcast_in_dim3A_260 = vector.broadcast %jit3A_259 : f32 to vector<256x128xf32>
      %select_n3A = arith.select %or3A, %broadcast_in_dim3A_260, %get3A_253 : vector<256x128xi1>, vector<256x128xf32>
      %reduce_min3A = arith.constant dense<0x7F800000> : vector<128xf32>
      %reduce_min3A_261 = vector.multi_reduction <minimumf>, %select_n3A, %reduce_min3A [0] : vector<256x128xf32> to vector<128xf32>
      %broadcast_in_dim3A_262 = vector.shape_cast %reduce_min3A_261 : vector<128xf32> to vector<1x128xf32>
      %argmin3A = tpu.reduce_index %select_n3A {axis = 0 : i32, kind = #tpu.reduction_kind<arg_min>} : vector<256x128xf32> -> vector<128xi32>
      %reshape3A = vector.shape_cast %argmin3A : vector<128xi32> to vector<1x128xi32>
      %mul3A_263 = arith.constant 256 : i32
      %mul3A_264 = arith.muli %while3A_244, %mul3A_263 : i32
      %add3A_265 = vector.broadcast %mul3A_264 : i32 to vector<1x128xi32>
      %add3A_266 = arith.addi %reshape3A, %add3A_265 : vector<1x128xi32>
      %eq3A_267 = vector.broadcast %reshape3A : vector<1x128xi32> to vector<256x128xi32>
      %eq3A_268 = arith.cmpi eq, %iota3A, %eq3A_267 : vector<256x128xi32>
      %jit3A_269 = arith.constant 0x7F800000 : f32
      %broadcast_in_dim3A_270 = vector.broadcast %jit3A_269 : f32 to vector<256x128xf32>
      %select_n3A_271 = arith.select %eq3A_268, %broadcast_in_dim3A_270, %select_n3A : vector<256x128xi1>, vector<256x128xf32>
      %reduce_min3A_272 = arith.constant dense<0x7F800000> : vector<128xf32>
      %reduce_min3A_273 = vector.multi_reduction <minimumf>, %select_n3A_271, %reduce_min3A_272 [0] : vector<256x128xf32> to vector<128xf32>
      %broadcast_in_dim3A_274 = vector.shape_cast %reduce_min3A_273 : vector<128xf32> to vector<1x128xf32>
      %argmin3A_275 = tpu.reduce_index %select_n3A_271 {axis = 0 : i32, kind = #tpu.reduction_kind<arg_min>} : vector<256x128xf32> -> vector<128xi32>
      %reshape3A_276 = vector.shape_cast %argmin3A_275 : vector<128xi32> to vector<1x128xi32>
      %mul3A_277 = arith.constant 256 : i32
      %mul3A_278 = arith.muli %while3A_244, %mul3A_277 : i32
      %add3A_279 = vector.broadcast %mul3A_278 : i32 to vector<1x128xi32>
      %add3A_280 = arith.addi %reshape3A_276, %add3A_279 : vector<1x128xi32>
      %lt3A = arith.cmpf olt, %broadcast_in_dim3A_262, %while3A_245 : vector<1x128xf32>
      %eq3A_281 = arith.cmpf oeq, %broadcast_in_dim3A_262, %while3A_245 : vector<1x128xf32>
      %lt3A_282 = arith.cmpi slt, %add3A_266, %while3A_246 : vector<1x128xi32>
      %and3A = arith.andi %eq3A_281, %lt3A_282 : vector<1x128xi1>
      %or3A_283 = arith.ori %lt3A, %and3A : vector<1x128xi1>
      %select_n3A_284 = arith.select %or3A_283, %broadcast_in_dim3A_262, %while3A_245 : vector<1x128xi1>, vector<1x128xf32>
      %select_n3A_285 = arith.select %or3A_283, %add3A_266, %while3A_246 : vector<1x128xi1>, vector<1x128xi32>
      %select_n3A_286 = arith.select %or3A_283, %while3A_245, %broadcast_in_dim3A_262 : vector<1x128xi1>, vector<1x128xf32>
      %select_n3A_287 = arith.select %or3A_283, %while3A_246, %add3A_266 : vector<1x128xi1>, vector<1x128xi32>
      %select_n3A_288 = arith.select %or3A_283, %broadcast_in_dim3A_274, %while3A_247 : vector<1x128xi1>, vector<1x128xf32>
      %select_n3A_289 = arith.select %or3A_283, %add3A_280, %while3A_248 : vector<1x128xi1>, vector<1x128xi32>
      %lt3A_290 = arith.cmpf olt, %select_n3A_286, %select_n3A_288 : vector<1x128xf32>
      %eq3A_291 = arith.cmpf oeq, %select_n3A_286, %select_n3A_288 : vector<1x128xf32>
      %lt3A_292 = arith.cmpi slt, %select_n3A_287, %select_n3A_289 : vector<1x128xi32>
      %and3A_293 = arith.andi %eq3A_291, %lt3A_292 : vector<1x128xi1>
      %or3A_294 = arith.ori %lt3A_290, %and3A_293 : vector<1x128xi1>
      %select_n3A_295 = arith.select %or3A_294, %select_n3A_286, %select_n3A_288 : vector<1x128xi1>, vector<1x128xf32>
      %select_n3A_296 = arith.select %or3A_294, %select_n3A_287, %select_n3A_289 : vector<1x128xi1>, vector<1x128xi32>
      scf.yield %select_n3A_284, %select_n3A_285, %select_n3A_295, %select_n3A_296 : vector<1x128xf32>, vector<1x128xi32>, vector<1x128xf32>, vector<1x128xi32>
    }
    %jit3A_227 = arith.constant 0 : i32
    %jit3A_228 = arith.constant 8191 : i32
    %max3A_229 = vector.broadcast %jit3A_227 : i32 to vector<1x128xi32>
    %max3A_230 = arith.maxsi %max3A_229, %while3A_226#1 : vector<1x128xi32>
    %min3A_231 = vector.broadcast %jit3A_228 : i32 to vector<1x128xi32>
    %min3A_232 = arith.minsi %min3A_231, %max3A_230 : vector<1x128xi32>
    %jit3A_233 = arith.constant 0 : i32
    %jit3A_234 = arith.constant 8191 : i32
    %max3A_235 = vector.broadcast %jit3A_233 : i32 to vector<1x128xi32>
    %max3A_236 = arith.maxsi %max3A_235, %while3A_226#3 : vector<1x128xi32>
    %min3A_237 = vector.broadcast %jit3A_234 : i32 to vector<1x128xi32>
    %min3A_238 = arith.minsi %min3A_237, %max3A_236 : vector<1x128xi32>
    %concatenate3A = tpu.concatenate %min3A_34, %min3A_40, %min3A_56, %min3A_62, %min3A_78, %min3A_84, %min3A_100, %min3A_106, %min3A_122, %min3A_128, %min3A_144, %min3A_150, %min3A_166, %min3A_172, %min3A_188, %min3A_194, %min3A_210, %min3A_216, %min3A_232, %min3A_238, %min3A_238, %min3A_238, %min3A_238, %min3A_238, %min3A_238, %min3A_238, %min3A_238, %min3A_238, %min3A_238, %min3A_238, %min3A_238, %min3A_238 in 0 : vector<1x128xi32>, vector<1x128xi32>, vector<1x128xi32>, vector<1x128xi32>, vector<1x128xi32>, vector<1x128xi32>, vector<1x128xi32>, vector<1x128xi32>, vector<1x128xi32>, vector<1x128xi32>, vector<1x128xi32>, vector<1x128xi32>, vector<1x128xi32>, vector<1x128xi32>, vector<1x128xi32>, vector<1x128xi32>, vector<1x128xi32>, vector<1x128xi32>, vector<1x128xi32>, vector<1x128xi32>, vector<1x128xi32>, vector<1x128xi32>, vector<1x128xi32>, vector<1x128xi32>, vector<1x128xi32>, vector<1x128xi32>, vector<1x128xi32>, vector<1x128xi32>, vector<1x128xi32>, vector<1x128xi32>, vector<1x128xi32>, vector<1x128xi32> -> vector<32x128xi32>
    %swap3A = arith.constant 0 : index
    %swap3A_239 = arith.constant 0 : index
    %swap3A_240 = arith.constant 0 : index
    %swap3A_241 = vector.load %arg8[%swap3A, %swap3A_239, %swap3A_240] : memref<1x32x128xi32, #tpu.memory_space<vmem>>, vector<1x32x128xi32>
    %swap3A_242 = vector.shape_cast %swap3A_241 : vector<1x32x128xi32> to vector<32x128xi32>
    %swap3A_243 = vector.shape_cast %concatenate3A : vector<32x128xi32> to vector<1x32x128xi32>
    tpu.vector_store %arg8[%swap3A, %swap3A_239, %swap3A_240], %swap3A_243 {strides = array<i32>} : memref<1x32x128xi32, #tpu.memory_space<vmem>>, vector<1x32x128xi32>,
    return
  }
  func.func @transform_0(%arg0: i32, %arg1: memref<64x2xi32, #tpu.memory_space<smem>>) -> (i32, i32, i32) {
    %c0_i32 = arith.constant 0 : i32
    %c0_i32_0 = arith.constant 0 : i32
    %c0_i32_1 = arith.constant 0 : i32
    return %arg0, %c0_i32, %c0_i32_0 : i32, i32, i32
  }
  func.func @transform_1(%arg0: i32, %arg1: memref<64x2xi32, #tpu.memory_space<smem>>) -> (i32, i32, i32) {
    %c0_i32 = arith.constant 0 : i32
    %c0_i32_0 = arith.constant 0 : i32
    %c0_i32_1 = arith.constant 0 : i32
    %c0_i32_2 = arith.constant 0 : i32
    return %c0_i32, %c0_i32_0, %c0_i32_1 : i32, i32, i32
  }
  func.func @transform_2(%arg0: i32, %arg1: memref<64x2xi32, #tpu.memory_space<smem>>) -> (i32, i32, i32) {
    %c0_i32 = arith.constant 0 : i32
    %c0_i32_0 = arith.constant 0 : i32
    %c0_i32_1 = arith.constant 0 : i32
    return %arg0, %c0_i32, %c0_i32_0 : i32, i32, i32
  }
  func.func @transform_3(%arg0: i32, %arg1: memref<64x2xi32, #tpu.memory_space<smem>>) -> (i32, i32, i32) {
    %c0_i32 = arith.constant 0 : i32
    %c0_i32_0 = arith.constant 0 : i32
    %c0_i32_1 = arith.constant 0 : i32
    %c0_i32_2 = arith.constant 0 : i32
    return %c0_i32, %c0_i32_0, %c0_i32_1 : i32, i32, i32
  }
  func.func @transform_4(%arg0: i32, %arg1: memref<64x2xi32, #tpu.memory_space<smem>>) -> (i32, i32, i32) {
    %c0_i32 = arith.constant 0 : i32
    %c0_i32_0 = arith.constant 0 : i32
    %c0_i32_1 = arith.constant 0 : i32
    return %arg0, %c0_i32, %c0_i32_0 : i32, i32, i32
  }
  func.func @transform_5(%arg0: i32, %arg1: memref<64x2xi32, #tpu.memory_space<smem>>) -> (i32, i32, i32) {
    %c0_i32 = arith.constant 0 : i32
    %c0_i32_0 = arith.constant 0 : i32
    %c0_i32_1 = arith.constant 0 : i32
    %c0_i32_2 = arith.constant 0 : i32
    return %c0_i32, %c0_i32_0, %c0_i32_1 : i32, i32, i32
  }
  func.func @transform_6(%arg0: i32, %arg1: memref<64x2xi32, #tpu.memory_space<smem>>) -> (i32, i32, i32) {
    %c0_i32 = arith.constant 0 : i32
    %c0_i32_0 = arith.constant 0 : i32
    %c0_i32_1 = arith.constant 0 : i32
    return %arg0, %c0_i32, %c0_i32_0 : i32, i32, i32
  }
}

module attributes {stable_mosaic.version = 14 : i64} {
  func.func @_edge_body(%arg0: i32, %arg1: memref<128x64xf32, #tpu.memory_space<vmem>>, %arg2: memref<2560x128xf32, #tpu.memory_space<vmem>>, %arg3: memref<128x64xf32, #tpu.memory_space<vmem>>, %arg4: memref<64x64xf32, #tpu.memory_space<vmem>>, %arg5: memref<1x64xf32, #tpu.memory_space<vmem>>, %arg6: memref<64x64xf32, #tpu.memory_space<vmem>>, %arg7: memref<1x64xf32, #tpu.memory_space<vmem>>, %arg8: memref<1x64xf32, #tpu.memory_space<vmem>>, %arg9: memref<1x64xf32, #tpu.memory_space<vmem>>, %arg10: memref<64x64xf32, #tpu.memory_space<vmem>>, %arg11: memref<1x64xf32, #tpu.memory_space<vmem>>, %arg12: memref<1x1xf32, #tpu.memory_space<vmem>>, %arg13: memref<128x64xf32, #tpu.memory_space<vmem>>) attributes {dimension_semantics = [#tpu.dimension_semantics<arbitrary>], iteration_bounds = array<i64: 64>, scalar_prefetch = 0 : i64, scratch_operands = 0 : i64, tpu.core_type = #tpu.core_type<tc>, window_params = [{transform_indices = @transform_0, window_bounds = array<i64: 128, 64>}, {transform_indices = @transform_1, window_bounds = array<i64: 2560, 128>}, {transform_indices = @transform_2, window_bounds = array<i64: 128, 64>}, {pipeline_mode = #tpu.pipeline_mode<synchronous>, transform_indices = @transform_3, window_bounds = array<i64: 64, 64>}, {pipeline_mode = #tpu.pipeline_mode<synchronous>, transform_indices = @transform_4, window_bounds = array<i64: 1, 64>}, {pipeline_mode = #tpu.pipeline_mode<synchronous>, transform_indices = @transform_5, window_bounds = array<i64: 64, 64>}, {pipeline_mode = #tpu.pipeline_mode<synchronous>, transform_indices = @transform_6, window_bounds = array<i64: 1, 64>}, {pipeline_mode = #tpu.pipeline_mode<synchronous>, transform_indices = @transform_7, window_bounds = array<i64: 1, 64>}, {pipeline_mode = #tpu.pipeline_mode<synchronous>, transform_indices = @transform_8, window_bounds = array<i64: 1, 64>}, {pipeline_mode = #tpu.pipeline_mode<synchronous>, transform_indices = @transform_9, window_bounds = array<i64: 64, 64>}, {pipeline_mode = #tpu.pipeline_mode<synchronous>, transform_indices = @transform_10, window_bounds = array<i64: 1, 64>}, {pipeline_mode = #tpu.pipeline_mode<synchronous>, transform_indices = @transform_11, window_bounds = array<i64: 1, 1>}, {transform_indices = @transform_12, window_bounds = array<i64: 128, 64>}]} {
    %get3A = arith.constant 0 : index
    %get3A_0 = arith.constant 0 : index
    %get3A_1 = vector.load %arg1[%get3A, %get3A_0] : memref<128x64xf32, #tpu.memory_space<vmem>>, vector<128x64xf32>
    %broadcast_in_dim3A = vector.shape_cast %get3A_1 : vector<128x64xf32> to vector<1x128x64xf32>
    %broadcast_in_dim3A_2 = vector.shape_cast %broadcast_in_dim3A : vector<1x128x64xf32> to vector<1x128x64xf32>
    %broadcast_in_dim3A_3 = vector.broadcast %broadcast_in_dim3A_2 : vector<1x128x64xf32> to vector<20x128x64xf32>
    %reshape3A = vector.shape_cast %broadcast_in_dim3A_3 : vector<20x128x64xf32> to vector<2560x64xf32>
    %get3A_4 = arith.constant 0 : index
    %get3A_5 = arith.constant 0 : index
    %get3A_6 = vector.load %arg2[%get3A_4, %get3A_5] : memref<2560x128xf32, #tpu.memory_space<vmem>>, vector<2560x64xf32>
    %add3A = arith.addf %reshape3A, %get3A_6 : vector<2560x64xf32>
    %gt3A = arith.constant 0.000000e+00 : f32
    %gt3A_7 = vector.broadcast %gt3A : f32 to vector<2560x64xf32>
    %gt3A_8 = arith.cmpf ogt, %add3A, %gt3A_7 : vector<2560x64xf32>
    %min3A = arith.constant 0.000000e+00 : f32
    %min3A_9 = vector.broadcast %min3A : f32 to vector<2560x64xf32>
    %min3A_10 = arith.minimumf %add3A, %min3A_9 : vector<2560x64xf32>
    %exp3A = math.exp %min3A_10 : vector<2560x64xf32>
    %sub3A = arith.constant 1.000000e+00 : f32
    %sub3A_11 = vector.broadcast %sub3A : f32 to vector<2560x64xf32>
    %sub3A_12 = arith.subf %exp3A, %sub3A_11 : vector<2560x64xf32>
    %select_n3A = arith.select %gt3A_8, %add3A, %sub3A_12 : vector<2560x64xi1>, vector<2560x64xf32>
    %get3A_13 = arith.constant 0 : index
    %get3A_14 = arith.constant 0 : index
    %get3A_15 = vector.load %arg4[%get3A_13, %get3A_14] : memref<64x64xf32, #tpu.memory_space<vmem>>, vector<64x64xf32>
    %dot_general3A = arith.constant dense<0.000000e+00> : vector<2560x64xf32>
    %dot_general3A_16 = tpu.matmul %select_n3A, %get3A_15, %dot_general3A {dimension_numbers = #tpu.dot_dimension_numbers<[1], [0], [0], [1], [0, 0, 1, 1], [], []>, transpose_lhs_hint = false} : vector<2560x64xf32>, vector<64x64xf32>, vector<2560x64xf32> -> vector<2560x64xf32>
    %get3A_17 = arith.constant 0 : index
    %get3A_18 = arith.constant 0 : index
    %get3A_19 = vector.load %arg5[%get3A_17, %get3A_18] : memref<1x64xf32, #tpu.memory_space<vmem>>, vector<1x64xf32>
    %add3A_20 = vector.broadcast %get3A_19 : vector<1x64xf32> to vector<2560x64xf32>
    %add3A_21 = arith.addf %dot_general3A_16, %add3A_20 : vector<2560x64xf32>
    %gt3A_22 = arith.constant 0.000000e+00 : f32
    %gt3A_23 = vector.broadcast %gt3A_22 : f32 to vector<2560x64xf32>
    %gt3A_24 = arith.cmpf ogt, %add3A_21, %gt3A_23 : vector<2560x64xf32>
    %min3A_25 = arith.constant 0.000000e+00 : f32
    %min3A_26 = vector.broadcast %min3A_25 : f32 to vector<2560x64xf32>
    %min3A_27 = arith.minimumf %add3A_21, %min3A_26 : vector<2560x64xf32>
    %exp3A_28 = math.exp %min3A_27 : vector<2560x64xf32>
    %sub3A_29 = arith.constant 1.000000e+00 : f32
    %sub3A_30 = vector.broadcast %sub3A_29 : f32 to vector<2560x64xf32>
    %sub3A_31 = arith.subf %exp3A_28, %sub3A_30 : vector<2560x64xf32>
    %select_n3A_32 = arith.select %gt3A_24, %add3A_21, %sub3A_31 : vector<2560x64xi1>, vector<2560x64xf32>
    %get3A_33 = arith.constant 0 : index
    %get3A_34 = arith.constant 0 : index
    %get3A_35 = vector.load %arg6[%get3A_33, %get3A_34] : memref<64x64xf32, #tpu.memory_space<vmem>>, vector<64x64xf32>
    %dot_general3A_36 = arith.constant dense<0.000000e+00> : vector<2560x64xf32>
    %dot_general3A_37 = tpu.matmul %select_n3A_32, %get3A_35, %dot_general3A_36 {dimension_numbers = #tpu.dot_dimension_numbers<[1], [0], [0], [1], [0, 0, 1, 1], [], []>, transpose_lhs_hint = false} : vector<2560x64xf32>, vector<64x64xf32>, vector<2560x64xf32> -> vector<2560x64xf32>
    %get3A_38 = arith.constant 0 : index
    %get3A_39 = arith.constant 0 : index
    %get3A_40 = vector.load %arg7[%get3A_38, %get3A_39] : memref<1x64xf32, #tpu.memory_space<vmem>>, vector<1x64xf32>
    %add3A_41 = vector.broadcast %get3A_40 : vector<1x64xf32> to vector<2560x64xf32>
    %add3A_42 = arith.addf %dot_general3A_37, %add3A_41 : vector<2560x64xf32>
    %reshape3A_43 = vector.shape_cast %add3A_42 : vector<2560x64xf32> to vector<20x128x64xf32>
    %reduce_max3A = arith.constant dense<0xFF800000> : vector<128x64xf32>
    %reduce_max3A_44 = vector.multi_reduction <maximumf>, %reshape3A_43, %reduce_max3A [0] : vector<20x128x64xf32> to vector<128x64xf32>
    %reduce_sum3A = arith.constant dense<0.000000e+00> : vector<128xf32>
    %reduce_sum3A_45 = vector.multi_reduction <add>, %reduce_max3A_44, %reduce_sum3A [1] : vector<128x64xf32> to vector<128xf32>
    %broadcast_in_dim3A_46 = vector.shape_cast %reduce_sum3A_45 : vector<128xf32> to vector<128x1xf32>
    %div3A = arith.constant 6.400000e+01 : f32
    %div3A_47 = vector.broadcast %div3A : f32 to vector<128x1xf32>
    %div3A_48 = arith.divf %broadcast_in_dim3A_46, %div3A_47 : vector<128x1xf32>
    %sub3A_49 = vector.broadcast %div3A_48 : vector<128x1xf32> to vector<128x64xf32>
    %sub3A_50 = arith.subf %reduce_max3A_44, %sub3A_49 : vector<128x64xf32>
    %integer_pow3A = arith.mulf %sub3A_50, %sub3A_50 : vector<128x64xf32>
    %reduce_sum3A_51 = arith.constant dense<0.000000e+00> : vector<128xf32>
    %reduce_sum3A_52 = vector.multi_reduction <add>, %integer_pow3A, %reduce_sum3A_51 [1] : vector<128x64xf32> to vector<128xf32>
    %broadcast_in_dim3A_53 = vector.shape_cast %reduce_sum3A_52 : vector<128xf32> to vector<128x1xf32>
    %div3A_54 = arith.constant 6.400000e+01 : f32
    %div3A_55 = vector.broadcast %div3A_54 : f32 to vector<128x1xf32>
    %div3A_56 = arith.divf %broadcast_in_dim3A_53, %div3A_55 : vector<128x1xf32>
    %sub3A_57 = vector.broadcast %div3A_48 : vector<128x1xf32> to vector<128x64xf32>
    %sub3A_58 = arith.subf %reduce_max3A_44, %sub3A_57 : vector<128x64xf32>
    %add3A_59 = arith.constant 9.99999974E-6 : f32
    %add3A_60 = vector.broadcast %add3A_59 : f32 to vector<128x1xf32>
    %add3A_61 = arith.addf %div3A_56, %add3A_60 : vector<128x1xf32>
    %sqrt3A = math.sqrt %add3A_61 : vector<128x1xf32>
    %div3A_62 = vector.broadcast %sqrt3A : vector<128x1xf32> to vector<128x64xf32>
    %div3A_63 = arith.divf %sub3A_58, %div3A_62 : vector<128x64xf32>
    %get3A_64 = arith.constant 0 : index
    %get3A_65 = arith.constant 0 : index
    %get3A_66 = vector.load %arg8[%get3A_64, %get3A_65] : memref<1x64xf32, #tpu.memory_space<vmem>>, vector<1x64xf32>
    %mul3A = vector.broadcast %get3A_66 : vector<1x64xf32> to vector<128x64xf32>
    %mul3A_67 = arith.mulf %div3A_63, %mul3A : vector<128x64xf32>
    %get3A_68 = arith.constant 0 : index
    %get3A_69 = arith.constant 0 : index
    %get3A_70 = vector.load %arg9[%get3A_68, %get3A_69] : memref<1x64xf32, #tpu.memory_space<vmem>>, vector<1x64xf32>
    %add3A_71 = vector.broadcast %get3A_70 : vector<1x64xf32> to vector<128x64xf32>
    %add3A_72 = arith.addf %mul3A_67, %add3A_71 : vector<128x64xf32>
    %gt3A_73 = arith.constant 0.000000e+00 : f32
    %gt3A_74 = vector.broadcast %gt3A_73 : f32 to vector<128x64xf32>
    %gt3A_75 = arith.cmpf ogt, %add3A_72, %gt3A_74 : vector<128x64xf32>
    %min3A_76 = arith.constant 0.000000e+00 : f32
    %min3A_77 = vector.broadcast %min3A_76 : f32 to vector<128x64xf32>
    %min3A_78 = arith.minimumf %add3A_72, %min3A_77 : vector<128x64xf32>
    %exp3A_79 = math.exp %min3A_78 : vector<128x64xf32>
    %sub3A_80 = arith.constant 1.000000e+00 : f32
    %sub3A_81 = vector.broadcast %sub3A_80 : f32 to vector<128x64xf32>
    %sub3A_82 = arith.subf %exp3A_79, %sub3A_81 : vector<128x64xf32>
    %select_n3A_83 = arith.select %gt3A_75, %add3A_72, %sub3A_82 : vector<128x64xi1>, vector<128x64xf32>
    %get3A_84 = arith.constant 0 : index
    %get3A_85 = arith.constant 0 : index
    %get3A_86 = vector.load %arg10[%get3A_84, %get3A_85] : memref<64x64xf32, #tpu.memory_space<vmem>>, vector<64x64xf32>
    %dot_general3A_87 = arith.constant dense<0.000000e+00> : vector<128x64xf32>
    %dot_general3A_88 = tpu.matmul %select_n3A_83, %get3A_86, %dot_general3A_87 {dimension_numbers = #tpu.dot_dimension_numbers<[1], [0], [0], [1], [0, 0, 1, 1], [], []>, transpose_lhs_hint = false} : vector<128x64xf32>, vector<64x64xf32>, vector<128x64xf32> -> vector<128x64xf32>
    %get3A_89 = arith.constant 0 : index
    %get3A_90 = arith.constant 0 : index
    %get3A_91 = vector.load %arg11[%get3A_89, %get3A_90] : memref<1x64xf32, #tpu.memory_space<vmem>>, vector<1x64xf32>
    %add3A_92 = vector.broadcast %get3A_91 : vector<1x64xf32> to vector<128x64xf32>
    %add3A_93 = arith.addf %dot_general3A_88, %add3A_92 : vector<128x64xf32>
    %get3A_94 = arith.constant 0 : index
    %get3A_95 = arith.constant 0 : index
    %get3A_96 = vector.load %arg3[%get3A_94, %get3A_95] : memref<128x64xf32, #tpu.memory_space<vmem>>, vector<128x64xf32>
    %get3A_97 = arith.constant 0 : index
    %get3A_98 = arith.constant 0 : index
    %get3A_99 = vector.load %arg12[%get3A_97, %get3A_98] : memref<1x1xf32, #tpu.memory_space<vmem>>, vector<1x1xf32>
    %get3A_100 = vector.extract %get3A_99[0, 0] : f32 from vector<1x1xf32>
    %mul3A_101 = vector.broadcast %get3A_100 : f32 to vector<128x64xf32>
    %mul3A_102 = arith.mulf %mul3A_101, %add3A_93 : vector<128x64xf32>
    %add3A_103 = arith.addf %get3A_96, %mul3A_102 : vector<128x64xf32>
    %swap3A = arith.constant 0 : index
    %swap3A_104 = arith.constant 0 : index
    %swap3A_105 = vector.load %arg13[%swap3A, %swap3A_104] : memref<128x64xf32, #tpu.memory_space<vmem>>, vector<128x64xf32>
    tpu.vector_store %arg13[%swap3A, %swap3A_104], %add3A_103 {strides = array<i32>} : memref<128x64xf32, #tpu.memory_space<vmem>>, vector<128x64xf32>,
    return
  }
  func.func @transform_0(%arg0: i32) -> (i32, i32) {
    %c0_i32 = arith.constant 0 : i32
    %c0_i32_0 = arith.constant 0 : i32
    return %arg0, %c0_i32 : i32, i32
  }
  func.func @transform_1(%arg0: i32) -> (i32, i32) {
    %c0_i32 = arith.constant 0 : i32
    %c0_i32_0 = arith.constant 0 : i32
    return %arg0, %c0_i32 : i32, i32
  }
  func.func @transform_2(%arg0: i32) -> (i32, i32) {
    %c0_i32 = arith.constant 0 : i32
    %c0_i32_0 = arith.constant 0 : i32
    return %arg0, %c0_i32 : i32, i32
  }
  func.func @transform_3(%arg0: i32) -> (i32, i32) {
    %c0_i32 = arith.constant 0 : i32
    %c0_i32_0 = arith.constant 0 : i32
    %c0_i32_1 = arith.constant 0 : i32
    return %c0_i32, %c0_i32_0 : i32, i32
  }
  func.func @transform_4(%arg0: i32) -> (i32, i32) {
    %c0_i32 = arith.constant 0 : i32
    %c0_i32_0 = arith.constant 0 : i32
    %c0_i32_1 = arith.constant 0 : i32
    return %c0_i32, %c0_i32_0 : i32, i32
  }
  func.func @transform_5(%arg0: i32) -> (i32, i32) {
    %c0_i32 = arith.constant 0 : i32
    %c0_i32_0 = arith.constant 0 : i32
    %c0_i32_1 = arith.constant 0 : i32
    return %c0_i32, %c0_i32_0 : i32, i32
  }
  func.func @transform_6(%arg0: i32) -> (i32, i32) {
    %c0_i32 = arith.constant 0 : i32
    %c0_i32_0 = arith.constant 0 : i32
    %c0_i32_1 = arith.constant 0 : i32
    return %c0_i32, %c0_i32_0 : i32, i32
  }
  func.func @transform_7(%arg0: i32) -> (i32, i32) {
    %c0_i32 = arith.constant 0 : i32
    %c0_i32_0 = arith.constant 0 : i32
    %c0_i32_1 = arith.constant 0 : i32
    return %c0_i32, %c0_i32_0 : i32, i32
  }
  func.func @transform_8(%arg0: i32) -> (i32, i32) {
    %c0_i32 = arith.constant 0 : i32
    %c0_i32_0 = arith.constant 0 : i32
    %c0_i32_1 = arith.constant 0 : i32
    return %c0_i32, %c0_i32_0 : i32, i32
  }
  func.func @transform_9(%arg0: i32) -> (i32, i32) {
    %c0_i32 = arith.constant 0 : i32
    %c0_i32_0 = arith.constant 0 : i32
    %c0_i32_1 = arith.constant 0 : i32
    return %c0_i32, %c0_i32_0 : i32, i32
  }
  func.func @transform_10(%arg0: i32) -> (i32, i32) {
    %c0_i32 = arith.constant 0 : i32
    %c0_i32_0 = arith.constant 0 : i32
    %c0_i32_1 = arith.constant 0 : i32
    return %c0_i32, %c0_i32_0 : i32, i32
  }
  func.func @transform_11(%arg0: i32) -> (i32, i32) {
    %c0_i32 = arith.constant 0 : i32
    %c0_i32_0 = arith.constant 0 : i32
    %c0_i32_1 = arith.constant 0 : i32
    return %c0_i32, %c0_i32_0 : i32, i32
  }
  func.func @transform_12(%arg0: i32) -> (i32, i32) {
    %c0_i32 = arith.constant 0 : i32
    %c0_i32_0 = arith.constant 0 : i32
    return %arg0, %c0_i32 : i32, i32
  }
}

module attributes {stable_mosaic.version = 14 : i64} {
  func.func @_reg_body(%arg0: i32, %arg1: memref<1024x64xf32, #tpu.memory_space<vmem>>, %arg2: memref<1024x1xf32, #tpu.memory_space<vmem>>, %arg3: memref<64x64xf32, #tpu.memory_space<vmem>>, %arg4: memref<1x64xf32, #tpu.memory_space<vmem>>, %arg5: memref<64x64xf32, #tpu.memory_space<vmem>>, %arg6: memref<1x64xf32, #tpu.memory_space<vmem>>, %arg7: memref<64x64xf32, #tpu.memory_space<vmem>>, %arg8: memref<1x64xf32, #tpu.memory_space<vmem>>, %arg9: memref<64x512xf32, #tpu.memory_space<vmem>>, %arg10: memref<1x512xf32, #tpu.memory_space<vmem>>, %arg11: memref<8x512xf32, #tpu.memory_space<vmem>>, %arg12: memref<8x64xf32, #tpu.memory_space<vmem>>) attributes {dimension_semantics = [#tpu.dimension_semantics<arbitrary>], iteration_bounds = array<i64: 8>, scalar_prefetch = 0 : i64, scratch_operands = 1 : i64, tpu.core_type = #tpu.core_type<tc>, window_params = [{transform_indices = @transform_0, window_bounds = array<i64: 1024, 64>}, {transform_indices = @transform_1, window_bounds = array<i64: 1024, 1>}, {pipeline_mode = #tpu.pipeline_mode<synchronous>, transform_indices = @transform_2, window_bounds = array<i64: 64, 64>}, {pipeline_mode = #tpu.pipeline_mode<synchronous>, transform_indices = @transform_3, window_bounds = array<i64: 1, 64>}, {pipeline_mode = #tpu.pipeline_mode<synchronous>, transform_indices = @transform_4, window_bounds = array<i64: 64, 64>}, {pipeline_mode = #tpu.pipeline_mode<synchronous>, transform_indices = @transform_5, window_bounds = array<i64: 1, 64>}, {pipeline_mode = #tpu.pipeline_mode<synchronous>, transform_indices = @transform_6, window_bounds = array<i64: 64, 64>}, {pipeline_mode = #tpu.pipeline_mode<synchronous>, transform_indices = @transform_7, window_bounds = array<i64: 1, 64>}, {pipeline_mode = #tpu.pipeline_mode<synchronous>, transform_indices = @transform_8, window_bounds = array<i64: 64, 512>}, {pipeline_mode = #tpu.pipeline_mode<synchronous>, transform_indices = @transform_9, window_bounds = array<i64: 1, 512>}, {pipeline_mode = #tpu.pipeline_mode<synchronous>, transform_indices = @transform_10, window_bounds = array<i64: 8, 512>}]} {
    %eq3A = arith.constant 0 : i32
    %eq3A_0 = arith.cmpi eq, %arg0, %eq3A : i32
    %convert_element_type3A = arith.extui %eq3A_0 : i1 to i32
    %cond3A = arith.constant 0 : i32
    %cond3A_1 = arith.cmpi ne, %convert_element_type3A, %cond3A : i32
    scf.if %cond3A_1 {
      %broadcast_in_dim3A_158 = arith.constant -3.000000e+38 : f32
      %broadcast_in_dim3A_159 = vector.broadcast %broadcast_in_dim3A_158 : f32 to vector<8x64xf32>
      %swap3A_160 = arith.constant 0 : index
      %swap3A_161 = arith.constant 0 : index
      %swap3A_162 = vector.load %arg12[%swap3A_160, %swap3A_161] : memref<8x64xf32, #tpu.memory_space<vmem>>, vector<8x64xf32>
      tpu.vector_store %arg12[%swap3A_160, %swap3A_161], %broadcast_in_dim3A_159 {strides = array<i32>} : memref<8x64xf32, #tpu.memory_space<vmem>>, vector<8x64xf32>,
    } else {
    }
    %get3A = arith.constant 0 : index
    %get3A_2 = arith.constant 0 : index
    %get3A_3 = vector.load %arg1[%get3A, %get3A_2] : memref<1024x64xf32, #tpu.memory_space<vmem>>, vector<1024x64xf32>
    %get3A_4 = arith.constant 0 : index
    %get3A_5 = arith.constant 0 : index
    %get3A_6 = vector.load %arg3[%get3A_4, %get3A_5] : memref<64x64xf32, #tpu.memory_space<vmem>>, vector<64x64xf32>
    %dot_general3A = arith.constant dense<0.000000e+00> : vector<1024x64xf32>
    %dot_general3A_7 = tpu.matmul %get3A_3, %get3A_6, %dot_general3A {dimension_numbers = #tpu.dot_dimension_numbers<[1], [0], [0], [1], [0, 0, 1, 1], [], []>, transpose_lhs_hint = false} : vector<1024x64xf32>, vector<64x64xf32>, vector<1024x64xf32> -> vector<1024x64xf32>
    %get3A_8 = arith.constant 0 : index
    %get3A_9 = arith.constant 0 : index
    %get3A_10 = vector.load %arg4[%get3A_8, %get3A_9] : memref<1x64xf32, #tpu.memory_space<vmem>>, vector<1x64xf32>
    %add3A = vector.broadcast %get3A_10 : vector<1x64xf32> to vector<1024x64xf32>
    %add3A_11 = arith.addf %dot_general3A_7, %add3A : vector<1024x64xf32>
    %get3A_12 = arith.constant 0 : index
    %get3A_13 = arith.constant 0 : index
    %get3A_14 = vector.load %arg2[%get3A_12, %get3A_13] : memref<1024x1xf32, #tpu.memory_space<vmem>>, vector<1024x1xf32>
    %eq3A_15 = arith.constant 0.000000e+00 : f32
    %eq3A_16 = vector.broadcast %eq3A_15 : f32 to vector<1024x1xf32>
    %eq3A_17 = arith.cmpf oeq, %get3A_14, %eq3A_16 : vector<1024x1xf32>
    %jit3A = arith.constant -3.000000e+38 : f32
    %broadcast_in_dim3A = vector.shape_cast %eq3A_17 : vector<1024x1xi1> to vector<1024x1xi1>
    %broadcast_in_dim3A_18 = vector.broadcast %broadcast_in_dim3A : vector<1024x1xi1> to vector<1024x64xi1>
    %broadcast_in_dim3A_19 = vector.broadcast %jit3A : f32 to vector<1024x64xf32>
    %select_n3A = arith.select %broadcast_in_dim3A_18, %add3A_11, %broadcast_in_dim3A_19 : vector<1024x64xi1>, vector<1024x64xf32>
    %reduce_max3A = arith.constant dense<0xFF800000> : vector<64xf32>
    %reduce_max3A_20 = vector.multi_reduction <maximumf>, %select_n3A, %reduce_max3A [0] : vector<1024x64xf32> to vector<64xf32>
    %broadcast_in_dim3A_21 = vector.shape_cast %reduce_max3A_20 : vector<64xf32> to vector<1x64xf32>
    %get3A_22 = arith.constant 0 : index
    %get3A_23 = arith.constant 0 : index
    %get3A_24 = vector.load %arg12[%get3A_22, %get3A_23] : memref<8x64xf32, #tpu.memory_space<vmem>>, vector<1x64xf32>
    %max3A = arith.maximumf %get3A_24, %broadcast_in_dim3A_21 : vector<1x64xf32>
    %swap3A = arith.constant 0 : index
    %swap3A_25 = arith.constant 0 : index
    %swap3A_26 = vector.load %arg12[%swap3A, %swap3A_25] : memref<8x64xf32, #tpu.memory_space<vmem>>, vector<1x64xf32>
    tpu.vector_store %arg12[%swap3A, %swap3A_25], %max3A {strides = array<i32>} : memref<8x64xf32, #tpu.memory_space<vmem>>, vector<1x64xf32>,
    %eq3A_27 = arith.constant 1.000000e+00 : f32
    %eq3A_28 = vector.broadcast %eq3A_27 : f32 to vector<1024x1xf32>
    %eq3A_29 = arith.cmpf oeq, %get3A_14, %eq3A_28 : vector<1024x1xf32>
    %jit3A_30 = arith.constant -3.000000e+38 : f32
    %broadcast_in_dim3A_31 = vector.shape_cast %eq3A_29 : vector<1024x1xi1> to vector<1024x1xi1>
    %broadcast_in_dim3A_32 = vector.broadcast %broadcast_in_dim3A_31 : vector<1024x1xi1> to vector<1024x64xi1>
    %broadcast_in_dim3A_33 = vector.broadcast %jit3A_30 : f32 to vector<1024x64xf32>
    %select_n3A_34 = arith.select %broadcast_in_dim3A_32, %add3A_11, %broadcast_in_dim3A_33 : vector<1024x64xi1>, vector<1024x64xf32>
    %reduce_max3A_35 = arith.constant dense<0xFF800000> : vector<64xf32>
    %reduce_max3A_36 = vector.multi_reduction <maximumf>, %select_n3A_34, %reduce_max3A_35 [0] : vector<1024x64xf32> to vector<64xf32>
    %broadcast_in_dim3A_37 = vector.shape_cast %reduce_max3A_36 : vector<64xf32> to vector<1x64xf32>
    %get3A_38 = arith.constant 1 : index
    %get3A_39 = arith.constant 0 : index
    %get3A_40 = vector.load %arg12[%get3A_38, %get3A_39] : memref<8x64xf32, #tpu.memory_space<vmem>>, vector<1x64xf32>
    %max3A_41 = arith.maximumf %get3A_40, %broadcast_in_dim3A_37 : vector<1x64xf32>
    %swap3A_42 = arith.constant 1 : index
    %swap3A_43 = arith.constant 0 : index
    %swap3A_44 = vector.load %arg12[%swap3A_42, %swap3A_43] : memref<8x64xf32, #tpu.memory_space<vmem>>, vector<1x64xf32>
    tpu.vector_store %arg12[%swap3A_42, %swap3A_43], %max3A_41 {strides = array<i32>} : memref<8x64xf32, #tpu.memory_space<vmem>>, vector<1x64xf32>,
    %eq3A_45 = arith.constant 2.000000e+00 : f32
    %eq3A_46 = vector.broadcast %eq3A_45 : f32 to vector<1024x1xf32>
    %eq3A_47 = arith.cmpf oeq, %get3A_14, %eq3A_46 : vector<1024x1xf32>
    %jit3A_48 = arith.constant -3.000000e+38 : f32
    %broadcast_in_dim3A_49 = vector.shape_cast %eq3A_47 : vector<1024x1xi1> to vector<1024x1xi1>
    %broadcast_in_dim3A_50 = vector.broadcast %broadcast_in_dim3A_49 : vector<1024x1xi1> to vector<1024x64xi1>
    %broadcast_in_dim3A_51 = vector.broadcast %jit3A_48 : f32 to vector<1024x64xf32>
    %select_n3A_52 = arith.select %broadcast_in_dim3A_50, %add3A_11, %broadcast_in_dim3A_51 : vector<1024x64xi1>, vector<1024x64xf32>
    %reduce_max3A_53 = arith.constant dense<0xFF800000> : vector<64xf32>
    %reduce_max3A_54 = vector.multi_reduction <maximumf>, %select_n3A_52, %reduce_max3A_53 [0] : vector<1024x64xf32> to vector<64xf32>
    %broadcast_in_dim3A_55 = vector.shape_cast %reduce_max3A_54 : vector<64xf32> to vector<1x64xf32>
    %get3A_56 = arith.constant 2 : index
    %get3A_57 = arith.constant 0 : index
    %get3A_58 = vector.load %arg12[%get3A_56, %get3A_57] : memref<8x64xf32, #tpu.memory_space<vmem>>, vector<1x64xf32>
    %max3A_59 = arith.maximumf %get3A_58, %broadcast_in_dim3A_55 : vector<1x64xf32>
    %swap3A_60 = arith.constant 2 : index
    %swap3A_61 = arith.constant 0 : index
    %swap3A_62 = vector.load %arg12[%swap3A_60, %swap3A_61] : memref<8x64xf32, #tpu.memory_space<vmem>>, vector<1x64xf32>
    tpu.vector_store %arg12[%swap3A_60, %swap3A_61], %max3A_59 {strides = array<i32>} : memref<8x64xf32, #tpu.memory_space<vmem>>, vector<1x64xf32>,
    %eq3A_63 = arith.constant 3.000000e+00 : f32
    %eq3A_64 = vector.broadcast %eq3A_63 : f32 to vector<1024x1xf32>
    %eq3A_65 = arith.cmpf oeq, %get3A_14, %eq3A_64 : vector<1024x1xf32>
    %jit3A_66 = arith.constant -3.000000e+38 : f32
    %broadcast_in_dim3A_67 = vector.shape_cast %eq3A_65 : vector<1024x1xi1> to vector<1024x1xi1>
    %broadcast_in_dim3A_68 = vector.broadcast %broadcast_in_dim3A_67 : vector<1024x1xi1> to vector<1024x64xi1>
    %broadcast_in_dim3A_69 = vector.broadcast %jit3A_66 : f32 to vector<1024x64xf32>
    %select_n3A_70 = arith.select %broadcast_in_dim3A_68, %add3A_11, %broadcast_in_dim3A_69 : vector<1024x64xi1>, vector<1024x64xf32>
    %reduce_max3A_71 = arith.constant dense<0xFF800000> : vector<64xf32>
    %reduce_max3A_72 = vector.multi_reduction <maximumf>, %select_n3A_70, %reduce_max3A_71 [0] : vector<1024x64xf32> to vector<64xf32>
    %broadcast_in_dim3A_73 = vector.shape_cast %reduce_max3A_72 : vector<64xf32> to vector<1x64xf32>
    %get3A_74 = arith.constant 3 : index
    %get3A_75 = arith.constant 0 : index
    %get3A_76 = vector.load %arg12[%get3A_74, %get3A_75] : memref<8x64xf32, #tpu.memory_space<vmem>>, vector<1x64xf32>
    %max3A_77 = arith.maximumf %get3A_76, %broadcast_in_dim3A_73 : vector<1x64xf32>
    %swap3A_78 = arith.constant 3 : index
    %swap3A_79 = arith.constant 0 : index
    %swap3A_80 = vector.load %arg12[%swap3A_78, %swap3A_79] : memref<8x64xf32, #tpu.memory_space<vmem>>, vector<1x64xf32>
    tpu.vector_store %arg12[%swap3A_78, %swap3A_79], %max3A_77 {strides = array<i32>} : memref<8x64xf32, #tpu.memory_space<vmem>>, vector<1x64xf32>,
    %eq3A_81 = arith.constant 4.000000e+00 : f32
    %eq3A_82 = vector.broadcast %eq3A_81 : f32 to vector<1024x1xf32>
    %eq3A_83 = arith.cmpf oeq, %get3A_14, %eq3A_82 : vector<1024x1xf32>
    %jit3A_84 = arith.constant -3.000000e+38 : f32
    %broadcast_in_dim3A_85 = vector.shape_cast %eq3A_83 : vector<1024x1xi1> to vector<1024x1xi1>
    %broadcast_in_dim3A_86 = vector.broadcast %broadcast_in_dim3A_85 : vector<1024x1xi1> to vector<1024x64xi1>
    %broadcast_in_dim3A_87 = vector.broadcast %jit3A_84 : f32 to vector<1024x64xf32>
    %select_n3A_88 = arith.select %broadcast_in_dim3A_86, %add3A_11, %broadcast_in_dim3A_87 : vector<1024x64xi1>, vector<1024x64xf32>
    %reduce_max3A_89 = arith.constant dense<0xFF800000> : vector<64xf32>
    %reduce_max3A_90 = vector.multi_reduction <maximumf>, %select_n3A_88, %reduce_max3A_89 [0] : vector<1024x64xf32> to vector<64xf32>
    %broadcast_in_dim3A_91 = vector.shape_cast %reduce_max3A_90 : vector<64xf32> to vector<1x64xf32>
    %get3A_92 = arith.constant 4 : index
    %get3A_93 = arith.constant 0 : index
    %get3A_94 = vector.load %arg12[%get3A_92, %get3A_93] : memref<8x64xf32, #tpu.memory_space<vmem>>, vector<1x64xf32>
    %max3A_95 = arith.maximumf %get3A_94, %broadcast_in_dim3A_91 : vector<1x64xf32>
    %swap3A_96 = arith.constant 4 : index
    %swap3A_97 = arith.constant 0 : index
    %swap3A_98 = vector.load %arg12[%swap3A_96, %swap3A_97] : memref<8x64xf32, #tpu.memory_space<vmem>>, vector<1x64xf32>
    tpu.vector_store %arg12[%swap3A_96, %swap3A_97], %max3A_95 {strides = array<i32>} : memref<8x64xf32, #tpu.memory_space<vmem>>, vector<1x64xf32>,
    %eq3A_99 = arith.constant 5.000000e+00 : f32
    %eq3A_100 = vector.broadcast %eq3A_99 : f32 to vector<1024x1xf32>
    %eq3A_101 = arith.cmpf oeq, %get3A_14, %eq3A_100 : vector<1024x1xf32>
    %jit3A_102 = arith.constant -3.000000e+38 : f32
    %broadcast_in_dim3A_103 = vector.shape_cast %eq3A_101 : vector<1024x1xi1> to vector<1024x1xi1>
    %broadcast_in_dim3A_104 = vector.broadcast %broadcast_in_dim3A_103 : vector<1024x1xi1> to vector<1024x64xi1>
    %broadcast_in_dim3A_105 = vector.broadcast %jit3A_102 : f32 to vector<1024x64xf32>
    %select_n3A_106 = arith.select %broadcast_in_dim3A_104, %add3A_11, %broadcast_in_dim3A_105 : vector<1024x64xi1>, vector<1024x64xf32>
    %reduce_max3A_107 = arith.constant dense<0xFF800000> : vector<64xf32>
    %reduce_max3A_108 = vector.multi_reduction <maximumf>, %select_n3A_106, %reduce_max3A_107 [0] : vector<1024x64xf32> to vector<64xf32>
    %broadcast_in_dim3A_109 = vector.shape_cast %reduce_max3A_108 : vector<64xf32> to vector<1x64xf32>
    %get3A_110 = arith.constant 5 : index
    %get3A_111 = arith.constant 0 : index
    %get3A_112 = vector.load %arg12[%get3A_110, %get3A_111] : memref<8x64xf32, #tpu.memory_space<vmem>>, vector<1x64xf32>
    %max3A_113 = arith.maximumf %get3A_112, %broadcast_in_dim3A_109 : vector<1x64xf32>
    %swap3A_114 = arith.constant 5 : index
    %swap3A_115 = arith.constant 0 : index
    %swap3A_116 = vector.load %arg12[%swap3A_114, %swap3A_115] : memref<8x64xf32, #tpu.memory_space<vmem>>, vector<1x64xf32>
    tpu.vector_store %arg12[%swap3A_114, %swap3A_115], %max3A_113 {strides = array<i32>} : memref<8x64xf32, #tpu.memory_space<vmem>>, vector<1x64xf32>,
    %eq3A_117 = arith.constant 6.000000e+00 : f32
    %eq3A_118 = vector.broadcast %eq3A_117 : f32 to vector<1024x1xf32>
    %eq3A_119 = arith.cmpf oeq, %get3A_14, %eq3A_118 : vector<1024x1xf32>
    %jit3A_120 = arith.constant -3.000000e+38 : f32
    %broadcast_in_dim3A_121 = vector.shape_cast %eq3A_119 : vector<1024x1xi1> to vector<1024x1xi1>
    %broadcast_in_dim3A_122 = vector.broadcast %broadcast_in_dim3A_121 : vector<1024x1xi1> to vector<1024x64xi1>
    %broadcast_in_dim3A_123 = vector.broadcast %jit3A_120 : f32 to vector<1024x64xf32>
    %select_n3A_124 = arith.select %broadcast_in_dim3A_122, %add3A_11, %broadcast_in_dim3A_123 : vector<1024x64xi1>, vector<1024x64xf32>
    %reduce_max3A_125 = arith.constant dense<0xFF800000> : vector<64xf32>
    %reduce_max3A_126 = vector.multi_reduction <maximumf>, %select_n3A_124, %reduce_max3A_125 [0] : vector<1024x64xf32> to vector<64xf32>
    %broadcast_in_dim3A_127 = vector.shape_cast %reduce_max3A_126 : vector<64xf32> to vector<1x64xf32>
    %get3A_128 = arith.constant 6 : index
    %get3A_129 = arith.constant 0 : index
    %get3A_130 = vector.load %arg12[%get3A_128, %get3A_129] : memref<8x64xf32, #tpu.memory_space<vmem>>, vector<1x64xf32>
    %max3A_131 = arith.maximumf %get3A_130, %broadcast_in_dim3A_127 : vector<1x64xf32>
    %swap3A_132 = arith.constant 6 : index
    %swap3A_133 = arith.constant 0 : index
    %swap3A_134 = vector.load %arg12[%swap3A_132, %swap3A_133] : memref<8x64xf32, #tpu.memory_space<vmem>>, vector<1x64xf32>
    tpu.vector_store %arg12[%swap3A_132, %swap3A_133], %max3A_131 {strides = array<i32>} : memref<8x64xf32, #tpu.memory_space<vmem>>, vector<1x64xf32>,
    %eq3A_135 = arith.constant 7.000000e+00 : f32
    %eq3A_136 = vector.broadcast %eq3A_135 : f32 to vector<1024x1xf32>
    %eq3A_137 = arith.cmpf oeq, %get3A_14, %eq3A_136 : vector<1024x1xf32>
    %jit3A_138 = arith.constant -3.000000e+38 : f32
    %broadcast_in_dim3A_139 = vector.shape_cast %eq3A_137 : vector<1024x1xi1> to vector<1024x1xi1>
    %broadcast_in_dim3A_140 = vector.broadcast %broadcast_in_dim3A_139 : vector<1024x1xi1> to vector<1024x64xi1>
    %broadcast_in_dim3A_141 = vector.broadcast %jit3A_138 : f32 to vector<1024x64xf32>
    %select_n3A_142 = arith.select %broadcast_in_dim3A_140, %add3A_11, %broadcast_in_dim3A_141 : vector<1024x64xi1>, vector<1024x64xf32>
    %reduce_max3A_143 = arith.constant dense<0xFF800000> : vector<64xf32>
    %reduce_max3A_144 = vector.multi_reduction <maximumf>, %select_n3A_142, %reduce_max3A_143 [0] : vector<1024x64xf32> to vector<64xf32>
    %broadcast_in_dim3A_145 = vector.shape_cast %reduce_max3A_144 : vector<64xf32> to vector<1x64xf32>
    %get3A_146 = arith.constant 7 : index
    %get3A_147 = arith.constant 0 : index
    %get3A_148 = vector.load %arg12[%get3A_146, %get3A_147] : memref<8x64xf32, #tpu.memory_space<vmem>>, vector<1x64xf32>
    %max3A_149 = arith.maximumf %get3A_148, %broadcast_in_dim3A_145 : vector<1x64xf32>
    %swap3A_150 = arith.constant 7 : index
    %swap3A_151 = arith.constant 0 : index
    %swap3A_152 = vector.load %arg12[%swap3A_150, %swap3A_151] : memref<8x64xf32, #tpu.memory_space<vmem>>, vector<1x64xf32>
    tpu.vector_store %arg12[%swap3A_150, %swap3A_151], %max3A_149 {strides = array<i32>} : memref<8x64xf32, #tpu.memory_space<vmem>>, vector<1x64xf32>,
    %eq3A_153 = arith.constant 7 : i32
    %eq3A_154 = arith.cmpi eq, %arg0, %eq3A_153 : i32
    %convert_element_type3A_155 = arith.extui %eq3A_154 : i1 to i32
    %cond3A_156 = arith.constant 0 : i32
    %cond3A_157 = arith.cmpi ne, %convert_element_type3A_155, %cond3A_156 : i32
    scf.if %cond3A_157 {
      %get3A_158 = arith.constant 0 : index
      %get3A_159 = arith.constant 0 : index
      %get3A_160 = vector.load %arg12[%get3A_158, %get3A_159] : memref<8x64xf32, #tpu.memory_space<vmem>>, vector<8x64xf32>
      %get3A_161 = arith.constant 0 : index
      %get3A_162 = arith.constant 0 : index
      %get3A_163 = vector.load %arg5[%get3A_161, %get3A_162] : memref<64x64xf32, #tpu.memory_space<vmem>>, vector<64x64xf32>
      %dot_general3A_164 = arith.constant dense<0.000000e+00> : vector<8x64xf32>
      %dot_general3A_165 = tpu.matmul %get3A_160, %get3A_163, %dot_general3A_164 {dimension_numbers = #tpu.dot_dimension_numbers<[1], [0], [0], [1], [0, 0, 1, 1], [], []>, transpose_lhs_hint = false} : vector<8x64xf32>, vector<64x64xf32>, vector<8x64xf32> -> vector<8x64xf32>
      %get3A_166 = arith.constant 0 : index
      %get3A_167 = arith.constant 0 : index
      %get3A_168 = vector.load %arg6[%get3A_166, %get3A_167] : memref<1x64xf32, #tpu.memory_space<vmem>>, vector<1x64xf32>
      %add3A_169 = vector.broadcast %get3A_168 : vector<1x64xf32> to vector<8x64xf32>
      %add3A_170 = arith.addf %dot_general3A_165, %add3A_169 : vector<8x64xf32>
      %gt3A = arith.constant 0.000000e+00 : f32
      %gt3A_171 = vector.broadcast %gt3A : f32 to vector<8x64xf32>
      %gt3A_172 = arith.cmpf ogt, %add3A_170, %gt3A_171 : vector<8x64xf32>
      %min3A = arith.constant 0.000000e+00 : f32
      %min3A_173 = vector.broadcast %min3A : f32 to vector<8x64xf32>
      %min3A_174 = arith.minimumf %add3A_170, %min3A_173 : vector<8x64xf32>
      %exp3A = math.exp %min3A_174 : vector<8x64xf32>
      %sub3A = arith.constant 1.000000e+00 : f32
      %sub3A_175 = vector.broadcast %sub3A : f32 to vector<8x64xf32>
      %sub3A_176 = arith.subf %exp3A, %sub3A_175 : vector<8x64xf32>
      %select_n3A_177 = arith.select %gt3A_172, %add3A_170, %sub3A_176 : vector<8x64xi1>, vector<8x64xf32>
      %get3A_178 = arith.constant 0 : index
      %get3A_179 = arith.constant 0 : index
      %get3A_180 = vector.load %arg7[%get3A_178, %get3A_179] : memref<64x64xf32, #tpu.memory_space<vmem>>, vector<64x64xf32>
      %dot_general3A_181 = arith.constant dense<0.000000e+00> : vector<8x64xf32>
      %dot_general3A_182 = tpu.matmul %select_n3A_177, %get3A_180, %dot_general3A_181 {dimension_numbers = #tpu.dot_dimension_numbers<[1], [0], [0], [1], [0, 0, 1, 1], [], []>, transpose_lhs_hint = false} : vector<8x64xf32>, vector<64x64xf32>, vector<8x64xf32> -> vector<8x64xf32>
      %get3A_183 = arith.constant 0 : index
      %get3A_184 = arith.constant 0 : index
      %get3A_185 = vector.load %arg8[%get3A_183, %get3A_184] : memref<1x64xf32, #tpu.memory_space<vmem>>, vector<1x64xf32>
      %add3A_186 = vector.broadcast %get3A_185 : vector<1x64xf32> to vector<8x64xf32>
      %add3A_187 = arith.addf %dot_general3A_182, %add3A_186 : vector<8x64xf32>
      %gt3A_188 = arith.constant 0.000000e+00 : f32
      %gt3A_189 = vector.broadcast %gt3A_188 : f32 to vector<8x64xf32>
      %gt3A_190 = arith.cmpf ogt, %add3A_187, %gt3A_189 : vector<8x64xf32>
      %min3A_191 = arith.constant 0.000000e+00 : f32
      %min3A_192 = vector.broadcast %min3A_191 : f32 to vector<8x64xf32>
      %min3A_193 = arith.minimumf %add3A_187, %min3A_192 : vector<8x64xf32>
      %exp3A_194 = math.exp %min3A_193 : vector<8x64xf32>
      %sub3A_195 = arith.constant 1.000000e+00 : f32
      %sub3A_196 = vector.broadcast %sub3A_195 : f32 to vector<8x64xf32>
      %sub3A_197 = arith.subf %exp3A_194, %sub3A_196 : vector<8x64xf32>
      %select_n3A_198 = arith.select %gt3A_190, %add3A_187, %sub3A_197 : vector<8x64xi1>, vector<8x64xf32>
      %get3A_199 = arith.constant 0 : index
      %get3A_200 = arith.constant 0 : index
      %get3A_201 = vector.load %arg9[%get3A_199, %get3A_200] : memref<64x512xf32, #tpu.memory_space<vmem>>, vector<64x512xf32>
      %dot_general3A_202 = arith.constant dense<0.000000e+00> : vector<8x512xf32>
      %dot_general3A_203 = tpu.matmul %select_n3A_198, %get3A_201, %dot_general3A_202 {dimension_numbers = #tpu.dot_dimension_numbers<[1], [0], [0], [1], [0, 0, 1, 1], [], []>, transpose_lhs_hint = false} : vector<8x64xf32>, vector<64x512xf32>, vector<8x512xf32> -> vector<8x512xf32>
      %get3A_204 = arith.constant 0 : index
      %get3A_205 = arith.constant 0 : index
      %get3A_206 = vector.load %arg10[%get3A_204, %get3A_205] : memref<1x512xf32, #tpu.memory_space<vmem>>, vector<1x512xf32>
      %add3A_207 = vector.broadcast %get3A_206 : vector<1x512xf32> to vector<8x512xf32>
      %add3A_208 = arith.addf %dot_general3A_203, %add3A_207 : vector<8x512xf32>
      %swap3A_209 = arith.constant 0 : index
      %swap3A_210 = arith.constant 0 : index
      %swap3A_211 = vector.load %arg11[%swap3A_209, %swap3A_210] : memref<8x512xf32, #tpu.memory_space<vmem>>, vector<8x512xf32>
      tpu.vector_store %arg11[%swap3A_209, %swap3A_210], %add3A_208 {strides = array<i32>} : memref<8x512xf32, #tpu.memory_space<vmem>>, vector<8x512xf32>,
    } else {
    }
    return
  }
  func.func @transform_0(%arg0: i32) -> (i32, i32) {
    %c0_i32 = arith.constant 0 : i32
    %c0_i32_0 = arith.constant 0 : i32
    return %arg0, %c0_i32 : i32, i32
  }
  func.func @transform_1(%arg0: i32) -> (i32, i32) {
    %c0_i32 = arith.constant 0 : i32
    %c0_i32_0 = arith.constant 0 : i32
    return %arg0, %c0_i32 : i32, i32
  }
  func.func @transform_2(%arg0: i32) -> (i32, i32) {
    %c0_i32 = arith.constant 0 : i32
    %c0_i32_0 = arith.constant 0 : i32
    %c0_i32_1 = arith.constant 0 : i32
    return %c0_i32, %c0_i32_0 : i32, i32
  }
  func.func @transform_3(%arg0: i32) -> (i32, i32) {
    %c0_i32 = arith.constant 0 : i32
    %c0_i32_0 = arith.constant 0 : i32
    %c0_i32_1 = arith.constant 0 : i32
    return %c0_i32, %c0_i32_0 : i32, i32
  }
  func.func @transform_4(%arg0: i32) -> (i32, i32) {
    %c0_i32 = arith.constant 0 : i32
    %c0_i32_0 = arith.constant 0 : i32
    %c0_i32_1 = arith.constant 0 : i32
    return %c0_i32, %c0_i32_0 : i32, i32
  }
  func.func @transform_5(%arg0: i32) -> (i32, i32) {
    %c0_i32 = arith.constant 0 : i32
    %c0_i32_0 = arith.constant 0 : i32
    %c0_i32_1 = arith.constant 0 : i32
    return %c0_i32, %c0_i32_0 : i32, i32
  }
  func.func @transform_6(%arg0: i32) -> (i32, i32) {
    %c0_i32 = arith.constant 0 : i32
    %c0_i32_0 = arith.constant 0 : i32
    %c0_i32_1 = arith.constant 0 : i32
    return %c0_i32, %c0_i32_0 : i32, i32
  }
  func.func @transform_7(%arg0: i32) -> (i32, i32) {
    %c0_i32 = arith.constant 0 : i32
    %c0_i32_0 = arith.constant 0 : i32
    %c0_i32_1 = arith.constant 0 : i32
    return %c0_i32, %c0_i32_0 : i32, i32
  }
  func.func @transform_8(%arg0: i32) -> (i32, i32) {
    %c0_i32 = arith.constant 0 : i32
    %c0_i32_0 = arith.constant 0 : i32
    %c0_i32_1 = arith.constant 0 : i32
    return %c0_i32, %c0_i32_0 : i32, i32
  }
  func.func @transform_9(%arg0: i32) -> (i32, i32) {
    %c0_i32 = arith.constant 0 : i32
    %c0_i32_0 = arith.constant 0 : i32
    %c0_i32_1 = arith.constant 0 : i32
    return %c0_i32, %c0_i32_0 : i32, i32
  }
  func.func @transform_10(%arg0: i32) -> (i32, i32) {
    %c0_i32 = arith.constant 0 : i32
    %c0_i32_0 = arith.constant 0 : i32
    %c0_i32_1 = arith.constant 0 : i32
    return %c0_i32, %c0_i32_0 : i32, i32
  }
}

</mosaic_0001>

<sc_bundles>
// kernel: kernel.16.cloned.1.call-start
scs
__scs_entry_jumppad:
0x0: {  	(pc) =	sbr.rel $0x88, $3  }
0x1: {  	(tag) =	ssettag $0x0;
	lr =	simm.s32 $0x1  }
0x2: {  	[smem:$0x3F74] =	sst lr;
	_ =	strace $0xD0000000  }
0x3: {  	_ = 	snop  }
0x4: {  	_ = 	snop  }
0x5: {  	_ = 	snop  }
0x6: {  	_ = 	snop  }
0x7: {  	_ = 	snop  }
__scs_overlays_trampoline_lowered:
0x8: {  	[smem:$0x3F83] =	sst s0  }
0x9: {  	[smem:$0x3F84] =	sst s1  }
0xa: {  	[smem:$0x3F85] =	sst s2  }
0xb: {  	[smem:$0x3F86] =	sst s3  }
0xc: {  	[smem:$0x3F87] =	sst s4  }
0xd: {  	[smem:$0x3F88] =	sst s5  }
0xe: {  	[smem:$0x3F89] =	sst s6  }
0xf: {  	[smem:$0x3F8A] =	sst s7  }
0x10: {  	[smem:$0x3F8B] =	sst s8  }
0x11: {  	[smem:$0x3F8C] =	sst s9;
	s0 =	simm.s32 @!p0 $0x0  }
0x12: {  	s1 =	sld [smem:$0x3F72];
	s0 =	simm.s32 @p0 $0x1  }
0x13: {  	[smem:$0x3F8D] =	sst s0;
	s0 =	simm.s32 @!p1 $0x0  }
0x14: {  	s2 =	sld [smem:$0x3F71];
	s0 =	simm.s32 @p1 $0x1  }
0x15: {  	[smem:$0x3F8E] =	sst s0;
	s0 =	simm.s32 @!p2 $0x0  }
0x16: {  	s3 =	sld [smem:$0x3FDB];
	s0 =	simm.s32 @p2 $0x1  }
0x17: {  	s4 =	simm.s32 $0x1BF5;
	[smem:$0x3F90] =	sst s0  }
0x18: {  	s0 =	sld [smem:$0x3F73];
	_ =	swait.ge [sflag:s4], $0x0  }
0x19: {  	s7 =	sld [smem:$0x3F74]  }
0x1a: {  	s8 =	sadd.s32 $0xFFFFE003, lr  }
0x1b: {  	s9 =	sadd.s32 $0xFFFFFEF7, lr;
	s5 =	simm.s32 $0xFFFFFFFF;
	p2 =	slt.u32 s8, $0xFFFFF086  }
0x1c: {  	p1 =	slt.u32 s9, $0xF7A;
	s5 =	simm.s32 @!p2 $0x0  }
0x1d: {  	s5 =	simm.s32 @p1 $0x1;
	p0 =	seq.s32 s7, s2  }
0x1e: {  	s7 =	smul.u32 @!p0 $0xF7A, s2;
	p2 =	seq.s32 @!p0 s5, $0x0  }
0x1f: {  	s9 =	smul.u32 $0xF7A, s1;
	s8 =	simm.s32 @!p0 $0x1BF5;
	p2 =	por !p2, p0  }
0x20: {  	[sflag:s8] =	ssyncset.s32 @!p0 $0xFFFFF086;
	s6 =	sadd.s32 @!p0 s3, s7;
	s7 =	simm.s32 @!p0 $0x108  }
0x21: {  	s3 =	sadd.s32 s3, s9;
	s6 =	sadd.s32 @!p0 $0x88, s6;
	s7 =	simm.s32 @p2 $0x1082  }
0x22: {  	[simem:s7], [sflag:s8] =	dma.local @!p0 [hbm:s6], $0xF7A  }
0x23: {  	s9 =	sor.u32 $0xD0000000, s2;
	s6 =	simm.s32 $0x108;
	_ =	swait.ge @!p0 [sflag:s8], $0x0  }
0x24: {  	s3 =	sadd.s32 $0x88, s3;
	s6 =	simm.s32 @!p1 $0x1082;
	[sflag:s4] =	ssyncset.s32 $0xFFFFF086  }
0x25: {  	[simem:s6], [sflag:s4] =	dma.local [hbm:s3], $0xF7A  }
0x26: {  	[smem:$0x3F74] =	sst s1;
	(tag) =	ssettag s2;
	_ =	strace s9  }
0x27: {  	s1 =	sld [smem:$0x3F84]  }
0x28: {  	s2 =	sld [smem:$0x3F85]  }
0x29: {  	s4 =	sld [smem:$0x3F87]  }
0x2a: {  	p0 =	seq.s32 s5, $0x0;
	s5 =	sld [smem:$0x3F88]  }
0x2b: {  	s6 =	sld [smem:$0x3F89]  }
0x2c: {  	s7 =	sld [smem:$0x3F8A]  }
0x2d: {  	s3 =	simm.s32 $0x108;
	s8 =	sld [smem:$0x3F8B]  }
0x2e: {  	s3 =	simm.s32 @!p0 $0x1082;
	s9 =	sld [smem:$0x3F8C]  }
0x2f: {  	lr =	sadd.s32 s0, s3;
	s0 =	sld [smem:$0x3F83]  }
0x30: {  	s3 =	sld [smem:$0x3F86]  }
0x31: {  	[smem:$0x3F8F] =	sst s10  }
0x32: {  	s10 =	sld [smem:$0x3F8D];
	_ =	sdelay $0x3  }
0x33: {  	p0 =	seq.s32 s10, $0x1;
	s10 =	sld [smem:$0x3F8F];
	_ =	sdelay $0x3  }
0x34: {  	[smem:$0x3F8F] =	sst s10  }
0x35: {  	s10 =	sld [smem:$0x3F8E];
	_ =	sdelay $0x3  }
0x36: {  	p1 =	seq.s32 s10, $0x1;
	s10 =	sld [smem:$0x3F8F];
	_ =	sdelay $0x3  }
0x37: {  	[smem:$0x3F8F] =	sst s10  }
0x38: {  	s10 =	sld [smem:$0x3F90]  }
0x39: {  	_ = 	snop;
	(pc) =	sbr.ind lr, $3  }
0x3a: {  	_ = 	snop  }
0x3b: {  	_ = 	snop  }
0x3c: {  	p2 =	seq.s32 s10, $0x1;
	s10 =	sld [smem:$0x3F8F]  }
0x3d: {  	_ =	shalt  }
0x3e: {  	_ =	shalt  }
0x3f: {  	_ =	shalt  }
0x40: {  	_ =	shalt  }
0x41: {  	_ =	shalt  }
0x42: {  	_ =	shalt  }
0x43: {  	_ =	shalt  }
0x44: {  	_ =	shalt  }
0x45: {  	_ =	shalt  }
0x46: {  	_ =	shalt  }
0x47: {  	_ =	shalt  }
0x48: {  	_ =	shalt  }
0x49: {  	_ =	shalt  }
0x4a: {  	_ =	shalt  }
0x4b: {  	_ =	shalt  }
0x4c: {  	_ =	shalt  }
0x4d: {  	_ =	shalt  }
0x4e: {  	_ =	shalt  }
0x4f: {  	_ =	shalt  }
0x50: {  	_ =	shalt  }
0x51: {  	_ =	shalt  }
0x52: {  	_ =	shalt  }
0x53: {  	_ =	shalt  }
0x54: {  	_ =	shalt  }
0x55: {  	_ =	shalt  }
0x56: {  	_ =	shalt  }
0x57: {  	_ =	shalt  }
0x58: {  	_ =	shalt  }
0x59: {  	_ =	shalt  }
0x5a: {  	_ =	shalt  }
0x5b: {  	_ =	shalt  }
0x5c: {  	_ =	shalt  }
0x5d: {  	_ =	shalt  }
0x5e: {  	_ =	shalt  }
0x5f: {  	_ =	shalt  }
0x60: {  	_ =	shalt  }
0x61: {  	_ =	shalt  }
0x62: {  	_ =	shalt  }
0x63: {  	_ =	shalt  }
0x64: {  	_ =	shalt  }
0x65: {  	_ =	shalt  }
0x66: {  	_ =	shalt  }
0x67: {  	_ =	shalt  }
0x68: {  	_ =	shalt  }
0x69: {  	_ =	shalt  }
0x6a: {  	_ =	shalt  }
0x6b: {  	_ =	shalt  }
0x6c: {  	_ =	shalt  }
0x6d: {  	_ =	shalt  }
0x6e: {  	_ =	shalt  }
0x6f: {  	_ =	shalt  }
0x70: {  	_ =	shalt  }
0x71: {  	_ =	shalt  }
0x72: {  	_ =	shalt  }
0x73: {  	_ =	shalt  }
0x74: {  	_ =	shalt  }
0x75: {  	_ =	shalt  }
0x76: {  	_ =	shalt  }
0x77: {  	_ =	shalt  }
0x78: {  	_ =	shalt  }
0x79: {  	_ =	shalt  }
0x7a: {  	_ =	shalt  }
0x7b: {  	_ =	shalt  }
0x7c: {  	_ =	shalt  }
0x7d: {  	_ =	shalt  }
0x7e: {  	_ =	shalt  }
0x7f: {  	_ =	shalt  }
0x80: {  	_ =	shalt  }
0x81: {  	_ =	shalt  }
0x82: {  	_ =	shalt  }
0x83: {  	_ =	shalt  }
0x84: {  	_ =	shalt  }
0x85: {  	_ =	shalt  }
0x86: {  	_ =	shalt  }
0x87: {  	_ =	shalt  }
.Lfunc_end0:
.L_simem_size_0:
called_computation_lowered:
.L_overlay_start_0:
0x88: {  	s2 =	sld [smem:$0x3FD9]  }
0x89: {  	s3 =	sld [smem:$0x3FFE];
	_ =	sdelay $0x1  }
0x8a: {  	s1 =	srdreg.scid  }
0x8b: {  	s0 =	sand.u32 $0x1, s1  }
0x8c: {  	s16 =	sshll.u32 s0, $0xA;
	s2 =	sadd.s32 s3, s2  }
0x8d: {  	s2 =	sadd.s32 s2, s16  }
0x8e: {  	[smem:$0x3F9B] =	sst s2  }
0x8f: {  	_ = 	snop  }
0x90: {  	(tm) =	ssettm $0x1  }
0x91: {  	s17 =	sld [smem:$0x3FFB];
	_ =	sdelay $0x3  }
0x92: {  	_ =	strace s17  }
0x93: {  	s2 =	sld [smem:$0x3FFC];
	_ =	sdelay $0x3  }
0x94: {  	_ =	strace s2  }
0x95: {  	s2 =	sld [smem:$0x3FFD];
	_ =	sdelay $0x3  }
0x96: {  	_ =	strace s2  }
0x97: {  	_ =	strace $0x8FFFFFFF  }
0x98: {  	s18 =	sld [smem:$0x3FDB];
	_ =	sdelay $0x1  }
0x99: {  	s19 =	simm.s32 $_scs_section_size  }
0x9a: {  	s4 =	simm.s32 $_size__tile_overlayer_lowered;
	s5 =	simm.s32 $_tile_overlayer_lowered  }
0x9b: {  	s22 =	simm.s32 $0x1BFF;
	s21 =	sshll.u32 s5, $0x1;
	s2 =	sadd.s32 s19, s18  }
0x9c: {  	s6 =	simm.s32 $0x0;
	s20 =	sshll.u32 s4, $0x1;
	s4 =	sadd.s32 s21, s2  }
0x9d: {  	[timem:s6], [sflag:s22] =	dma.local [hbm:s4], s20  }
0x9e: {  	_ =	swait.ge [sflag:s22], s20  }
0x9f: {  	s3 =	ssub.s32 $0x0, s20;
	[sflag:s22] =	ssyncset.done $0x0  }
0xa0: {  	[sflag:s22] =	ssyncadd.s32 s3;
	_ =	sdelay $0x1  }
0xa1: {  	s23 =	simm.s32 $0x1B8B  }
0xa2: {  	_ =	swait.ge [sflag:s23], $0x1  }
0xa3: {  	[sflag:s23] =	ssyncset.done $0x0  }
0xa4: {  	s25 =	simm.s32 $0x1B8E;
	s24 =	sld [smem:$0x3FFE];
	[sflag:s23] =	ssyncadd.s32 $0xFFFFFFFF  }
0xa5: {  	s26 =	simm.s32 $execute0_lowered;
	[smem:$0x3FD2] =	sst s25  }
0xa6: {  	s4 =	sshll.u32 s26, $0x1;
	_ =	strace $0x80000046;
	[dreg:$0x1] =	wrdreg $0xFFFFFFFF  }
0xa7: {  	s28 =	simm.s32 $_size_execute0_lowered;
	s2 =	sadd.s32 s2, s4;
	[dreg:$0x0] =	wrdreg $0x0  }
0xa8: {  	s4 =	sshll.u32 s28, $0x1;
	[dreg:$0x2] =	wrdreg s2  }
0xa9: {  	[dreg:$0x3] =	wrdreg s4  }
0xaa: {  	[dreg:$0x4] =	wrdreg $0xC0  }
0xab: {  	_ =	task [dreg:s6], $0x5FFFF  }
0xac: {  	[dreg:$0x1] =	wrdreg $0xFFFFFFFF  }
0xad: {  	[dreg:$0x0] =	wrdreg $0x60  }
0xae: {  	[dreg:$0x2] =	wrdreg s24  }
0xaf: {  	[dreg:$0x3] =	wrdreg $0x9  }
0xb0: {  	_ =	task.clear_ibuf [dreg:s6], $0x4FFFF;
	_ =	strace $0x90000046  }
0xb1: {  	s29 =	simm.s32 $0x9;
	_ =	strace $0x80000048  }
0xb2: {  	_ =	swait.ge [sflag:s29], $0x1  }
0xb3: {  	[sflag:s29] =	ssyncadd.s32 $0xFFFFFFFF  }
0xb4: {  	_ =	strace $0x90000048  }
0xb5: {  	_ =	sfence  }
0xb6: {  	s30 =	sld [smem:$0x0];
	_ =	sdelay $0x2  }
0xb7: {  	s31 =	sshll.u32 s1, $0xD;
	s1 =	sshrl.u32 s1, $0x2  }
0xb8: {  	s3 =	sand.u32 $0x4000, s31;
	s1 =	sadd.s32 s1, s30  }
0xb9: {  	s0 =	sor.u32 s3, s0;
	s1 =	sshll.u32 s1, $0x11  }
0xba: {  	s0 =	sor.u32 s1, s0  }
0xbb: {  	s0 =	sadd.s32 $0x8F2B, s0  }
0xbc: {  	[sflag:s0] =	ssyncadd.remote.s32 $0x1  }
0xbd: {  	_ =	sfence.sel $0xFFFF  }
0xbe: {  	[dreg:$0x0] =	wrdreg $0xFFFFFFFF;
	(pc) =	sbr.abs _section_cstart, $3  }
0xbf: {  	[dreg:$0x1] =	wrdreg $0xFFFFFFFF  }
0xc0: {  	_ =	task.clear_ibuf [dreg:s6], $0x2FFFF;
	_ =	strace $0x9FFFFFFF  }
0xc1: {  	(tm) =	ssettm $0x7FFFFFFF  }
tec
execute0_lowered:
.L_overlay_start_1:
0x0: {  	(tag) =	ssettag $0x1  }
0x1: {  	s0 =	srdreg.scid  }
0x2: {  	s1 =	stileid.u32;
	s3 =	rddreg [dreg:$0x0];
	s2 =	simm.s32 $0x0  }
0x3: {  	s9 =	simm.s32 $0x140;
	s10 =	simm.s32 $0x1400;
	s12 =	simm.s32 $0x1  }
0x4: {  	s7 =	simm.s32 $0xB400;
	s8 =	simm.s32 $0x2;
	s31 =	simm.s32 $0x280  }
0x5: {  	s30 =	simm.s32 $0x3C0;
	s29 =	simm.s32 $0x500;
	s28 =	simm.s32 $0x640  }
0x6: {  	p0 =	por $0x0, $0x0;
	s0 =	sand.u32 $0x1, s0;
	s1 =	sshll.u32 s1, $0x1  }
0x7: {  	s15 =	simm.s32 $0x12C0;
	[smem:$0x7FF] =	sst s2;
	s1 =	sor.u32 s0, s1  }
0x8: {  	s6 =	sadd.s32 $0x2C000, s3;
	s0 =	ssub.s32 $0x2, s0;
	s4 =	smul.u32 $0x280, s1  }
0x9: {  	_ =	strace $0x80000047;
	s5 =	smul.u32 $0x14000, s1;
	s24 =	sshrl.u32 s0, $0x1  }
0xa: {  	s1 =	smul.u32 $0xA0000, s1;
	s0 =	ssub.s32 s0, s24;
	s4 =	sadd.s32 s4, s3  }
0xb: {  	s24 =	simm.s32 $0x8C0;
	s25 =	sadd.s32 s6, s5;
	s4 =	sadd.s32 $0x27000, s4  }
0xc: {  	s1 =	sshrl.u32 s1, $0x3;
	s16 =	sadd.s32 $0x1400, s25;
	[dreg:$0x2] =	wrdreg s4  }
0xd: {  	s3 =	sadd.s32 $0x7000, s3;
	s17 =	sadd.s32 $0x2800, s25;
	[dreg:$0x3] =	wrdreg s16  }
0xe: {  	s0 =	smax.u32 s0, $0x1;
	s18 =	sadd.s32 $0x3C00, s25;
	[dreg:$0x4] =	wrdreg s17  }
0xf: {  	s1 =	sadd.s32 s6, s1;
	p1 =	sne.s32 s0, $0x1;
	[dreg:$0x5] =	wrdreg s18  }
0x10: {  	s19 =	sadd.s32 $0x5000, s1;
	s20 =	sadd.s32 $0x6400, s1;
	s21 =	sadd.s32 $0x7800, s1  }
0x11: {  	s22 =	sadd.s32 $0x8C00, s1;
	s23 =	sadd.s32 $0xA000, s1;
	s26 =	sadd.s32 $0xB400, s1  }
0x12: {  	s16 =	sadd.s32 $0xC800, s1;
	s14 =	sadd.s32 $0xDC00, s1;
	[dreg:$0x6] =	wrdreg s19  }
0x13: {  	s13 =	sadd.s32 $0xF000, s1;
	s11 =	sadd.s32 $0x10400, s1;
	[dreg:$0x7] =	wrdreg s20  }
0x14: {  	s6 =	sadd.s32 $0x11800, s1;
	s5 =	sadd.s32 $0x12C00, s1;
	[dreg:$0x8] =	wrdreg s21  }
.Ltmp0:
0x15: {  	s4 =	simm.s32 $0x3;
	[dreg:$0x9] =	wrdreg s22;
	(pc) =	sbr.rel @!p1 .LBB2_3-.Ltmp0, $4  }
0x16: {  	s1 =	sadd.s32 $0xFFFFFFFF, s0;
	s18 =	simm.s32 $0x1040;
	[dreg:$0xa] =	wrdreg s23  }
0x17: {  	s17 =	simm.s32 $0x1180;
	[dreg:$0xb] =	wrdreg s26;
	s26 =	simm.s32 $0x780  }
0x18: {  	s23 =	simm.s32 $0xA00;
	s22 =	simm.s32 $0xB40;
	s21 =	simm.s32 $0xC80  }
0x19: {  	s20 =	simm.s32 $0xDC0;
	s19 =	simm.s32 $0xF00;
	s0 =	rddreg [dreg:$0x2]  }
0x1a: {  	[tilespmem:s2], [sflag:$0x3] =	stream.linear.gather [hbm4b:s0+s2], $0x1400, $0x38;
	[tilespmem:$0x15400] =	vst v63  }
0x1b: {  	_ =	swait.ge [sflag:s4], $0x1400  }
0x1c: {  	[sflag:s4] =	ssyncset.done $0x0  }
0x1d: {  	[sflag:s4] =	ssyncadd.s32 $0xFFFFEC00  }
0x1e: {  	[tilespmem:s10], [sflag:$0x1] =	stream.indirect.gather [hbm4b:s3+s9], $0x80, s2, s9, $0xb8;
	[tilespmem:$0x15400] =	vst v63  }
0x1f: {  	_ =	swait.ge [sflag:s12], $0xA000  }
0x20: {  	[sflag:s12] =	ssyncset.done $0x0  }
0x21: {  	[sflag:s12] =	ssyncadd.s32 $0xFFFF6000  }
0x22: {  	[tilespmem:s7], [sflag:$0x2] =	stream.indirect.gather [hbm4b:s3+s9], $0x80, s9, s9, $0xb8;
	[tilespmem:$0x15400] =	vst v63  }
0x23: {  	_ = 	snop  }
0x24: {  	[hbm4b:s25+s2] =	stream.linear.scatter [tilespmem:s10], [sflag:$0x3], $0xA000, $0x38;
	[tilespmem:$0x15400] =	vst v63  }
0x25: {  	_ =	swait.ge [sflag:s4], $0xA000  }
0x26: {  	[sflag:s4] =	ssyncset.done $0x0  }
0x27: {  	[sflag:s4] =	ssyncadd.s32 $0xFFFF6000  }
0x28: {  	_ =	swait.ge [sflag:s8], $0xA000  }
0x29: {  	[sflag:s8] =	ssyncset.done $0x0  }
0x2a: {  	[sflag:s8] =	ssyncadd.s32 $0xFFFF6000  }
0x2b: {  	[tilespmem:s10], [sflag:$0x1] =	stream.indirect.gather [hbm4b:s3+s9], $0x80, s31, s9, $0xb8;
	[tilespmem:$0x15400] =	vst v63  }
0x2c: {  	s0 =	rddreg [dreg:$0x3]  }
0x2d: {  	[hbm4b:s0+s2] =	stream.linear.scatter [tilespmem:s7], [sflag:$0x3], $0xA000, $0x38;
	[tilespmem:$0x15400] =	vst v63  }
0x2e: {  	_ =	swait.ge [sflag:s4], $0xA000  }
0x2f: {  	[sflag:s4] =	ssyncset.done $0x0  }
0x30: {  	[sflag:s4] =	ssyncadd.s32 $0xFFFF6000  }
0x31: {  	_ =	swait.ge [sflag:s12], $0xA000  }
0x32: {  	[sflag:s12] =	ssyncset.done $0x0  }
0x33: {  	[sflag:s12] =	ssyncadd.s32 $0xFFFF6000  }
0x34: {  	[tilespmem:s7], [sflag:$0x2] =	stream.indirect.gather [hbm4b:s3+s9], $0x80, s30, s9, $0xb8;
	[tilespmem:$0x15400] =	vst v63  }
0x35: {  	s0 =	rddreg [dreg:$0x4]  }
0x36: {  	[hbm4b:s0+s2] =	stream.linear.scatter [tilespmem:s10], [sflag:$0x3], $0xA000, $0x38;
	[tilespmem:$0x15400] =	vst v63  }
0x37: {  	_ =	swait.ge [sflag:s4], $0xA000  }
0x38: {  	[sflag:s4] =	ssyncset.done $0x0  }
0x39: {  	[sflag:s4] =	ssyncadd.s32 $0xFFFF6000  }
0x3a: {  	_ =	swait.ge [sflag:s8], $0xA000  }
0x3b: {  	[sflag:s8] =	ssyncset.done $0x0  }
0x3c: {  	[sflag:s8] =	ssyncadd.s32 $0xFFFF6000  }
0x3d: {  	[tilespmem:s10], [sflag:$0x1] =	stream.indirect.gather [hbm4b:s3+s9], $0x80, s29, s9, $0xb8;
	[tilespmem:$0x15400] =	vst v63  }
0x3e: {  	s0 =	rddreg [dreg:$0x5]  }
0x3f: {  	[hbm4b:s0+s2] =	stream.linear.scatter [tilespmem:s7], [sflag:$0x3], $0xA000, $0x38;
	[tilespmem:$0x15400] =	vst v63  }
0x40: {  	_ =	swait.ge [sflag:s4], $0xA000  }
0x41: {  	[sflag:s4] =	ssyncset.done $0x0  }
0x42: {  	[sflag:s4] =	ssyncadd.s32 $0xFFFF6000  }
0x43: {  	_ =	swait.ge [sflag:s12], $0xA000  }
0x44: {  	[sflag:s12] =	ssyncset.done $0x0  }
0x45: {  	[sflag:s12] =	ssyncadd.s32 $0xFFFF6000  }
0x46: {  	[tilespmem:s7], [sflag:$0x2] =	stream.indirect.gather [hbm4b:s3+s9], $0x80, s28, s9, $0xb8;
	[tilespmem:$0x15400] =	vst v63  }
0x47: {  	s0 =	rddreg [dreg:$0x6]  }
0x48: {  	[hbm4b:s0+s2] =	stream.linear.scatter [tilespmem:s10], [sflag:$0x3], $0xA000, $0x38;
	[tilespmem:$0x15400] =	vst v63  }
0x49: {  	_ =	swait.ge [sflag:s4], $0xA000  }
0x4a: {  	[sflag:s4] =	ssyncset.done $0x0  }
0x4b: {  	[sflag:s4] =	ssyncadd.s32 $0xFFFF6000  }
0x4c: {  	_ =	swait.ge [sflag:s8], $0xA000  }
0x4d: {  	[sflag:s8] =	ssyncset.done $0x0  }
0x4e: {  	[sflag:s8] =	ssyncadd.s32 $0xFFFF6000  }
0x4f: {  	[tilespmem:s10], [sflag:$0x1] =	stream.indirect.gather [hbm4b:s3+s9], $0x80, s26, s9, $0xb8;
	[tilespmem:$0x15400] =	vst v63  }
0x50: {  	s0 =	rddreg [dreg:$0x7]  }
0x51: {  	[hbm4b:s0+s2] =	stream.linear.scatter [tilespmem:s7], [sflag:$0x3], $0xA000, $0x38;
	[tilespmem:$0x15400] =	vst v63  }
0x52: {  	_ =	swait.ge [sflag:s4], $0xA000  }
0x53: {  	[sflag:s4] =	ssyncset.done $0x0  }
0x54: {  	[sflag:s4] =	ssyncadd.s32 $0xFFFF6000  }
0x55: {  	_ =	swait.ge [sflag:s12], $0xA000  }
0x56: {  	[sflag:s12] =	ssyncset.done $0x0  }
0x57: {  	[sflag:s12] =	ssyncadd.s32 $0xFFFF6000  }
0x58: {  	[tilespmem:s7], [sflag:$0x2] =	stream.indirect.gather [hbm4b:s3+s9], $0x80, s24, s9, $0xb8;
	[tilespmem:$0x15400] =	vst v63  }
0x59: {  	s0 =	rddreg [dreg:$0x8]  }
0x5a: {  	[hbm4b:s0+s2] =	stream.linear.scatter [tilespmem:s10], [sflag:$0x3], $0xA000, $0x38;
	[tilespmem:$0x15400] =	vst v63  }
0x5b: {  	_ =	swait.ge [sflag:s4], $0xA000  }
0x5c: {  	[sflag:s4] =	ssyncset.done $0x0  }
0x5d: {  	[sflag:s4] =	ssyncadd.s32 $0xFFFF6000  }
0x5e: {  	_ =	swait.ge [sflag:s8], $0xA000  }
0x5f: {  	[sflag:s8] =	ssyncset.done $0x0  }
0x60: {  	[sflag:s8] =	ssyncadd.s32 $0xFFFF6000  }
0x61: {  	[tilespmem:s10], [sflag:$0x1] =	stream.indirect.gather [hbm4b:s3+s9], $0x80, s23, s9, $0xb8;
	[tilespmem:$0x15400] =	vst v63  }
0x62: {  	s0 =	rddreg [dreg:$0x9]  }
0x63: {  	[hbm4b:s0+s2] =	stream.linear.scatter [tilespmem:s7], [sflag:$0x3], $0xA000, $0x38;
	[tilespmem:$0x15400] =	vst v63  }
0x64: {  	_ =	swait.ge [sflag:s4], $0xA000  }
0x65: {  	[sflag:s4] =	ssyncset.done $0x0  }
0x66: {  	[sflag:s4] =	ssyncadd.s32 $0xFFFF6000  }
0x67: {  	_ =	swait.ge [sflag:s12], $0xA000  }
0x68: {  	[sflag:s12] =	ssyncset.done $0x0  }
0x69: {  	[sflag:s12] =	ssyncadd.s32 $0xFFFF6000  }
0x6a: {  	[tilespmem:s7], [sflag:$0x2] =	stream.indirect.gather [hbm4b:s3+s9], $0x80, s22, s9, $0xb8;
	[tilespmem:$0x15400] =	vst v63  }
0x6b: {  	s0 =	rddreg [dreg:$0xa]  }
0x6c: {  	[hbm4b:s0+s2] =	stream.linear.scatter [tilespmem:s10], [sflag:$0x3], $0xA000, $0x38;
	[tilespmem:$0x15400] =	vst v63  }
0x6d: {  	_ =	swait.ge [sflag:s4], $0xA000  }
0x6e: {  	[sflag:s4] =	ssyncset.done $0x0  }
0x6f: {  	[sflag:s4] =	ssyncadd.s32 $0xFFFF6000  }
0x70: {  	_ =	swait.ge [sflag:s8], $0xA000  }
0x71: {  	[sflag:s8] =	ssyncset.done $0x0  }
0x72: {  	[sflag:s8] =	ssyncadd.s32 $0xFFFF6000  }
0x73: {  	[tilespmem:s10], [sflag:$0x1] =	stream.indirect.gather [hbm4b:s3+s9], $0x80, s21, s9, $0xb8;
	[tilespmem:$0x15400] =	vst v63  }
0x74: {  	s0 =	rddreg [dreg:$0xb]  }
0x75: {  	[hbm4b:s0+s2] =	stream.linear.scatter [tilespmem:s7], [sflag:$0x3], $0xA000, $0x38;
	[tilespmem:$0x15400] =	vst v63  }
0x76: {  	_ =	swait.ge [sflag:s4], $0xA000  }
0x77: {  	[sflag:s4] =	ssyncset.done $0x0  }
0x78: {  	[sflag:s4] =	ssyncadd.s32 $0xFFFF6000  }
0x79: {  	_ =	swait.ge [sflag:s12], $0xA000  }
0x7a: {  	[sflag:s12] =	ssyncset.done $0x0  }
0x7b: {  	[sflag:s12] =	ssyncadd.s32 $0xFFFF6000  }
0x7c: {  	[tilespmem:s7], [sflag:$0x2] =	stream.indirect.gather [hbm4b:s3+s9], $0x80, s20, s9, $0xb8;
	[tilespmem:$0x15400] =	vst v63  }
0x7d: {  	_ = 	snop  }
0x7e: {  	[hbm4b:s16+s2] =	stream.linear.scatter [tilespmem:s10], [sflag:$0x3], $0xA000, $0x38;
	[tilespmem:$0x15400] =	vst v63  }
0x7f: {  	_ =	swait.ge [sflag:s4], $0xA000  }
0x80: {  	[sflag:s4] =	ssyncset.done $0x0  }
0x81: {  	[sflag:s4] =	ssyncadd.s32 $0xFFFF6000  }
0x82: {  	_ =	swait.ge [sflag:s8], $0xA000  }
0x83: {  	[sflag:s8] =	ssyncset.done $0x0  }
0x84: {  	[sflag:s8] =	ssyncadd.s32 $0xFFFF6000  }
0x85: {  	[tilespmem:s10], [sflag:$0x1] =	stream.indirect.gather [hbm4b:s3+s9], $0x80, s19, s9, $0xb8;
	[tilespmem:$0x15400] =	vst v63  }
0x86: {  	_ = 	snop  }
0x87: {  	[hbm4b:s14+s2] =	stream.linear.scatter [tilespmem:s7], [sflag:$0x3], $0xA000, $0x38;
	[tilespmem:$0x15400] =	vst v63  }
0x88: {  	_ =	swait.ge [sflag:s4], $0xA000  }
0x89: {  	[sflag:s4] =	ssyncset.done $0x0  }
0x8a: {  	[sflag:s4] =	ssyncadd.s32 $0xFFFF6000  }
0x8b: {  	_ =	swait.ge [sflag:s12], $0xA000  }
0x8c: {  	[sflag:s12] =	ssyncset.done $0x0  }
0x8d: {  	[sflag:s12] =	ssyncadd.s32 $0xFFFF6000  }
0x8e: {  	[tilespmem:s7], [sflag:$0x2] =	stream.indirect.gather [hbm4b:s3+s9], $0x80, s18, s9, $0xb8;
	[tilespmem:$0x15400] =	vst v63  }
0x8f: {  	_ = 	snop  }
0x90: {  	[hbm4b:s13+s2] =	stream.linear.scatter [tilespmem:s10], [sflag:$0x3], $0xA000, $0x38;
	[tilespmem:$0x15400] =	vst v63  }
0x91: {  	_ =	swait.ge [sflag:s4], $0xA000  }
0x92: {  	[sflag:s4] =	ssyncset.done $0x0  }
0x93: {  	[sflag:s4] =	ssyncadd.s32 $0xFFFF6000  }
0x94: {  	_ =	swait.ge [sflag:s8], $0xA000  }
0x95: {  	[sflag:s8] =	ssyncset.done $0x0  }
0x96: {  	[sflag:s8] =	ssyncadd.s32 $0xFFFF6000  }
0x97: {  	[tilespmem:s10], [sflag:$0x1] =	stream.indirect.gather [hbm4b:s3+s9], $0x80, s17, s9, $0xb8;
	[tilespmem:$0x15400] =	vst v63  }
0x98: {  	_ = 	snop  }
0x99: {  	[hbm4b:s11+s2] =	stream.linear.scatter [tilespmem:s7], [sflag:$0x3], $0xA000, $0x38;
	[tilespmem:$0x15400] =	vst v63  }
0x9a: {  	_ =	swait.ge [sflag:s4], $0xA000  }
0x9b: {  	[sflag:s4] =	ssyncset.done $0x0  }
0x9c: {  	[sflag:s4] =	ssyncadd.s32 $0xFFFF6000  }
0x9d: {  	_ =	swait.ge [sflag:s12], $0xA000  }
0x9e: {  	[sflag:s12] =	ssyncset.done $0x0  }
0x9f: {  	[sflag:s12] =	ssyncadd.s32 $0xFFFF6000  }
0xa0: {  	[tilespmem:s7], [sflag:$0x2] =	stream.indirect.gather [hbm4b:s3+s9], $0x80, s15, s9, $0xb8;
	[tilespmem:$0x15400] =	vst v63  }
0xa1: {  	_ = 	snop  }
0xa2: {  	[hbm4b:s6+s2] =	stream.linear.scatter [tilespmem:s10], [sflag:$0x3], $0xA000, $0x38;
	[tilespmem:$0x15400] =	vst v63  }
0xa3: {  	_ =	swait.ge [sflag:s4], $0xA000  }
0xa4: {  	[sflag:s4] =	ssyncset.done $0x0  }
0xa5: {  	[sflag:s4] =	ssyncadd.s32 $0xFFFF6000  }
0xa6: {  	p1 =	sne.s32 s1, $0x1;
	_ =	swait.ge [sflag:s8], $0xA000  }
.Ltmp1:
0xa7: {  	[sflag:s8] =	ssyncset.done $0x0;
	(pc) =	sbr.rel @!p1 .LBB2_3-.Ltmp1, $4  }
0xa8: {  	[sflag:s8] =	ssyncadd.s32 $0xFFFF6000  }
0xa9: {  	[hbm4b:s5+s2] =	stream.linear.scatter [tilespmem:s7], [sflag:$0x3], $0xA000, $0x38;
	[tilespmem:$0x15400] =	vst v63  }
0xaa: {  	s1 =	sadd.s32 $0xFFFFFFFF, s1;
	_ =	swait.ge [sflag:s4], $0xA000  }
0xab: {  	p0 =	por $0x1, $0x1;
	s0 =	rddreg [dreg:$0x2];
	[sflag:s4] =	ssyncset.done $0x0  }
.LBB2_2:
0xac: {  	[sflag:s4] =	ssyncadd.s32 $0xFFFF6000  }
0xad: {  	[tilespmem:s2], [sflag:$0x3] =	stream.linear.gather [hbm4b:s0+s2], $0x1400, $0x38;
	[tilespmem:$0x15400] =	vst v63  }
0xae: {  	_ =	swait.ge [sflag:s4], $0x1400  }
0xaf: {  	[sflag:s4] =	ssyncset.done $0x0  }
0xb0: {  	[sflag:s4] =	ssyncadd.s32 $0xFFFFEC00  }
0xb1: {  	[tilespmem:s10], [sflag:$0x1] =	stream.indirect.gather [hbm4b:s3+s9], $0x80, s2, s9, $0xb8;
	[tilespmem:$0x15400] =	vst v63  }
0xb2: {  	_ =	swait.ge [sflag:s12], $0xA000  }
0xb3: {  	[sflag:s12] =	ssyncset.done $0x0  }
0xb4: {  	[sflag:s12] =	ssyncadd.s32 $0xFFFF6000  }
0xb5: {  	[tilespmem:s7], [sflag:$0x2] =	stream.indirect.gather [hbm4b:s3+s9], $0x80, s9, s9, $0xb8;
	[tilespmem:$0x15400] =	vst v63  }
0xb6: {  	_ = 	snop  }
0xb7: {  	[hbm4b:s25+s2] =	stream.linear.scatter [tilespmem:s10], [sflag:$0x3], $0xA000, $0x38;
	[tilespmem:$0x15400] =	vst v63  }
0xb8: {  	_ =	swait.ge [sflag:s4], $0xA000  }
0xb9: {  	[sflag:s4] =	ssyncset.done $0x0  }
0xba: {  	[sflag:s4] =	ssyncadd.s32 $0xFFFF6000  }
0xbb: {  	_ =	swait.ge [sflag:s8], $0xA000  }
0xbc: {  	[sflag:s8] =	ssyncset.done $0x0  }
0xbd: {  	[sflag:s8] =	ssyncadd.s32 $0xFFFF6000  }
0xbe: {  	[tilespmem:s10], [sflag:$0x1] =	stream.indirect.gather [hbm4b:s3+s9], $0x80, s31, s9, $0xb8;
	[tilespmem:$0x15400] =	vst v63  }
0xbf: {  	s0 =	rddreg [dreg:$0x3]  }
0xc0: {  	[hbm4b:s0+s2] =	stream.linear.scatter [tilespmem:s7], [sflag:$0x3], $0xA000, $0x38;
	[tilespmem:$0x15400] =	vst v63  }
0xc1: {  	_ =	swait.ge [sflag:s4], $0xA000  }
0xc2: {  	[sflag:s4] =	ssyncset.done $0x0  }
0xc3: {  	[sflag:s4] =	ssyncadd.s32 $0xFFFF6000  }
0xc4: {  	_ =	swait.ge [sflag:s12], $0xA000  }
0xc5: {  	[sflag:s12] =	ssyncset.done $0x0  }
0xc6: {  	[sflag:s12] =	ssyncadd.s32 $0xFFFF6000  }
0xc7: {  	[tilespmem:s7], [sflag:$0x2] =	stream.indirect.gather [hbm4b:s3+s9], $0x80, s30, s9, $0xb8;
	[tilespmem:$0x15400] =	vst v63  }
0xc8: {  	s0 =	rddreg [dreg:$0x4]  }
0xc9: {  	[hbm4b:s0+s2] =	stream.linear.scatter [tilespmem:s10], [sflag:$0x3], $0xA000, $0x38;
	[tilespmem:$0x15400] =	vst v63  }
0xca: {  	_ =	swait.ge [sflag:s4], $0xA000  }
0xcb: {  	[sflag:s4] =	ssyncset.done $0x0  }
0xcc: {  	[sflag:s4] =	ssyncadd.s32 $0xFFFF6000  }
0xcd: {  	_ =	swait.ge [sflag:s8], $0xA000  }
0xce: {  	[sflag:s8] =	ssyncset.done $0x0  }
0xcf: {  	[sflag:s8] =	ssyncadd.s32 $0xFFFF6000  }
0xd0: {  	[tilespmem:s10], [sflag:$0x1] =	stream.indirect.gather [hbm4b:s3+s9], $0x80, s29, s9, $0xb8;
	[tilespmem:$0x15400] =	vst v63  }
0xd1: {  	s0 =	rddreg [dreg:$0x5]  }
0xd2: {  	[hbm4b:s0+s2] =	stream.linear.scatter [tilespmem:s7], [sflag:$0x3], $0xA000, $0x38;
	[tilespmem:$0x15400] =	vst v63  }
0xd3: {  	_ =	swait.ge [sflag:s4], $0xA000  }
0xd4: {  	[sflag:s4] =	ssyncset.done $0x0  }
0xd5: {  	[sflag:s4] =	ssyncadd.s32 $0xFFFF6000  }
0xd6: {  	_ =	swait.ge [sflag:s12], $0xA000  }
0xd7: {  	[sflag:s12] =	ssyncset.done $0x0  }
0xd8: {  	[sflag:s12] =	ssyncadd.s32 $0xFFFF6000  }
0xd9: {  	[tilespmem:s7], [sflag:$0x2] =	stream.indirect.gather [hbm4b:s3+s9], $0x80, s28, s9, $0xb8;
	[tilespmem:$0x15400] =	vst v63  }
0xda: {  	s0 =	rddreg [dreg:$0x6]  }
0xdb: {  	[hbm4b:s0+s2] =	stream.linear.scatter [tilespmem:s10], [sflag:$0x3], $0xA000, $0x38;
	[tilespmem:$0x15400] =	vst v63  }
0xdc: {  	_ =	swait.ge [sflag:s4], $0xA000  }
0xdd: {  	[sflag:s4] =	ssyncset.done $0x0  }
0xde: {  	[sflag:s4] =	ssyncadd.s32 $0xFFFF6000  }
0xdf: {  	_ =	swait.ge [sflag:s8], $0xA000  }
0xe0: {  	[sflag:s8] =	ssyncset.done $0x0  }
0xe1: {  	[sflag:s8] =	ssyncadd.s32 $0xFFFF6000  }
0xe2: {  	[tilespmem:s10], [sflag:$0x1] =	stream.indirect.gather [hbm4b:s3+s9], $0x80, s26, s9, $0xb8;
	[tilespmem:$0x15400] =	vst v63  }
0xe3: {  	s0 =	rddreg [dreg:$0x7]  }
0xe4: {  	[hbm4b:s0+s2] =	stream.linear.scatter [tilespmem:s7], [sflag:$0x3], $0xA000, $0x38;
	[tilespmem:$0x15400] =	vst v63  }
0xe5: {  	_ =	swait.ge [sflag:s4], $0xA000  }
0xe6: {  	[sflag:s4] =	ssyncset.done $0x0  }
0xe7: {  	[sflag:s4] =	ssyncadd.s32 $0xFFFF6000  }
0xe8: {  	_ =	swait.ge [sflag:s12], $0xA000  }
0xe9: {  	[sflag:s12] =	ssyncset.done $0x0  }
0xea: {  	[sflag:s12] =	ssyncadd.s32 $0xFFFF6000  }
0xeb: {  	[tilespmem:s7], [sflag:$0x2] =	stream.indirect.gather [hbm4b:s3+s9], $0x80, s24, s9, $0xb8;
	[tilespmem:$0x15400] =	vst v63  }
0xec: {  	s0 =	rddreg [dreg:$0x8]  }
0xed: {  	[hbm4b:s0+s2] =	stream.linear.scatter [tilespmem:s10], [sflag:$0x3], $0xA000, $0x38;
	[tilespmem:$0x15400] =	vst v63  }
0xee: {  	_ =	swait.ge [sflag:s4], $0xA000  }
0xef: {  	[sflag:s4] =	ssyncset.done $0x0  }
0xf0: {  	[sflag:s4] =	ssyncadd.s32 $0xFFFF6000  }
0xf1: {  	_ =	swait.ge [sflag:s8], $0xA000  }
0xf2: {  	[sflag:s8] =	ssyncset.done $0x0  }
0xf3: {  	[sflag:s8] =	ssyncadd.s32 $0xFFFF6000  }
0xf4: {  	[tilespmem:s10], [sflag:$0x1] =	stream.indirect.gather [hbm4b:s3+s9], $0x80, s23, s9, $0xb8;
	[tilespmem:$0x15400] =	vst v63  }
0xf5: {  	s0 =	rddreg [dreg:$0x9]  }
0xf6: {  	[hbm4b:s0+s2] =	stream.linear.scatter [tilespmem:s7], [sflag:$0x3], $0xA000, $0x38;
	[tilespmem:$0x15400] =	vst v63  }
0xf7: {  	_ =	swait.ge [sflag:s4], $0xA000  }
0xf8: {  	[sflag:s4] =	ssyncset.done $0x0  }
0xf9: {  	[sflag:s4] =	ssyncadd.s32 $0xFFFF6000  }
0xfa: {  	_ =	swait.ge [sflag:s12], $0xA000  }
0xfb: {  	[sflag:s12] =	ssyncset.done $0x0  }
0xfc: {  	[sflag:s12] =	ssyncadd.s32 $0xFFFF6000  }
0xfd: {  	[tilespmem:s7], [sflag:$0x2] =	stream.indirect.gather [hbm4b:s3+s9], $0x80, s22, s9, $0xb8;
	[tilespmem:$0x15400] =	vst v63  }
0xfe: {  	s0 =	rddreg [dreg:$0xa]  }
0xff: {  	[hbm4b:s0+s2] =	stream.linear.scatter [tilespmem:s10], [sflag:$0x3], $0xA000, $0x38;
	[tilespmem:$0x15400] =	vst v63  }
0x100: {  	_ =	swait.ge [sflag:s4], $0xA000  }
0x101: {  	[sflag:s4] =	ssyncset.done $0x0  }
0x102: {  	[sflag:s4] =	ssyncadd.s32 $0xFFFF6000  }
0x103: {  	_ =	swait.ge [sflag:s8], $0xA000  }
0x104: {  	[sflag:s8] =	ssyncset.done $0x0  }
0x105: {  	[sflag:s8] =	ssyncadd.s32 $0xFFFF6000  }
0x106: {  	[tilespmem:s10], [sflag:$0x1] =	stream.indirect.gather [hbm4b:s3+s9], $0x80, s21, s9, $0xb8;
	[tilespmem:$0x15400] =	vst v63  }
0x107: {  	s0 =	rddreg [dreg:$0xb]  }
0x108: {  	[hbm4b:s0+s2] =	stream.linear.scatter [tilespmem:s7], [sflag:$0x3], $0xA000, $0x38;
	[tilespmem:$0x15400] =	vst v63  }
0x109: {  	_ =	swait.ge [sflag:s4], $0xA000  }
0x10a: {  	[sflag:s4] =	ssyncset.done $0x0  }
0x10b: {  	[sflag:s4] =	ssyncadd.s32 $0xFFFF6000  }
0x10c: {  	_ =	swait.ge [sflag:s12], $0xA000  }
0x10d: {  	[sflag:s12] =	ssyncset.done $0x0  }
0x10e: {  	[sflag:s12] =	ssyncadd.s32 $0xFFFF6000  }
0x10f: {  	[tilespmem:s7], [sflag:$0x2] =	stream.indirect.gather [hbm4b:s3+s9], $0x80, s20, s9, $0xb8;
	[tilespmem:$0x15400] =	vst v63  }
0x110: {  	_ = 	snop  }
0x111: {  	[hbm4b:s16+s2] =	stream.linear.scatter [tilespmem:s10], [sflag:$0x3], $0xA000, $0x38;
	[tilespmem:$0x15400] =	vst v63  }
0x112: {  	_ =	swait.ge [sflag:s4], $0xA000  }
0x113: {  	[sflag:s4] =	ssyncset.done $0x0  }
0x114: {  	[sflag:s4] =	ssyncadd.s32 $0xFFFF6000  }
0x115: {  	_ =	swait.ge [sflag:s8], $0xA000  }
0x116: {  	[sflag:s8] =	ssyncset.done $0x0  }
0x117: {  	[sflag:s8] =	ssyncadd.s32 $0xFFFF6000  }
0x118: {  	[tilespmem:s10], [sflag:$0x1] =	stream.indirect.gather [hbm4b:s3+s9], $0x80, s19, s9, $0xb8;
	[tilespmem:$0x15400] =	vst v63  }
0x119: {  	_ = 	snop  }
0x11a: {  	[hbm4b:s14+s2] =	stream.linear.scatter [tilespmem:s7], [sflag:$0x3], $0xA000, $0x38;
	[tilespmem:$0x15400] =	vst v63  }
0x11b: {  	_ =	swait.ge [sflag:s4], $0xA000  }
0x11c: {  	[sflag:s4] =	ssyncset.done $0x0  }
0x11d: {  	[sflag:s4] =	ssyncadd.s32 $0xFFFF6000  }
0x11e: {  	_ =	swait.ge [sflag:s12], $0xA000  }
0x11f: {  	[sflag:s12] =	ssyncset.done $0x0  }
0x120: {  	[sflag:s12] =	ssyncadd.s32 $0xFFFF6000  }
0x121: {  	[tilespmem:s7], [sflag:$0x2] =	stream.indirect.gather [hbm4b:s3+s9], $0x80, s18, s9, $0xb8;
	[tilespmem:$0x15400] =	vst v63  }
0x122: {  	_ = 	snop  }
0x123: {  	[hbm4b:s13+s2] =	stream.linear.scatter [tilespmem:s10], [sflag:$0x3], $0xA000, $0x38;
	[tilespmem:$0x15400] =	vst v63  }
0x124: {  	_ =	swait.ge [sflag:s4], $0xA000  }
0x125: {  	[sflag:s4] =	ssyncset.done $0x0  }
0x126: {  	[sflag:s4] =	ssyncadd.s32 $0xFFFF6000  }
0x127: {  	_ =	swait.ge [sflag:s8], $0xA000  }
0x128: {  	[sflag:s8] =	ssyncset.done $0x0  }
0x129: {  	[sflag:s8] =	ssyncadd.s32 $0xFFFF6000  }
0x12a: {  	[tilespmem:s10], [sflag:$0x1] =	stream.indirect.gather [hbm4b:s3+s9], $0x80, s17, s9, $0xb8;
	[tilespmem:$0x15400] =	vst v63  }
0x12b: {  	_ = 	snop  }
0x12c: {  	[hbm4b:s11+s2] =	stream.linear.scatter [tilespmem:s7], [sflag:$0x3], $0xA000, $0x38;
	[tilespmem:$0x15400] =	vst v63  }
0x12d: {  	_ =	swait.ge [sflag:s4], $0xA000  }
0x12e: {  	[sflag:s4] =	ssyncset.done $0x0  }
0x12f: {  	[sflag:s4] =	ssyncadd.s32 $0xFFFF6000  }
0x130: {  	_ =	swait.ge [sflag:s12], $0xA000  }
0x131: {  	[sflag:s12] =	ssyncset.done $0x0  }
0x132: {  	[sflag:s12] =	ssyncadd.s32 $0xFFFF6000  }
0x133: {  	[tilespmem:s7], [sflag:$0x2] =	stream.indirect.gather [hbm4b:s3+s9], $0x80, s15, s9, $0xb8;
	[tilespmem:$0x15400] =	vst v63  }
0x134: {  	_ = 	snop  }
0x135: {  	[hbm4b:s6+s2] =	stream.linear.scatter [tilespmem:s10], [sflag:$0x3], $0xA000, $0x38;
	[tilespmem:$0x15400] =	vst v63  }
0x136: {  	_ =	swait.ge [sflag:s4], $0xA000  }
0x137: {  	[sflag:s4] =	ssyncset.done $0x0  }
0x138: {  	[sflag:s4] =	ssyncadd.s32 $0xFFFF6000  }
0x139: {  	p1 =	sne.s32 s1, $0x1;
	_ =	swait.ge [sflag:s8], $0xA000  }
.Ltmp2:
0x13a: {  	[sflag:s8] =	ssyncset.done $0x0;
	(pc) =	sbr.rel @p1 .LBB2_2-.Ltmp2, $4  }
0x13b: {  	[sflag:s8] =	ssyncadd.s32 $0xFFFF6000  }
0x13c: {  	[hbm4b:s5+s2] =	stream.linear.scatter [tilespmem:s7], [sflag:$0x3], $0xA000, $0x38;
	[tilespmem:$0x15400] =	vst v63  }
0x13d: {  	_ =	swait.ge [sflag:s4], $0xA000  }
0x13e: {  	s1 =	sadd.s32 $0xFFFFFFFF, s1;
	s0 =	rddreg [dreg:$0x2];
	[sflag:s4] =	ssyncset.done $0x0  }
.LBB2_3:
0x13f: {  	[sflag:s4] =	ssyncadd.s32 @p0 $0xFFFF6000  }
0x140: {  	[tilespmem:s2], [sflag:$0x3] =	stream.linear.gather [hbm4b:s0+s2], $0x1400, $0x38;
	[tilespmem:$0x15400] =	vst v63  }
0x141: {  	_ =	swait.ge [sflag:s4], $0x1400  }
0x142: {  	[sflag:s4] =	ssyncset.done $0x0  }
0x143: {  	[sflag:s4] =	ssyncadd.s32 $0xFFFFEC00  }
0x144: {  	[tilespmem:s10], [sflag:$0x1] =	stream.indirect.gather [hbm4b:s3+s9], $0x80, s2, s9, $0xb8;
	[tilespmem:$0x15400] =	vst v63  }
0x145: {  	_ =	swait.ge [sflag:s12], $0xA000  }
0x146: {  	[sflag:s12] =	ssyncset.done $0x0  }
0x147: {  	[sflag:s12] =	ssyncadd.s32 $0xFFFF6000  }
0x148: {  	[tilespmem:s7], [sflag:$0x2] =	stream.indirect.gather [hbm4b:s3+s9], $0x80, s9, s9, $0xb8;
	[tilespmem:$0x15400] =	vst v63  }
0x149: {  	_ = 	snop  }
0x14a: {  	[hbm4b:s25+s2] =	stream.linear.scatter [tilespmem:s10], [sflag:$0x3], $0xA000, $0x38;
	[tilespmem:$0x15400] =	vst v63  }
0x14b: {  	_ =	swait.ge [sflag:s4], $0xA000  }
0x14c: {  	[sflag:s4] =	ssyncset.done $0x0  }
0x14d: {  	[sflag:s4] =	ssyncadd.s32 $0xFFFF6000  }
0x14e: {  	_ =	swait.ge [sflag:s8], $0xA000  }
0x14f: {  	[sflag:s8] =	ssyncset.done $0x0  }
0x150: {  	[sflag:s8] =	ssyncadd.s32 $0xFFFF6000  }
0x151: {  	[tilespmem:s10], [sflag:$0x1] =	stream.indirect.gather [hbm4b:s3+s9], $0x80, s31, s9, $0xb8;
	[tilespmem:$0x15400] =	vst v63  }
0x152: {  	s1 =	rddreg [dreg:$0x3]  }
0x153: {  	[hbm4b:s1+s2] =	stream.linear.scatter [tilespmem:s7], [sflag:$0x3], $0xA000, $0x38;
	[tilespmem:$0x15400] =	vst v63  }
0x154: {  	_ =	swait.ge [sflag:s4], $0xA000  }
0x155: {  	[sflag:s4] =	ssyncset.done $0x0  }
0x156: {  	[sflag:s4] =	ssyncadd.s32 $0xFFFF6000  }
0x157: {  	_ =	swait.ge [sflag:s12], $0xA000  }
0x158: {  	[sflag:s12] =	ssyncset.done $0x0  }
0x159: {  	[sflag:s12] =	ssyncadd.s32 $0xFFFF6000  }
0x15a: {  	[tilespmem:s7], [sflag:$0x2] =	stream.indirect.gather [hbm4b:s3+s9], $0x80, s30, s9, $0xb8;
	[tilespmem:$0x15400] =	vst v63  }
0x15b: {  	s25 =	rddreg [dreg:$0x4]  }
0x15c: {  	[hbm4b:s25+s2] =	stream.linear.scatter [tilespmem:s10], [sflag:$0x3], $0xA000, $0x38;
	[tilespmem:$0x15400] =	vst v63  }
0x15d: {  	_ =	swait.ge [sflag:s4], $0xA000  }
0x15e: {  	[sflag:s4] =	ssyncset.done $0x0  }
0x15f: {  	[sflag:s4] =	ssyncadd.s32 $0xFFFF6000  }
0x160: {  	_ =	swait.ge [sflag:s8], $0xA000  }
0x161: {  	[sflag:s8] =	ssyncset.done $0x0  }
0x162: {  	[sflag:s8] =	ssyncadd.s32 $0xFFFF6000  }
0x163: {  	[tilespmem:s10], [sflag:$0x1] =	stream.indirect.gather [hbm4b:s3+s9], $0x80, s29, s9, $0xb8;
	[tilespmem:$0x15400] =	vst v63  }
0x164: {  	s31 =	rddreg [dreg:$0x5]  }
0x165: {  	[hbm4b:s31+s2] =	stream.linear.scatter [tilespmem:s7], [sflag:$0x3], $0xA000, $0x38;
	[tilespmem:$0x15400] =	vst v63  }
0x166: {  	_ =	swait.ge [sflag:s4], $0xA000  }
0x167: {  	[sflag:s4] =	ssyncset.done $0x0  }
0x168: {  	[sflag:s4] =	ssyncadd.s32 $0xFFFF6000  }
0x169: {  	_ =	swait.ge [sflag:s12], $0xA000  }
0x16a: {  	[sflag:s12] =	ssyncset.done $0x0  }
0x16b: {  	[sflag:s12] =	ssyncadd.s32 $0xFFFF6000  }
0x16c: {  	[tilespmem:s7], [sflag:$0x2] =	stream.indirect.gather [hbm4b:s3+s9], $0x80, s28, s9, $0xb8;
	[tilespmem:$0x15400] =	vst v63  }
0x16d: {  	s1 =	rddreg [dreg:$0x6]  }
0x16e: {  	[hbm4b:s1+s2] =	stream.linear.scatter [tilespmem:s10], [sflag:$0x3], $0xA000, $0x38;
	[tilespmem:$0x15400] =	vst v63  }
0x16f: {  	_ =	swait.ge [sflag:s4], $0xA000  }
0x170: {  	[sflag:s4] =	ssyncset.done $0x0  }
0x171: {  	[sflag:s4] =	ssyncadd.s32 $0xFFFF6000  }
0x172: {  	_ =	swait.ge [sflag:s8], $0xA000  }
0x173: {  	[sflag:s8] =	ssyncset.done $0x0  }
0x174: {  	[sflag:s8] =	ssyncadd.s32 $0xFFFF6000  }
0x175: {  	[tilespmem:s10], [sflag:$0x1] =	stream.indirect.gather [hbm4b:s3+s9], $0x80, s26, s9, $0xb8;
	[tilespmem:$0x15400] =	vst v63  }
0x176: {  	s25 =	rddreg [dreg:$0x7]  }
0x177: {  	[hbm4b:s25+s2] =	stream.linear.scatter [tilespmem:s7], [sflag:$0x3], $0xA000, $0x38;
	[tilespmem:$0x15400] =	vst v63  }
0x178: {  	_ =	swait.ge [sflag:s4], $0xA000  }
0x179: {  	[sflag:s4] =	ssyncset.done $0x0  }
0x17a: {  	[sflag:s4] =	ssyncadd.s32 $0xFFFF6000  }
0x17b: {  	_ =	swait.ge [sflag:s12], $0xA000  }
0x17c: {  	[sflag:s12] =	ssyncset.done $0x0  }
0x17d: {  	[sflag:s12] =	ssyncadd.s32 $0xFFFF6000  }
0x17e: {  	[tilespmem:s7], [sflag:$0x2] =	stream.indirect.gather [hbm4b:s3+s9], $0x80, s24, s9, $0xb8;
	[tilespmem:$0x15400] =	vst v63  }
0x17f: {  	s26 =	rddreg [dreg:$0x8]  }
0x180: {  	[hbm4b:s26+s2] =	stream.linear.scatter [tilespmem:s10], [sflag:$0x3], $0xA000, $0x38;
	[tilespmem:$0x15400] =	vst v63  }
0x181: {  	_ =	swait.ge [sflag:s4], $0xA000  }
0x182: {  	[sflag:s4] =	ssyncset.done $0x0  }
0x183: {  	[sflag:s4] =	ssyncadd.s32 $0xFFFF6000  }
0x184: {  	_ =	swait.ge [sflag:s8], $0xA000  }
0x185: {  	[sflag:s8] =	ssyncset.done $0x0  }
0x186: {  	[sflag:s8] =	ssyncadd.s32 $0xFFFF6000  }
0x187: {  	[tilespmem:s10], [sflag:$0x1] =	stream.indirect.gather [hbm4b:s3+s9], $0x80, s23, s9, $0xb8;
	[tilespmem:$0x15400] =	vst v63  }
0x188: {  	s28 =	rddreg [dreg:$0x9]  }
0x189: {  	[hbm4b:s28+s2] =	stream.linear.scatter [tilespmem:s7], [sflag:$0x3], $0xA000, $0x38;
	[tilespmem:$0x15400] =	vst v63  }
0x18a: {  	_ =	swait.ge [sflag:s4], $0xA000  }
0x18b: {  	[sflag:s4] =	ssyncset.done $0x0  }
0x18c: {  	[sflag:s4] =	ssyncadd.s32 $0xFFFF6000  }
0x18d: {  	_ =	swait.ge [sflag:s12], $0xA000  }
0x18e: {  	[sflag:s12] =	ssyncset.done $0x0  }
0x18f: {  	[sflag:s12] =	ssyncadd.s32 $0xFFFF6000  }
0x190: {  	[tilespmem:s7], [sflag:$0x2] =	stream.indirect.gather [hbm4b:s3+s9], $0x80, s22, s9, $0xb8;
	[tilespmem:$0x15400] =	vst v63  }
0x191: {  	s29 =	rddreg [dreg:$0xa]  }
0x192: {  	[hbm4b:s29+s2] =	stream.linear.scatter [tilespmem:s10], [sflag:$0x3], $0xA000, $0x38;
	[tilespmem:$0x15400] =	vst v63  }
0x193: {  	_ =	swait.ge [sflag:s4], $0xA000  }
0x194: {  	[sflag:s4] =	ssyncset.done $0x0  }
0x195: {  	[sflag:s4] =	ssyncadd.s32 $0xFFFF6000  }
0x196: {  	_ =	swait.ge [sflag:s8], $0xA000  }
0x197: {  	[sflag:s8] =	ssyncset.done $0x0  }
0x198: {  	[sflag:s8] =	ssyncadd.s32 $0xFFFF6000  }
0x199: {  	[tilespmem:s10], [sflag:$0x1] =	stream.indirect.gather [hbm4b:s3+s9], $0x80, s21, s9, $0xb8;
	[tilespmem:$0x15400] =	vst v63  }
0x19a: {  	s30 =	rddreg [dreg:$0xb]  }
0x19b: {  	[hbm4b:s30+s2] =	stream.linear.scatter [tilespmem:s7], [sflag:$0x3], $0xA000, $0x38;
	[tilespmem:$0x15400] =	vst v63  }
0x19c: {  	_ =	swait.ge [sflag:s4], $0xA000  }
0x19d: {  	[sflag:s4] =	ssyncset.done $0x0  }
0x19e: {  	[sflag:s4] =	ssyncadd.s32 $0xFFFF6000  }
0x19f: {  	_ =	swait.ge [sflag:s12], $0xA000  }
0x1a0: {  	[sflag:s12] =	ssyncset.done $0x0  }
0x1a1: {  	[sflag:s12] =	ssyncadd.s32 $0xFFFF6000  }
0x1a2: {  	[tilespmem:s7], [sflag:$0x2] =	stream.indirect.gather [hbm4b:s3+s9], $0x80, s20, s9, $0xb8;
	[tilespmem:$0x15400] =	vst v63  }
0x1a3: {  	_ = 	snop  }
0x1a4: {  	[hbm4b:s16+s2] =	stream.linear.scatter [tilespmem:s10], [sflag:$0x3], $0xA000, $0x38;
	[tilespmem:$0x15400] =	vst v63  }
0x1a5: {  	_ =	swait.ge [sflag:s4], $0xA000  }
0x1a6: {  	[sflag:s4] =	ssyncset.done $0x0  }
0x1a7: {  	[sflag:s4] =	ssyncadd.s32 $0xFFFF6000  }
0x1a8: {  	_ =	swait.ge [sflag:s8], $0xA000  }
0x1a9: {  	[sflag:s8] =	ssyncset.done $0x0  }
0x1aa: {  	[sflag:s8] =	ssyncadd.s32 $0xFFFF6000  }
0x1ab: {  	[tilespmem:s10], [sflag:$0x1] =	stream.indirect.gather [hbm4b:s3+s9], $0x80, s19, s9, $0xb8;
	[tilespmem:$0x15400] =	vst v63  }
0x1ac: {  	_ = 	snop  }
0x1ad: {  	[hbm4b:s14+s2] =	stream.linear.scatter [tilespmem:s7], [sflag:$0x3], $0xA000, $0x38;
	[tilespmem:$0x15400] =	vst v63  }
0x1ae: {  	_ =	swait.ge [sflag:s4], $0xA000  }
0x1af: {  	[sflag:s4] =	ssyncset.done $0x0  }
0x1b0: {  	[sflag:s4] =	ssyncadd.s32 $0xFFFF6000  }
0x1b1: {  	_ =	swait.ge [sflag:s12], $0xA000  }
0x1b2: {  	[sflag:s12] =	ssyncset.done $0x0  }
0x1b3: {  	[sflag:s12] =	ssyncadd.s32 $0xFFFF6000  }
0x1b4: {  	[tilespmem:s7], [sflag:$0x2] =	stream.indirect.gather [hbm4b:s3+s9], $0x80, s18, s9, $0xb8;
	[tilespmem:$0x15400] =	vst v63  }
0x1b5: {  	_ = 	snop  }
0x1b6: {  	[hbm4b:s13+s2] =	stream.linear.scatter [tilespmem:s10], [sflag:$0x3], $0xA000, $0x38;
	[tilespmem:$0x15400] =	vst v63  }
0x1b7: {  	_ =	swait.ge [sflag:s4], $0xA000  }
0x1b8: {  	[sflag:s4] =	ssyncset.done $0x0  }
0x1b9: {  	[sflag:s4] =	ssyncadd.s32 $0xFFFF6000  }
0x1ba: {  	_ =	swait.ge [sflag:s8], $0xA000  }
0x1bb: {  	[sflag:s8] =	ssyncset.done $0x0  }
0x1bc: {  	[sflag:s8] =	ssyncadd.s32 $0xFFFF6000  }
0x1bd: {  	[tilespmem:s10], [sflag:$0x1] =	stream.indirect.gather [hbm4b:s3+s9], $0x80, s17, s9, $0xb8;
	[tilespmem:$0x15400] =	vst v63  }
0x1be: {  	_ = 	snop  }
0x1bf: {  	[hbm4b:s11+s2] =	stream.linear.scatter [tilespmem:s7], [sflag:$0x3], $0xA000, $0x38;
	[tilespmem:$0x15400] =	vst v63  }
0x1c0: {  	_ =	swait.ge [sflag:s4], $0xA000  }
0x1c1: {  	[sflag:s4] =	ssyncset.done $0x0  }
0x1c2: {  	[sflag:s4] =	ssyncadd.s32 $0xFFFF6000  }
0x1c3: {  	_ =	swait.ge [sflag:s12], $0xA000  }
0x1c4: {  	[sflag:s12] =	ssyncset.done $0x0  }
0x1c5: {  	[sflag:s12] =	ssyncadd.s32 $0xFFFF6000  }
0x1c6: {  	[tilespmem:s7], [sflag:$0x2] =	stream.indirect.gather [hbm4b:s3+s9], $0x80, s15, s9, $0xb8;
	[tilespmem:$0x15400] =	vst v63  }
0x1c7: {  	_ = 	snop  }
0x1c8: {  	[hbm4b:s6+s2] =	stream.linear.scatter [tilespmem:s10], [sflag:$0x3], $0xA000, $0x38;
	[tilespmem:$0x15400] =	vst v63  }
0x1c9: {  	_ =	swait.ge [sflag:s4], $0xA000  }
0x1ca: {  	[sflag:s4] =	ssyncset.done $0x0  }
0x1cb: {  	[sflag:s4] =	ssyncadd.s32 $0xFFFF6000  }
0x1cc: {  	_ =	swait.ge [sflag:s8], $0xA000  }
0x1cd: {  	[sflag:s8] =	ssyncset.done $0x0  }
0x1ce: {  	[sflag:s8] =	ssyncadd.s32 $0xFFFF6000  }
0x1cf: {  	[hbm4b:s5+s2] =	stream.linear.scatter [tilespmem:s7], [sflag:$0x3], $0xA000, $0x38;
	[tilespmem:$0x15400] =	vst v63  }
0x1d0: {  	_ =	swait.ge [sflag:s4], $0xA000  }
0x1d1: {  	[sflag:s4] =	ssyncset.done $0x0  }
0x1d2: {  	[sflag:s4] =	ssyncadd.s32 $0xFFFF6000  }
0x1d3: {  	_ =	sfence.sel $0x180000  }
0x1d4: {  	[bflag:$0x0] =	sbarrier.arrive $0xFFFF  }
0x1d5: {  	_ =	strace $0x90000047  }
0x1d6: {  	s31 =	stileid.u32;
	[bflag:$0x2] =	sbarrier.arrive $0xFFFF  }
0x1d7: {  	p0 =	sne.s32 s31, $0x0;
	s0 =	rddreg [dreg:$0x1]  }
0x1d8: {  	s0 =	sadd.s32 @!p0 $0x100000, s0  }
0x1d9: {  	[sflag:s0] =	ssyncadd.tile.s32 @!p0 $0x1;
	_ =	shalt  }
.Lfunc_end2:
_tile_overlayer_lowered:
.L_overlay_start_2:
0x1da: {  	(tag) =	ssettag $0x2  }
0x1db: {  	s0 =	rddreg [dreg:$0x0];
	s2 =	stileid.u32  }
0x1dc: {  	s1 =	rddreg [dreg:$0x1];
	p0 =	sne.s32 s2, $0x0  }
0x1dd: {  	s3 =	rddreg [dreg:$0x2];
	[bflag:$0x3] =	sbarrier.arrive $0xFFFF;
	s2 =	simm.s32 @!p0 $0x1C03  }
0x1de: {  	[timem:s3], [sflag:s2] =	dma.local @!p0 [hbm:s0], s1  }
0x1df: {  	s0 =	simm.s32 @!p0 $0x3  }
0x1e0: {  	_ =	swait.ge @!p0 [sflag:s0], s1  }
0x1e1: {  	s1 =	ssub.s32 @!p0 $0x0, s1;
	[sflag:s0] =	ssyncset.done @!p0 $0x0  }
0x1e2: {  	[sflag:s0] =	ssyncadd.s32 @!p0 s1  }
0x1e3: {  	[bflag:$0x3] =	sbarrier.arrive $0xFFFF  }
0x1e4: {  	_ =	shalt  }

// kernel: kernel.19.cloned.1.call-start
scs
__scs_entry_jumppad:
0x0: {  	(pc) =	sbr.rel $0x88, $3  }
0x1: {  	(tag) =	ssettag $0x0;
	lr =	simm.s32 $0x1  }
0x2: {  	[smem:$0x3F74] =	sst lr;
	_ =	strace $0xD0000000  }
0x3: {  	_ = 	snop  }
0x4: {  	_ = 	snop  }
0x5: {  	_ = 	snop  }
0x6: {  	_ = 	snop  }
0x7: {  	_ = 	snop  }
__scs_overlays_trampoline_lowered:
0x8: {  	[smem:$0x3F83] =	sst s0  }
0x9: {  	[smem:$0x3F84] =	sst s1  }
0xa: {  	[smem:$0x3F85] =	sst s2  }
0xb: {  	[smem:$0x3F86] =	sst s3  }
0xc: {  	[smem:$0x3F87] =	sst s4  }
0xd: {  	[smem:$0x3F88] =	sst s5  }
0xe: {  	[smem:$0x3F89] =	sst s6  }
0xf: {  	[smem:$0x3F8A] =	sst s7  }
0x10: {  	[smem:$0x3F8B] =	sst s8  }
0x11: {  	[smem:$0x3F8C] =	sst s9;
	s0 =	simm.s32 @!p0 $0x0  }
0x12: {  	s1 =	sld [smem:$0x3F72];
	s0 =	simm.s32 @p0 $0x1  }
0x13: {  	[smem:$0x3F8D] =	sst s0;
	s0 =	simm.s32 @!p1 $0x0  }
0x14: {  	s2 =	sld [smem:$0x3F71];
	s0 =	simm.s32 @p1 $0x1  }
0x15: {  	[smem:$0x3F8E] =	sst s0;
	s0 =	simm.s32 @!p2 $0x0  }
0x16: {  	s3 =	sld [smem:$0x3FDB];
	s0 =	simm.s32 @p2 $0x1  }
0x17: {  	s4 =	simm.s32 $0x1BF5;
	[smem:$0x3F90] =	sst s0  }
0x18: {  	s0 =	sld [smem:$0x3F73];
	_ =	swait.ge [sflag:s4], $0x0  }
0x19: {  	s7 =	sld [smem:$0x3F74]  }
0x1a: {  	s8 =	sadd.s32 $0xFFFFE003, lr  }
0x1b: {  	s9 =	sadd.s32 $0xFFFFFEF7, lr;
	s5 =	simm.s32 $0xFFFFFFFF;
	p2 =	slt.u32 s8, $0xFFFFF086  }
0x1c: {  	p1 =	slt.u32 s9, $0xF7A;
	s5 =	simm.s32 @!p2 $0x0  }
0x1d: {  	s5 =	simm.s32 @p1 $0x1;
	p0 =	seq.s32 s7, s2  }
0x1e: {  	s7 =	smul.u32 @!p0 $0xF7A, s2;
	p2 =	seq.s32 @!p0 s5, $0x0  }
0x1f: {  	s9 =	smul.u32 $0xF7A, s1;
	s8 =	simm.s32 @!p0 $0x1BF5;
	p2 =	por !p2, p0  }
0x20: {  	[sflag:s8] =	ssyncset.s32 @!p0 $0xFFFFF086;
	s6 =	sadd.s32 @!p0 s3, s7;
	s7 =	simm.s32 @!p0 $0x108  }
0x21: {  	s3 =	sadd.s32 s3, s9;
	s6 =	sadd.s32 @!p0 $0x88, s6;
	s7 =	simm.s32 @p2 $0x1082  }
0x22: {  	[simem:s7], [sflag:s8] =	dma.local @!p0 [hbm:s6], $0xF7A  }
0x23: {  	s9 =	sor.u32 $0xD0000000, s2;
	s6 =	simm.s32 $0x108;
	_ =	swait.ge @!p0 [sflag:s8], $0x0  }
0x24: {  	s3 =	sadd.s32 $0x88, s3;
	s6 =	simm.s32 @!p1 $0x1082;
	[sflag:s4] =	ssyncset.s32 $0xFFFFF086  }
0x25: {  	[simem:s6], [sflag:s4] =	dma.local [hbm:s3], $0xF7A  }
0x26: {  	[smem:$0x3F74] =	sst s1;
	(tag) =	ssettag s2;
	_ =	strace s9  }
0x27: {  	s1 =	sld [smem:$0x3F84]  }
0x28: {  	s2 =	sld [smem:$0x3F85]  }
0x29: {  	s4 =	sld [smem:$0x3F87]  }
0x2a: {  	p0 =	seq.s32 s5, $0x0;
	s5 =	sld [smem:$0x3F88]  }
0x2b: {  	s6 =	sld [smem:$0x3F89]  }
0x2c: {  	s7 =	sld [smem:$0x3F8A]  }
0x2d: {  	s3 =	simm.s32 $0x108;
	s8 =	sld [smem:$0x3F8B]  }
0x2e: {  	s3 =	simm.s32 @!p0 $0x1082;
	s9 =	sld [smem:$0x3F8C]  }
0x2f: {  	lr =	sadd.s32 s0, s3;
	s0 =	sld [smem:$0x3F83]  }
0x30: {  	s3 =	sld [smem:$0x3F86]  }
0x31: {  	[smem:$0x3F8F] =	sst s10  }
0x32: {  	s10 =	sld [smem:$0x3F8D];
	_ =	sdelay $0x3  }
0x33: {  	p0 =	seq.s32 s10, $0x1;
	s10 =	sld [smem:$0x3F8F];
	_ =	sdelay $0x3  }
0x34: {  	[smem:$0x3F8F] =	sst s10  }
0x35: {  	s10 =	sld [smem:$0x3F8E];
	_ =	sdelay $0x3  }
0x36: {  	p1 =	seq.s32 s10, $0x1;
	s10 =	sld [smem:$0x3F8F];
	_ =	sdelay $0x3  }
0x37: {  	[smem:$0x3F8F] =	sst s10  }
0x38: {  	s10 =	sld [smem:$0x3F90]  }
0x39: {  	_ = 	snop;
	(pc) =	sbr.ind lr, $3  }
0x3a: {  	_ = 	snop  }
0x3b: {  	_ = 	snop  }
0x3c: {  	p2 =	seq.s32 s10, $0x1;
	s10 =	sld [smem:$0x3F8F]  }
0x3d: {  	_ =	shalt  }
0x3e: {  	_ =	shalt  }
0x3f: {  	_ =	shalt  }
0x40: {  	_ =	shalt  }
0x41: {  	_ =	shalt  }
0x42: {  	_ =	shalt  }
0x43: {  	_ =	shalt  }
0x44: {  	_ =	shalt  }
0x45: {  	_ =	shalt  }
0x46: {  	_ =	shalt  }
0x47: {  	_ =	shalt  }
0x48: {  	_ =	shalt  }
0x49: {  	_ =	shalt  }
0x4a: {  	_ =	shalt  }
0x4b: {  	_ =	shalt  }
0x4c: {  	_ =	shalt  }
0x4d: {  	_ =	shalt  }
0x4e: {  	_ =	shalt  }
0x4f: {  	_ =	shalt  }
0x50: {  	_ =	shalt  }
0x51: {  	_ =	shalt  }
0x52: {  	_ =	shalt  }
0x53: {  	_ =	shalt  }
0x54: {  	_ =	shalt  }
0x55: {  	_ =	shalt  }
0x56: {  	_ =	shalt  }
0x57: {  	_ =	shalt  }
0x58: {  	_ =	shalt  }
0x59: {  	_ =	shalt  }
0x5a: {  	_ =	shalt  }
0x5b: {  	_ =	shalt  }
0x5c: {  	_ =	shalt  }
0x5d: {  	_ =	shalt  }
0x5e: {  	_ =	shalt  }
0x5f: {  	_ =	shalt  }
0x60: {  	_ =	shalt  }
0x61: {  	_ =	shalt  }
0x62: {  	_ =	shalt  }
0x63: {  	_ =	shalt  }
0x64: {  	_ =	shalt  }
0x65: {  	_ =	shalt  }
0x66: {  	_ =	shalt  }
0x67: {  	_ =	shalt  }
0x68: {  	_ =	shalt  }
0x69: {  	_ =	shalt  }
0x6a: {  	_ =	shalt  }
0x6b: {  	_ =	shalt  }
0x6c: {  	_ =	shalt  }
0x6d: {  	_ =	shalt  }
0x6e: {  	_ =	shalt  }
0x6f: {  	_ =	shalt  }
0x70: {  	_ =	shalt  }
0x71: {  	_ =	shalt  }
0x72: {  	_ =	shalt  }
0x73: {  	_ =	shalt  }
0x74: {  	_ =	shalt  }
0x75: {  	_ =	shalt  }
0x76: {  	_ =	shalt  }
0x77: {  	_ =	shalt  }
0x78: {  	_ =	shalt  }
0x79: {  	_ =	shalt  }
0x7a: {  	_ =	shalt  }
0x7b: {  	_ =	shalt  }
0x7c: {  	_ =	shalt  }
0x7d: {  	_ =	shalt  }
0x7e: {  	_ =	shalt  }
0x7f: {  	_ =	shalt  }
0x80: {  	_ =	shalt  }
0x81: {  	_ =	shalt  }
0x82: {  	_ =	shalt  }
0x83: {  	_ =	shalt  }
0x84: {  	_ =	shalt  }
0x85: {  	_ =	shalt  }
0x86: {  	_ =	shalt  }
0x87: {  	_ =	shalt  }
.Lfunc_end0:
.L_simem_size_0:
called_computation.1_lowered:
.L_overlay_start_0:
0x88: {  	s2 =	sld [smem:$0x3FD9]  }
0x89: {  	s3 =	sld [smem:$0x3FFE];
	_ =	sdelay $0x1  }
0x8a: {  	s1 =	srdreg.scid  }
0x8b: {  	s0 =	sand.u32 $0x1, s1  }
0x8c: {  	s16 =	sshll.u32 s0, $0xA;
	s2 =	sadd.s32 s3, s2  }
0x8d: {  	s2 =	sadd.s32 s2, s16  }
0x8e: {  	[smem:$0x3F9B] =	sst s2  }
0x8f: {  	_ = 	snop  }
0x90: {  	(tm) =	ssettm $0x1  }
0x91: {  	s17 =	sld [smem:$0x3FFB];
	_ =	sdelay $0x3  }
0x92: {  	_ =	strace s17  }
0x93: {  	s2 =	sld [smem:$0x3FFC];
	_ =	sdelay $0x3  }
0x94: {  	_ =	strace s2  }
0x95: {  	s2 =	sld [smem:$0x3FFD];
	_ =	sdelay $0x3  }
0x96: {  	_ =	strace s2  }
0x97: {  	_ =	strace $0x8FFFFFFF  }
0x98: {  	s18 =	sld [smem:$0x3FDB];
	_ =	sdelay $0x1  }
0x99: {  	s19 =	simm.s32 $_scs_section_size  }
0x9a: {  	s4 =	simm.s32 $_size__tile_overlayer_lowered;
	s5 =	simm.s32 $_tile_overlayer_lowered  }
0x9b: {  	s22 =	simm.s32 $0x1BFF;
	s21 =	sshll.u32 s5, $0x1;
	s2 =	sadd.s32 s19, s18  }
0x9c: {  	s6 =	simm.s32 $0x0;
	s20 =	sshll.u32 s4, $0x1;
	s4 =	sadd.s32 s21, s2  }
0x9d: {  	[timem:s6], [sflag:s22] =	dma.local [hbm:s4], s20  }
0x9e: {  	_ =	swait.ge [sflag:s22], s20  }
0x9f: {  	s3 =	ssub.s32 $0x0, s20;
	[sflag:s22] =	ssyncset.done $0x0  }
0xa0: {  	[sflag:s22] =	ssyncadd.s32 s3;
	_ =	sdelay $0x1  }
0xa1: {  	s23 =	simm.s32 $0x1B8B  }
0xa2: {  	_ =	swait.ge [sflag:s23], $0x1  }
0xa3: {  	[sflag:s23] =	ssyncset.done $0x0  }
0xa4: {  	s25 =	simm.s32 $0x1B8E;
	s24 =	sld [smem:$0x3FFE];
	[sflag:s23] =	ssyncadd.s32 $0xFFFFFFFF  }
0xa5: {  	s26 =	simm.s32 $execute0_lowered;
	[smem:$0x3FD2] =	sst s25  }
0xa6: {  	s4 =	sshll.u32 s26, $0x1;
	_ =	strace $0x80000049;
	[dreg:$0x1] =	wrdreg $0xFFFFFFFF  }
0xa7: {  	s28 =	simm.s32 $_size_execute0_lowered;
	s2 =	sadd.s32 s2, s4;
	[dreg:$0x0] =	wrdreg $0x0  }
0xa8: {  	s4 =	sshll.u32 s28, $0x1;
	[dreg:$0x2] =	wrdreg s2  }
0xa9: {  	[dreg:$0x3] =	wrdreg s4  }
0xaa: {  	[dreg:$0x4] =	wrdreg $0xC0  }
0xab: {  	_ =	task [dreg:s6], $0x5FFFF  }
0xac: {  	[dreg:$0x1] =	wrdreg $0xFFFFFFFF  }
0xad: {  	[dreg:$0x0] =	wrdreg $0x60  }
0xae: {  	[dreg:$0x2] =	wrdreg s24  }
0xaf: {  	[dreg:$0x3] =	wrdreg $0x9  }
0xb0: {  	_ =	task.clear_ibuf [dreg:s6], $0x4FFFF;
	_ =	strace $0x90000049  }
0xb1: {  	s29 =	simm.s32 $0x9;
	_ =	strace $0x8000004B  }
0xb2: {  	_ =	swait.ge [sflag:s29], $0x1  }
0xb3: {  	[sflag:s29] =	ssyncadd.s32 $0xFFFFFFFF  }
0xb4: {  	_ =	strace $0x9000004B  }
0xb5: {  	_ =	sfence  }
0xb6: {  	s30 =	sld [smem:$0x0];
	_ =	sdelay $0x2  }
0xb7: {  	s31 =	sshll.u32 s1, $0xD;
	s1 =	sshrl.u32 s1, $0x2  }
0xb8: {  	s3 =	sand.u32 $0x4000, s31;
	s1 =	sadd.s32 s1, s30  }
0xb9: {  	s0 =	sor.u32 s3, s0;
	s1 =	sshll.u32 s1, $0x11  }
0xba: {  	s0 =	sor.u32 s1, s0  }
0xbb: {  	s0 =	sadd.s32 $0x8F2B, s0  }
0xbc: {  	[sflag:s0] =	ssyncadd.remote.s32 $0x1  }
0xbd: {  	_ =	sfence.sel $0xFFFF  }
0xbe: {  	[dreg:$0x0] =	wrdreg $0xFFFFFFFF;
	(pc) =	sbr.abs _section_cstart, $3  }
0xbf: {  	[dreg:$0x1] =	wrdreg $0xFFFFFFFF  }
0xc0: {  	_ =	task.clear_ibuf [dreg:s6], $0x2FFFF;
	_ =	strace $0x9FFFFFFF  }
0xc1: {  	(tm) =	ssettm $0x7FFFFFFF  }
tec
execute0_lowered:
.L_overlay_start_1:
0x0: {  	(tag) =	ssettag $0x1  }
0x1: {  	s0 =	srdreg.scid  }
0x2: {  	s1 =	stileid.u32;
	s3 =	rddreg [dreg:$0x0];
	s2 =	simm.s32 $0x0  }
0x3: {  	s9 =	simm.s32 $0x140;
	s10 =	simm.s32 $0x1400;
	s12 =	simm.s32 $0x1  }
0x4: {  	s7 =	simm.s32 $0xB400;
	s8 =	simm.s32 $0x2;
	s31 =	simm.s32 $0x280  }
0x5: {  	s30 =	simm.s32 $0x3C0;
	s29 =	simm.s32 $0x500;
	s28 =	simm.s32 $0x640  }
0x6: {  	p0 =	por $0x0, $0x0;
	s0 =	sand.u32 $0x1, s0;
	s1 =	sshll.u32 s1, $0x1  }
0x7: {  	s15 =	simm.s32 $0x12C0;
	[smem:$0x7FF] =	sst s2;
	s1 =	sor.u32 s0, s1  }
0x8: {  	s6 =	sadd.s32 $0x4C000, s3;
	s0 =	ssub.s32 $0x2, s0;
	s4 =	smul.u32 $0x280, s1  }
0x9: {  	_ =	strace $0x8000004A;
	s5 =	smul.u32 $0x14000, s1;
	s24 =	sshrl.u32 s0, $0x1  }
0xa: {  	s1 =	smul.u32 $0xA0000, s1;
	s0 =	ssub.s32 s0, s24;
	s4 =	sadd.s32 s4, s3  }
0xb: {  	s24 =	simm.s32 $0x8C0;
	s25 =	sadd.s32 s6, s5;
	s4 =	sadd.s32 $0x47000, s4  }
0xc: {  	s1 =	sshrl.u32 s1, $0x3;
	s16 =	sadd.s32 $0x1400, s25;
	[dreg:$0x2] =	wrdreg s4  }
0xd: {  	s3 =	sadd.s32 $0x27000, s3;
	s17 =	sadd.s32 $0x2800, s25;
	[dreg:$0x3] =	wrdreg s16  }
0xe: {  	s0 =	smax.u32 s0, $0x1;
	s18 =	sadd.s32 $0x3C00, s25;
	[dreg:$0x4] =	wrdreg s17  }
0xf: {  	s1 =	sadd.s32 s6, s1;
	p1 =	sne.s32 s0, $0x1;
	[dreg:$0x5] =	wrdreg s18  }
0x10: {  	s19 =	sadd.s32 $0x5000, s1;
	s20 =	sadd.s32 $0x6400, s1;
	s21 =	sadd.s32 $0x7800, s1  }
0x11: {  	s22 =	sadd.s32 $0x8C00, s1;
	s23 =	sadd.s32 $0xA000, s1;
	s26 =	sadd.s32 $0xB400, s1  }
0x12: {  	s16 =	sadd.s32 $0xC800, s1;
	s14 =	sadd.s32 $0xDC00, s1;
	[dreg:$0x6] =	wrdreg s19  }
0x13: {  	s13 =	sadd.s32 $0xF000, s1;
	s11 =	sadd.s32 $0x10400, s1;
	[dreg:$0x7] =	wrdreg s20  }
0x14: {  	s6 =	sadd.s32 $0x11800, s1;
	s5 =	sadd.s32 $0x12C00, s1;
	[dreg:$0x8] =	wrdreg s21  }
.Ltmp0:
0x15: {  	s4 =	simm.s32 $0x3;
	[dreg:$0x9] =	wrdreg s22;
	(pc) =	sbr.rel @!p1 .LBB2_3-.Ltmp0, $4  }
0x16: {  	s1 =	sadd.s32 $0xFFFFFFFF, s0;
	s18 =	simm.s32 $0x1040;
	[dreg:$0xa] =	wrdreg s23  }
0x17: {  	s17 =	simm.s32 $0x1180;
	[dreg:$0xb] =	wrdreg s26;
	s26 =	simm.s32 $0x780  }
0x18: {  	s23 =	simm.s32 $0xA00;
	s22 =	simm.s32 $0xB40;
	s21 =	simm.s32 $0xC80  }
0x19: {  	s20 =	simm.s32 $0xDC0;
	s19 =	simm.s32 $0xF00;
	s0 =	rddreg [dreg:$0x2]  }
0x1a: {  	[tilespmem:s2], [sflag:$0x3] =	stream.linear.gather [hbm4b:s0+s2], $0x1400, $0x38;
	[tilespmem:$0x15400] =	vst v63  }
0x1b: {  	_ =	swait.ge [sflag:s4], $0x1400  }
0x1c: {  	[sflag:s4] =	ssyncset.done $0x0  }
0x1d: {  	[sflag:s4] =	ssyncadd.s32 $0xFFFFEC00  }
0x1e: {  	[tilespmem:s10], [sflag:$0x1] =	stream.indirect.gather [hbm4b:s3+s9], $0x80, s2, s9, $0xb8;
	[tilespmem:$0x15400] =	vst v63  }
0x1f: {  	_ =	swait.ge [sflag:s12], $0xA000  }
0x20: {  	[sflag:s12] =	ssyncset.done $0x0  }
0x21: {  	[sflag:s12] =	ssyncadd.s32 $0xFFFF6000  }
0x22: {  	[tilespmem:s7], [sflag:$0x2] =	stream.indirect.gather [hbm4b:s3+s9], $0x80, s9, s9, $0xb8;
	[tilespmem:$0x15400] =	vst v63  }
0x23: {  	_ = 	snop  }
0x24: {  	[hbm4b:s25+s2] =	stream.linear.scatter [tilespmem:s10], [sflag:$0x3], $0xA000, $0x38;
	[tilespmem:$0x15400] =	vst v63  }
0x25: {  	_ =	swait.ge [sflag:s4], $0xA000  }
0x26: {  	[sflag:s4] =	ssyncset.done $0x0  }
0x27: {  	[sflag:s4] =	ssyncadd.s32 $0xFFFF6000  }
0x28: {  	_ =	swait.ge [sflag:s8], $0xA000  }
0x29: {  	[sflag:s8] =	ssyncset.done $0x0  }
0x2a: {  	[sflag:s8] =	ssyncadd.s32 $0xFFFF6000  }
0x2b: {  	[tilespmem:s10], [sflag:$0x1] =	stream.indirect.gather [hbm4b:s3+s9], $0x80, s31, s9, $0xb8;
	[tilespmem:$0x15400] =	vst v63  }
0x2c: {  	s0 =	rddreg [dreg:$0x3]  }
0x2d: {  	[hbm4b:s0+s2] =	stream.linear.scatter [tilespmem:s7], [sflag:$0x3], $0xA000, $0x38;
	[tilespmem:$0x15400] =	vst v63  }
0x2e: {  	_ =	swait.ge [sflag:s4], $0xA000  }
0x2f: {  	[sflag:s4] =	ssyncset.done $0x0  }
0x30: {  	[sflag:s4] =	ssyncadd.s32 $0xFFFF6000  }
0x31: {  	_ =	swait.ge [sflag:s12], $0xA000  }
0x32: {  	[sflag:s12] =	ssyncset.done $0x0  }
0x33: {  	[sflag:s12] =	ssyncadd.s32 $0xFFFF6000  }
0x34: {  	[tilespmem:s7], [sflag:$0x2] =	stream.indirect.gather [hbm4b:s3+s9], $0x80, s30, s9, $0xb8;
	[tilespmem:$0x15400] =	vst v63  }
0x35: {  	s0 =	rddreg [dreg:$0x4]  }
0x36: {  	[hbm4b:s0+s2] =	stream.linear.scatter [tilespmem:s10], [sflag:$0x3], $0xA000, $0x38;
	[tilespmem:$0x15400] =	vst v63  }
0x37: {  	_ =	swait.ge [sflag:s4], $0xA000  }
0x38: {  	[sflag:s4] =	ssyncset.done $0x0  }
0x39: {  	[sflag:s4] =	ssyncadd.s32 $0xFFFF6000  }
0x3a: {  	_ =	swait.ge [sflag:s8], $0xA000  }
0x3b: {  	[sflag:s8] =	ssyncset.done $0x0  }
0x3c: {  	[sflag:s8] =	ssyncadd.s32 $0xFFFF6000  }
0x3d: {  	[tilespmem:s10], [sflag:$0x1] =	stream.indirect.gather [hbm4b:s3+s9], $0x80, s29, s9, $0xb8;
	[tilespmem:$0x15400] =	vst v63  }
0x3e: {  	s0 =	rddreg [dreg:$0x5]  }
0x3f: {  	[hbm4b:s0+s2] =	stream.linear.scatter [tilespmem:s7], [sflag:$0x3], $0xA000, $0x38;
	[tilespmem:$0x15400] =	vst v63  }
0x40: {  	_ =	swait.ge [sflag:s4], $0xA000  }
0x41: {  	[sflag:s4] =	ssyncset.done $0x0  }
0x42: {  	[sflag:s4] =	ssyncadd.s32 $0xFFFF6000  }
0x43: {  	_ =	swait.ge [sflag:s12], $0xA000  }
0x44: {  	[sflag:s12] =	ssyncset.done $0x0  }
0x45: {  	[sflag:s12] =	ssyncadd.s32 $0xFFFF6000  }
0x46: {  	[tilespmem:s7], [sflag:$0x2] =	stream.indirect.gather [hbm4b:s3+s9], $0x80, s28, s9, $0xb8;
	[tilespmem:$0x15400] =	vst v63  }
0x47: {  	s0 =	rddreg [dreg:$0x6]  }
0x48: {  	[hbm4b:s0+s2] =	stream.linear.scatter [tilespmem:s10], [sflag:$0x3], $0xA000, $0x38;
	[tilespmem:$0x15400] =	vst v63  }
0x49: {  	_ =	swait.ge [sflag:s4], $0xA000  }
0x4a: {  	[sflag:s4] =	ssyncset.done $0x0  }
0x4b: {  	[sflag:s4] =	ssyncadd.s32 $0xFFFF6000  }
0x4c: {  	_ =	swait.ge [sflag:s8], $0xA000  }
0x4d: {  	[sflag:s8] =	ssyncset.done $0x0  }
0x4e: {  	[sflag:s8] =	ssyncadd.s32 $0xFFFF6000  }
0x4f: {  	[tilespmem:s10], [sflag:$0x1] =	stream.indirect.gather [hbm4b:s3+s9], $0x80, s26, s9, $0xb8;
	[tilespmem:$0x15400] =	vst v63  }
0x50: {  	s0 =	rddreg [dreg:$0x7]  }
0x51: {  	[hbm4b:s0+s2] =	stream.linear.scatter [tilespmem:s7], [sflag:$0x3], $0xA000, $0x38;
	[tilespmem:$0x15400] =	vst v63  }
0x52: {  	_ =	swait.ge [sflag:s4], $0xA000  }
0x53: {  	[sflag:s4] =	ssyncset.done $0x0  }
0x54: {  	[sflag:s4] =	ssyncadd.s32 $0xFFFF6000  }
0x55: {  	_ =	swait.ge [sflag:s12], $0xA000  }
0x56: {  	[sflag:s12] =	ssyncset.done $0x0  }
0x57: {  	[sflag:s12] =	ssyncadd.s32 $0xFFFF6000  }
0x58: {  	[tilespmem:s7], [sflag:$0x2] =	stream.indirect.gather [hbm4b:s3+s9], $0x80, s24, s9, $0xb8;
	[tilespmem:$0x15400] =	vst v63  }
0x59: {  	s0 =	rddreg [dreg:$0x8]  }
0x5a: {  	[hbm4b:s0+s2] =	stream.linear.scatter [tilespmem:s10], [sflag:$0x3], $0xA000, $0x38;
	[tilespmem:$0x15400] =	vst v63  }
0x5b: {  	_ =	swait.ge [sflag:s4], $0xA000  }
0x5c: {  	[sflag:s4] =	ssyncset.done $0x0  }
0x5d: {  	[sflag:s4] =	ssyncadd.s32 $0xFFFF6000  }
0x5e: {  	_ =	swait.ge [sflag:s8], $0xA000  }
0x5f: {  	[sflag:s8] =	ssyncset.done $0x0  }
0x60: {  	[sflag:s8] =	ssyncadd.s32 $0xFFFF6000  }
0x61: {  	[tilespmem:s10], [sflag:$0x1] =	stream.indirect.gather [hbm4b:s3+s9], $0x80, s23, s9, $0xb8;
	[tilespmem:$0x15400] =	vst v63  }
0x62: {  	s0 =	rddreg [dreg:$0x9]  }
0x63: {  	[hbm4b:s0+s2] =	stream.linear.scatter [tilespmem:s7], [sflag:$0x3], $0xA000, $0x38;
	[tilespmem:$0x15400] =	vst v63  }
0x64: {  	_ =	swait.ge [sflag:s4], $0xA000  }
0x65: {  	[sflag:s4] =	ssyncset.done $0x0  }
0x66: {  	[sflag:s4] =	ssyncadd.s32 $0xFFFF6000  }
0x67: {  	_ =	swait.ge [sflag:s12], $0xA000  }
0x68: {  	[sflag:s12] =	ssyncset.done $0x0  }
0x69: {  	[sflag:s12] =	ssyncadd.s32 $0xFFFF6000  }
0x6a: {  	[tilespmem:s7], [sflag:$0x2] =	stream.indirect.gather [hbm4b:s3+s9], $0x80, s22, s9, $0xb8;
	[tilespmem:$0x15400] =	vst v63  }
0x6b: {  	s0 =	rddreg [dreg:$0xa]  }
0x6c: {  	[hbm4b:s0+s2] =	stream.linear.scatter [tilespmem:s10], [sflag:$0x3], $0xA000, $0x38;
	[tilespmem:$0x15400] =	vst v63  }
0x6d: {  	_ =	swait.ge [sflag:s4], $0xA000  }
0x6e: {  	[sflag:s4] =	ssyncset.done $0x0  }
0x6f: {  	[sflag:s4] =	ssyncadd.s32 $0xFFFF6000  }
0x70: {  	_ =	swait.ge [sflag:s8], $0xA000  }
0x71: {  	[sflag:s8] =	ssyncset.done $0x0  }
0x72: {  	[sflag:s8] =	ssyncadd.s32 $0xFFFF6000  }
0x73: {  	[tilespmem:s10], [sflag:$0x1] =	stream.indirect.gather [hbm4b:s3+s9], $0x80, s21, s9, $0xb8;
	[tilespmem:$0x15400] =	vst v63  }
0x74: {  	s0 =	rddreg [dreg:$0xb]  }
0x75: {  	[hbm4b:s0+s2] =	stream.linear.scatter [tilespmem:s7], [sflag:$0x3], $0xA000, $0x38;
	[tilespmem:$0x15400] =	vst v63  }
0x76: {  	_ =	swait.ge [sflag:s4], $0xA000  }
0x77: {  	[sflag:s4] =	ssyncset.done $0x0  }
0x78: {  	[sflag:s4] =	ssyncadd.s32 $0xFFFF6000  }
0x79: {  	_ =	swait.ge [sflag:s12], $0xA000  }
0x7a: {  	[sflag:s12] =	ssyncset.done $0x0  }
0x7b: {  	[sflag:s12] =	ssyncadd.s32 $0xFFFF6000  }
0x7c: {  	[tilespmem:s7], [sflag:$0x2] =	stream.indirect.gather [hbm4b:s3+s9], $0x80, s20, s9, $0xb8;
	[tilespmem:$0x15400] =	vst v63  }
0x7d: {  	_ = 	snop  }
0x7e: {  	[hbm4b:s16+s2] =	stream.linear.scatter [tilespmem:s10], [sflag:$0x3], $0xA000, $0x38;
	[tilespmem:$0x15400] =	vst v63  }
0x7f: {  	_ =	swait.ge [sflag:s4], $0xA000  }
0x80: {  	[sflag:s4] =	ssyncset.done $0x0  }
0x81: {  	[sflag:s4] =	ssyncadd.s32 $0xFFFF6000  }
0x82: {  	_ =	swait.ge [sflag:s8], $0xA000  }
0x83: {  	[sflag:s8] =	ssyncset.done $0x0  }
0x84: {  	[sflag:s8] =	ssyncadd.s32 $0xFFFF6000  }
0x85: {  	[tilespmem:s10], [sflag:$0x1] =	stream.indirect.gather [hbm4b:s3+s9], $0x80, s19, s9, $0xb8;
	[tilespmem:$0x15400] =	vst v63  }
0x86: {  	_ = 	snop  }
0x87: {  	[hbm4b:s14+s2] =	stream.linear.scatter [tilespmem:s7], [sflag:$0x3], $0xA000, $0x38;
	[tilespmem:$0x15400] =	vst v63  }
0x88: {  	_ =	swait.ge [sflag:s4], $0xA000  }
0x89: {  	[sflag:s4] =	ssyncset.done $0x0  }
0x8a: {  	[sflag:s4] =	ssyncadd.s32 $0xFFFF6000  }
0x8b: {  	_ =	swait.ge [sflag:s12], $0xA000  }
0x8c: {  	[sflag:s12] =	ssyncset.done $0x0  }
0x8d: {  	[sflag:s12] =	ssyncadd.s32 $0xFFFF6000  }
0x8e: {  	[tilespmem:s7], [sflag:$0x2] =	stream.indirect.gather [hbm4b:s3+s9], $0x80, s18, s9, $0xb8;
	[tilespmem:$0x15400] =	vst v63  }
0x8f: {  	_ = 	snop  }
0x90: {  	[hbm4b:s13+s2] =	stream.linear.scatter [tilespmem:s10], [sflag:$0x3], $0xA000, $0x38;
	[tilespmem:$0x15400] =	vst v63  }
0x91: {  	_ =	swait.ge [sflag:s4], $0xA000  }
0x92: {  	[sflag:s4] =	ssyncset.done $0x0  }
0x93: {  	[sflag:s4] =	ssyncadd.s32 $0xFFFF6000  }
0x94: {  	_ =	swait.ge [sflag:s8], $0xA000  }
0x95: {  	[sflag:s8] =	ssyncset.done $0x0  }
0x96: {  	[sflag:s8] =	ssyncadd.s32 $0xFFFF6000  }
0x97: {  	[tilespmem:s10], [sflag:$0x1] =	stream.indirect.gather [hbm4b:s3+s9], $0x80, s17, s9, $0xb8;
	[tilespmem:$0x15400] =	vst v63  }
0x98: {  	_ = 	snop  }
0x99: {  	[hbm4b:s11+s2] =	stream.linear.scatter [tilespmem:s7], [sflag:$0x3], $0xA000, $0x38;
	[tilespmem:$0x15400] =	vst v63  }
0x9a: {  	_ =	swait.ge [sflag:s4], $0xA000  }
0x9b: {  	[sflag:s4] =	ssyncset.done $0x0  }
0x9c: {  	[sflag:s4] =	ssyncadd.s32 $0xFFFF6000  }
0x9d: {  	_ =	swait.ge [sflag:s12], $0xA000  }
0x9e: {  	[sflag:s12] =	ssyncset.done $0x0  }
0x9f: {  	[sflag:s12] =	ssyncadd.s32 $0xFFFF6000  }
0xa0: {  	[tilespmem:s7], [sflag:$0x2] =	stream.indirect.gather [hbm4b:s3+s9], $0x80, s15, s9, $0xb8;
	[tilespmem:$0x15400] =	vst v63  }
0xa1: {  	_ = 	snop  }
0xa2: {  	[hbm4b:s6+s2] =	stream.linear.scatter [tilespmem:s10], [sflag:$0x3], $0xA000, $0x38;
	[tilespmem:$0x15400] =	vst v63  }
0xa3: {  	_ =	swait.ge [sflag:s4], $0xA000  }
0xa4: {  	[sflag:s4] =	ssyncset.done $0x0  }
0xa5: {  	[sflag:s4] =	ssyncadd.s32 $0xFFFF6000  }
0xa6: {  	p1 =	sne.s32 s1, $0x1;
	_ =	swait.ge [sflag:s8], $0xA000  }
.Ltmp1:
0xa7: {  	[sflag:s8] =	ssyncset.done $0x0;
	(pc) =	sbr.rel @!p1 .LBB2_3-.Ltmp1, $4  }
0xa8: {  	[sflag:s8] =	ssyncadd.s32 $0xFFFF6000  }
0xa9: {  	[hbm4b:s5+s2] =	stream.linear.scatter [tilespmem:s7], [sflag:$0x3], $0xA000, $0x38;
	[tilespmem:$0x15400] =	vst v63  }
0xaa: {  	s1 =	sadd.s32 $0xFFFFFFFF, s1;
	_ =	swait.ge [sflag:s4], $0xA000  }
0xab: {  	p0 =	por $0x1, $0x1;
	s0 =	rddreg [dreg:$0x2];
	[sflag:s4] =	ssyncset.done $0x0  }
.LBB2_2:
0xac: {  	[sflag:s4] =	ssyncadd.s32 $0xFFFF6000  }
0xad: {  	[tilespmem:s2], [sflag:$0x3] =	stream.linear.gather [hbm4b:s0+s2], $0x1400, $0x38;
	[tilespmem:$0x15400] =	vst v63  }
0xae: {  	_ =	swait.ge [sflag:s4], $0x1400  }
0xaf: {  	[sflag:s4] =	ssyncset.done $0x0  }
0xb0: {  	[sflag:s4] =	ssyncadd.s32 $0xFFFFEC00  }
0xb1: {  	[tilespmem:s10], [sflag:$0x1] =	stream.indirect.gather [hbm4b:s3+s9], $0x80, s2, s9, $0xb8;
	[tilespmem:$0x15400] =	vst v63  }
0xb2: {  	_ =	swait.ge [sflag:s12], $0xA000  }
0xb3: {  	[sflag:s12] =	ssyncset.done $0x0  }
0xb4: {  	[sflag:s12] =	ssyncadd.s32 $0xFFFF6000  }
0xb5: {  	[tilespmem:s7], [sflag:$0x2] =	stream.indirect.gather [hbm4b:s3+s9], $0x80, s9, s9, $0xb8;
	[tilespmem:$0x15400] =	vst v63  }
0xb6: {  	_ = 	snop  }
0xb7: {  	[hbm4b:s25+s2] =	stream.linear.scatter [tilespmem:s10], [sflag:$0x3], $0xA000, $0x38;
	[tilespmem:$0x15400] =	vst v63  }
0xb8: {  	_ =	swait.ge [sflag:s4], $0xA000  }
0xb9: {  	[sflag:s4] =	ssyncset.done $0x0  }
0xba: {  	[sflag:s4] =	ssyncadd.s32 $0xFFFF6000  }
0xbb: {  	_ =	swait.ge [sflag:s8], $0xA000  }
0xbc: {  	[sflag:s8] =	ssyncset.done $0x0  }
0xbd: {  	[sflag:s8] =	ssyncadd.s32 $0xFFFF6000  }
0xbe: {  	[tilespmem:s10], [sflag:$0x1] =	stream.indirect.gather [hbm4b:s3+s9], $0x80, s31, s9, $0xb8;
	[tilespmem:$0x15400] =	vst v63  }
0xbf: {  	s0 =	rddreg [dreg:$0x3]  }
0xc0: {  	[hbm4b:s0+s2] =	stream.linear.scatter [tilespmem:s7], [sflag:$0x3], $0xA000, $0x38;
	[tilespmem:$0x15400] =	vst v63  }
0xc1: {  	_ =	swait.ge [sflag:s4], $0xA000  }
0xc2: {  	[sflag:s4] =	ssyncset.done $0x0  }
0xc3: {  	[sflag:s4] =	ssyncadd.s32 $0xFFFF6000  }
0xc4: {  	_ =	swait.ge [sflag:s12], $0xA000  }
0xc5: {  	[sflag:s12] =	ssyncset.done $0x0  }
0xc6: {  	[sflag:s12] =	ssyncadd.s32 $0xFFFF6000  }
0xc7: {  	[tilespmem:s7], [sflag:$0x2] =	stream.indirect.gather [hbm4b:s3+s9], $0x80, s30, s9, $0xb8;
	[tilespmem:$0x15400] =	vst v63  }
0xc8: {  	s0 =	rddreg [dreg:$0x4]  }
0xc9: {  	[hbm4b:s0+s2] =	stream.linear.scatter [tilespmem:s10], [sflag:$0x3], $0xA000, $0x38;
	[tilespmem:$0x15400] =	vst v63  }
0xca: {  	_ =	swait.ge [sflag:s4], $0xA000  }
0xcb: {  	[sflag:s4] =	ssyncset.done $0x0  }
0xcc: {  	[sflag:s4] =	ssyncadd.s32 $0xFFFF6000  }
0xcd: {  	_ =	swait.ge [sflag:s8], $0xA000  }
0xce: {  	[sflag:s8] =	ssyncset.done $0x0  }
0xcf: {  	[sflag:s8] =	ssyncadd.s32 $0xFFFF6000  }
0xd0: {  	[tilespmem:s10], [sflag:$0x1] =	stream.indirect.gather [hbm4b:s3+s9], $0x80, s29, s9, $0xb8;
	[tilespmem:$0x15400] =	vst v63  }
0xd1: {  	s0 =	rddreg [dreg:$0x5]  }
0xd2: {  	[hbm4b:s0+s2] =	stream.linear.scatter [tilespmem:s7], [sflag:$0x3], $0xA000, $0x38;
	[tilespmem:$0x15400] =	vst v63  }
0xd3: {  	_ =	swait.ge [sflag:s4], $0xA000  }
0xd4: {  	[sflag:s4] =	ssyncset.done $0x0  }
0xd5: {  	[sflag:s4] =	ssyncadd.s32 $0xFFFF6000  }
0xd6: {  	_ =	swait.ge [sflag:s12], $0xA000  }
0xd7: {  	[sflag:s12] =	ssyncset.done $0x0  }
0xd8: {  	[sflag:s12] =	ssyncadd.s32 $0xFFFF6000  }
0xd9: {  	[tilespmem:s7], [sflag:$0x2] =	stream.indirect.gather [hbm4b:s3+s9], $0x80, s28, s9, $0xb8;
	[tilespmem:$0x15400] =	vst v63  }
0xda: {  	s0 =	rddreg [dreg:$0x6]  }
0xdb: {  	[hbm4b:s0+s2] =	stream.linear.scatter [tilespmem:s10], [sflag:$0x3], $0xA000, $0x38;
	[tilespmem:$0x15400] =	vst v63  }
0xdc: {  	_ =	swait.ge [sflag:s4], $0xA000  }
0xdd: {  	[sflag:s4] =	ssyncset.done $0x0  }
0xde: {  	[sflag:s4] =	ssyncadd.s32 $0xFFFF6000  }
0xdf: {  	_ =	swait.ge [sflag:s8], $0xA000  }
0xe0: {  	[sflag:s8] =	ssyncset.done $0x0  }
0xe1: {  	[sflag:s8] =	ssyncadd.s32 $0xFFFF6000  }
0xe2: {  	[tilespmem:s10], [sflag:$0x1] =	stream.indirect.gather [hbm4b:s3+s9], $0x80, s26, s9, $0xb8;
	[tilespmem:$0x15400] =	vst v63  }
0xe3: {  	s0 =	rddreg [dreg:$0x7]  }
0xe4: {  	[hbm4b:s0+s2] =	stream.linear.scatter [tilespmem:s7], [sflag:$0x3], $0xA000, $0x38;
	[tilespmem:$0x15400] =	vst v63  }
0xe5: {  	_ =	swait.ge [sflag:s4], $0xA000  }
0xe6: {  	[sflag:s4] =	ssyncset.done $0x0  }
0xe7: {  	[sflag:s4] =	ssyncadd.s32 $0xFFFF6000  }
0xe8: {  	_ =	swait.ge [sflag:s12], $0xA000  }
0xe9: {  	[sflag:s12] =	ssyncset.done $0x0  }
0xea: {  	[sflag:s12] =	ssyncadd.s32 $0xFFFF6000  }
0xeb: {  	[tilespmem:s7], [sflag:$0x2] =	stream.indirect.gather [hbm4b:s3+s9], $0x80, s24, s9, $0xb8;
	[tilespmem:$0x15400] =	vst v63  }
0xec: {  	s0 =	rddreg [dreg:$0x8]  }
0xed: {  	[hbm4b:s0+s2] =	stream.linear.scatter [tilespmem:s10], [sflag:$0x3], $0xA000, $0x38;
	[tilespmem:$0x15400] =	vst v63  }
0xee: {  	_ =	swait.ge [sflag:s4], $0xA000  }
0xef: {  	[sflag:s4] =	ssyncset.done $0x0  }
0xf0: {  	[sflag:s4] =	ssyncadd.s32 $0xFFFF6000  }
0xf1: {  	_ =	swait.ge [sflag:s8], $0xA000  }
0xf2: {  	[sflag:s8] =	ssyncset.done $0x0  }
0xf3: {  	[sflag:s8] =	ssyncadd.s32 $0xFFFF6000  }
0xf4: {  	[tilespmem:s10], [sflag:$0x1] =	stream.indirect.gather [hbm4b:s3+s9], $0x80, s23, s9, $0xb8;
	[tilespmem:$0x15400] =	vst v63  }
0xf5: {  	s0 =	rddreg [dreg:$0x9]  }
0xf6: {  	[hbm4b:s0+s2] =	stream.linear.scatter [tilespmem:s7], [sflag:$0x3], $0xA000, $0x38;
	[tilespmem:$0x15400] =	vst v63  }
0xf7: {  	_ =	swait.ge [sflag:s4], $0xA000  }
0xf8: {  	[sflag:s4] =	ssyncset.done $0x0  }
0xf9: {  	[sflag:s4] =	ssyncadd.s32 $0xFFFF6000  }
0xfa: {  	_ =	swait.ge [sflag:s12], $0xA000  }
0xfb: {  	[sflag:s12] =	ssyncset.done $0x0  }
0xfc: {  	[sflag:s12] =	ssyncadd.s32 $0xFFFF6000  }
0xfd: {  	[tilespmem:s7], [sflag:$0x2] =	stream.indirect.gather [hbm4b:s3+s9], $0x80, s22, s9, $0xb8;
	[tilespmem:$0x15400] =	vst v63  }
0xfe: {  	s0 =	rddreg [dreg:$0xa]  }
0xff: {  	[hbm4b:s0+s2] =	stream.linear.scatter [tilespmem:s10], [sflag:$0x3], $0xA000, $0x38;
	[tilespmem:$0x15400] =	vst v63  }
0x100: {  	_ =	swait.ge [sflag:s4], $0xA000  }
0x101: {  	[sflag:s4] =	ssyncset.done $0x0  }
0x102: {  	[sflag:s4] =	ssyncadd.s32 $0xFFFF6000  }
0x103: {  	_ =	swait.ge [sflag:s8], $0xA000  }
0x104: {  	[sflag:s8] =	ssyncset.done $0x0  }
0x105: {  	[sflag:s8] =	ssyncadd.s32 $0xFFFF6000  }
0x106: {  	[tilespmem:s10], [sflag:$0x1] =	stream.indirect.gather [hbm4b:s3+s9], $0x80, s21, s9, $0xb8;
	[tilespmem:$0x15400] =	vst v63  }
0x107: {  	s0 =	rddreg [dreg:$0xb]  }
0x108: {  	[hbm4b:s0+s2] =	stream.linear.scatter [tilespmem:s7], [sflag:$0x3], $0xA000, $0x38;
	[tilespmem:$0x15400] =	vst v63  }
0x109: {  	_ =	swait.ge [sflag:s4], $0xA000  }
0x10a: {  	[sflag:s4] =	ssyncset.done $0x0  }
0x10b: {  	[sflag:s4] =	ssyncadd.s32 $0xFFFF6000  }
0x10c: {  	_ =	swait.ge [sflag:s12], $0xA000  }
0x10d: {  	[sflag:s12] =	ssyncset.done $0x0  }
0x10e: {  	[sflag:s12] =	ssyncadd.s32 $0xFFFF6000  }
0x10f: {  	[tilespmem:s7], [sflag:$0x2] =	stream.indirect.gather [hbm4b:s3+s9], $0x80, s20, s9, $0xb8;
	[tilespmem:$0x15400] =	vst v63  }
0x110: {  	_ = 	snop  }
0x111: {  	[hbm4b:s16+s2] =	stream.linear.scatter [tilespmem:s10], [sflag:$0x3], $0xA000, $0x38;
	[tilespmem:$0x15400] =	vst v63  }
0x112: {  	_ =	swait.ge [sflag:s4], $0xA000  }
0x113: {  	[sflag:s4] =	ssyncset.done $0x0  }
0x114: {  	[sflag:s4] =	ssyncadd.s32 $0xFFFF6000  }
0x115: {  	_ =	swait.ge [sflag:s8], $0xA000  }
0x116: {  	[sflag:s8] =	ssyncset.done $0x0  }
0x117: {  	[sflag:s8] =	ssyncadd.s32 $0xFFFF6000  }
0x118: {  	[tilespmem:s10], [sflag:$0x1] =	stream.indirect.gather [hbm4b:s3+s9], $0x80, s19, s9, $0xb8;
	[tilespmem:$0x15400] =	vst v63  }
0x119: {  	_ = 	snop  }
0x11a: {  	[hbm4b:s14+s2] =	stream.linear.scatter [tilespmem:s7], [sflag:$0x3], $0xA000, $0x38;
	[tilespmem:$0x15400] =	vst v63  }
0x11b: {  	_ =	swait.ge [sflag:s4], $0xA000  }
0x11c: {  	[sflag:s4] =	ssyncset.done $0x0  }
0x11d: {  	[sflag:s4] =	ssyncadd.s32 $0xFFFF6000  }
0x11e: {  	_ =	swait.ge [sflag:s12], $0xA000  }
0x11f: {  	[sflag:s12] =	ssyncset.done $0x0  }
0x120: {  	[sflag:s12] =	ssyncadd.s32 $0xFFFF6000  }
0x121: {  	[tilespmem:s7], [sflag:$0x2] =	stream.indirect.gather [hbm4b:s3+s9], $0x80, s18, s9, $0xb8;
	[tilespmem:$0x15400] =	vst v63  }
0x122: {  	_ = 	snop  }
0x123: {  	[hbm4b:s13+s2] =	stream.linear.scatter [tilespmem:s10], [sflag:$0x3], $0xA000, $0x38;
	[tilespmem:$0x15400] =	vst v63  }
0x124: {  	_ =	swait.ge [sflag:s4], $0xA000  }
0x125: {  	[sflag:s4] =	ssyncset.done $0x0  }
0x126: {  	[sflag:s4] =	ssyncadd.s32 $0xFFFF6000  }
0x127: {  	_ =	swait.ge [sflag:s8], $0xA000  }
0x128: {  	[sflag:s8] =	ssyncset.done $0x0  }
0x129: {  	[sflag:s8] =	ssyncadd.s32 $0xFFFF6000  }
0x12a: {  	[tilespmem:s10], [sflag:$0x1] =	stream.indirect.gather [hbm4b:s3+s9], $0x80, s17, s9, $0xb8;
	[tilespmem:$0x15400] =	vst v63  }
0x12b: {  	_ = 	snop  }
0x12c: {  	[hbm4b:s11+s2] =	stream.linear.scatter [tilespmem:s7], [sflag:$0x3], $0xA000, $0x38;
	[tilespmem:$0x15400] =	vst v63  }
0x12d: {  	_ =	swait.ge [sflag:s4], $0xA000  }
0x12e: {  	[sflag:s4] =	ssyncset.done $0x0  }
0x12f: {  	[sflag:s4] =	ssyncadd.s32 $0xFFFF6000  }
0x130: {  	_ =	swait.ge [sflag:s12], $0xA000  }
0x131: {  	[sflag:s12] =	ssyncset.done $0x0  }
0x132: {  	[sflag:s12] =	ssyncadd.s32 $0xFFFF6000  }
0x133: {  	[tilespmem:s7], [sflag:$0x2] =	stream.indirect.gather [hbm4b:s3+s9], $0x80, s15, s9, $0xb8;
	[tilespmem:$0x15400] =	vst v63  }
0x134: {  	_ = 	snop  }
0x135: {  	[hbm4b:s6+s2] =	stream.linear.scatter [tilespmem:s10], [sflag:$0x3], $0xA000, $0x38;
	[tilespmem:$0x15400] =	vst v63  }
0x136: {  	_ =	swait.ge [sflag:s4], $0xA000  }
0x137: {  	[sflag:s4] =	ssyncset.done $0x0  }
0x138: {  	[sflag:s4] =	ssyncadd.s32 $0xFFFF6000  }
0x139: {  	p1 =	sne.s32 s1, $0x1;
	_ =	swait.ge [sflag:s8], $0xA000  }
.Ltmp2:
0x13a: {  	[sflag:s8] =	ssyncset.done $0x0;
	(pc) =	sbr.rel @p1 .LBB2_2-.Ltmp2, $4  }
0x13b: {  	[sflag:s8] =	ssyncadd.s32 $0xFFFF6000  }
0x13c: {  	[hbm4b:s5+s2] =	stream.linear.scatter [tilespmem:s7], [sflag:$0x3], $0xA000, $0x38;
	[tilespmem:$0x15400] =	vst v63  }
0x13d: {  	_ =	swait.ge [sflag:s4], $0xA000  }
0x13e: {  	s1 =	sadd.s32 $0xFFFFFFFF, s1;
	s0 =	rddreg [dreg:$0x2];
	[sflag:s4] =	ssyncset.done $0x0  }
.LBB2_3:
0x13f: {  	[sflag:s4] =	ssyncadd.s32 @p0 $0xFFFF6000  }
0x140: {  	[tilespmem:s2], [sflag:$0x3] =	stream.linear.gather [hbm4b:s0+s2], $0x1400, $0x38;
	[tilespmem:$0x15400] =	vst v63  }
0x141: {  	_ =	swait.ge [sflag:s4], $0x1400  }
0x142: {  	[sflag:s4] =	ssyncset.done $0x0  }
0x143: {  	[sflag:s4] =	ssyncadd.s32 $0xFFFFEC00  }
0x144: {  	[tilespmem:s10], [sflag:$0x1] =	stream.indirect.gather [hbm4b:s3+s9], $0x80, s2, s9, $0xb8;
	[tilespmem:$0x15400] =	vst v63  }
0x145: {  	_ =	swait.ge [sflag:s12], $0xA000  }
0x146: {  	[sflag:s12] =	ssyncset.done $0x0  }
0x147: {  	[sflag:s12] =	ssyncadd.s32 $0xFFFF6000  }
0x148: {  	[tilespmem:s7], [sflag:$0x2] =	stream.indirect.gather [hbm4b:s3+s9], $0x80, s9, s9, $0xb8;
	[tilespmem:$0x15400] =	vst v63  }
0x149: {  	_ = 	snop  }
0x14a: {  	[hbm4b:s25+s2] =	stream.linear.scatter [tilespmem:s10], [sflag:$0x3], $0xA000, $0x38;
	[tilespmem:$0x15400] =	vst v63  }
0x14b: {  	_ =	swait.ge [sflag:s4], $0xA000  }
0x14c: {  	[sflag:s4] =	ssyncset.done $0x0  }
0x14d: {  	[sflag:s4] =	ssyncadd.s32 $0xFFFF6000  }
0x14e: {  	_ =	swait.ge [sflag:s8], $0xA000  }
0x14f: {  	[sflag:s8] =	ssyncset.done $0x0  }
0x150: {  	[sflag:s8] =	ssyncadd.s32 $0xFFFF6000  }
0x151: {  	[tilespmem:s10], [sflag:$0x1] =	stream.indirect.gather [hbm4b:s3+s9], $0x80, s31, s9, $0xb8;
	[tilespmem:$0x15400] =	vst v63  }
0x152: {  	s1 =	rddreg [dreg:$0x3]  }
0x153: {  	[hbm4b:s1+s2] =	stream.linear.scatter [tilespmem:s7], [sflag:$0x3], $0xA000, $0x38;
	[tilespmem:$0x15400] =	vst v63  }
0x154: {  	_ =	swait.ge [sflag:s4], $0xA000  }
0x155: {  	[sflag:s4] =	ssyncset.done $0x0  }
0x156: {  	[sflag:s4] =	ssyncadd.s32 $0xFFFF6000  }
0x157: {  	_ =	swait.ge [sflag:s12], $0xA000  }
0x158: {  	[sflag:s12] =	ssyncset.done $0x0  }
0x159: {  	[sflag:s12] =	ssyncadd.s32 $0xFFFF6000  }
0x15a: {  	[tilespmem:s7], [sflag:$0x2] =	stream.indirect.gather [hbm4b:s3+s9], $0x80, s30, s9, $0xb8;
	[tilespmem:$0x15400] =	vst v63  }
0x15b: {  	s25 =	rddreg [dreg:$0x4]  }
0x15c: {  	[hbm4b:s25+s2] =	stream.linear.scatter [tilespmem:s10], [sflag:$0x3], $0xA000, $0x38;
	[tilespmem:$0x15400] =	vst v63  }
0x15d: {  	_ =	swait.ge [sflag:s4], $0xA000  }
0x15e: {  	[sflag:s4] =	ssyncset.done $0x0  }
0x15f: {  	[sflag:s4] =	ssyncadd.s32 $0xFFFF6000  }
0x160: {  	_ =	swait.ge [sflag:s8], $0xA000  }
0x161: {  	[sflag:s8] =	ssyncset.done $0x0  }
0x162: {  	[sflag:s8] =	ssyncadd.s32 $0xFFFF6000  }
0x163: {  	[tilespmem:s10], [sflag:$0x1] =	stream.indirect.gather [hbm4b:s3+s9], $0x80, s29, s9, $0xb8;
	[tilespmem:$0x15400] =	vst v63  }
0x164: {  	s31 =	rddreg [dreg:$0x5]  }
0x165: {  	[hbm4b:s31+s2] =	stream.linear.scatter [tilespmem:s7], [sflag:$0x3], $0xA000, $0x38;
	[tilespmem:$0x15400] =	vst v63  }
0x166: {  	_ =	swait.ge [sflag:s4], $0xA000  }
0x167: {  	[sflag:s4] =	ssyncset.done $0x0  }
0x168: {  	[sflag:s4] =	ssyncadd.s32 $0xFFFF6000  }
0x169: {  	_ =	swait.ge [sflag:s12], $0xA000  }
0x16a: {  	[sflag:s12] =	ssyncset.done $0x0  }
0x16b: {  	[sflag:s12] =	ssyncadd.s32 $0xFFFF6000  }
0x16c: {  	[tilespmem:s7], [sflag:$0x2] =	stream.indirect.gather [hbm4b:s3+s9], $0x80, s28, s9, $0xb8;
	[tilespmem:$0x15400] =	vst v63  }
0x16d: {  	s1 =	rddreg [dreg:$0x6]  }
0x16e: {  	[hbm4b:s1+s2] =	stream.linear.scatter [tilespmem:s10], [sflag:$0x3], $0xA000, $0x38;
	[tilespmem:$0x15400] =	vst v63  }
0x16f: {  	_ =	swait.ge [sflag:s4], $0xA000  }
0x170: {  	[sflag:s4] =	ssyncset.done $0x0  }
0x171: {  	[sflag:s4] =	ssyncadd.s32 $0xFFFF6000  }
0x172: {  	_ =	swait.ge [sflag:s8], $0xA000  }
0x173: {  	[sflag:s8] =	ssyncset.done $0x0  }
0x174: {  	[sflag:s8] =	ssyncadd.s32 $0xFFFF6000  }
0x175: {  	[tilespmem:s10], [sflag:$0x1] =	stream.indirect.gather [hbm4b:s3+s9], $0x80, s26, s9, $0xb8;
	[tilespmem:$0x15400] =	vst v63  }
0x176: {  	s25 =	rddreg [dreg:$0x7]  }
0x177: {  	[hbm4b:s25+s2] =	stream.linear.scatter [tilespmem:s7], [sflag:$0x3], $0xA000, $0x38;
	[tilespmem:$0x15400] =	vst v63  }
0x178: {  	_ =	swait.ge [sflag:s4], $0xA000  }
0x179: {  	[sflag:s4] =	ssyncset.done $0x0  }
0x17a: {  	[sflag:s4] =	ssyncadd.s32 $0xFFFF6000  }
0x17b: {  	_ =	swait.ge [sflag:s12], $0xA000  }
0x17c: {  	[sflag:s12] =	ssyncset.done $0x0  }
0x17d: {  	[sflag:s12] =	ssyncadd.s32 $0xFFFF6000  }
0x17e: {  	[tilespmem:s7], [sflag:$0x2] =	stream.indirect.gather [hbm4b:s3+s9], $0x80, s24, s9, $0xb8;
	[tilespmem:$0x15400] =	vst v63  }
0x17f: {  	s26 =	rddreg [dreg:$0x8]  }
0x180: {  	[hbm4b:s26+s2] =	stream.linear.scatter [tilespmem:s10], [sflag:$0x3], $0xA000, $0x38;
	[tilespmem:$0x15400] =	vst v63  }
0x181: {  	_ =	swait.ge [sflag:s4], $0xA000  }
0x182: {  	[sflag:s4] =	ssyncset.done $0x0  }
0x183: {  	[sflag:s4] =	ssyncadd.s32 $0xFFFF6000  }
0x184: {  	_ =	swait.ge [sflag:s8], $0xA000  }
0x185: {  	[sflag:s8] =	ssyncset.done $0x0  }
0x186: {  	[sflag:s8] =	ssyncadd.s32 $0xFFFF6000  }
0x187: {  	[tilespmem:s10], [sflag:$0x1] =	stream.indirect.gather [hbm4b:s3+s9], $0x80, s23, s9, $0xb8;
	[tilespmem:$0x15400] =	vst v63  }
0x188: {  	s28 =	rddreg [dreg:$0x9]  }
0x189: {  	[hbm4b:s28+s2] =	stream.linear.scatter [tilespmem:s7], [sflag:$0x3], $0xA000, $0x38;
	[tilespmem:$0x15400] =	vst v63  }
0x18a: {  	_ =	swait.ge [sflag:s4], $0xA000  }
0x18b: {  	[sflag:s4] =	ssyncset.done $0x0  }
0x18c: {  	[sflag:s4] =	ssyncadd.s32 $0xFFFF6000  }
0x18d: {  	_ =	swait.ge [sflag:s12], $0xA000  }
0x18e: {  	[sflag:s12] =	ssyncset.done $0x0  }
0x18f: {  	[sflag:s12] =	ssyncadd.s32 $0xFFFF6000  }
0x190: {  	[tilespmem:s7], [sflag:$0x2] =	stream.indirect.gather [hbm4b:s3+s9], $0x80, s22, s9, $0xb8;
	[tilespmem:$0x15400] =	vst v63  }
0x191: {  	s29 =	rddreg [dreg:$0xa]  }
0x192: {  	[hbm4b:s29+s2] =	stream.linear.scatter [tilespmem:s10], [sflag:$0x3], $0xA000, $0x38;
	[tilespmem:$0x15400] =	vst v63  }
0x193: {  	_ =	swait.ge [sflag:s4], $0xA000  }
0x194: {  	[sflag:s4] =	ssyncset.done $0x0  }
0x195: {  	[sflag:s4] =	ssyncadd.s32 $0xFFFF6000  }
0x196: {  	_ =	swait.ge [sflag:s8], $0xA000  }
0x197: {  	[sflag:s8] =	ssyncset.done $0x0  }
0x198: {  	[sflag:s8] =	ssyncadd.s32 $0xFFFF6000  }
0x199: {  	[tilespmem:s10], [sflag:$0x1] =	stream.indirect.gather [hbm4b:s3+s9], $0x80, s21, s9, $0xb8;
	[tilespmem:$0x15400] =	vst v63  }
0x19a: {  	s30 =	rddreg [dreg:$0xb]  }
0x19b: {  	[hbm4b:s30+s2] =	stream.linear.scatter [tilespmem:s7], [sflag:$0x3], $0xA000, $0x38;
	[tilespmem:$0x15400] =	vst v63  }
0x19c: {  	_ =	swait.ge [sflag:s4], $0xA000  }
0x19d: {  	[sflag:s4] =	ssyncset.done $0x0  }
0x19e: {  	[sflag:s4] =	ssyncadd.s32 $0xFFFF6000  }
0x19f: {  	_ =	swait.ge [sflag:s12], $0xA000  }
0x1a0: {  	[sflag:s12] =	ssyncset.done $0x0  }
0x1a1: {  	[sflag:s12] =	ssyncadd.s32 $0xFFFF6000  }
0x1a2: {  	[tilespmem:s7], [sflag:$0x2] =	stream.indirect.gather [hbm4b:s3+s9], $0x80, s20, s9, $0xb8;
	[tilespmem:$0x15400] =	vst v63  }
0x1a3: {  	_ = 	snop  }
0x1a4: {  	[hbm4b:s16+s2] =	stream.linear.scatter [tilespmem:s10], [sflag:$0x3], $0xA000, $0x38;
	[tilespmem:$0x15400] =	vst v63  }
0x1a5: {  	_ =	swait.ge [sflag:s4], $0xA000  }
0x1a6: {  	[sflag:s4] =	ssyncset.done $0x0  }
0x1a7: {  	[sflag:s4] =	ssyncadd.s32 $0xFFFF6000  }
0x1a8: {  	_ =	swait.ge [sflag:s8], $0xA000  }
0x1a9: {  	[sflag:s8] =	ssyncset.done $0x0  }
0x1aa: {  	[sflag:s8] =	ssyncadd.s32 $0xFFFF6000  }
0x1ab: {  	[tilespmem:s10], [sflag:$0x1] =	stream.indirect.gather [hbm4b:s3+s9], $0x80, s19, s9, $0xb8;
	[tilespmem:$0x15400] =	vst v63  }
0x1ac: {  	_ = 	snop  }
0x1ad: {  	[hbm4b:s14+s2] =	stream.linear.scatter [tilespmem:s7], [sflag:$0x3], $0xA000, $0x38;
	[tilespmem:$0x15400] =	vst v63  }
0x1ae: {  	_ =	swait.ge [sflag:s4], $0xA000  }
0x1af: {  	[sflag:s4] =	ssyncset.done $0x0  }
0x1b0: {  	[sflag:s4] =	ssyncadd.s32 $0xFFFF6000  }
0x1b1: {  	_ =	swait.ge [sflag:s12], $0xA000  }
0x1b2: {  	[sflag:s12] =	ssyncset.done $0x0  }
0x1b3: {  	[sflag:s12] =	ssyncadd.s32 $0xFFFF6000  }
0x1b4: {  	[tilespmem:s7], [sflag:$0x2] =	stream.indirect.gather [hbm4b:s3+s9], $0x80, s18, s9, $0xb8;
	[tilespmem:$0x15400] =	vst v63  }
0x1b5: {  	_ = 	snop  }
0x1b6: {  	[hbm4b:s13+s2] =	stream.linear.scatter [tilespmem:s10], [sflag:$0x3], $0xA000, $0x38;
	[tilespmem:$0x15400] =	vst v63  }
0x1b7: {  	_ =	swait.ge [sflag:s4], $0xA000  }
0x1b8: {  	[sflag:s4] =	ssyncset.done $0x0  }
0x1b9: {  	[sflag:s4] =	ssyncadd.s32 $0xFFFF6000  }
0x1ba: {  	_ =	swait.ge [sflag:s8], $0xA000  }
0x1bb: {  	[sflag:s8] =	ssyncset.done $0x0  }
0x1bc: {  	[sflag:s8] =	ssyncadd.s32 $0xFFFF6000  }
0x1bd: {  	[tilespmem:s10], [sflag:$0x1] =	stream.indirect.gather [hbm4b:s3+s9], $0x80, s17, s9, $0xb8;
	[tilespmem:$0x15400] =	vst v63  }
0x1be: {  	_ = 	snop  }
0x1bf: {  	[hbm4b:s11+s2] =	stream.linear.scatter [tilespmem:s7], [sflag:$0x3], $0xA000, $0x38;
	[tilespmem:$0x15400] =	vst v63  }
0x1c0: {  	_ =	swait.ge [sflag:s4], $0xA000  }
0x1c1: {  	[sflag:s4] =	ssyncset.done $0x0  }
0x1c2: {  	[sflag:s4] =	ssyncadd.s32 $0xFFFF6000  }
0x1c3: {  	_ =	swait.ge [sflag:s12], $0xA000  }
0x1c4: {  	[sflag:s12] =	ssyncset.done $0x0  }
0x1c5: {  	[sflag:s12] =	ssyncadd.s32 $0xFFFF6000  }
0x1c6: {  	[tilespmem:s7], [sflag:$0x2] =	stream.indirect.gather [hbm4b:s3+s9], $0x80, s15, s9, $0xb8;
	[tilespmem:$0x15400] =	vst v63  }
0x1c7: {  	_ = 	snop  }
0x1c8: {  	[hbm4b:s6+s2] =	stream.linear.scatter [tilespmem:s10], [sflag:$0x3], $0xA000, $0x38;
	[tilespmem:$0x15400] =	vst v63  }
0x1c9: {  	_ =	swait.ge [sflag:s4], $0xA000  }
0x1ca: {  	[sflag:s4] =	ssyncset.done $0x0  }
0x1cb: {  	[sflag:s4] =	ssyncadd.s32 $0xFFFF6000  }
0x1cc: {  	_ =	swait.ge [sflag:s8], $0xA000  }
0x1cd: {  	[sflag:s8] =	ssyncset.done $0x0  }
0x1ce: {  	[sflag:s8] =	ssyncadd.s32 $0xFFFF6000  }
0x1cf: {  	[hbm4b:s5+s2] =	stream.linear.scatter [tilespmem:s7], [sflag:$0x3], $0xA000, $0x38;
	[tilespmem:$0x15400] =	vst v63  }
0x1d0: {  	_ =	swait.ge [sflag:s4], $0xA000  }
0x1d1: {  	[sflag:s4] =	ssyncset.done $0x0  }
0x1d2: {  	[sflag:s4] =	ssyncadd.s32 $0xFFFF6000  }
0x1d3: {  	_ =	sfence.sel $0x180000  }
0x1d4: {  	[bflag:$0x0] =	sbarrier.arrive $0xFFFF  }
0x1d5: {  	_ =	strace $0x9000004A  }
0x1d6: {  	s31 =	stileid.u32;
	[bflag:$0x2] =	sbarrier.arrive $0xFFFF  }
0x1d7: {  	p0 =	sne.s32 s31, $0x0;
	s0 =	rddreg [dreg:$0x1]  }
0x1d8: {  	s0 =	sadd.s32 @!p0 $0x100000, s0  }
0x1d9: {  	[sflag:s0] =	ssyncadd.tile.s32 @!p0 $0x1;
	_ =	shalt  }
.Lfunc_end2:
_tile_overlayer_lowered:
.L_overlay_start_2:
0x1da: {  	(tag) =	ssettag $0x2  }
0x1db: {  	s0 =	rddreg [dreg:$0x0];
	s2 =	stileid.u32  }
0x1dc: {  	s1 =	rddreg [dreg:$0x1];
	p0 =	sne.s32 s2, $0x0  }
0x1dd: {  	s3 =	rddreg [dreg:$0x2];
	[bflag:$0x3] =	sbarrier.arrive $0xFFFF;
	s2 =	simm.s32 @!p0 $0x1C03  }
0x1de: {  	[timem:s3], [sflag:s2] =	dma.local @!p0 [hbm:s0], s1  }
0x1df: {  	s0 =	simm.s32 @!p0 $0x3  }
0x1e0: {  	_ =	swait.ge @!p0 [sflag:s0], s1  }
0x1e1: {  	s1 =	ssub.s32 @!p0 $0x0, s1;
	[sflag:s0] =	ssyncset.done @!p0 $0x0  }
0x1e2: {  	[sflag:s0] =	ssyncadd.s32 @!p0 s1  }
0x1e3: {  	[bflag:$0x3] =	sbarrier.arrive $0xFFFF  }
0x1e4: {  	_ =	shalt  }

// kernel: kernel.22.cloned.1.call-start
scs
__scs_entry_jumppad:
0x0: {  	(pc) =	sbr.rel $0x88, $3  }
0x1: {  	(tag) =	ssettag $0x0;
	lr =	simm.s32 $0x1  }
0x2: {  	[smem:$0x3F74] =	sst lr;
	_ =	strace $0xD0000000  }
0x3: {  	_ = 	snop  }
0x4: {  	_ = 	snop  }
0x5: {  	_ = 	snop  }
0x6: {  	_ = 	snop  }
0x7: {  	_ = 	snop  }
__scs_overlays_trampoline_lowered:
0x8: {  	[smem:$0x3F83] =	sst s0  }
0x9: {  	[smem:$0x3F84] =	sst s1  }
0xa: {  	[smem:$0x3F85] =	sst s2  }
0xb: {  	[smem:$0x3F86] =	sst s3  }
0xc: {  	[smem:$0x3F87] =	sst s4  }
0xd: {  	[smem:$0x3F88] =	sst s5  }
0xe: {  	[smem:$0x3F89] =	sst s6  }
0xf: {  	[smem:$0x3F8A] =	sst s7  }
0x10: {  	[smem:$0x3F8B] =	sst s8  }
0x11: {  	[smem:$0x3F8C] =	sst s9;
	s0 =	simm.s32 @!p0 $0x0  }
0x12: {  	s1 =	sld [smem:$0x3F72];
	s0 =	simm.s32 @p0 $0x1  }
0x13: {  	[smem:$0x3F8D] =	sst s0;
	s0 =	simm.s32 @!p1 $0x0  }
0x14: {  	s2 =	sld [smem:$0x3F71];
	s0 =	simm.s32 @p1 $0x1  }
0x15: {  	[smem:$0x3F8E] =	sst s0;
	s0 =	simm.s32 @!p2 $0x0  }
0x16: {  	s3 =	sld [smem:$0x3FDB];
	s0 =	simm.s32 @p2 $0x1  }
0x17: {  	s4 =	simm.s32 $0x1BF5;
	[smem:$0x3F90] =	sst s0  }
0x18: {  	s0 =	sld [smem:$0x3F73];
	_ =	swait.ge [sflag:s4], $0x0  }
0x19: {  	s7 =	sld [smem:$0x3F74]  }
0x1a: {  	s8 =	sadd.s32 $0xFFFFE003, lr  }
0x1b: {  	s9 =	sadd.s32 $0xFFFFFEF7, lr;
	s5 =	simm.s32 $0xFFFFFFFF;
	p2 =	slt.u32 s8, $0xFFFFF086  }
0x1c: {  	p1 =	slt.u32 s9, $0xF7A;
	s5 =	simm.s32 @!p2 $0x0  }
0x1d: {  	s5 =	simm.s32 @p1 $0x1;
	p0 =	seq.s32 s7, s2  }
0x1e: {  	s7 =	smul.u32 @!p0 $0xF7A, s2;
	p2 =	seq.s32 @!p0 s5, $0x0  }
0x1f: {  	s9 =	smul.u32 $0xF7A, s1;
	s8 =	simm.s32 @!p0 $0x1BF5;
	p2 =	por !p2, p0  }
0x20: {  	[sflag:s8] =	ssyncset.s32 @!p0 $0xFFFFF086;
	s6 =	sadd.s32 @!p0 s3, s7;
	s7 =	simm.s32 @!p0 $0x108  }
0x21: {  	s3 =	sadd.s32 s3, s9;
	s6 =	sadd.s32 @!p0 $0x88, s6;
	s7 =	simm.s32 @p2 $0x1082  }
0x22: {  	[simem:s7], [sflag:s8] =	dma.local @!p0 [hbm:s6], $0xF7A  }
0x23: {  	s9 =	sor.u32 $0xD0000000, s2;
	s6 =	simm.s32 $0x108;
	_ =	swait.ge @!p0 [sflag:s8], $0x0  }
0x24: {  	s3 =	sadd.s32 $0x88, s3;
	s6 =	simm.s32 @!p1 $0x1082;
	[sflag:s4] =	ssyncset.s32 $0xFFFFF086  }
0x25: {  	[simem:s6], [sflag:s4] =	dma.local [hbm:s3], $0xF7A  }
0x26: {  	[smem:$0x3F74] =	sst s1;
	(tag) =	ssettag s2;
	_ =	strace s9  }
0x27: {  	s1 =	sld [smem:$0x3F84]  }
0x28: {  	s2 =	sld [smem:$0x3F85]  }
0x29: {  	s4 =	sld [smem:$0x3F87]  }
0x2a: {  	p0 =	seq.s32 s5, $0x0;
	s5 =	sld [smem:$0x3F88]  }
0x2b: {  	s6 =	sld [smem:$0x3F89]  }
0x2c: {  	s7 =	sld [smem:$0x3F8A]  }
0x2d: {  	s3 =	simm.s32 $0x108;
	s8 =	sld [smem:$0x3F8B]  }
0x2e: {  	s3 =	simm.s32 @!p0 $0x1082;
	s9 =	sld [smem:$0x3F8C]  }
0x2f: {  	lr =	sadd.s32 s0, s3;
	s0 =	sld [smem:$0x3F83]  }
0x30: {  	s3 =	sld [smem:$0x3F86]  }
0x31: {  	[smem:$0x3F8F] =	sst s10  }
0x32: {  	s10 =	sld [smem:$0x3F8D];
	_ =	sdelay $0x3  }
0x33: {  	p0 =	seq.s32 s10, $0x1;
	s10 =	sld [smem:$0x3F8F];
	_ =	sdelay $0x3  }
0x34: {  	[smem:$0x3F8F] =	sst s10  }
0x35: {  	s10 =	sld [smem:$0x3F8E];
	_ =	sdelay $0x3  }
0x36: {  	p1 =	seq.s32 s10, $0x1;
	s10 =	sld [smem:$0x3F8F];
	_ =	sdelay $0x3  }
0x37: {  	[smem:$0x3F8F] =	sst s10  }
0x38: {  	s10 =	sld [smem:$0x3F90]  }
0x39: {  	_ = 	snop;
	(pc) =	sbr.ind lr, $3  }
0x3a: {  	_ = 	snop  }
0x3b: {  	_ = 	snop  }
0x3c: {  	p2 =	seq.s32 s10, $0x1;
	s10 =	sld [smem:$0x3F8F]  }
0x3d: {  	_ =	shalt  }
0x3e: {  	_ =	shalt  }
0x3f: {  	_ =	shalt  }
0x40: {  	_ =	shalt  }
0x41: {  	_ =	shalt  }
0x42: {  	_ =	shalt  }
0x43: {  	_ =	shalt  }
0x44: {  	_ =	shalt  }
0x45: {  	_ =	shalt  }
0x46: {  	_ =	shalt  }
0x47: {  	_ =	shalt  }
0x48: {  	_ =	shalt  }
0x49: {  	_ =	shalt  }
0x4a: {  	_ =	shalt  }
0x4b: {  	_ =	shalt  }
0x4c: {  	_ =	shalt  }
0x4d: {  	_ =	shalt  }
0x4e: {  	_ =	shalt  }
0x4f: {  	_ =	shalt  }
0x50: {  	_ =	shalt  }
0x51: {  	_ =	shalt  }
0x52: {  	_ =	shalt  }
0x53: {  	_ =	shalt  }
0x54: {  	_ =	shalt  }
0x55: {  	_ =	shalt  }
0x56: {  	_ =	shalt  }
0x57: {  	_ =	shalt  }
0x58: {  	_ =	shalt  }
0x59: {  	_ =	shalt  }
0x5a: {  	_ =	shalt  }
0x5b: {  	_ =	shalt  }
0x5c: {  	_ =	shalt  }
0x5d: {  	_ =	shalt  }
0x5e: {  	_ =	shalt  }
0x5f: {  	_ =	shalt  }
0x60: {  	_ =	shalt  }
0x61: {  	_ =	shalt  }
0x62: {  	_ =	shalt  }
0x63: {  	_ =	shalt  }
0x64: {  	_ =	shalt  }
0x65: {  	_ =	shalt  }
0x66: {  	_ =	shalt  }
0x67: {  	_ =	shalt  }
0x68: {  	_ =	shalt  }
0x69: {  	_ =	shalt  }
0x6a: {  	_ =	shalt  }
0x6b: {  	_ =	shalt  }
0x6c: {  	_ =	shalt  }
0x6d: {  	_ =	shalt  }
0x6e: {  	_ =	shalt  }
0x6f: {  	_ =	shalt  }
0x70: {  	_ =	shalt  }
0x71: {  	_ =	shalt  }
0x72: {  	_ =	shalt  }
0x73: {  	_ =	shalt  }
0x74: {  	_ =	shalt  }
0x75: {  	_ =	shalt  }
0x76: {  	_ =	shalt  }
0x77: {  	_ =	shalt  }
0x78: {  	_ =	shalt  }
0x79: {  	_ =	shalt  }
0x7a: {  	_ =	shalt  }
0x7b: {  	_ =	shalt  }
0x7c: {  	_ =	shalt  }
0x7d: {  	_ =	shalt  }
0x7e: {  	_ =	shalt  }
0x7f: {  	_ =	shalt  }
0x80: {  	_ =	shalt  }
0x81: {  	_ =	shalt  }
0x82: {  	_ =	shalt  }
0x83: {  	_ =	shalt  }
0x84: {  	_ =	shalt  }
0x85: {  	_ =	shalt  }
0x86: {  	_ =	shalt  }
0x87: {  	_ =	shalt  }
.Lfunc_end0:
.L_simem_size_0:
called_computation.2_lowered:
.L_overlay_start_0:
0x88: {  	s2 =	sld [smem:$0x3FD9]  }
0x89: {  	s3 =	sld [smem:$0x3FFE];
	_ =	sdelay $0x1  }
0x8a: {  	s1 =	srdreg.scid  }
0x8b: {  	s0 =	sand.u32 $0x1, s1  }
0x8c: {  	s16 =	sshll.u32 s0, $0xA;
	s2 =	sadd.s32 s3, s2  }
0x8d: {  	s2 =	sadd.s32 s2, s16  }
0x8e: {  	[smem:$0x3F9B] =	sst s2  }
0x8f: {  	_ = 	snop  }
0x90: {  	(tm) =	ssettm $0x1  }
0x91: {  	s17 =	sld [smem:$0x3FFB];
	_ =	sdelay $0x3  }
0x92: {  	_ =	strace s17  }
0x93: {  	s2 =	sld [smem:$0x3FFC];
	_ =	sdelay $0x3  }
0x94: {  	_ =	strace s2  }
0x95: {  	s2 =	sld [smem:$0x3FFD];
	_ =	sdelay $0x3  }
0x96: {  	_ =	strace s2  }
0x97: {  	_ =	strace $0x8FFFFFFF  }
0x98: {  	s18 =	sld [smem:$0x3FDB];
	_ =	sdelay $0x1  }
0x99: {  	s19 =	simm.s32 $_scs_section_size  }
0x9a: {  	s4 =	simm.s32 $_size__tile_overlayer_lowered;
	s5 =	simm.s32 $_tile_overlayer_lowered  }
0x9b: {  	s22 =	simm.s32 $0x1BFF;
	s21 =	sshll.u32 s5, $0x1;
	s2 =	sadd.s32 s19, s18  }
0x9c: {  	s6 =	simm.s32 $0x0;
	s20 =	sshll.u32 s4, $0x1;
	s4 =	sadd.s32 s21, s2  }
0x9d: {  	[timem:s6], [sflag:s22] =	dma.local [hbm:s4], s20  }
0x9e: {  	_ =	swait.ge [sflag:s22], s20  }
0x9f: {  	s3 =	ssub.s32 $0x0, s20;
	[sflag:s22] =	ssyncset.done $0x0  }
0xa0: {  	[sflag:s22] =	ssyncadd.s32 s3;
	_ =	sdelay $0x1  }
0xa1: {  	s23 =	simm.s32 $0x1B8B  }
0xa2: {  	_ =	swait.ge [sflag:s23], $0x1  }
0xa3: {  	[sflag:s23] =	ssyncset.done $0x0  }
0xa4: {  	s25 =	simm.s32 $0x1B8E;
	s24 =	sld [smem:$0x3FFE];
	[sflag:s23] =	ssyncadd.s32 $0xFFFFFFFF  }
0xa5: {  	s26 =	simm.s32 $execute0_lowered;
	[smem:$0x3FD2] =	sst s25  }
0xa6: {  	s4 =	sshll.u32 s26, $0x1;
	_ =	strace $0x8000004C;
	[dreg:$0x1] =	wrdreg $0xFFFFFFFF  }
0xa7: {  	s28 =	simm.s32 $_size_execute0_lowered;
	s2 =	sadd.s32 s2, s4;
	[dreg:$0x0] =	wrdreg $0x0  }
0xa8: {  	s4 =	sshll.u32 s28, $0x1;
	[dreg:$0x2] =	wrdreg s2  }
0xa9: {  	[dreg:$0x3] =	wrdreg s4  }
0xaa: {  	[dreg:$0x4] =	wrdreg $0xC0  }
0xab: {  	_ =	task [dreg:s6], $0x5FFFF  }
0xac: {  	[dreg:$0x1] =	wrdreg $0xFFFFFFFF  }
0xad: {  	[dreg:$0x0] =	wrdreg $0x60  }
0xae: {  	[dreg:$0x2] =	wrdreg s24  }
0xaf: {  	[dreg:$0x3] =	wrdreg $0x9  }
0xb0: {  	_ =	task.clear_ibuf [dreg:s6], $0x4FFFF;
	_ =	strace $0x9000004C  }
0xb1: {  	s29 =	simm.s32 $0x9;
	_ =	strace $0x8000004E  }
0xb2: {  	_ =	swait.ge [sflag:s29], $0x1  }
0xb3: {  	[sflag:s29] =	ssyncadd.s32 $0xFFFFFFFF  }
0xb4: {  	_ =	strace $0x9000004E  }
0xb5: {  	_ =	sfence  }
0xb6: {  	s30 =	sld [smem:$0x0];
	_ =	sdelay $0x2  }
0xb7: {  	s31 =	sshll.u32 s1, $0xD;
	s1 =	sshrl.u32 s1, $0x2  }
0xb8: {  	s3 =	sand.u32 $0x4000, s31;
	s1 =	sadd.s32 s1, s30  }
0xb9: {  	s0 =	sor.u32 s3, s0;
	s1 =	sshll.u32 s1, $0x11  }
0xba: {  	s0 =	sor.u32 s1, s0  }
0xbb: {  	s0 =	sadd.s32 $0x8F2B, s0  }
0xbc: {  	[sflag:s0] =	ssyncadd.remote.s32 $0x1  }
0xbd: {  	_ =	sfence.sel $0xFFFF  }
0xbe: {  	[dreg:$0x0] =	wrdreg $0xFFFFFFFF;
	(pc) =	sbr.abs _section_cstart, $3  }
0xbf: {  	[dreg:$0x1] =	wrdreg $0xFFFFFFFF  }
0xc0: {  	_ =	task.clear_ibuf [dreg:s6], $0x2FFFF;
	_ =	strace $0x9FFFFFFF  }
0xc1: {  	(tm) =	ssettm $0x7FFFFFFF  }
tec
execute0_lowered:
.L_overlay_start_1:
0x0: {  	(tag) =	ssettag $0x1  }
0x1: {  	s0 =	srdreg.scid  }
0x2: {  	s1 =	stileid.u32;
	s3 =	rddreg [dreg:$0x0];
	s2 =	simm.s32 $0x0  }
0x3: {  	s9 =	simm.s32 $0x140;
	s10 =	simm.s32 $0x1400;
	s12 =	simm.s32 $0x1  }
0x4: {  	s7 =	simm.s32 $0xB400;
	s8 =	simm.s32 $0x2;
	s31 =	simm.s32 $0x280  }
0x5: {  	s30 =	simm.s32 $0x3C0;
	s29 =	simm.s32 $0x500;
	s28 =	simm.s32 $0x640  }
0x6: {  	p0 =	por $0x0, $0x0;
	s0 =	sand.u32 $0x1, s0;
	s1 =	sshll.u32 s1, $0x1  }
0x7: {  	s15 =	simm.s32 $0x12C0;
	[smem:$0x7FF] =	sst s2;
	s1 =	sor.u32 s0, s1  }
0x8: {  	s6 =	sadd.s32 $0x4C000, s3;
	s0 =	ssub.s32 $0x2, s0;
	s4 =	smul.u32 $0x280, s1  }
0x9: {  	_ =	strace $0x8000004D;
	s5 =	smul.u32 $0x14000, s1;
	s24 =	sshrl.u32 s0, $0x1  }
0xa: {  	s1 =	smul.u32 $0xA0000, s1;
	s0 =	ssub.s32 s0, s24;
	s4 =	sadd.s32 s4, s3  }
0xb: {  	s24 =	simm.s32 $0x8C0;
	s25 =	sadd.s32 s6, s5;
	s4 =	sadd.s32 $0x47000, s4  }
0xc: {  	s1 =	sshrl.u32 s1, $0x3;
	s16 =	sadd.s32 $0x1400, s25;
	[dreg:$0x2] =	wrdreg s4  }
0xd: {  	s3 =	sadd.s32 $0x27000, s3;
	s17 =	sadd.s32 $0x2800, s25;
	[dreg:$0x3] =	wrdreg s16  }
0xe: {  	s0 =	smax.u32 s0, $0x1;
	s18 =	sadd.s32 $0x3C00, s25;
	[dreg:$0x4] =	wrdreg s17  }
0xf: {  	s1 =	sadd.s32 s6, s1;
	p1 =	sne.s32 s0, $0x1;
	[dreg:$0x5] =	wrdreg s18  }
0x10: {  	s19 =	sadd.s32 $0x5000, s1;
	s20 =	sadd.s32 $0x6400, s1;
	s21 =	sadd.s32 $0x7800, s1  }
0x11: {  	s22 =	sadd.s32 $0x8C00, s1;
	s23 =	sadd.s32 $0xA000, s1;
	s26 =	sadd.s32 $0xB400, s1  }
0x12: {  	s16 =	sadd.s32 $0xC800, s1;
	s14 =	sadd.s32 $0xDC00, s1;
	[dreg:$0x6] =	wrdreg s19  }
0x13: {  	s13 =	sadd.s32 $0xF000, s1;
	s11 =	sadd.s32 $0x10400, s1;
	[dreg:$0x7] =	wrdreg s20  }
0x14: {  	s6 =	sadd.s32 $0x11800, s1;
	s5 =	sadd.s32 $0x12C00, s1;
	[dreg:$0x8] =	wrdreg s21  }
.Ltmp0:
0x15: {  	s4 =	simm.s32 $0x3;
	[dreg:$0x9] =	wrdreg s22;
	(pc) =	sbr.rel @!p1 .LBB2_3-.Ltmp0, $4  }
0x16: {  	s1 =	sadd.s32 $0xFFFFFFFF, s0;
	s18 =	simm.s32 $0x1040;
	[dreg:$0xa] =	wrdreg s23  }
0x17: {  	s17 =	simm.s32 $0x1180;
	[dreg:$0xb] =	wrdreg s26;
	s26 =	simm.s32 $0x780  }
0x18: {  	s23 =	simm.s32 $0xA00;
	s22 =	simm.s32 $0xB40;
	s21 =	simm.s32 $0xC80  }
0x19: {  	s20 =	simm.s32 $0xDC0;
	s19 =	simm.s32 $0xF00;
	s0 =	rddreg [dreg:$0x2]  }
0x1a: {  	[tilespmem:s2], [sflag:$0x3] =	stream.linear.gather [hbm4b:s0+s2], $0x1400, $0x38;
	[tilespmem:$0x15400] =	vst v63  }
0x1b: {  	_ =	swait.ge [sflag:s4], $0x1400  }
0x1c: {  	[sflag:s4] =	ssyncset.done $0x0  }
0x1d: {  	[sflag:s4] =	ssyncadd.s32 $0xFFFFEC00  }
0x1e: {  	[tilespmem:s10], [sflag:$0x1] =	stream.indirect.gather [hbm4b:s3+s9], $0x80, s2, s9, $0xb8;
	[tilespmem:$0x15400] =	vst v63  }
0x1f: {  	_ =	swait.ge [sflag:s12], $0xA000  }
0x20: {  	[sflag:s12] =	ssyncset.done $0x0  }
0x21: {  	[sflag:s12] =	ssyncadd.s32 $0xFFFF6000  }
0x22: {  	[tilespmem:s7], [sflag:$0x2] =	stream.indirect.gather [hbm4b:s3+s9], $0x80, s9, s9, $0xb8;
	[tilespmem:$0x15400] =	vst v63  }
0x23: {  	_ = 	snop  }
0x24: {  	[hbm4b:s25+s2] =	stream.linear.scatter [tilespmem:s10], [sflag:$0x3], $0xA000, $0x38;
	[tilespmem:$0x15400] =	vst v63  }
0x25: {  	_ =	swait.ge [sflag:s4], $0xA000  }
0x26: {  	[sflag:s4] =	ssyncset.done $0x0  }
0x27: {  	[sflag:s4] =	ssyncadd.s32 $0xFFFF6000  }
0x28: {  	_ =	swait.ge [sflag:s8], $0xA000  }
0x29: {  	[sflag:s8] =	ssyncset.done $0x0  }
0x2a: {  	[sflag:s8] =	ssyncadd.s32 $0xFFFF6000  }
0x2b: {  	[tilespmem:s10], [sflag:$0x1] =	stream.indirect.gather [hbm4b:s3+s9], $0x80, s31, s9, $0xb8;
	[tilespmem:$0x15400] =	vst v63  }
0x2c: {  	s0 =	rddreg [dreg:$0x3]  }
0x2d: {  	[hbm4b:s0+s2] =	stream.linear.scatter [tilespmem:s7], [sflag:$0x3], $0xA000, $0x38;
	[tilespmem:$0x15400] =	vst v63  }
0x2e: {  	_ =	swait.ge [sflag:s4], $0xA000  }
0x2f: {  	[sflag:s4] =	ssyncset.done $0x0  }
0x30: {  	[sflag:s4] =	ssyncadd.s32 $0xFFFF6000  }
0x31: {  	_ =	swait.ge [sflag:s12], $0xA000  }
0x32: {  	[sflag:s12] =	ssyncset.done $0x0  }
0x33: {  	[sflag:s12] =	ssyncadd.s32 $0xFFFF6000  }
0x34: {  	[tilespmem:s7], [sflag:$0x2] =	stream.indirect.gather [hbm4b:s3+s9], $0x80, s30, s9, $0xb8;
	[tilespmem:$0x15400] =	vst v63  }
0x35: {  	s0 =	rddreg [dreg:$0x4]  }
0x36: {  	[hbm4b:s0+s2] =	stream.linear.scatter [tilespmem:s10], [sflag:$0x3], $0xA000, $0x38;
	[tilespmem:$0x15400] =	vst v63  }
0x37: {  	_ =	swait.ge [sflag:s4], $0xA000  }
0x38: {  	[sflag:s4] =	ssyncset.done $0x0  }
0x39: {  	[sflag:s4] =	ssyncadd.s32 $0xFFFF6000  }
0x3a: {  	_ =	swait.ge [sflag:s8], $0xA000  }
0x3b: {  	[sflag:s8] =	ssyncset.done $0x0  }
0x3c: {  	[sflag:s8] =	ssyncadd.s32 $0xFFFF6000  }
0x3d: {  	[tilespmem:s10], [sflag:$0x1] =	stream.indirect.gather [hbm4b:s3+s9], $0x80, s29, s9, $0xb8;
	[tilespmem:$0x15400] =	vst v63  }
0x3e: {  	s0 =	rddreg [dreg:$0x5]  }
0x3f: {  	[hbm4b:s0+s2] =	stream.linear.scatter [tilespmem:s7], [sflag:$0x3], $0xA000, $0x38;
	[tilespmem:$0x15400] =	vst v63  }
0x40: {  	_ =	swait.ge [sflag:s4], $0xA000  }
0x41: {  	[sflag:s4] =	ssyncset.done $0x0  }
0x42: {  	[sflag:s4] =	ssyncadd.s32 $0xFFFF6000  }
0x43: {  	_ =	swait.ge [sflag:s12], $0xA000  }
0x44: {  	[sflag:s12] =	ssyncset.done $0x0  }
0x45: {  	[sflag:s12] =	ssyncadd.s32 $0xFFFF6000  }
0x46: {  	[tilespmem:s7], [sflag:$0x2] =	stream.indirect.gather [hbm4b:s3+s9], $0x80, s28, s9, $0xb8;
	[tilespmem:$0x15400] =	vst v63  }
0x47: {  	s0 =	rddreg [dreg:$0x6]  }
0x48: {  	[hbm4b:s0+s2] =	stream.linear.scatter [tilespmem:s10], [sflag:$0x3], $0xA000, $0x38;
	[tilespmem:$0x15400] =	vst v63  }
0x49: {  	_ =	swait.ge [sflag:s4], $0xA000  }
0x4a: {  	[sflag:s4] =	ssyncset.done $0x0  }
0x4b: {  	[sflag:s4] =	ssyncadd.s32 $0xFFFF6000  }
0x4c: {  	_ =	swait.ge [sflag:s8], $0xA000  }
0x4d: {  	[sflag:s8] =	ssyncset.done $0x0  }
0x4e: {  	[sflag:s8] =	ssyncadd.s32 $0xFFFF6000  }
0x4f: {  	[tilespmem:s10], [sflag:$0x1] =	stream.indirect.gather [hbm4b:s3+s9], $0x80, s26, s9, $0xb8;
	[tilespmem:$0x15400] =	vst v63  }
0x50: {  	s0 =	rddreg [dreg:$0x7]  }
0x51: {  	[hbm4b:s0+s2] =	stream.linear.scatter [tilespmem:s7], [sflag:$0x3], $0xA000, $0x38;
	[tilespmem:$0x15400] =	vst v63  }
0x52: {  	_ =	swait.ge [sflag:s4], $0xA000  }
0x53: {  	[sflag:s4] =	ssyncset.done $0x0  }
0x54: {  	[sflag:s4] =	ssyncadd.s32 $0xFFFF6000  }
0x55: {  	_ =	swait.ge [sflag:s12], $0xA000  }
0x56: {  	[sflag:s12] =	ssyncset.done $0x0  }
0x57: {  	[sflag:s12] =	ssyncadd.s32 $0xFFFF6000  }
0x58: {  	[tilespmem:s7], [sflag:$0x2] =	stream.indirect.gather [hbm4b:s3+s9], $0x80, s24, s9, $0xb8;
	[tilespmem:$0x15400] =	vst v63  }
0x59: {  	s0 =	rddreg [dreg:$0x8]  }
0x5a: {  	[hbm4b:s0+s2] =	stream.linear.scatter [tilespmem:s10], [sflag:$0x3], $0xA000, $0x38;
	[tilespmem:$0x15400] =	vst v63  }
0x5b: {  	_ =	swait.ge [sflag:s4], $0xA000  }
0x5c: {  	[sflag:s4] =	ssyncset.done $0x0  }
0x5d: {  	[sflag:s4] =	ssyncadd.s32 $0xFFFF6000  }
0x5e: {  	_ =	swait.ge [sflag:s8], $0xA000  }
0x5f: {  	[sflag:s8] =	ssyncset.done $0x0  }
0x60: {  	[sflag:s8] =	ssyncadd.s32 $0xFFFF6000  }
0x61: {  	[tilespmem:s10], [sflag:$0x1] =	stream.indirect.gather [hbm4b:s3+s9], $0x80, s23, s9, $0xb8;
	[tilespmem:$0x15400] =	vst v63  }
0x62: {  	s0 =	rddreg [dreg:$0x9]  }
0x63: {  	[hbm4b:s0+s2] =	stream.linear.scatter [tilespmem:s7], [sflag:$0x3], $0xA000, $0x38;
	[tilespmem:$0x15400] =	vst v63  }
0x64: {  	_ =	swait.ge [sflag:s4], $0xA000  }
0x65: {  	[sflag:s4] =	ssyncset.done $0x0  }
0x66: {  	[sflag:s4] =	ssyncadd.s32 $0xFFFF6000  }
0x67: {  	_ =	swait.ge [sflag:s12], $0xA000  }
0x68: {  	[sflag:s12] =	ssyncset.done $0x0  }
0x69: {  	[sflag:s12] =	ssyncadd.s32 $0xFFFF6000  }
0x6a: {  	[tilespmem:s7], [sflag:$0x2] =	stream.indirect.gather [hbm4b:s3+s9], $0x80, s22, s9, $0xb8;
	[tilespmem:$0x15400] =	vst v63  }
0x6b: {  	s0 =	rddreg [dreg:$0xa]  }
0x6c: {  	[hbm4b:s0+s2] =	stream.linear.scatter [tilespmem:s10], [sflag:$0x3], $0xA000, $0x38;
	[tilespmem:$0x15400] =	vst v63  }
0x6d: {  	_ =	swait.ge [sflag:s4], $0xA000  }
0x6e: {  	[sflag:s4] =	ssyncset.done $0x0  }
0x6f: {  	[sflag:s4] =	ssyncadd.s32 $0xFFFF6000  }
0x70: {  	_ =	swait.ge [sflag:s8], $0xA000  }
0x71: {  	[sflag:s8] =	ssyncset.done $0x0  }
0x72: {  	[sflag:s8] =	ssyncadd.s32 $0xFFFF6000  }
0x73: {  	[tilespmem:s10], [sflag:$0x1] =	stream.indirect.gather [hbm4b:s3+s9], $0x80, s21, s9, $0xb8;
	[tilespmem:$0x15400] =	vst v63  }
0x74: {  	s0 =	rddreg [dreg:$0xb]  }
0x75: {  	[hbm4b:s0+s2] =	stream.linear.scatter [tilespmem:s7], [sflag:$0x3], $0xA000, $0x38;
	[tilespmem:$0x15400] =	vst v63  }
0x76: {  	_ =	swait.ge [sflag:s4], $0xA000  }
0x77: {  	[sflag:s4] =	ssyncset.done $0x0  }
0x78: {  	[sflag:s4] =	ssyncadd.s32 $0xFFFF6000  }
0x79: {  	_ =	swait.ge [sflag:s12], $0xA000  }
0x7a: {  	[sflag:s12] =	ssyncset.done $0x0  }
0x7b: {  	[sflag:s12] =	ssyncadd.s32 $0xFFFF6000  }
0x7c: {  	[tilespmem:s7], [sflag:$0x2] =	stream.indirect.gather [hbm4b:s3+s9], $0x80, s20, s9, $0xb8;
	[tilespmem:$0x15400] =	vst v63  }
0x7d: {  	_ = 	snop  }
0x7e: {  	[hbm4b:s16+s2] =	stream.linear.scatter [tilespmem:s10], [sflag:$0x3], $0xA000, $0x38;
	[tilespmem:$0x15400] =	vst v63  }
0x7f: {  	_ =	swait.ge [sflag:s4], $0xA000  }
0x80: {  	[sflag:s4] =	ssyncset.done $0x0  }
0x81: {  	[sflag:s4] =	ssyncadd.s32 $0xFFFF6000  }
0x82: {  	_ =	swait.ge [sflag:s8], $0xA000  }
0x83: {  	[sflag:s8] =	ssyncset.done $0x0  }
0x84: {  	[sflag:s8] =	ssyncadd.s32 $0xFFFF6000  }
0x85: {  	[tilespmem:s10], [sflag:$0x1] =	stream.indirect.gather [hbm4b:s3+s9], $0x80, s19, s9, $0xb8;
	[tilespmem:$0x15400] =	vst v63  }
0x86: {  	_ = 	snop  }
0x87: {  	[hbm4b:s14+s2] =	stream.linear.scatter [tilespmem:s7], [sflag:$0x3], $0xA000, $0x38;
	[tilespmem:$0x15400] =	vst v63  }
0x88: {  	_ =	swait.ge [sflag:s4], $0xA000  }
0x89: {  	[sflag:s4] =	ssyncset.done $0x0  }
0x8a: {  	[sflag:s4] =	ssyncadd.s32 $0xFFFF6000  }
0x8b: {  	_ =	swait.ge [sflag:s12], $0xA000  }
0x8c: {  	[sflag:s12] =	ssyncset.done $0x0  }
0x8d: {  	[sflag:s12] =	ssyncadd.s32 $0xFFFF6000  }
0x8e: {  	[tilespmem:s7], [sflag:$0x2] =	stream.indirect.gather [hbm4b:s3+s9], $0x80, s18, s9, $0xb8;
	[tilespmem:$0x15400] =	vst v63  }
0x8f: {  	_ = 	snop  }
0x90: {  	[hbm4b:s13+s2] =	stream.linear.scatter [tilespmem:s10], [sflag:$0x3], $0xA000, $0x38;
	[tilespmem:$0x15400] =	vst v63  }
0x91: {  	_ =	swait.ge [sflag:s4], $0xA000  }
0x92: {  	[sflag:s4] =	ssyncset.done $0x0  }
0x93: {  	[sflag:s4] =	ssyncadd.s32 $0xFFFF6000  }
0x94: {  	_ =	swait.ge [sflag:s8], $0xA000  }
0x95: {  	[sflag:s8] =	ssyncset.done $0x0  }
0x96: {  	[sflag:s8] =	ssyncadd.s32 $0xFFFF6000  }
0x97: {  	[tilespmem:s10], [sflag:$0x1] =	stream.indirect.gather [hbm4b:s3+s9], $0x80, s17, s9, $0xb8;
	[tilespmem:$0x15400] =	vst v63  }
0x98: {  	_ = 	snop  }
0x99: {  	[hbm4b:s11+s2] =	stream.linear.scatter [tilespmem:s7], [sflag:$0x3], $0xA000, $0x38;
	[tilespmem:$0x15400] =	vst v63  }
0x9a: {  	_ =	swait.ge [sflag:s4], $0xA000  }
0x9b: {  	[sflag:s4] =	ssyncset.done $0x0  }
0x9c: {  	[sflag:s4] =	ssyncadd.s32 $0xFFFF6000  }
0x9d: {  	_ =	swait.ge [sflag:s12], $0xA000  }
0x9e: {  	[sflag:s12] =	ssyncset.done $0x0  }
0x9f: {  	[sflag:s12] =	ssyncadd.s32 $0xFFFF6000  }
0xa0: {  	[tilespmem:s7], [sflag:$0x2] =	stream.indirect.gather [hbm4b:s3+s9], $0x80, s15, s9, $0xb8;
	[tilespmem:$0x15400] =	vst v63  }
0xa1: {  	_ = 	snop  }
0xa2: {  	[hbm4b:s6+s2] =	stream.linear.scatter [tilespmem:s10], [sflag:$0x3], $0xA000, $0x38;
	[tilespmem:$0x15400] =	vst v63  }
0xa3: {  	_ =	swait.ge [sflag:s4], $0xA000  }
0xa4: {  	[sflag:s4] =	ssyncset.done $0x0  }
0xa5: {  	[sflag:s4] =	ssyncadd.s32 $0xFFFF6000  }
0xa6: {  	p1 =	sne.s32 s1, $0x1;
	_ =	swait.ge [sflag:s8], $0xA000  }
.Ltmp1:
0xa7: {  	[sflag:s8] =	ssyncset.done $0x0;
	(pc) =	sbr.rel @!p1 .LBB2_3-.Ltmp1, $4  }
0xa8: {  	[sflag:s8] =	ssyncadd.s32 $0xFFFF6000  }
0xa9: {  	[hbm4b:s5+s2] =	stream.linear.scatter [tilespmem:s7], [sflag:$0x3], $0xA000, $0x38;
	[tilespmem:$0x15400] =	vst v63  }
0xaa: {  	s1 =	sadd.s32 $0xFFFFFFFF, s1;
	_ =	swait.ge [sflag:s4], $0xA000  }
0xab: {  	p0 =	por $0x1, $0x1;
	s0 =	rddreg [dreg:$0x2];
	[sflag:s4] =	ssyncset.done $0x0  }
.LBB2_2:
0xac: {  	[sflag:s4] =	ssyncadd.s32 $0xFFFF6000  }
0xad: {  	[tilespmem:s2], [sflag:$0x3] =	stream.linear.gather [hbm4b:s0+s2], $0x1400, $0x38;
	[tilespmem:$0x15400] =	vst v63  }
0xae: {  	_ =	swait.ge [sflag:s4], $0x1400  }
0xaf: {  	[sflag:s4] =	ssyncset.done $0x0  }
0xb0: {  	[sflag:s4] =	ssyncadd.s32 $0xFFFFEC00  }
0xb1: {  	[tilespmem:s10], [sflag:$0x1] =	stream.indirect.gather [hbm4b:s3+s9], $0x80, s2, s9, $0xb8;
	[tilespmem:$0x15400] =	vst v63  }
0xb2: {  	_ =	swait.ge [sflag:s12], $0xA000  }
0xb3: {  	[sflag:s12] =	ssyncset.done $0x0  }
0xb4: {  	[sflag:s12] =	ssyncadd.s32 $0xFFFF6000  }
0xb5: {  	[tilespmem:s7], [sflag:$0x2] =	stream.indirect.gather [hbm4b:s3+s9], $0x80, s9, s9, $0xb8;
	[tilespmem:$0x15400] =	vst v63  }
0xb6: {  	_ = 	snop  }
0xb7: {  	[hbm4b:s25+s2] =	stream.linear.scatter [tilespmem:s10], [sflag:$0x3], $0xA000, $0x38;
	[tilespmem:$0x15400] =	vst v63  }
0xb8: {  	_ =	swait.ge [sflag:s4], $0xA000  }
0xb9: {  	[sflag:s4] =	ssyncset.done $0x0  }
0xba: {  	[sflag:s4] =	ssyncadd.s32 $0xFFFF6000  }
0xbb: {  	_ =	swait.ge [sflag:s8], $0xA000  }
0xbc: {  	[sflag:s8] =	ssyncset.done $0x0  }
0xbd: {  	[sflag:s8] =	ssyncadd.s32 $0xFFFF6000  }
0xbe: {  	[tilespmem:s10], [sflag:$0x1] =	stream.indirect.gather [hbm4b:s3+s9], $0x80, s31, s9, $0xb8;
	[tilespmem:$0x15400] =	vst v63  }
0xbf: {  	s0 =	rddreg [dreg:$0x3]  }
0xc0: {  	[hbm4b:s0+s2] =	stream.linear.scatter [tilespmem:s7], [sflag:$0x3], $0xA000, $0x38;
	[tilespmem:$0x15400] =	vst v63  }
0xc1: {  	_ =	swait.ge [sflag:s4], $0xA000  }
0xc2: {  	[sflag:s4] =	ssyncset.done $0x0  }
0xc3: {  	[sflag:s4] =	ssyncadd.s32 $0xFFFF6000  }
0xc4: {  	_ =	swait.ge [sflag:s12], $0xA000  }
0xc5: {  	[sflag:s12] =	ssyncset.done $0x0  }
0xc6: {  	[sflag:s12] =	ssyncadd.s32 $0xFFFF6000  }
0xc7: {  	[tilespmem:s7], [sflag:$0x2] =	stream.indirect.gather [hbm4b:s3+s9], $0x80, s30, s9, $0xb8;
	[tilespmem:$0x15400] =	vst v63  }
0xc8: {  	s0 =	rddreg [dreg:$0x4]  }
0xc9: {  	[hbm4b:s0+s2] =	stream.linear.scatter [tilespmem:s10], [sflag:$0x3], $0xA000, $0x38;
	[tilespmem:$0x15400] =	vst v63  }
0xca: {  	_ =	swait.ge [sflag:s4], $0xA000  }
0xcb: {  	[sflag:s4] =	ssyncset.done $0x0  }
0xcc: {  	[sflag:s4] =	ssyncadd.s32 $0xFFFF6000  }
0xcd: {  	_ =	swait.ge [sflag:s8], $0xA000  }
0xce: {  	[sflag:s8] =	ssyncset.done $0x0  }
0xcf: {  	[sflag:s8] =	ssyncadd.s32 $0xFFFF6000  }
0xd0: {  	[tilespmem:s10], [sflag:$0x1] =	stream.indirect.gather [hbm4b:s3+s9], $0x80, s29, s9, $0xb8;
	[tilespmem:$0x15400] =	vst v63  }
0xd1: {  	s0 =	rddreg [dreg:$0x5]  }
0xd2: {  	[hbm4b:s0+s2] =	stream.linear.scatter [tilespmem:s7], [sflag:$0x3], $0xA000, $0x38;
	[tilespmem:$0x15400] =	vst v63  }
0xd3: {  	_ =	swait.ge [sflag:s4], $0xA000  }
0xd4: {  	[sflag:s4] =	ssyncset.done $0x0  }
0xd5: {  	[sflag:s4] =	ssyncadd.s32 $0xFFFF6000  }
0xd6: {  	_ =	swait.ge [sflag:s12], $0xA000  }
0xd7: {  	[sflag:s12] =	ssyncset.done $0x0  }
0xd8: {  	[sflag:s12] =	ssyncadd.s32 $0xFFFF6000  }
0xd9: {  	[tilespmem:s7], [sflag:$0x2] =	stream.indirect.gather [hbm4b:s3+s9], $0x80, s28, s9, $0xb8;
	[tilespmem:$0x15400] =	vst v63  }
0xda: {  	s0 =	rddreg [dreg:$0x6]  }
0xdb: {  	[hbm4b:s0+s2] =	stream.linear.scatter [tilespmem:s10], [sflag:$0x3], $0xA000, $0x38;
	[tilespmem:$0x15400] =	vst v63  }
0xdc: {  	_ =	swait.ge [sflag:s4], $0xA000  }
0xdd: {  	[sflag:s4] =	ssyncset.done $0x0  }
0xde: {  	[sflag:s4] =	ssyncadd.s32 $0xFFFF6000  }
0xdf: {  	_ =	swait.ge [sflag:s8], $0xA000  }
0xe0: {  	[sflag:s8] =	ssyncset.done $0x0  }
0xe1: {  	[sflag:s8] =	ssyncadd.s32 $0xFFFF6000  }
0xe2: {  	[tilespmem:s10], [sflag:$0x1] =	stream.indirect.gather [hbm4b:s3+s9], $0x80, s26, s9, $0xb8;
	[tilespmem:$0x15400] =	vst v63  }
0xe3: {  	s0 =	rddreg [dreg:$0x7]  }
0xe4: {  	[hbm4b:s0+s2] =	stream.linear.scatter [tilespmem:s7], [sflag:$0x3], $0xA000, $0x38;
	[tilespmem:$0x15400] =	vst v63  }
0xe5: {  	_ =	swait.ge [sflag:s4], $0xA000  }
0xe6: {  	[sflag:s4] =	ssyncset.done $0x0  }
0xe7: {  	[sflag:s4] =	ssyncadd.s32 $0xFFFF6000  }
0xe8: {  	_ =	swait.ge [sflag:s12], $0xA000  }
0xe9: {  	[sflag:s12] =	ssyncset.done $0x0  }
0xea: {  	[sflag:s12] =	ssyncadd.s32 $0xFFFF6000  }
0xeb: {  	[tilespmem:s7], [sflag:$0x2] =	stream.indirect.gather [hbm4b:s3+s9], $0x80, s24, s9, $0xb8;
	[tilespmem:$0x15400] =	vst v63  }
0xec: {  	s0 =	rddreg [dreg:$0x8]  }
0xed: {  	[hbm4b:s0+s2] =	stream.linear.scatter [tilespmem:s10], [sflag:$0x3], $0xA000, $0x38;
	[tilespmem:$0x15400] =	vst v63  }
0xee: {  	_ =	swait.ge [sflag:s4], $0xA000  }
0xef: {  	[sflag:s4] =	ssyncset.done $0x0  }
0xf0: {  	[sflag:s4] =	ssyncadd.s32 $0xFFFF6000  }
0xf1: {  	_ =	swait.ge [sflag:s8], $0xA000  }
0xf2: {  	[sflag:s8] =	ssyncset.done $0x0  }
0xf3: {  	[sflag:s8] =	ssyncadd.s32 $0xFFFF6000  }
0xf4: {  	[tilespmem:s10], [sflag:$0x1] =	stream.indirect.gather [hbm4b:s3+s9], $0x80, s23, s9, $0xb8;
	[tilespmem:$0x15400] =	vst v63  }
0xf5: {  	s0 =	rddreg [dreg:$0x9]  }
0xf6: {  	[hbm4b:s0+s2] =	stream.linear.scatter [tilespmem:s7], [sflag:$0x3], $0xA000, $0x38;
	[tilespmem:$0x15400] =	vst v63  }
0xf7: {  	_ =	swait.ge [sflag:s4], $0xA000  }
0xf8: {  	[sflag:s4] =	ssyncset.done $0x0  }
0xf9: {  	[sflag:s4] =	ssyncadd.s32 $0xFFFF6000  }
0xfa: {  	_ =	swait.ge [sflag:s12], $0xA000  }
0xfb: {  	[sflag:s12] =	ssyncset.done $0x0  }
0xfc: {  	[sflag:s12] =	ssyncadd.s32 $0xFFFF6000  }
0xfd: {  	[tilespmem:s7], [sflag:$0x2] =	stream.indirect.gather [hbm4b:s3+s9], $0x80, s22, s9, $0xb8;
	[tilespmem:$0x15400] =	vst v63  }
0xfe: {  	s0 =	rddreg [dreg:$0xa]  }
0xff: {  	[hbm4b:s0+s2] =	stream.linear.scatter [tilespmem:s10], [sflag:$0x3], $0xA000, $0x38;
	[tilespmem:$0x15400] =	vst v63  }
0x100: {  	_ =	swait.ge [sflag:s4], $0xA000  }
0x101: {  	[sflag:s4] =	ssyncset.done $0x0  }
0x102: {  	[sflag:s4] =	ssyncadd.s32 $0xFFFF6000  }
0x103: {  	_ =	swait.ge [sflag:s8], $0xA000  }
0x104: {  	[sflag:s8] =	ssyncset.done $0x0  }
0x105: {  	[sflag:s8] =	ssyncadd.s32 $0xFFFF6000  }
0x106: {  	[tilespmem:s10], [sflag:$0x1] =	stream.indirect.gather [hbm4b:s3+s9], $0x80, s21, s9, $0xb8;
	[tilespmem:$0x15400] =	vst v63  }
0x107: {  	s0 =	rddreg [dreg:$0xb]  }
0x108: {  	[hbm4b:s0+s2] =	stream.linear.scatter [tilespmem:s7], [sflag:$0x3], $0xA000, $0x38;
	[tilespmem:$0x15400] =	vst v63  }
0x109: {  	_ =	swait.ge [sflag:s4], $0xA000  }
0x10a: {  	[sflag:s4] =	ssyncset.done $0x0  }
0x10b: {  	[sflag:s4] =	ssyncadd.s32 $0xFFFF6000  }
0x10c: {  	_ =	swait.ge [sflag:s12], $0xA000  }
0x10d: {  	[sflag:s12] =	ssyncset.done $0x0  }
0x10e: {  	[sflag:s12] =	ssyncadd.s32 $0xFFFF6000  }
0x10f: {  	[tilespmem:s7], [sflag:$0x2] =	stream.indirect.gather [hbm4b:s3+s9], $0x80, s20, s9, $0xb8;
	[tilespmem:$0x15400] =	vst v63  }
0x110: {  	_ = 	snop  }
0x111: {  	[hbm4b:s16+s2] =	stream.linear.scatter [tilespmem:s10], [sflag:$0x3], $0xA000, $0x38;
	[tilespmem:$0x15400] =	vst v63  }
0x112: {  	_ =	swait.ge [sflag:s4], $0xA000  }
0x113: {  	[sflag:s4] =	ssyncset.done $0x0  }
0x114: {  	[sflag:s4] =	ssyncadd.s32 $0xFFFF6000  }
0x115: {  	_ =	swait.ge [sflag:s8], $0xA000  }
0x116: {  	[sflag:s8] =	ssyncset.done $0x0  }
0x117: {  	[sflag:s8] =	ssyncadd.s32 $0xFFFF6000  }
0x118: {  	[tilespmem:s10], [sflag:$0x1] =	stream.indirect.gather [hbm4b:s3+s9], $0x80, s19, s9, $0xb8;
	[tilespmem:$0x15400] =	vst v63  }
0x119: {  	_ = 	snop  }
0x11a: {  	[hbm4b:s14+s2] =	stream.linear.scatter [tilespmem:s7], [sflag:$0x3], $0xA000, $0x38;
	[tilespmem:$0x15400] =	vst v63  }
0x11b: {  	_ =	swait.ge [sflag:s4], $0xA000  }
0x11c: {  	[sflag:s4] =	ssyncset.done $0x0  }
0x11d: {  	[sflag:s4] =	ssyncadd.s32 $0xFFFF6000  }
0x11e: {  	_ =	swait.ge [sflag:s12], $0xA000  }
0x11f: {  	[sflag:s12] =	ssyncset.done $0x0  }
0x120: {  	[sflag:s12] =	ssyncadd.s32 $0xFFFF6000  }
0x121: {  	[tilespmem:s7], [sflag:$0x2] =	stream.indirect.gather [hbm4b:s3+s9], $0x80, s18, s9, $0xb8;
	[tilespmem:$0x15400] =	vst v63  }
0x122: {  	_ = 	snop  }
0x123: {  	[hbm4b:s13+s2] =	stream.linear.scatter [tilespmem:s10], [sflag:$0x3], $0xA000, $0x38;
	[tilespmem:$0x15400] =	vst v63  }
0x124: {  	_ =	swait.ge [sflag:s4], $0xA000  }
0x125: {  	[sflag:s4] =	ssyncset.done $0x0  }
0x126: {  	[sflag:s4] =	ssyncadd.s32 $0xFFFF6000  }
0x127: {  	_ =	swait.ge [sflag:s8], $0xA000  }
0x128: {  	[sflag:s8] =	ssyncset.done $0x0  }
0x129: {  	[sflag:s8] =	ssyncadd.s32 $0xFFFF6000  }
0x12a: {  	[tilespmem:s10], [sflag:$0x1] =	stream.indirect.gather [hbm4b:s3+s9], $0x80, s17, s9, $0xb8;
	[tilespmem:$0x15400] =	vst v63  }
0x12b: {  	_ = 	snop  }
0x12c: {  	[hbm4b:s11+s2] =	stream.linear.scatter [tilespmem:s7], [sflag:$0x3], $0xA000, $0x38;
	[tilespmem:$0x15400] =	vst v63  }
0x12d: {  	_ =	swait.ge [sflag:s4], $0xA000  }
0x12e: {  	[sflag:s4] =	ssyncset.done $0x0  }
0x12f: {  	[sflag:s4] =	ssyncadd.s32 $0xFFFF6000  }
0x130: {  	_ =	swait.ge [sflag:s12], $0xA000  }
0x131: {  	[sflag:s12] =	ssyncset.done $0x0  }
0x132: {  	[sflag:s12] =	ssyncadd.s32 $0xFFFF6000  }
0x133: {  	[tilespmem:s7], [sflag:$0x2] =	stream.indirect.gather [hbm4b:s3+s9], $0x80, s15, s9, $0xb8;
	[tilespmem:$0x15400] =	vst v63  }
0x134: {  	_ = 	snop  }
0x135: {  	[hbm4b:s6+s2] =	stream.linear.scatter [tilespmem:s10], [sflag:$0x3], $0xA000, $0x38;
	[tilespmem:$0x15400] =	vst v63  }
0x136: {  	_ =	swait.ge [sflag:s4], $0xA000  }
0x137: {  	[sflag:s4] =	ssyncset.done $0x0  }
0x138: {  	[sflag:s4] =	ssyncadd.s32 $0xFFFF6000  }
0x139: {  	p1 =	sne.s32 s1, $0x1;
	_ =	swait.ge [sflag:s8], $0xA000  }
.Ltmp2:
0x13a: {  	[sflag:s8] =	ssyncset.done $0x0;
	(pc) =	sbr.rel @p1 .LBB2_2-.Ltmp2, $4  }
0x13b: {  	[sflag:s8] =	ssyncadd.s32 $0xFFFF6000  }
0x13c: {  	[hbm4b:s5+s2] =	stream.linear.scatter [tilespmem:s7], [sflag:$0x3], $0xA000, $0x38;
	[tilespmem:$0x15400] =	vst v63  }
0x13d: {  	_ =	swait.ge [sflag:s4], $0xA000  }
0x13e: {  	s1 =	sadd.s32 $0xFFFFFFFF, s1;
	s0 =	rddreg [dreg:$0x2];
	[sflag:s4] =	ssyncset.done $0x0  }
.LBB2_3:
0x13f: {  	[sflag:s4] =	ssyncadd.s32 @p0 $0xFFFF6000  }
0x140: {  	[tilespmem:s2], [sflag:$0x3] =	stream.linear.gather [hbm4b:s0+s2], $0x1400, $0x38;
	[tilespmem:$0x15400] =	vst v63  }
0x141: {  	_ =	swait.ge [sflag:s4], $0x1400  }
0x142: {  	[sflag:s4] =	ssyncset.done $0x0  }
0x143: {  	[sflag:s4] =	ssyncadd.s32 $0xFFFFEC00  }
0x144: {  	[tilespmem:s10], [sflag:$0x1] =	stream.indirect.gather [hbm4b:s3+s9], $0x80, s2, s9, $0xb8;
	[tilespmem:$0x15400] =	vst v63  }
0x145: {  	_ =	swait.ge [sflag:s12], $0xA000  }
0x146: {  	[sflag:s12] =	ssyncset.done $0x0  }
0x147: {  	[sflag:s12] =	ssyncadd.s32 $0xFFFF6000  }
0x148: {  	[tilespmem:s7], [sflag:$0x2] =	stream.indirect.gather [hbm4b:s3+s9], $0x80, s9, s9, $0xb8;
	[tilespmem:$0x15400] =	vst v63  }
0x149: {  	_ = 	snop  }
0x14a: {  	[hbm4b:s25+s2] =	stream.linear.scatter [tilespmem:s10], [sflag:$0x3], $0xA000, $0x38;
	[tilespmem:$0x15400] =	vst v63  }
0x14b: {  	_ =	swait.ge [sflag:s4], $0xA000  }
0x14c: {  	[sflag:s4] =	ssyncset.done $0x0  }
0x14d: {  	[sflag:s4] =	ssyncadd.s32 $0xFFFF6000  }
0x14e: {  	_ =	swait.ge [sflag:s8], $0xA000  }
0x14f: {  	[sflag:s8] =	ssyncset.done $0x0  }
0x150: {  	[sflag:s8] =	ssyncadd.s32 $0xFFFF6000  }
0x151: {  	[tilespmem:s10], [sflag:$0x1] =	stream.indirect.gather [hbm4b:s3+s9], $0x80, s31, s9, $0xb8;
	[tilespmem:$0x15400] =	vst v63  }
0x152: {  	s1 =	rddreg [dreg:$0x3]  }
0x153: {  	[hbm4b:s1+s2] =	stream.linear.scatter [tilespmem:s7], [sflag:$0x3], $0xA000, $0x38;
	[tilespmem:$0x15400] =	vst v63  }
0x154: {  	_ =	swait.ge [sflag:s4], $0xA000  }
0x155: {  	[sflag:s4] =	ssyncset.done $0x0  }
0x156: {  	[sflag:s4] =	ssyncadd.s32 $0xFFFF6000  }
0x157: {  	_ =	swait.ge [sflag:s12], $0xA000  }
0x158: {  	[sflag:s12] =	ssyncset.done $0x0  }
0x159: {  	[sflag:s12] =	ssyncadd.s32 $0xFFFF6000  }
0x15a: {  	[tilespmem:s7], [sflag:$0x2] =	stream.indirect.gather [hbm4b:s3+s9], $0x80, s30, s9, $0xb8;
	[tilespmem:$0x15400] =	vst v63  }
0x15b: {  	s25 =	rddreg [dreg:$0x4]  }
0x15c: {  	[hbm4b:s25+s2] =	stream.linear.scatter [tilespmem:s10], [sflag:$0x3], $0xA000, $0x38;
	[tilespmem:$0x15400] =	vst v63  }
0x15d: {  	_ =	swait.ge [sflag:s4], $0xA000  }
0x15e: {  	[sflag:s4] =	ssyncset.done $0x0  }
0x15f: {  	[sflag:s4] =	ssyncadd.s32 $0xFFFF6000  }
0x160: {  	_ =	swait.ge [sflag:s8], $0xA000  }
0x161: {  	[sflag:s8] =	ssyncset.done $0x0  }
0x162: {  	[sflag:s8] =	ssyncadd.s32 $0xFFFF6000  }
0x163: {  	[tilespmem:s10], [sflag:$0x1] =	stream.indirect.gather [hbm4b:s3+s9], $0x80, s29, s9, $0xb8;
	[tilespmem:$0x15400] =	vst v63  }
0x164: {  	s31 =	rddreg [dreg:$0x5]  }
0x165: {  	[hbm4b:s31+s2] =	stream.linear.scatter [tilespmem:s7], [sflag:$0x3], $0xA000, $0x38;
	[tilespmem:$0x15400] =	vst v63  }
0x166: {  	_ =	swait.ge [sflag:s4], $0xA000  }
0x167: {  	[sflag:s4] =	ssyncset.done $0x0  }
0x168: {  	[sflag:s4] =	ssyncadd.s32 $0xFFFF6000  }
0x169: {  	_ =	swait.ge [sflag:s12], $0xA000  }
0x16a: {  	[sflag:s12] =	ssyncset.done $0x0  }
0x16b: {  	[sflag:s12] =	ssyncadd.s32 $0xFFFF6000  }
0x16c: {  	[tilespmem:s7], [sflag:$0x2] =	stream.indirect.gather [hbm4b:s3+s9], $0x80, s28, s9, $0xb8;
	[tilespmem:$0x15400] =	vst v63  }
0x16d: {  	s1 =	rddreg [dreg:$0x6]  }
0x16e: {  	[hbm4b:s1+s2] =	stream.linear.scatter [tilespmem:s10], [sflag:$0x3], $0xA000, $0x38;
	[tilespmem:$0x15400] =	vst v63  }
0x16f: {  	_ =	swait.ge [sflag:s4], $0xA000  }
0x170: {  	[sflag:s4] =	ssyncset.done $0x0  }
0x171: {  	[sflag:s4] =	ssyncadd.s32 $0xFFFF6000  }
0x172: {  	_ =	swait.ge [sflag:s8], $0xA000  }
0x173: {  	[sflag:s8] =	ssyncset.done $0x0  }
0x174: {  	[sflag:s8] =	ssyncadd.s32 $0xFFFF6000  }
0x175: {  	[tilespmem:s10], [sflag:$0x1] =	stream.indirect.gather [hbm4b:s3+s9], $0x80, s26, s9, $0xb8;
	[tilespmem:$0x15400] =	vst v63  }
0x176: {  	s25 =	rddreg [dreg:$0x7]  }
0x177: {  	[hbm4b:s25+s2] =	stream.linear.scatter [tilespmem:s7], [sflag:$0x3], $0xA000, $0x38;
	[tilespmem:$0x15400] =	vst v63  }
0x178: {  	_ =	swait.ge [sflag:s4], $0xA000  }
0x179: {  	[sflag:s4] =	ssyncset.done $0x0  }
0x17a: {  	[sflag:s4] =	ssyncadd.s32 $0xFFFF6000  }
0x17b: {  	_ =	swait.ge [sflag:s12], $0xA000  }
0x17c: {  	[sflag:s12] =	ssyncset.done $0x0  }
0x17d: {  	[sflag:s12] =	ssyncadd.s32 $0xFFFF6000  }
0x17e: {  	[tilespmem:s7], [sflag:$0x2] =	stream.indirect.gather [hbm4b:s3+s9], $0x80, s24, s9, $0xb8;
	[tilespmem:$0x15400] =	vst v63  }
0x17f: {  	s26 =	rddreg [dreg:$0x8]  }
0x180: {  	[hbm4b:s26+s2] =	stream.linear.scatter [tilespmem:s10], [sflag:$0x3], $0xA000, $0x38;
	[tilespmem:$0x15400] =	vst v63  }
0x181: {  	_ =	swait.ge [sflag:s4], $0xA000  }
0x182: {  	[sflag:s4] =	ssyncset.done $0x0  }
0x183: {  	[sflag:s4] =	ssyncadd.s32 $0xFFFF6000  }
0x184: {  	_ =	swait.ge [sflag:s8], $0xA000  }
0x185: {  	[sflag:s8] =	ssyncset.done $0x0  }
0x186: {  	[sflag:s8] =	ssyncadd.s32 $0xFFFF6000  }
0x187: {  	[tilespmem:s10], [sflag:$0x1] =	stream.indirect.gather [hbm4b:s3+s9], $0x80, s23, s9, $0xb8;
	[tilespmem:$0x15400] =	vst v63  }
0x188: {  	s28 =	rddreg [dreg:$0x9]  }
0x189: {  	[hbm4b:s28+s2] =	stream.linear.scatter [tilespmem:s7], [sflag:$0x3], $0xA000, $0x38;
	[tilespmem:$0x15400] =	vst v63  }
0x18a: {  	_ =	swait.ge [sflag:s4], $0xA000  }
0x18b: {  	[sflag:s4] =	ssyncset.done $0x0  }
0x18c: {  	[sflag:s4] =	ssyncadd.s32 $0xFFFF6000  }
0x18d: {  	_ =	swait.ge [sflag:s12], $0xA000  }
0x18e: {  	[sflag:s12] =	ssyncset.done $0x0  }
0x18f: {  	[sflag:s12] =	ssyncadd.s32 $0xFFFF6000  }
0x190: {  	[tilespmem:s7], [sflag:$0x2] =	stream.indirect.gather [hbm4b:s3+s9], $0x80, s22, s9, $0xb8;
	[tilespmem:$0x15400] =	vst v63  }
0x191: {  	s29 =	rddreg [dreg:$0xa]  }
0x192: {  	[hbm4b:s29+s2] =	stream.linear.scatter [tilespmem:s10], [sflag:$0x3], $0xA000, $0x38;
	[tilespmem:$0x15400] =	vst v63  }
0x193: {  	_ =	swait.ge [sflag:s4], $0xA000  }
0x194: {  	[sflag:s4] =	ssyncset.done $0x0  }
0x195: {  	[sflag:s4] =	ssyncadd.s32 $0xFFFF6000  }
0x196: {  	_ =	swait.ge [sflag:s8], $0xA000  }
0x197: {  	[sflag:s8] =	ssyncset.done $0x0  }
0x198: {  	[sflag:s8] =	ssyncadd.s32 $0xFFFF6000  }
0x199: {  	[tilespmem:s10], [sflag:$0x1] =	stream.indirect.gather [hbm4b:s3+s9], $0x80, s21, s9, $0xb8;
	[tilespmem:$0x15400] =	vst v63  }
0x19a: {  	s30 =	rddreg [dreg:$0xb]  }
0x19b: {  	[hbm4b:s30+s2] =	stream.linear.scatter [tilespmem:s7], [sflag:$0x3], $0xA000, $0x38;
	[tilespmem:$0x15400] =	vst v63  }
0x19c: {  	_ =	swait.ge [sflag:s4], $0xA000  }
0x19d: {  	[sflag:s4] =	ssyncset.done $0x0  }
0x19e: {  	[sflag:s4] =	ssyncadd.s32 $0xFFFF6000  }
0x19f: {  	_ =	swait.ge [sflag:s12], $0xA000  }
0x1a0: {  	[sflag:s12] =	ssyncset.done $0x0  }
0x1a1: {  	[sflag:s12] =	ssyncadd.s32 $0xFFFF6000  }
0x1a2: {  	[tilespmem:s7], [sflag:$0x2] =	stream.indirect.gather [hbm4b:s3+s9], $0x80, s20, s9, $0xb8;
	[tilespmem:$0x15400] =	vst v63  }
0x1a3: {  	_ = 	snop  }
0x1a4: {  	[hbm4b:s16+s2] =	stream.linear.scatter [tilespmem:s10], [sflag:$0x3], $0xA000, $0x38;
	[tilespmem:$0x15400] =	vst v63  }
0x1a5: {  	_ =	swait.ge [sflag:s4], $0xA000  }
0x1a6: {  	[sflag:s4] =	ssyncset.done $0x0  }
0x1a7: {  	[sflag:s4] =	ssyncadd.s32 $0xFFFF6000  }
0x1a8: {  	_ =	swait.ge [sflag:s8], $0xA000  }
0x1a9: {  	[sflag:s8] =	ssyncset.done $0x0  }
0x1aa: {  	[sflag:s8] =	ssyncadd.s32 $0xFFFF6000  }
0x1ab: {  	[tilespmem:s10], [sflag:$0x1] =	stream.indirect.gather [hbm4b:s3+s9], $0x80, s19, s9, $0xb8;
	[tilespmem:$0x15400] =	vst v63  }
0x1ac: {  	_ = 	snop  }
0x1ad: {  	[hbm4b:s14+s2] =	stream.linear.scatter [tilespmem:s7], [sflag:$0x3], $0xA000, $0x38;
	[tilespmem:$0x15400] =	vst v63  }
0x1ae: {  	_ =	swait.ge [sflag:s4], $0xA000  }
0x1af: {  	[sflag:s4] =	ssyncset.done $0x0  }
0x1b0: {  	[sflag:s4] =	ssyncadd.s32 $0xFFFF6000  }
0x1b1: {  	_ =	swait.ge [sflag:s12], $0xA000  }
0x1b2: {  	[sflag:s12] =	ssyncset.done $0x0  }
0x1b3: {  	[sflag:s12] =	ssyncadd.s32 $0xFFFF6000  }
0x1b4: {  	[tilespmem:s7], [sflag:$0x2] =	stream.indirect.gather [hbm4b:s3+s9], $0x80, s18, s9, $0xb8;
	[tilespmem:$0x15400] =	vst v63  }
0x1b5: {  	_ = 	snop  }
0x1b6: {  	[hbm4b:s13+s2] =	stream.linear.scatter [tilespmem:s10], [sflag:$0x3], $0xA000, $0x38;
	[tilespmem:$0x15400] =	vst v63  }
0x1b7: {  	_ =	swait.ge [sflag:s4], $0xA000  }
0x1b8: {  	[sflag:s4] =	ssyncset.done $0x0  }
0x1b9: {  	[sflag:s4] =	ssyncadd.s32 $0xFFFF6000  }
0x1ba: {  	_ =	swait.ge [sflag:s8], $0xA000  }
0x1bb: {  	[sflag:s8] =	ssyncset.done $0x0  }
0x1bc: {  	[sflag:s8] =	ssyncadd.s32 $0xFFFF6000  }
0x1bd: {  	[tilespmem:s10], [sflag:$0x1] =	stream.indirect.gather [hbm4b:s3+s9], $0x80, s17, s9, $0xb8;
	[tilespmem:$0x15400] =	vst v63  }
0x1be: {  	_ = 	snop  }
0x1bf: {  	[hbm4b:s11+s2] =	stream.linear.scatter [tilespmem:s7], [sflag:$0x3], $0xA000, $0x38;
	[tilespmem:$0x15400] =	vst v63  }
0x1c0: {  	_ =	swait.ge [sflag:s4], $0xA000  }
0x1c1: {  	[sflag:s4] =	ssyncset.done $0x0  }
0x1c2: {  	[sflag:s4] =	ssyncadd.s32 $0xFFFF6000  }
0x1c3: {  	_ =	swait.ge [sflag:s12], $0xA000  }
0x1c4: {  	[sflag:s12] =	ssyncset.done $0x0  }
0x1c5: {  	[sflag:s12] =	ssyncadd.s32 $0xFFFF6000  }
0x1c6: {  	[tilespmem:s7], [sflag:$0x2] =	stream.indirect.gather [hbm4b:s3+s9], $0x80, s15, s9, $0xb8;
	[tilespmem:$0x15400] =	vst v63  }
0x1c7: {  	_ = 	snop  }
0x1c8: {  	[hbm4b:s6+s2] =	stream.linear.scatter [tilespmem:s10], [sflag:$0x3], $0xA000, $0x38;
	[tilespmem:$0x15400] =	vst v63  }
0x1c9: {  	_ =	swait.ge [sflag:s4], $0xA000  }
0x1ca: {  	[sflag:s4] =	ssyncset.done $0x0  }
0x1cb: {  	[sflag:s4] =	ssyncadd.s32 $0xFFFF6000  }
0x1cc: {  	_ =	swait.ge [sflag:s8], $0xA000  }
0x1cd: {  	[sflag:s8] =	ssyncset.done $0x0  }
0x1ce: {  	[sflag:s8] =	ssyncadd.s32 $0xFFFF6000  }
0x1cf: {  	[hbm4b:s5+s2] =	stream.linear.scatter [tilespmem:s7], [sflag:$0x3], $0xA000, $0x38;
	[tilespmem:$0x15400] =	vst v63  }
0x1d0: {  	_ =	swait.ge [sflag:s4], $0xA000  }
0x1d1: {  	[sflag:s4] =	ssyncset.done $0x0  }
0x1d2: {  	[sflag:s4] =	ssyncadd.s32 $0xFFFF6000  }
0x1d3: {  	_ =	sfence.sel $0x180000  }
0x1d4: {  	[bflag:$0x0] =	sbarrier.arrive $0xFFFF  }
0x1d5: {  	_ =	strace $0x9000004D  }
0x1d6: {  	s31 =	stileid.u32;
	[bflag:$0x2] =	sbarrier.arrive $0xFFFF  }
0x1d7: {  	p0 =	sne.s32 s31, $0x0;
	s0 =	rddreg [dreg:$0x1]  }
0x1d8: {  	s0 =	sadd.s32 @!p0 $0x100000, s0  }
0x1d9: {  	[sflag:s0] =	ssyncadd.tile.s32 @!p0 $0x1;
	_ =	shalt  }
.Lfunc_end2:
_tile_overlayer_lowered:
.L_overlay_start_2:
0x1da: {  	(tag) =	ssettag $0x2  }
0x1db: {  	s0 =	rddreg [dreg:$0x0];
	s2 =	stileid.u32  }
0x1dc: {  	s1 =	rddreg [dreg:$0x1];
	p0 =	sne.s32 s2, $0x0  }
0x1dd: {  	s3 =	rddreg [dreg:$0x2];
	[bflag:$0x3] =	sbarrier.arrive $0xFFFF;
	s2 =	simm.s32 @!p0 $0x1C03  }
0x1de: {  	[timem:s3], [sflag:s2] =	dma.local @!p0 [hbm:s0], s1  }
0x1df: {  	s0 =	simm.s32 @!p0 $0x3  }
0x1e0: {  	_ =	swait.ge @!p0 [sflag:s0], s1  }
0x1e1: {  	s1 =	ssub.s32 @!p0 $0x0, s1;
	[sflag:s0] =	ssyncset.done @!p0 $0x0  }
0x1e2: {  	[sflag:s0] =	ssyncadd.s32 @!p0 s1  }
0x1e3: {  	[bflag:$0x3] =	sbarrier.arrive $0xFFFF  }
0x1e4: {  	_ =	shalt  }

</sc_bundles>
